<compile_context>
chip_gen: v7x
topology: tpu7x:2x2x1
jax: 0.10.2.dev20260603
libtpu: 0.0.44.dev20260713+nightly
codegen_flags: <defaults>
</compile_context>

<pallas_src>
import functools

import jax
import jax.numpy as jnp
from jax import lax
from jax.experimental import pallas as pl
from jax.experimental.pallas import tpu as pltpu
from jax.experimental.pallas import tpu_sc as plsc

N = 4096
R = 5
NB = 30
H0 = 256
H1 = 64
E = 131072
U = 2048

NC, NS, L = 2, 16, 16
NT = NC * NS
EPT = E // NT


def _projfc_body(a_ref, fc_ref, out_ref):
    out_ref[...] = jnp.dot(a_ref[...], fc_ref[...],
                           preferred_element_type=jnp.float32)


def _projfc(a2d, fc_w):
    bm = 2048
    m = a2d.shape[0]
    return pl.pallas_call(
        _projfc_body,
        grid=(m // bm,),
        in_specs=[
            pl.BlockSpec((bm, H0), lambda i: (i, 0)),
            pl.BlockSpec((H0, H1), lambda i: (0, 0)),
        ],
        out_specs=pl.BlockSpec((bm, H1), lambda i: (i, 0)),
        out_shape=jax.ShapeDtypeStruct((m, H1), jnp.float32),
    )(a2d, fc_w)


def _wf_body(comp_ref, bf_ref, rootf_ref, out_ref):
    w = jnp.dot(comp_ref[...], bf_ref[...],
                preferred_element_type=jnp.float32)
    out_ref[...] = jnp.concatenate([w, rootf_ref[...]], axis=0)


def _wf(comp, bf_flat, rootf_flat):
    cb = 8192
    return pl.pallas_call(
        _wf_body,
        grid=(bf_flat.shape[1] // cb,),
        in_specs=[
            pl.BlockSpec((R, NB), lambda c: (0, 0)),
            pl.BlockSpec((NB, cb), lambda c: (0, c)),
            pl.BlockSpec((1, cb), lambda c: (0, c)),
        ],
        out_specs=pl.BlockSpec((R + 1, cb), lambda c: (0, c)),
        out_shape=jax.ShapeDtypeStruct((R + 1, N * H1), jnp.float32),
    )(comp, bf_flat, rootf_flat)


def _xwf_body(x_ref, w_ref, out_ref):
    k = pl.program_id(1)
    bn = x_ref.shape[0]
    for r in range(R + 1):
        p = jnp.dot(x_ref[...], w_ref[r], preferred_element_type=jnp.float32)
        p = jnp.concatenate([p, jnp.zeros((bn, 128 - H1), jnp.float32)],
                            axis=1)

        @pl.when(k == 0)
        def _():
            out_ref[r] = p

        @pl.when(k > 0)
        def _():
            out_ref[r] = out_ref[r] + p


def _xwf(x, w6):
    bn, bk = 1024, 512
    return pl.pallas_call(
        _xwf_body,
        grid=(N // bn, N // bk),
        in_specs=[
            pl.BlockSpec((bn, bk), lambda n, k: (n, k)),
            pl.BlockSpec((R + 1, bk, H1), lambda n, k: (0, k, 0)),
        ],
        out_specs=pl.BlockSpec((R + 1, bn, 128), lambda n, k: (0, n, 0)),
        out_shape=jax.ShapeDtypeStruct((R + 1, N, 128), jnp.float32),
    )(x, w6)


def _sck1(edge_index, edge_type):
    ka = 1024
    nchunks = EPT // ka
    zc = R * N // NS
    mesh = plsc.VectorSubcoreMesh(core_axis_name="c", subcore_axis_name="s")

    @functools.partial(
        pl.kernel,
        out_type=jax.ShapeDtypeStruct((NC, R * N), jnp.float32),
        mesh=mesh,
        scratch_types=[
            pltpu.VMEM_SHARED((R * N,), jnp.float32),
            pltpu.VMEM((ka,), jnp.int32),
            pltpu.VMEM((ka,), jnp.int32),
            pltpu.VMEM((ka,), jnp.int32),
            pltpu.VMEM((ka,), jnp.float32),
            pltpu.VMEM((zc,), jnp.float32),
        ],
    )
    def k(ei, et, cnt_out, cnt_s, dbuf, tbuf, cidx, ones, zbuf):
        c = lax.axis_index("c")
        s = lax.axis_index("s")
        wid = c * NS + s

        def zf(i, _):
            zbuf[pl.ds(i * L, L)] = jnp.zeros((L,), jnp.float32)
            return 0

        lax.fori_loop(0, zc // L, zf, 0)

        def of(i, _):
            ones[pl.ds(i * L, L)] = jnp.ones((L,), jnp.float32)
            return 0

        lax.fori_loop(0, ka // L, of, 0)

        pltpu.sync_copy(zbuf, cnt_s.at[pl.ds(s * zc, zc)])
        plsc.subcore_barrier()

        def chunk(i, _):
            base = wid * EPT + i * ka
            pltpu.sync_copy(ei.at[1, pl.ds(base, ka)], dbuf)
            pltpu.sync_copy(et.at[pl.ds(base, ka)], tbuf)

            def vec(j, _):
                d = dbuf[pl.ds(j * L, L)]
                t = tbuf[pl.ds(j * L, L)]
                cidx[pl.ds(j * L, L)] = t * N + d
                return 0

            lax.fori_loop(0, ka // L, vec, 0)
            pltpu.sync_copy(ones, cnt_s.at[cidx], add=True)
            return 0

        lax.fori_loop(0, nchunks, chunk, 0)
        plsc.subcore_barrier()
        pltpu.sync_copy(cnt_s.at[pl.ds(s * zc, zc)],
                        cnt_out.at[c, pl.ds(s * zc, zc)])

    return k(edge_index, edge_type)


def _rcnt_body(cnt_ref, out_ref):
    out_ref[...] = 1.0 / jnp.maximum(cnt_ref[0] + cnt_ref[1], 1.0)


def _rcnt(cnt2r):
    return pl.pallas_call(
        _rcnt_body,
        grid=(1,),
        in_specs=[pl.BlockSpec((NC, R * N // 128, 128), lambda i: (0, 0, 0))],
        out_specs=pl.BlockSpec((R * N // 128, 128), lambda i: (0, 0)),
        out_shape=jax.ShapeDtypeStruct((R * N // 128, 128), jnp.float32),
    )(cnt2r)


def _sck2(xwf_flat, edge_index, edge_type, rcnt_flat):
    kb = 128
    nchunks = EPT // kb
    spt = N * H1 // NS
    mesh = plsc.VectorSubcoreMesh(core_axis_name="c", subcore_axis_name="s")

    @functools.partial(
        pl.kernel,
        out_type=jax.ShapeDtypeStruct((NC * N * H1,), jnp.float32),
        mesh=mesh,
        scratch_types=[
            pltpu.VMEM_SHARED((N * H1,), jnp.float32),
            pltpu.VMEM((kb,), jnp.int32),
            pltpu.VMEM((kb,), jnp.int32),
            pltpu.VMEM((kb,), jnp.int32),
            pltpu.VMEM((kb,), jnp.int32),
            pltpu.VMEM((kb,), jnp.float32),
            pltpu.VMEM((kb, 128), jnp.float32),
            pltpu.VMEM((kb * H1,), jnp.float32),
            pltpu.VMEM((kb * H1,), jnp.int32),
            pltpu.VMEM((kb * H1,), jnp.float32),
            pltpu.VMEM((kb * H1,), jnp.int32),
            pltpu.VMEM((2048,), jnp.float32),
            pltpu.SemaphoreType.DMA,
            pltpu.SemaphoreType.DMA,
            pltpu.SemaphoreType.DMA,
            pltpu.SemaphoreType.DMA,
        ],
    )
    def k(xwf, ei, et, rcnt, msg_out, acc_s, sbuf, dbuf, tbuf, gidx, wbuf,
          rows, vals_a, eidx_a, vals_b, eidx_b, zbuf, sem, sem2, sem3, sem4):
        c = lax.axis_index("c")
        s = lax.axis_index("s")
        wid = c * NS + s

        def zf(i, _):
            zbuf[pl.ds(i * L, L)] = jnp.zeros((L,), jnp.float32)
            return 0

        lax.fori_loop(0, 2048 // L, zf, 0)
        for jj in range(spt // 2048):
            pltpu.sync_copy(zbuf, acc_s.at[pl.ds(s * spt + jj * 2048, 2048)])
        plsc.subcore_barrier()

        iotas = [lax.iota(jnp.int32, L) + h * L for h in range(H1 // L)]

        def subchunk(i, vals, eidx):
            base = wid * EPT + i * kb
            pltpu.sync_copy(ei.at[0, pl.ds(base, kb)], sbuf)
            pltpu.sync_copy(ei.at[1, pl.ds(base, kb)], dbuf)
            pltpu.sync_copy(et.at[pl.ds(base, kb)], tbuf)

            def vec(j, _):
                sv = sbuf[pl.ds(j * L, L)]
                dv = dbuf[pl.ds(j * L, L)]
                tv = tbuf[pl.ds(j * L, L)]
                gidx[pl.ds(j * L, L)] = tv * N + sv
                cidx = tv * N + dv
                dbuf[pl.ds(j * L, L)] = dv * H1
                tbuf[pl.ds(j * L, L)] = cidx
                return 0

            lax.fori_loop(0, kb // L, vec, 0)
            cp1 = pltpu.async_copy(xwf.at[gidx], rows, sem)
            cp2 = pltpu.async_copy(rcnt.at[tbuf], wbuf, sem2)
            cp1.wait()
            cp2.wait()

            def scale(j, _):
                wv = wbuf[pl.ds(j * L, L)]
                d64 = dbuf[pl.ds(j * L, L)]
                for e16 in range(L):
                    e = j * L + e16
                    w = wv[e16]
                    db = d64[e16]
                    for h in range(H1 // L):
                        vals[pl.ds(e * H1 + h * L, L)] = (
                            rows[e, pl.ds(h * L, L)] * w)
                        eidx[pl.ds(e * H1 + h * L, L)] = iotas[h] + db
                return 0

            lax.fori_loop(0, kb // L, scale, 0)

        def chunk(i, _):
            subchunk(2 * i, vals_a, eidx_a)
            cpa = pltpu.async_copy(vals_a, acc_s.at[eidx_a], sem3, add=True)
            subchunk(2 * i + 1, vals_b, eidx_b)
            cpa.wait()
            cpb = pltpu.async_copy(vals_b, acc_s.at[eidx_b], sem4, add=True)
            cpb.wait()
            return 0

        lax.fori_loop(0, nchunks // 2, chunk, 0)
        plsc.subcore_barrier()
        pltpu.sync_copy(acc_s.at[pl.ds(s * spt, spt)],
                        msg_out.at[pl.ds(c * N * H1 + s * spt, spt)])

    return k(xwf_flat, edge_index, edge_type, rcnt_flat)


def _relu_body(xwf_ref, msg_ref, bias_ref, fc_ref, h_ref, ht_ref):
    biasf = jnp.dot(bias_ref[...], fc_ref[...],
                    preferred_element_type=jnp.float32)
    h = jnp.maximum(xwf_ref[0, :, :H1] + msg_ref[0] + msg_ref[1] + biasf, 0.0)
    h_ref[...] = h
    ht_ref[...] = h.T


def _relu(xwf, msgf, bias2, fc_w):
    bn = 512
    return pl.pallas_call(
        _relu_body,
        grid=(N // bn,),
        in_specs=[
            pl.BlockSpec((1, bn, 128), lambda n: (R, n, 0)),
            pl.BlockSpec((NC, bn, H1), lambda n: (0, n, 0)),
            pl.BlockSpec((1, H0), lambda n: (0, 0)),
            pl.BlockSpec((H0, H1), lambda n: (0, 0)),
        ],
        out_specs=[
            pl.BlockSpec((bn, H1), lambda n: (n, 0)),
            pl.BlockSpec((H1, bn), lambda n: (0, n)),
        ],
        out_shape=[
            jax.ShapeDtypeStruct((N, H1), jnp.float32),
            jax.ShapeDtypeStruct((H1, N), jnp.float32),
        ],
    )(xwf, msgf, bias2, fc_w)


def _cmat_body(coefs_ref, b3_ref, ht_ref, out_ref):
    planes = []
    for r in range(R):
        q = coefs_ref[r, 0] * b3_ref[0] + coefs_ref[r, 1] * b3_ref[1]
        planes.append(jnp.dot(q, ht_ref[...],
                              preferred_element_type=jnp.float32))
    out_ref[...] = jnp.stack(planes, axis=0)


def _cmat(coefs, b3, ht):
    bi = 512
    return pl.pallas_call(
        _cmat_body,
        grid=(U // bi,),
        in_specs=[
            pl.BlockSpec(memory_space=pltpu.SMEM),
            pl.BlockSpec((2, H1, H1), lambda i: (0, 0, 0)),
            pl.BlockSpec((H1, bi), lambda i: (0, i + U // bi)),
        ],
        out_specs=pl.BlockSpec((R, H1, bi), lambda i: (0, 0, i)),
        out_shape=jax.ShapeDtypeStruct((R, H1, U), jnp.float32),
    )(coefs, b3, ht)


def _dec_body(h_ref, c_ref, out_ref):
    out_ref[0] = jnp.dot(h_ref[...], c_ref[0],
                         preferred_element_type=jnp.float32)


def _dec(h, c4):
    bu = 256
    ni = N - U
    return pl.pallas_call(
        _dec_body,
        grid=(R, U // bu),
        in_specs=[
            pl.BlockSpec((bu, H1), lambda r, u: (u, 0)),
            pl.BlockSpec((1, H1, ni), lambda r, u: (r, 0, 0)),
        ],
        out_specs=pl.BlockSpec((1, bu, ni), lambda r, u: (r, u, 0)),
        out_shape=jax.ShapeDtypeStruct((R, U, ni), jnp.float32),
    )(h, c4)


def kernel(x, edge_index, edge_type, basis, comp, root, bias, fc_w,
           bidec_basis, coefs):
    bf = _projfc(basis.reshape(NB * N, H0), fc_w)
    rootf = _projfc(root, fc_w)
    wf = _wf(comp, bf.reshape(NB, N * H1), rootf.reshape(1, N * H1))
    xwf = _xwf(x, wf.reshape(R + 1, N, H1))
    cnt2 = _sck1(edge_index, edge_type)
    rcnt = _rcnt(cnt2.reshape(NC, R * N // 128, 128))
    msgf = _sck2(xwf.reshape((R + 1) * N, 128), edge_index, edge_type,
                 rcnt.reshape(R * N))
    h, ht = _relu(xwf, msgf.reshape(NC, N, H1), bias.reshape(1, H0), fc_w)
    b3 = bidec_basis.reshape(2, H1, H1)
    c4 = _cmat(coefs, b3, ht)
    out5 = _dec(h, c4)
    return out5.reshape(R, U * (N - U)).T

# --- scband reference (transcript-rebuilt; emitter-appended) ---
"""Pipeline reference for scband-gae-29618094473721 (READ-ONLY COPY).

The authoritative reference and input builder live on the scoring server;
editing this copy changes nothing except your own understanding.
"""

import jax, jax.numpy as jnp
import numpy as np

NUM_NODES = 4096
NUM_USERS = 2048
NUM_ITEMS = NUM_NODES - NUM_USERS
NUM_RELATIONS = 5
NUM_BASES = 30
NUM_BASIS = 2
IN_C = NUM_NODES
H0 = 256
H1 = 64
E = 131072


def setup_inputs(seed: int = 0) -> dict:
    key = jax.random.key(seed)
    ks = jax.random.split(key, 10)
    x = jax.random.normal(ks[0], (NUM_NODES, IN_C), dtype=jnp.float32)
    edge_index = jax.random.randint(ks[1], (2, E), 0, NUM_NODES, dtype=jnp.int32)
    edge_type = jax.random.randint(ks[2], (E,), 0, NUM_RELATIONS, dtype=jnp.int32)
    # RGCNConv params (basis decomposition, num_bases=30)
    basis = jax.random.normal(ks[3], (NUM_BASES, IN_C, H0), dtype=jnp.float32) * 0.02
    comp = jax.random.normal(ks[4], (NUM_RELATIONS, NUM_BASES), dtype=jnp.float32)
    root = jax.random.normal(ks[5], (IN_C, H0), dtype=jnp.float32) * 0.02
    bias = jnp.zeros((H0,), dtype=jnp.float32)
    # DenseLayer fc (bias=False); stored as [in, out]
    fc_w = jax.random.normal(ks[6], (H0, H1), dtype=jnp.float32) * 0.05
    # BiDecoder params
    bidec_basis = jax.random.normal(ks[7], (NUM_BASIS, H1 * H1), dtype=jnp.float32) * 0.05
    coefs = jax.random.normal(ks[8], (NUM_RELATIONS, NUM_BASIS), dtype=jnp.float32)
    return {"x": x, "edge_index": edge_index, "edge_type": edge_type,
            "basis": basis, "comp": comp, "root": root, "bias": bias,
            "fc_w": fc_w, "bidec_basis": bidec_basis, "coefs": coefs}


def reference(x, edge_index, edge_type, basis, comp, root, bias, fc_w, bidec_basis, coefs):
    src = edge_index[0]
    dst = edge_index[1]
    # ---- GCEncoder: RGCNConv (basis decomposition, mean aggregation per relation) ----
    W = jnp.einsum('rb,bio->rio', comp, basis)  # [R, in, out]
    feat = x @ root + bias
    for r in range(NUM_RELATIONS):
        xr = x @ W[r]                                  # [N, H0]
        mask = (edge_type == r).astype(x.dtype)        # [E]
        msg = xr[src] * mask[:, None]                  # gather + mask
        agg = jax.ops.segment_sum(msg, dst, num_segments=NUM_NODES)
        cnt = jax.ops.segment_sum(mask, dst, num_segments=NUM_NODES)
        feat = feat + agg / jnp.clip(cnt, 1.0)[:, None]
    # ---- separate_features (accum='sum') ----
    u = feat[:NUM_USERS]
    i = feat[NUM_USERS:]
    # ---- DenseLayer: dropout(p=0) -> fc -> relu (bn off) ----
    u = jax.nn.relu(u @ fc_w)
    i = jax.nn.relu(i @ fc_w)
    # ---- BiDecoder ----
    outs = []
    for r in range(NUM_RELATIONS):
        q = jnp.sum(coefs[r][:, None] * bidec_basis, axis=0).reshape(H1, H1)
        outs.append(u @ q @ i.T)
    out = jnp.stack(outs, axis=-1)                     # [U, I, R]
    return out.reshape(NUM_USERS * NUM_ITEMS, NUM_RELATIONS)

if __name__ == "__main__":
    import jax
    _d = setup_inputs()
    print(jax.jit(kernel)(*tuple(_d.values())))

</pallas_src>

<mosaic_0001>
#map = affine_map<(d0, d1) -> (0, 0)>
#map1 = affine_map<(d0, d1) -> (0)>
module attributes {stable_mosaic.version = 14 : i64} {
  func.func @k(%arg0: i32, %arg1: i32, %arg2: memref<24576x128xf32, #tpu.memory_space<hbm>>, %arg3: memref<2x131072xi32, #tpu.memory_space<hbm>>, %arg4: memref<131072xi32, #tpu.memory_space<hbm>>, %arg5: memref<20480xf32, #tpu.memory_space<hbm>>, %arg6: memref<524288xf32, #tpu.memory_space<hbm>>, %arg7: memref<262144xf32, #tpu.memory_space<vmem_shared>>, %arg8: memref<128xi32, #tpu.memory_space<vmem>>, %arg9: memref<128xi32, #tpu.memory_space<vmem>>, %arg10: memref<128xi32, #tpu.memory_space<vmem>>, %arg11: memref<128xi32, #tpu.memory_space<vmem>>, %arg12: memref<128xf32, #tpu.memory_space<vmem>>, %arg13: memref<128x128xf32, #tpu.memory_space<vmem>>, %arg14: memref<8192xf32, #tpu.memory_space<vmem>>, %arg15: memref<8192xi32, #tpu.memory_space<vmem>>, %arg16: memref<8192xf32, #tpu.memory_space<vmem>>, %arg17: memref<8192xi32, #tpu.memory_space<vmem>>, %arg18: memref<2048xf32, #tpu.memory_space<vmem>>, %arg19: memref<!tpu.dma_semaphore, #tpu.memory_space<semaphore_mem>>, %arg20: memref<!tpu.dma_semaphore, #tpu.memory_space<semaphore_mem>>, %arg21: memref<!tpu.dma_semaphore, #tpu.memory_space<semaphore_mem>>, %arg22: memref<!tpu.dma_semaphore, #tpu.memory_space<semaphore_mem>>) attributes {dimension_semantics = [#tpu.dimension_semantics<core_parallel>, #tpu.dimension_semantics<subcore_parallel>], iteration_bounds = array<i64: 2, 16>, scalar_prefetch = 0 : i64, scratch_operands = 16 : i64, tpu.core_type = #tpu.core_type<sc_vector_subcore>, window_params = [{transform_indices = #map}, {transform_indices = #map}, {transform_indices = #map1}, {transform_indices = #map1}, {transform_indices = #map1}]} {
    %mul3A = arith.constant 16 : i32
    %mul3A_0 = arith.muli %arg0, %mul3A : i32
    %add3A = arith.addi %mul3A_0, %arg1 : i32
    %scan3A = arith.constant 0 : i32
    %scan3A_1 = arith.constant 0 : i32
    %scan3A_2 = arith.constant 128 : i32
    %scan3A_3 = arith.addi %scan3A_1, %scan3A_2 : i32
    %scan3A_4 = arith.constant 1 : i32
    %scan3A_5 = scf.for %scan3A_71 = %scan3A_1 to %scan3A_3 step %scan3A_4 iter_args(%scan3A_72 = %scan3A) -> (i32)  : i32 {
      %broadcast_in_dim3A = arith.constant 0.000000e+00 : f32
      %broadcast_in_dim3A_73 = vector.broadcast %broadcast_in_dim3A : f32 to vector<16xf32>
      %mul3A_74 = arith.constant 16 : i32
      %mul3A_75 = arith.muli %scan3A_71, %mul3A_74 : i32
      %swap3A = arith.index_cast %mul3A_75 : i32 to index
      %swap3A_76 = tpu.vector_load %arg18[%swap3A] {strides = array<i32>} : memref<2048xf32, #tpu.memory_space<vmem>>, vector<16xf32>,
      %swap3A_77 = vector.shape_cast %swap3A_76 : vector<16xf32> to vector<16xf32>
      %swap3A_78 = vector.shape_cast %broadcast_in_dim3A_73 : vector<16xf32> to vector<16xf32>
      tpu.vector_store %arg18[%swap3A], %swap3A_78 {strides = array<i32>} : memref<2048xf32, #tpu.memory_space<vmem>>, vector<16xf32>,
      %scan3A_79 = arith.constant 0 : i32
      scf.yield %scan3A_79 : i32
    }
    %scan3A_6 = arith.constant 128 : i32
    %mul3A_7 = arith.constant 16384 : i32
    %mul3A_8 = arith.muli %arg1, %mul3A_7 : i32
    %add3A_9 = arith.constant 0 : i32
    %add3A_10 = arith.addi %mul3A_8, %add3A_9 : i32
    "tpu.region"() ({
      %run_scoped3A = tpu.sem_alloc : memref<!tpu.dma_semaphore, #tpu.memory_space<semaphore_mem>>
      %dma_start3A = tpu.memref_slice %arg7[%add3A_10] : memref<262144xf32, #tpu.memory_space<vmem_shared>> -> memref<2048xf32, #tpu.memory_space<vmem_shared>>
      %dma_start3A_71 = tpu.memref_slice %arg7[%add3A_10] : memref<262144xf32, #tpu.memory_space<vmem_shared>> -> memref<2048xf32, #tpu.memory_space<vmem_shared>>
      tpu.enqueue_dma source(%arg18 : memref<2048xf32, #tpu.memory_space<vmem>>) target(%dma_start3A_71 : memref<2048xf32, #tpu.memory_space<vmem_shared>>) target_semaphore(%run_scoped3A : memref<!tpu.dma_semaphore, #tpu.memory_space<semaphore_mem>>)
      %dma_wait3A = tpu.memref_slice %arg7[%add3A_10] : memref<262144xf32, #tpu.memory_space<vmem_shared>> -> memref<2048xf32, #tpu.memory_space<vmem_shared>>
      %dma_wait3A_72 = tpu.memref_slice %arg7[%add3A_10] : memref<262144xf32, #tpu.memory_space<vmem_shared>> -> memref<2048xf32, #tpu.memory_space<vmem_shared>>
      tpu.wait_dma2 semaphore(%run_scoped3A : memref<!tpu.dma_semaphore, #tpu.memory_space<semaphore_mem>>) src(%arg18 : memref<2048xf32, #tpu.memory_space<vmem>>) dst(%dma_wait3A_72 : memref<2048xf32, #tpu.memory_space<vmem_shared>>)
      tpu.yield
    }) : () -> ()
    %mul3A_11 = arith.constant 16384 : i32
    %mul3A_12 = arith.muli %arg1, %mul3A_11 : i32
    %add3A_13 = arith.constant 2048 : i32
    %add3A_14 = arith.addi %mul3A_12, %add3A_13 : i32
    "tpu.region"() ({
      %run_scoped3A = tpu.sem_alloc : memref<!tpu.dma_semaphore, #tpu.memory_space<semaphore_mem>>
      %dma_start3A = tpu.memref_slice %arg7[%add3A_14] : memref<262144xf32, #tpu.memory_space<vmem_shared>> -> memref<2048xf32, #tpu.memory_space<vmem_shared>>
      %dma_start3A_71 = tpu.memref_slice %arg7[%add3A_14] : memref<262144xf32, #tpu.memory_space<vmem_shared>> -> memref<2048xf32, #tpu.memory_space<vmem_shared>>
      tpu.enqueue_dma source(%arg18 : memref<2048xf32, #tpu.memory_space<vmem>>) target(%dma_start3A_71 : memref<2048xf32, #tpu.memory_space<vmem_shared>>) target_semaphore(%run_scoped3A : memref<!tpu.dma_semaphore, #tpu.memory_space<semaphore_mem>>)
      %dma_wait3A = tpu.memref_slice %arg7[%add3A_14] : memref<262144xf32, #tpu.memory_space<vmem_shared>> -> memref<2048xf32, #tpu.memory_space<vmem_shared>>
      %dma_wait3A_72 = tpu.memref_slice %arg7[%add3A_14] : memref<262144xf32, #tpu.memory_space<vmem_shared>> -> memref<2048xf32, #tpu.memory_space<vmem_shared>>
      tpu.wait_dma2 semaphore(%run_scoped3A : memref<!tpu.dma_semaphore, #tpu.memory_space<semaphore_mem>>) src(%arg18 : memref<2048xf32, #tpu.memory_space<vmem>>) dst(%dma_wait3A_72 : memref<2048xf32, #tpu.memory_space<vmem_shared>>)
      tpu.yield
    }) : () -> ()
    %mul3A_15 = arith.constant 16384 : i32
    %mul3A_16 = arith.muli %arg1, %mul3A_15 : i32
    %add3A_17 = arith.constant 4096 : i32
    %add3A_18 = arith.addi %mul3A_16, %add3A_17 : i32
    "tpu.region"() ({
      %run_scoped3A = tpu.sem_alloc : memref<!tpu.dma_semaphore, #tpu.memory_space<semaphore_mem>>
      %dma_start3A = tpu.memref_slice %arg7[%add3A_18] : memref<262144xf32, #tpu.memory_space<vmem_shared>> -> memref<2048xf32, #tpu.memory_space<vmem_shared>>
      %dma_start3A_71 = tpu.memref_slice %arg7[%add3A_18] : memref<262144xf32, #tpu.memory_space<vmem_shared>> -> memref<2048xf32, #tpu.memory_space<vmem_shared>>
      tpu.enqueue_dma source(%arg18 : memref<2048xf32, #tpu.memory_space<vmem>>) target(%dma_start3A_71 : memref<2048xf32, #tpu.memory_space<vmem_shared>>) target_semaphore(%run_scoped3A : memref<!tpu.dma_semaphore, #tpu.memory_space<semaphore_mem>>)
      %dma_wait3A = tpu.memref_slice %arg7[%add3A_18] : memref<262144xf32, #tpu.memory_space<vmem_shared>> -> memref<2048xf32, #tpu.memory_space<vmem_shared>>
      %dma_wait3A_72 = tpu.memref_slice %arg7[%add3A_18] : memref<262144xf32, #tpu.memory_space<vmem_shared>> -> memref<2048xf32, #tpu.memory_space<vmem_shared>>
      tpu.wait_dma2 semaphore(%run_scoped3A : memref<!tpu.dma_semaphore, #tpu.memory_space<semaphore_mem>>) src(%arg18 : memref<2048xf32, #tpu.memory_space<vmem>>) dst(%dma_wait3A_72 : memref<2048xf32, #tpu.memory_space<vmem_shared>>)
      tpu.yield
    }) : () -> ()
    %mul3A_19 = arith.constant 16384 : i32
    %mul3A_20 = arith.muli %arg1, %mul3A_19 : i32
    %add3A_21 = arith.constant 6144 : i32
    %add3A_22 = arith.addi %mul3A_20, %add3A_21 : i32
    "tpu.region"() ({
      %run_scoped3A = tpu.sem_alloc : memref<!tpu.dma_semaphore, #tpu.memory_space<semaphore_mem>>
      %dma_start3A = tpu.memref_slice %arg7[%add3A_22] : memref<262144xf32, #tpu.memory_space<vmem_shared>> -> memref<2048xf32, #tpu.memory_space<vmem_shared>>
      %dma_start3A_71 = tpu.memref_slice %arg7[%add3A_22] : memref<262144xf32, #tpu.memory_space<vmem_shared>> -> memref<2048xf32, #tpu.memory_space<vmem_shared>>
      tpu.enqueue_dma source(%arg18 : memref<2048xf32, #tpu.memory_space<vmem>>) target(%dma_start3A_71 : memref<2048xf32, #tpu.memory_space<vmem_shared>>) target_semaphore(%run_scoped3A : memref<!tpu.dma_semaphore, #tpu.memory_space<semaphore_mem>>)
      %dma_wait3A = tpu.memref_slice %arg7[%add3A_22] : memref<262144xf32, #tpu.memory_space<vmem_shared>> -> memref<2048xf32, #tpu.memory_space<vmem_shared>>
      %dma_wait3A_72 = tpu.memref_slice %arg7[%add3A_22] : memref<262144xf32, #tpu.memory_space<vmem_shared>> -> memref<2048xf32, #tpu.memory_space<vmem_shared>>
      tpu.wait_dma2 semaphore(%run_scoped3A : memref<!tpu.dma_semaphore, #tpu.memory_space<semaphore_mem>>) src(%arg18 : memref<2048xf32, #tpu.memory_space<vmem>>) dst(%dma_wait3A_72 : memref<2048xf32, #tpu.memory_space<vmem_shared>>)
      tpu.yield
    }) : () -> ()
    %mul3A_23 = arith.constant 16384 : i32
    %mul3A_24 = arith.muli %arg1, %mul3A_23 : i32
    %add3A_25 = arith.constant 8192 : i32
    %add3A_26 = arith.addi %mul3A_24, %add3A_25 : i32
    "tpu.region"() ({
      %run_scoped3A = tpu.sem_alloc : memref<!tpu.dma_semaphore, #tpu.memory_space<semaphore_mem>>
      %dma_start3A = tpu.memref_slice %arg7[%add3A_26] : memref<262144xf32, #tpu.memory_space<vmem_shared>> -> memref<2048xf32, #tpu.memory_space<vmem_shared>>
      %dma_start3A_71 = tpu.memref_slice %arg7[%add3A_26] : memref<262144xf32, #tpu.memory_space<vmem_shared>> -> memref<2048xf32, #tpu.memory_space<vmem_shared>>
      tpu.enqueue_dma source(%arg18 : memref<2048xf32, #tpu.memory_space<vmem>>) target(%dma_start3A_71 : memref<2048xf32, #tpu.memory_space<vmem_shared>>) target_semaphore(%run_scoped3A : memref<!tpu.dma_semaphore, #tpu.memory_space<semaphore_mem>>)
      %dma_wait3A = tpu.memref_slice %arg7[%add3A_26] : memref<262144xf32, #tpu.memory_space<vmem_shared>> -> memref<2048xf32, #tpu.memory_space<vmem_shared>>
      %dma_wait3A_72 = tpu.memref_slice %arg7[%add3A_26] : memref<262144xf32, #tpu.memory_space<vmem_shared>> -> memref<2048xf32, #tpu.memory_space<vmem_shared>>
      tpu.wait_dma2 semaphore(%run_scoped3A : memref<!tpu.dma_semaphore, #tpu.memory_space<semaphore_mem>>) src(%arg18 : memref<2048xf32, #tpu.memory_space<vmem>>) dst(%dma_wait3A_72 : memref<2048xf32, #tpu.memory_space<vmem_shared>>)
      tpu.yield
    }) : () -> ()
    %mul3A_27 = arith.constant 16384 : i32
    %mul3A_28 = arith.muli %arg1, %mul3A_27 : i32
    %add3A_29 = arith.constant 10240 : i32
    %add3A_30 = arith.addi %mul3A_28, %add3A_29 : i32
    "tpu.region"() ({
      %run_scoped3A = tpu.sem_alloc : memref<!tpu.dma_semaphore, #tpu.memory_space<semaphore_mem>>
      %dma_start3A = tpu.memref_slice %arg7[%add3A_30] : memref<262144xf32, #tpu.memory_space<vmem_shared>> -> memref<2048xf32, #tpu.memory_space<vmem_shared>>
      %dma_start3A_71 = tpu.memref_slice %arg7[%add3A_30] : memref<262144xf32, #tpu.memory_space<vmem_shared>> -> memref<2048xf32, #tpu.memory_space<vmem_shared>>
      tpu.enqueue_dma source(%arg18 : memref<2048xf32, #tpu.memory_space<vmem>>) target(%dma_start3A_71 : memref<2048xf32, #tpu.memory_space<vmem_shared>>) target_semaphore(%run_scoped3A : memref<!tpu.dma_semaphore, #tpu.memory_space<semaphore_mem>>)
      %dma_wait3A = tpu.memref_slice %arg7[%add3A_30] : memref<262144xf32, #tpu.memory_space<vmem_shared>> -> memref<2048xf32, #tpu.memory_space<vmem_shared>>
      %dma_wait3A_72 = tpu.memref_slice %arg7[%add3A_30] : memref<262144xf32, #tpu.memory_space<vmem_shared>> -> memref<2048xf32, #tpu.memory_space<vmem_shared>>
      tpu.wait_dma2 semaphore(%run_scoped3A : memref<!tpu.dma_semaphore, #tpu.memory_space<semaphore_mem>>) src(%arg18 : memref<2048xf32, #tpu.memory_space<vmem>>) dst(%dma_wait3A_72 : memref<2048xf32, #tpu.memory_space<vmem_shared>>)
      tpu.yield
    }) : () -> ()
    %mul3A_31 = arith.constant 16384 : i32
    %mul3A_32 = arith.muli %arg1, %mul3A_31 : i32
    %add3A_33 = arith.constant 12288 : i32
    %add3A_34 = arith.addi %mul3A_32, %add3A_33 : i32
    "tpu.region"() ({
      %run_scoped3A = tpu.sem_alloc : memref<!tpu.dma_semaphore, #tpu.memory_space<semaphore_mem>>
      %dma_start3A = tpu.memref_slice %arg7[%add3A_34] : memref<262144xf32, #tpu.memory_space<vmem_shared>> -> memref<2048xf32, #tpu.memory_space<vmem_shared>>
      %dma_start3A_71 = tpu.memref_slice %arg7[%add3A_34] : memref<262144xf32, #tpu.memory_space<vmem_shared>> -> memref<2048xf32, #tpu.memory_space<vmem_shared>>
      tpu.enqueue_dma source(%arg18 : memref<2048xf32, #tpu.memory_space<vmem>>) target(%dma_start3A_71 : memref<2048xf32, #tpu.memory_space<vmem_shared>>) target_semaphore(%run_scoped3A : memref<!tpu.dma_semaphore, #tpu.memory_space<semaphore_mem>>)
      %dma_wait3A = tpu.memref_slice %arg7[%add3A_34] : memref<262144xf32, #tpu.memory_space<vmem_shared>> -> memref<2048xf32, #tpu.memory_space<vmem_shared>>
      %dma_wait3A_72 = tpu.memref_slice %arg7[%add3A_34] : memref<262144xf32, #tpu.memory_space<vmem_shared>> -> memref<2048xf32, #tpu.memory_space<vmem_shared>>
      tpu.wait_dma2 semaphore(%run_scoped3A : memref<!tpu.dma_semaphore, #tpu.memory_space<semaphore_mem>>) src(%arg18 : memref<2048xf32, #tpu.memory_space<vmem>>) dst(%dma_wait3A_72 : memref<2048xf32, #tpu.memory_space<vmem_shared>>)
      tpu.yield
    }) : () -> ()
    %mul3A_35 = arith.constant 16384 : i32
    %mul3A_36 = arith.muli %arg1, %mul3A_35 : i32
    %add3A_37 = arith.constant 14336 : i32
    %add3A_38 = arith.addi %mul3A_36, %add3A_37 : i32
    "tpu.region"() ({
      %run_scoped3A = tpu.sem_alloc : memref<!tpu.dma_semaphore, #tpu.memory_space<semaphore_mem>>
      %dma_start3A = tpu.memref_slice %arg7[%add3A_38] : memref<262144xf32, #tpu.memory_space<vmem_shared>> -> memref<2048xf32, #tpu.memory_space<vmem_shared>>
      %dma_start3A_71 = tpu.memref_slice %arg7[%add3A_38] : memref<262144xf32, #tpu.memory_space<vmem_shared>> -> memref<2048xf32, #tpu.memory_space<vmem_shared>>
      tpu.enqueue_dma source(%arg18 : memref<2048xf32, #tpu.memory_space<vmem>>) target(%dma_start3A_71 : memref<2048xf32, #tpu.memory_space<vmem_shared>>) target_semaphore(%run_scoped3A : memref<!tpu.dma_semaphore, #tpu.memory_space<semaphore_mem>>)
      %dma_wait3A = tpu.memref_slice %arg7[%add3A_38] : memref<262144xf32, #tpu.memory_space<vmem_shared>> -> memref<2048xf32, #tpu.memory_space<vmem_shared>>
      %dma_wait3A_72 = tpu.memref_slice %arg7[%add3A_38] : memref<262144xf32, #tpu.memory_space<vmem_shared>> -> memref<2048xf32, #tpu.memory_space<vmem_shared>>
      tpu.wait_dma2 semaphore(%run_scoped3A : memref<!tpu.dma_semaphore, #tpu.memory_space<semaphore_mem>>) src(%arg18 : memref<2048xf32, #tpu.memory_space<vmem>>) dst(%dma_wait3A_72 : memref<2048xf32, #tpu.memory_space<vmem_shared>>)
      tpu.yield
    }) : () -> ()
    %barrier3A = arith.constant 0 : index
    tpu.barrier barrier_id(%barrier3A)
    %iota3A = tpu.iota {dimensions = array<i32: 0>} : vector<16xi32>
    %add3A_39 = arith.constant 0 : i32
    %add3A_40 = vector.broadcast %add3A_39 : i32 to vector<16xi32>
    %add3A_41 = arith.addi %iota3A, %add3A_40 : vector<16xi32>
    %iota3A_42 = tpu.iota {dimensions = array<i32: 0>} : vector<16xi32>
    %add3A_43 = arith.constant 16 : i32
    %add3A_44 = vector.broadcast %add3A_43 : i32 to vector<16xi32>
    %add3A_45 = arith.addi %iota3A_42, %add3A_44 : vector<16xi32>
    %iota3A_46 = tpu.iota {dimensions = array<i32: 0>} : vector<16xi32>
    %add3A_47 = arith.constant 32 : i32
    %add3A_48 = vector.broadcast %add3A_47 : i32 to vector<16xi32>
    %add3A_49 = arith.addi %iota3A_46, %add3A_48 : vector<16xi32>
    %iota3A_50 = tpu.iota {dimensions = array<i32: 0>} : vector<16xi32>
    %add3A_51 = arith.constant 48 : i32
    %add3A_52 = vector.broadcast %add3A_51 : i32 to vector<16xi32>
    %add3A_53 = arith.addi %iota3A_50, %add3A_52 : vector<16xi32>
    %scan3A_54 = arith.constant 0 : i32
    %scan3A_55 = arith.constant 0 : i32
    %scan3A_56 = arith.constant 16 : i32
    %scan3A_57 = arith.addi %scan3A_55, %scan3A_56 : i32
    %scan3A_58 = arith.constant 1 : i32
    %scan3A_59 = scf.for %scan3A_71 = %scan3A_55 to %scan3A_57 step %scan3A_58 iter_args(%scan3A_72 = %scan3A_54) -> (i32)  : i32 {
      %mul3A_73 = arith.constant 2 : i32
      %mul3A_74 = arith.muli %mul3A_73, %scan3A_71 : i32
      %mul3A_75 = arith.constant 4096 : i32
      %mul3A_76 = arith.muli %add3A, %mul3A_75 : i32
      %mul3A_77 = arith.constant 128 : i32
      %mul3A_78 = arith.muli %mul3A_74, %mul3A_77 : i32
      %add3A_79 = arith.addi %mul3A_76, %mul3A_78 : i32
      %run_scoped3A = arith.constant 0 : i32
      "tpu.region"() ({
        %run_scoped3A_147 = tpu.sem_alloc : memref<!tpu.dma_semaphore, #tpu.memory_space<semaphore_mem>>
        %dma_start3A_148 = tpu.memref_slice %arg3[%run_scoped3A, %add3A_79] : memref<2x131072xi32, #tpu.memory_space<hbm>> -> memref<1x128xi32, #tpu.memory_space<hbm>>
        %dma_start3A_149 = tpu.memref_squeeze %dma_start3A_148 : memref<1x128xi32, #tpu.memory_space<hbm>> -> memref<128xi32, #tpu.memory_space<hbm>>
        %dma_start3A_150 = tpu.memref_slice %arg3[%run_scoped3A, %add3A_79] : memref<2x131072xi32, #tpu.memory_space<hbm>> -> memref<1x128xi32, #tpu.memory_space<hbm>>
        %dma_start3A_151 = tpu.memref_squeeze %dma_start3A_150 : memref<1x128xi32, #tpu.memory_space<hbm>> -> memref<128xi32, #tpu.memory_space<hbm>>
        tpu.enqueue_dma source(%dma_start3A_151 : memref<128xi32, #tpu.memory_space<hbm>>) target(%arg8 : memref<128xi32, #tpu.memory_space<vmem>>) target_semaphore(%run_scoped3A_147 : memref<!tpu.dma_semaphore, #tpu.memory_space<semaphore_mem>>)
        %dma_wait3A_152 = tpu.memref_slice %arg3[%run_scoped3A, %add3A_79] : memref<2x131072xi32, #tpu.memory_space<hbm>> -> memref<1x128xi32, #tpu.memory_space<hbm>>
        %dma_wait3A_153 = tpu.memref_squeeze %dma_wait3A_152 : memref<1x128xi32, #tpu.memory_space<hbm>> -> memref<128xi32, #tpu.memory_space<hbm>>
        %dma_wait3A_154 = tpu.memref_slice %arg3[%run_scoped3A, %add3A_79] : memref<2x131072xi32, #tpu.memory_space<hbm>> -> memref<1x128xi32, #tpu.memory_space<hbm>>
        %dma_wait3A_155 = tpu.memref_squeeze %dma_wait3A_154 : memref<1x128xi32, #tpu.memory_space<hbm>> -> memref<128xi32, #tpu.memory_space<hbm>>
        tpu.wait_dma2 semaphore(%run_scoped3A_147 : memref<!tpu.dma_semaphore, #tpu.memory_space<semaphore_mem>>) src(%dma_wait3A_155 : memref<128xi32, #tpu.memory_space<hbm>>) dst(%arg8 : memref<128xi32, #tpu.memory_space<vmem>>)
        tpu.yield
      }) : () -> ()
      %run_scoped3A_80 = arith.constant 1 : i32
      "tpu.region"() ({
        %run_scoped3A_147 = tpu.sem_alloc : memref<!tpu.dma_semaphore, #tpu.memory_space<semaphore_mem>>
        %dma_start3A_148 = tpu.memref_slice %arg3[%run_scoped3A_80, %add3A_79] : memref<2x131072xi32, #tpu.memory_space<hbm>> -> memref<1x128xi32, #tpu.memory_space<hbm>>
        %dma_start3A_149 = tpu.memref_squeeze %dma_start3A_148 : memref<1x128xi32, #tpu.memory_space<hbm>> -> memref<128xi32, #tpu.memory_space<hbm>>
        %dma_start3A_150 = tpu.memref_slice %arg3[%run_scoped3A_80, %add3A_79] : memref<2x131072xi32, #tpu.memory_space<hbm>> -> memref<1x128xi32, #tpu.memory_space<hbm>>
        %dma_start3A_151 = tpu.memref_squeeze %dma_start3A_150 : memref<1x128xi32, #tpu.memory_space<hbm>> -> memref<128xi32, #tpu.memory_space<hbm>>
        tpu.enqueue_dma source(%dma_start3A_151 : memref<128xi32, #tpu.memory_space<hbm>>) target(%arg9 : memref<128xi32, #tpu.memory_space<vmem>>) target_semaphore(%run_scoped3A_147 : memref<!tpu.dma_semaphore, #tpu.memory_space<semaphore_mem>>)
        %dma_wait3A_152 = tpu.memref_slice %arg3[%run_scoped3A_80, %add3A_79] : memref<2x131072xi32, #tpu.memory_space<hbm>> -> memref<1x128xi32, #tpu.memory_space<hbm>>
        %dma_wait3A_153 = tpu.memref_squeeze %dma_wait3A_152 : memref<1x128xi32, #tpu.memory_space<hbm>> -> memref<128xi32, #tpu.memory_space<hbm>>
        %dma_wait3A_154 = tpu.memref_slice %arg3[%run_scoped3A_80, %add3A_79] : memref<2x131072xi32, #tpu.memory_space<hbm>> -> memref<1x128xi32, #tpu.memory_space<hbm>>
        %dma_wait3A_155 = tpu.memref_squeeze %dma_wait3A_154 : memref<1x128xi32, #tpu.memory_space<hbm>> -> memref<128xi32, #tpu.memory_space<hbm>>
        tpu.wait_dma2 semaphore(%run_scoped3A_147 : memref<!tpu.dma_semaphore, #tpu.memory_space<semaphore_mem>>) src(%dma_wait3A_155 : memref<128xi32, #tpu.memory_space<hbm>>) dst(%arg9 : memref<128xi32, #tpu.memory_space<vmem>>)
        tpu.yield
      }) : () -> ()
      "tpu.region"() ({
        %run_scoped3A_147 = tpu.sem_alloc : memref<!tpu.dma_semaphore, #tpu.memory_space<semaphore_mem>>
        %dma_start3A_148 = tpu.memref_slice %arg4[%add3A_79] : memref<131072xi32, #tpu.memory_space<hbm>> -> memref<128xi32, #tpu.memory_space<hbm>>
        %dma_start3A_149 = tpu.memref_slice %arg4[%add3A_79] : memref<131072xi32, #tpu.memory_space<hbm>> -> memref<128xi32, #tpu.memory_space<hbm>>
        tpu.enqueue_dma source(%dma_start3A_149 : memref<128xi32, #tpu.memory_space<hbm>>) target(%arg10 : memref<128xi32, #tpu.memory_space<vmem>>) target_semaphore(%run_scoped3A_147 : memref<!tpu.dma_semaphore, #tpu.memory_space<semaphore_mem>>)
        %dma_wait3A_150 = tpu.memref_slice %arg4[%add3A_79] : memref<131072xi32, #tpu.memory_space<hbm>> -> memref<128xi32, #tpu.memory_space<hbm>>
        %dma_wait3A_151 = tpu.memref_slice %arg4[%add3A_79] : memref<131072xi32, #tpu.memory_space<hbm>> -> memref<128xi32, #tpu.memory_space<hbm>>
        tpu.wait_dma2 semaphore(%run_scoped3A_147 : memref<!tpu.dma_semaphore, #tpu.memory_space<semaphore_mem>>) src(%dma_wait3A_151 : memref<128xi32, #tpu.memory_space<hbm>>) dst(%arg10 : memref<128xi32, #tpu.memory_space<vmem>>)
        tpu.yield
      }) : () -> ()
      %scan3A_81 = arith.constant 0 : i32
      %scan3A_82 = arith.constant 0 : i32
      %scan3A_83 = arith.constant 8 : i32
      %scan3A_84 = arith.addi %scan3A_82, %scan3A_83 : i32
      %scan3A_85 = arith.constant 1 : i32
      %scan3A_86 = scf.for %scan3A_147 = %scan3A_82 to %scan3A_84 step %scan3A_85 iter_args(%scan3A_148 = %scan3A_81) -> (i32)  : i32 {
        %mul3A_149 = arith.constant 16 : i32
        %mul3A_150 = arith.muli %scan3A_147, %mul3A_149 : i32
        %get3A = arith.index_cast %mul3A_150 : i32 to index
        %get3A_151 = tpu.vector_load %arg8[%get3A] {strides = array<i32>} : memref<128xi32, #tpu.memory_space<vmem>>, vector<16xi32>,
        %get3A_152 = vector.shape_cast %get3A_151 : vector<16xi32> to vector<16xi32>
        %mul3A_153 = arith.constant 16 : i32
        %mul3A_154 = arith.muli %scan3A_147, %mul3A_153 : i32
        %get3A_155 = arith.index_cast %mul3A_154 : i32 to index
        %get3A_156 = tpu.vector_load %arg9[%get3A_155] {strides = array<i32>} : memref<128xi32, #tpu.memory_space<vmem>>, vector<16xi32>,
        %get3A_157 = vector.shape_cast %get3A_156 : vector<16xi32> to vector<16xi32>
        %mul3A_158 = arith.constant 16 : i32
        %mul3A_159 = arith.muli %scan3A_147, %mul3A_158 : i32
        %get3A_160 = arith.index_cast %mul3A_159 : i32 to index
        %get3A_161 = tpu.vector_load %arg10[%get3A_160] {strides = array<i32>} : memref<128xi32, #tpu.memory_space<vmem>>, vector<16xi32>,
        %get3A_162 = vector.shape_cast %get3A_161 : vector<16xi32> to vector<16xi32>
        %mul3A_163 = arith.constant 4096 : i32
        %mul3A_164 = vector.broadcast %mul3A_163 : i32 to vector<16xi32>
        %mul3A_165 = arith.muli %get3A_162, %mul3A_164 : vector<16xi32>
        %add3A_166 = arith.addi %mul3A_165, %get3A_152 : vector<16xi32>
        %mul3A_167 = arith.constant 16 : i32
        %mul3A_168 = arith.muli %scan3A_147, %mul3A_167 : i32
        %swap3A = arith.index_cast %mul3A_168 : i32 to index
        %swap3A_169 = tpu.vector_load %arg11[%swap3A] {strides = array<i32>} : memref<128xi32, #tpu.memory_space<vmem>>, vector<16xi32>,
        %swap3A_170 = vector.shape_cast %swap3A_169 : vector<16xi32> to vector<16xi32>
        %swap3A_171 = vector.shape_cast %add3A_166 : vector<16xi32> to vector<16xi32>
        tpu.vector_store %arg11[%swap3A], %swap3A_171 {strides = array<i32>} : memref<128xi32, #tpu.memory_space<vmem>>, vector<16xi32>,
        %mul3A_172 = arith.constant 4096 : i32
        %mul3A_173 = vector.broadcast %mul3A_172 : i32 to vector<16xi32>
        %mul3A_174 = arith.muli %get3A_162, %mul3A_173 : vector<16xi32>
        %add3A_175 = arith.addi %mul3A_174, %get3A_157 : vector<16xi32>
        %mul3A_176 = arith.constant 64 : i32
        %mul3A_177 = vector.broadcast %mul3A_176 : i32 to vector<16xi32>
        %mul3A_178 = arith.muli %get3A_157, %mul3A_177 : vector<16xi32>
        %mul3A_179 = arith.constant 16 : i32
        %mul3A_180 = arith.muli %scan3A_147, %mul3A_179 : i32
        %swap3A_181 = arith.index_cast %mul3A_180 : i32 to index
        %swap3A_182 = tpu.vector_load %arg9[%swap3A_181] {strides = array<i32>} : memref<128xi32, #tpu.memory_space<vmem>>, vector<16xi32>,
        %swap3A_183 = vector.shape_cast %swap3A_182 : vector<16xi32> to vector<16xi32>
        %swap3A_184 = vector.shape_cast %mul3A_178 : vector<16xi32> to vector<16xi32>
        tpu.vector_store %arg9[%swap3A_181], %swap3A_184 {strides = array<i32>} : memref<128xi32, #tpu.memory_space<vmem>>, vector<16xi32>,
        %mul3A_185 = arith.constant 16 : i32
        %mul3A_186 = arith.muli %scan3A_147, %mul3A_185 : i32
        %swap3A_187 = arith.index_cast %mul3A_186 : i32 to index
        %swap3A_188 = tpu.vector_load %arg10[%swap3A_187] {strides = array<i32>} : memref<128xi32, #tpu.memory_space<vmem>>, vector<16xi32>,
        %swap3A_189 = vector.shape_cast %swap3A_188 : vector<16xi32> to vector<16xi32>
        %swap3A_190 = vector.shape_cast %add3A_175 : vector<16xi32> to vector<16xi32>
        tpu.vector_store %arg10[%swap3A_187], %swap3A_190 {strides = array<i32>} : memref<128xi32, #tpu.memory_space<vmem>>, vector<16xi32>,
        %scan3A_191 = arith.constant 0 : i32
        scf.yield %scan3A_191 : i32
      }
      %scan3A_87 = arith.constant 8 : i32
      %dma_start3A = arith.constant 0 : i32
      %dma_start3A_88 = arith.constant 0 : i32
      %dma_start3A_89 = tpu.memref_slice %arg2[%dma_start3A, %dma_start3A_88] : memref<24576x128xf32, #tpu.memory_space<hbm>> -> memref<24576x128xf32, #tpu.memory_space<hbm>>
      tpu.enqueue_indirect_dma source(%dma_start3A_89 : memref<24576x128xf32, #tpu.memory_space<hbm>>) target(%arg13 : memref<128x128xf32, #tpu.memory_space<vmem>>) offsets(%arg11 : memref<128xi32, #tpu.memory_space<vmem>>) semaphore(%arg19 : memref<!tpu.dma_semaphore, #tpu.memory_space<semaphore_mem>>)
      %dma_start3A_90 = arith.constant 0 : i32
      %dma_start3A_91 = tpu.memref_slice %arg5[%dma_start3A_90] : memref<20480xf32, #tpu.memory_space<hbm>> -> memref<20480xf32, #tpu.memory_space<hbm>>
      tpu.enqueue_indirect_dma source(%dma_start3A_91 : memref<20480xf32, #tpu.memory_space<hbm>>) target(%arg12 : memref<128xf32, #tpu.memory_space<vmem>>) offsets(%arg10 : memref<128xi32, #tpu.memory_space<vmem>>) semaphore(%arg20 : memref<!tpu.dma_semaphore, #tpu.memory_space<semaphore_mem>>)
      %dma_wait3A = arith.constant 0 : i32
      %dma_wait3A_92 = arith.constant 0 : i32
      %dma_wait3A_93 = tpu.memref_slice %arg2[%dma_wait3A, %dma_wait3A_92] : memref<24576x128xf32, #tpu.memory_space<hbm>> -> memref<24576x128xf32, #tpu.memory_space<hbm>>
      tpu.wait_indirect_dma semaphore(%arg19 : memref<!tpu.dma_semaphore, #tpu.memory_space<semaphore_mem>>) src(%dma_wait3A_93 : memref<24576x128xf32, #tpu.memory_space<hbm>>) dst(%arg13 : memref<128x128xf32, #tpu.memory_space<vmem>>)
      %dma_wait3A_94 = arith.constant 0 : i32
      %dma_wait3A_95 = tpu.memref_slice %arg5[%dma_wait3A_94] : memref<20480xf32, #tpu.memory_space<hbm>> -> memref<20480xf32, #tpu.memory_space<hbm>>
      tpu.wait_indirect_dma semaphore(%arg20 : memref<!tpu.dma_semaphore, #tpu.memory_space<semaphore_mem>>) src(%dma_wait3A_95 : memref<20480xf32, #tpu.memory_space<hbm>>) dst(%arg12 : memref<128xf32, #tpu.memory_space<vmem>>)
      %scan3A_96 = arith.constant 0 : i32
      %scan3A_97 = arith.constant 0 : i32
      %scan3A_98 = arith.constant 8 : i32
      %scan3A_99 = arith.addi %scan3A_97, %scan3A_98 : i32
      %scan3A_100 = arith.constant 1 : i32
      %scan3A_101 = scf.for %scan3A_147 = %scan3A_97 to %scan3A_99 step %scan3A_100 iter_args(%scan3A_148 = %scan3A_96) -> (i32)  : i32 {
        %mul3A_149 = arith.constant 16 : i32
        %mul3A_150 = arith.muli %scan3A_147, %mul3A_149 : i32
        %get3A = arith.index_cast %mul3A_150 : i32 to index
        %get3A_151 = tpu.vector_load %arg12[%get3A] {strides = array<i32>} : memref<128xf32, #tpu.memory_space<vmem>>, vector<16xf32>,
        %get3A_152 = vector.shape_cast %get3A_151 : vector<16xf32> to vector<16xf32>
        %mul3A_153 = arith.constant 16 : i32
        %mul3A_154 = arith.muli %scan3A_147, %mul3A_153 : i32
        %get3A_155 = arith.index_cast %mul3A_154 : i32 to index
        %get3A_156 = tpu.vector_load %arg9[%get3A_155] {strides = array<i32>} : memref<128xi32, #tpu.memory_space<vmem>>, vector<16xi32>,
        %get3A_157 = vector.shape_cast %get3A_156 : vector<16xi32> to vector<16xi32>
        %mul3A_158 = arith.constant 16 : i32
        %mul3A_159 = arith.muli %scan3A_147, %mul3A_158 : i32
        %add3A_160 = arith.constant 0 : i32
        %add3A_161 = arith.addi %mul3A_159, %add3A_160 : i32
        %slice3A = vector.extract_strided_slice %get3A_152 {offsets = [0], sizes = [1], strides = [1]} : vector<16xf32> to vector<1xf32>
        %squeeze3A = vector.extract %slice3A[0] : f32 from vector<1xf32>
        %slice3A_162 = vector.extract_strided_slice %get3A_157 {offsets = [0], sizes = [1], strides = [1]} : vector<16xi32> to vector<1xi32>
        %squeeze3A_163 = vector.extract %slice3A_162[0] : i32 from vector<1xi32>
        %get3A_164 = arith.index_cast %add3A_161 : i32 to index
        %get3A_165 = arith.constant 0 : index
        %get3A_166 = tpu.vector_load %arg13[%get3A_164, %get3A_165] {strides = array<i32>} : memref<128x128xf32, #tpu.memory_space<vmem>>, vector<1x16xf32>,
        %get3A_167 = vector.shape_cast %get3A_166 : vector<1x16xf32> to vector<16xf32>
        %mul3A_168 = vector.broadcast %squeeze3A : f32 to vector<16xf32>
        %mul3A_169 = arith.mulf %get3A_167, %mul3A_168 : vector<16xf32>
        %mul3A_170 = arith.constant 64 : i32
        %mul3A_171 = arith.muli %add3A_161, %mul3A_170 : i32
        %add3A_172 = arith.constant 0 : i32
        %add3A_173 = arith.addi %mul3A_171, %add3A_172 : i32
        %swap3A = arith.index_cast %add3A_173 : i32 to index
        %swap3A_174 = tpu.vector_load %arg14[%swap3A] {strides = array<i32>} : memref<8192xf32, #tpu.memory_space<vmem>>, vector<16xf32>,
        %swap3A_175 = vector.shape_cast %swap3A_174 : vector<16xf32> to vector<16xf32>
        %swap3A_176 = vector.shape_cast %mul3A_169 : vector<16xf32> to vector<16xf32>
        tpu.vector_store %arg14[%swap3A], %swap3A_176 {strides = array<i32>} : memref<8192xf32, #tpu.memory_space<vmem>>, vector<16xf32>,
        %add3A_177 = vector.broadcast %squeeze3A_163 : i32 to vector<16xi32>
        %add3A_178 = arith.addi %add3A_41, %add3A_177 : vector<16xi32>
        %mul3A_179 = arith.constant 64 : i32
        %mul3A_180 = arith.muli %add3A_161, %mul3A_179 : i32
        %add3A_181 = arith.constant 0 : i32
        %add3A_182 = arith.addi %mul3A_180, %add3A_181 : i32
        %swap3A_183 = arith.index_cast %add3A_182 : i32 to index
        %swap3A_184 = tpu.vector_load %arg15[%swap3A_183] {strides = array<i32>} : memref<8192xi32, #tpu.memory_space<vmem>>, vector<16xi32>,
        %swap3A_185 = vector.shape_cast %swap3A_184 : vector<16xi32> to vector<16xi32>
        %swap3A_186 = vector.shape_cast %add3A_178 : vector<16xi32> to vector<16xi32>
        tpu.vector_store %arg15[%swap3A_183], %swap3A_186 {strides = array<i32>} : memref<8192xi32, #tpu.memory_space<vmem>>, vector<16xi32>,
        %get3A_187 = arith.index_cast %add3A_161 : i32 to index
        %get3A_188 = arith.constant 16 : index
        %get3A_189 = tpu.vector_load %arg13[%get3A_187, %get3A_188] {strides = array<i32>} : memref<128x128xf32, #tpu.memory_space<vmem>>, vector<1x16xf32>,
        %get3A_190 = vector.shape_cast %get3A_189 : vector<1x16xf32> to vector<16xf32>
        %mul3A_191 = vector.broadcast %squeeze3A : f32 to vector<16xf32>
        %mul3A_192 = arith.mulf %get3A_190, %mul3A_191 : vector<16xf32>
        %mul3A_193 = arith.constant 64 : i32
        %mul3A_194 = arith.muli %add3A_161, %mul3A_193 : i32
        %add3A_195 = arith.constant 16 : i32
        %add3A_196 = arith.addi %mul3A_194, %add3A_195 : i32
        %swap3A_197 = arith.index_cast %add3A_196 : i32 to index
        %swap3A_198 = tpu.vector_load %arg14[%swap3A_197] {strides = array<i32>} : memref<8192xf32, #tpu.memory_space<vmem>>, vector<16xf32>,
        %swap3A_199 = vector.shape_cast %swap3A_198 : vector<16xf32> to vector<16xf32>
        %swap3A_200 = vector.shape_cast %mul3A_192 : vector<16xf32> to vector<16xf32>
        tpu.vector_store %arg14[%swap3A_197], %swap3A_200 {strides = array<i32>} : memref<8192xf32, #tpu.memory_space<vmem>>, vector<16xf32>,
        %add3A_201 = vector.broadcast %squeeze3A_163 : i32 to vector<16xi32>
        %add3A_202 = arith.addi %add3A_45, %add3A_201 : vector<16xi32>
        %mul3A_203 = arith.constant 64 : i32
        %mul3A_204 = arith.muli %add3A_161, %mul3A_203 : i32
        %add3A_205 = arith.constant 16 : i32
        %add3A_206 = arith.addi %mul3A_204, %add3A_205 : i32
        %swap3A_207 = arith.index_cast %add3A_206 : i32 to index
        %swap3A_208 = tpu.vector_load %arg15[%swap3A_207] {strides = array<i32>} : memref<8192xi32, #tpu.memory_space<vmem>>, vector<16xi32>,
        %swap3A_209 = vector.shape_cast %swap3A_208 : vector<16xi32> to vector<16xi32>
        %swap3A_210 = vector.shape_cast %add3A_202 : vector<16xi32> to vector<16xi32>
        tpu.vector_store %arg15[%swap3A_207], %swap3A_210 {strides = array<i32>} : memref<8192xi32, #tpu.memory_space<vmem>>, vector<16xi32>,
        %get3A_211 = arith.index_cast %add3A_161 : i32 to index
        %get3A_212 = arith.constant 32 : index
        %get3A_213 = tpu.vector_load %arg13[%get3A_211, %get3A_212] {strides = array<i32>} : memref<128x128xf32, #tpu.memory_space<vmem>>, vector<1x16xf32>,
        %get3A_214 = vector.shape_cast %get3A_213 : vector<1x16xf32> to vector<16xf32>
        %mul3A_215 = vector.broadcast %squeeze3A : f32 to vector<16xf32>
        %mul3A_216 = arith.mulf %get3A_214, %mul3A_215 : vector<16xf32>
        %mul3A_217 = arith.constant 64 : i32
        %mul3A_218 = arith.muli %add3A_161, %mul3A_217 : i32
        %add3A_219 = arith.constant 32 : i32
        %add3A_220 = arith.addi %mul3A_218, %add3A_219 : i32
        %swap3A_221 = arith.index_cast %add3A_220 : i32 to index
        %swap3A_222 = tpu.vector_load %arg14[%swap3A_221] {strides = array<i32>} : memref<8192xf32, #tpu.memory_space<vmem>>, vector<16xf32>,
        %swap3A_223 = vector.shape_cast %swap3A_222 : vector<16xf32> to vector<16xf32>
        %swap3A_224 = vector.shape_cast %mul3A_216 : vector<16xf32> to vector<16xf32>
        tpu.vector_store %arg14[%swap3A_221], %swap3A_224 {strides = array<i32>} : memref<8192xf32, #tpu.memory_space<vmem>>, vector<16xf32>,
        %add3A_225 = vector.broadcast %squeeze3A_163 : i32 to vector<16xi32>
        %add3A_226 = arith.addi %add3A_49, %add3A_225 : vector<16xi32>
        %mul3A_227 = arith.constant 64 : i32
        %mul3A_228 = arith.muli %add3A_161, %mul3A_227 : i32
        %add3A_229 = arith.constant 32 : i32
        %add3A_230 = arith.addi %mul3A_228, %add3A_229 : i32
        %swap3A_231 = arith.index_cast %add3A_230 : i32 to index
        %swap3A_232 = tpu.vector_load %arg15[%swap3A_231] {strides = array<i32>} : memref<8192xi32, #tpu.memory_space<vmem>>, vector<16xi32>,
        %swap3A_233 = vector.shape_cast %swap3A_232 : vector<16xi32> to vector<16xi32>
        %swap3A_234 = vector.shape_cast %add3A_226 : vector<16xi32> to vector<16xi32>
        tpu.vector_store %arg15[%swap3A_231], %swap3A_234 {strides = array<i32>} : memref<8192xi32, #tpu.memory_space<vmem>>, vector<16xi32>,
        %get3A_235 = arith.index_cast %add3A_161 : i32 to index
        %get3A_236 = arith.constant 48 : index
        %get3A_237 = tpu.vector_load %arg13[%get3A_235, %get3A_236] {strides = array<i32>} : memref<128x128xf32, #tpu.memory_space<vmem>>, vector<1x16xf32>,
        %get3A_238 = vector.shape_cast %get3A_237 : vector<1x16xf32> to vector<16xf32>
        %mul3A_239 = vector.broadcast %squeeze3A : f32 to vector<16xf32>
        %mul3A_240 = arith.mulf %get3A_238, %mul3A_239 : vector<16xf32>
        %mul3A_241 = arith.constant 64 : i32
        %mul3A_242 = arith.muli %add3A_161, %mul3A_241 : i32
        %add3A_243 = arith.constant 48 : i32
        %add3A_244 = arith.addi %mul3A_242, %add3A_243 : i32
        %swap3A_245 = arith.index_cast %add3A_244 : i32 to index
        %swap3A_246 = tpu.vector_load %arg14[%swap3A_245] {strides = array<i32>} : memref<8192xf32, #tpu.memory_space<vmem>>, vector<16xf32>,
        %swap3A_247 = vector.shape_cast %swap3A_246 : vector<16xf32> to vector<16xf32>
        %swap3A_248 = vector.shape_cast %mul3A_240 : vector<16xf32> to vector<16xf32>
        tpu.vector_store %arg14[%swap3A_245], %swap3A_248 {strides = array<i32>} : memref<8192xf32, #tpu.memory_space<vmem>>, vector<16xf32>,
        %add3A_249 = vector.broadcast %squeeze3A_163 : i32 to vector<16xi32>
        %add3A_250 = arith.addi %add3A_53, %add3A_249 : vector<16xi32>
        %mul3A_251 = arith.constant 64 : i32
        %mul3A_252 = arith.muli %add3A_161, %mul3A_251 : i32
        %add3A_253 = arith.constant 48 : i32
        %add3A_254 = arith.addi %mul3A_252, %add3A_253 : i32
        %swap3A_255 = arith.index_cast %add3A_254 : i32 to index
        %swap3A_256 = tpu.vector_load %arg15[%swap3A_255] {strides = array<i32>} : memref<8192xi32, #tpu.memory_space<vmem>>, vector<16xi32>,
        %swap3A_257 = vector.shape_cast %swap3A_256 : vector<16xi32> to vector<16xi32>
        %swap3A_258 = vector.shape_cast %add3A_250 : vector<16xi32> to vector<16xi32>
        tpu.vector_store %arg15[%swap3A_255], %swap3A_258 {strides = array<i32>} : memref<8192xi32, #tpu.memory_space<vmem>>, vector<16xi32>,
        %mul3A_259 = arith.constant 16 : i32
        %mul3A_260 = arith.muli %scan3A_147, %mul3A_259 : i32
        %add3A_261 = arith.constant 1 : i32
        %add3A_262 = arith.addi %mul3A_260, %add3A_261 : i32
        %slice3A_263 = vector.extract_strided_slice %get3A_152 {offsets = [1], sizes = [1], strides = [1]} : vector<16xf32> to vector<1xf32>
        %squeeze3A_264 = vector.extract %slice3A_263[0] : f32 from vector<1xf32>
        %slice3A_265 = vector.extract_strided_slice %get3A_157 {offsets = [1], sizes = [1], strides = [1]} : vector<16xi32> to vector<1xi32>
        %squeeze3A_266 = vector.extract %slice3A_265[0] : i32 from vector<1xi32>
        %get3A_267 = arith.index_cast %add3A_262 : i32 to index
        %get3A_268 = arith.constant 0 : index
        %get3A_269 = tpu.vector_load %arg13[%get3A_267, %get3A_268] {strides = array<i32>} : memref<128x128xf32, #tpu.memory_space<vmem>>, vector<1x16xf32>,
        %get3A_270 = vector.shape_cast %get3A_269 : vector<1x16xf32> to vector<16xf32>
        %mul3A_271 = vector.broadcast %squeeze3A_264 : f32 to vector<16xf32>
        %mul3A_272 = arith.mulf %get3A_270, %mul3A_271 : vector<16xf32>
        %mul3A_273 = arith.constant 64 : i32
        %mul3A_274 = arith.muli %add3A_262, %mul3A_273 : i32
        %add3A_275 = arith.constant 0 : i32
        %add3A_276 = arith.addi %mul3A_274, %add3A_275 : i32
        %swap3A_277 = arith.index_cast %add3A_276 : i32 to index
        %swap3A_278 = tpu.vector_load %arg14[%swap3A_277] {strides = array<i32>} : memref<8192xf32, #tpu.memory_space<vmem>>, vector<16xf32>,
        %swap3A_279 = vector.shape_cast %swap3A_278 : vector<16xf32> to vector<16xf32>
        %swap3A_280 = vector.shape_cast %mul3A_272 : vector<16xf32> to vector<16xf32>
        tpu.vector_store %arg14[%swap3A_277], %swap3A_280 {strides = array<i32>} : memref<8192xf32, #tpu.memory_space<vmem>>, vector<16xf32>,
        %add3A_281 = vector.broadcast %squeeze3A_266 : i32 to vector<16xi32>
        %add3A_282 = arith.addi %add3A_41, %add3A_281 : vector<16xi32>
        %mul3A_283 = arith.constant 64 : i32
        %mul3A_284 = arith.muli %add3A_262, %mul3A_283 : i32
        %add3A_285 = arith.constant 0 : i32
        %add3A_286 = arith.addi %mul3A_284, %add3A_285 : i32
        %swap3A_287 = arith.index_cast %add3A_286 : i32 to index
        %swap3A_288 = tpu.vector_load %arg15[%swap3A_287] {strides = array<i32>} : memref<8192xi32, #tpu.memory_space<vmem>>, vector<16xi32>,
        %swap3A_289 = vector.shape_cast %swap3A_288 : vector<16xi32> to vector<16xi32>
        %swap3A_290 = vector.shape_cast %add3A_282 : vector<16xi32> to vector<16xi32>
        tpu.vector_store %arg15[%swap3A_287], %swap3A_290 {strides = array<i32>} : memref<8192xi32, #tpu.memory_space<vmem>>, vector<16xi32>,
        %get3A_291 = arith.index_cast %add3A_262 : i32 to index
        %get3A_292 = arith.constant 16 : index
        %get3A_293 = tpu.vector_load %arg13[%get3A_291, %get3A_292] {strides = array<i32>} : memref<128x128xf32, #tpu.memory_space<vmem>>, vector<1x16xf32>,
        %get3A_294 = vector.shape_cast %get3A_293 : vector<1x16xf32> to vector<16xf32>
        %mul3A_295 = vector.broadcast %squeeze3A_264 : f32 to vector<16xf32>
        %mul3A_296 = arith.mulf %get3A_294, %mul3A_295 : vector<16xf32>
        %mul3A_297 = arith.constant 64 : i32
        %mul3A_298 = arith.muli %add3A_262, %mul3A_297 : i32
        %add3A_299 = arith.constant 16 : i32
        %add3A_300 = arith.addi %mul3A_298, %add3A_299 : i32
        %swap3A_301 = arith.index_cast %add3A_300 : i32 to index
        %swap3A_302 = tpu.vector_load %arg14[%swap3A_301] {strides = array<i32>} : memref<8192xf32, #tpu.memory_space<vmem>>, vector<16xf32>,
        %swap3A_303 = vector.shape_cast %swap3A_302 : vector<16xf32> to vector<16xf32>
        %swap3A_304 = vector.shape_cast %mul3A_296 : vector<16xf32> to vector<16xf32>
        tpu.vector_store %arg14[%swap3A_301], %swap3A_304 {strides = array<i32>} : memref<8192xf32, #tpu.memory_space<vmem>>, vector<16xf32>,
        %add3A_305 = vector.broadcast %squeeze3A_266 : i32 to vector<16xi32>
        %add3A_306 = arith.addi %add3A_45, %add3A_305 : vector<16xi32>
        %mul3A_307 = arith.constant 64 : i32
        %mul3A_308 = arith.muli %add3A_262, %mul3A_307 : i32
        %add3A_309 = arith.constant 16 : i32
        %add3A_310 = arith.addi %mul3A_308, %add3A_309 : i32
        %swap3A_311 = arith.index_cast %add3A_310 : i32 to index
        %swap3A_312 = tpu.vector_load %arg15[%swap3A_311] {strides = array<i32>} : memref<8192xi32, #tpu.memory_space<vmem>>, vector<16xi32>,
        %swap3A_313 = vector.shape_cast %swap3A_312 : vector<16xi32> to vector<16xi32>
        %swap3A_314 = vector.shape_cast %add3A_306 : vector<16xi32> to vector<16xi32>
        tpu.vector_store %arg15[%swap3A_311], %swap3A_314 {strides = array<i32>} : memref<8192xi32, #tpu.memory_space<vmem>>, vector<16xi32>,
        %get3A_315 = arith.index_cast %add3A_262 : i32 to index
        %get3A_316 = arith.constant 32 : index
        %get3A_317 = tpu.vector_load %arg13[%get3A_315, %get3A_316] {strides = array<i32>} : memref<128x128xf32, #tpu.memory_space<vmem>>, vector<1x16xf32>,
        %get3A_318 = vector.shape_cast %get3A_317 : vector<1x16xf32> to vector<16xf32>
        %mul3A_319 = vector.broadcast %squeeze3A_264 : f32 to vector<16xf32>
        %mul3A_320 = arith.mulf %get3A_318, %mul3A_319 : vector<16xf32>
        %mul3A_321 = arith.constant 64 : i32
        %mul3A_322 = arith.muli %add3A_262, %mul3A_321 : i32
        %add3A_323 = arith.constant 32 : i32
        %add3A_324 = arith.addi %mul3A_322, %add3A_323 : i32
        %swap3A_325 = arith.index_cast %add3A_324 : i32 to index
        %swap3A_326 = tpu.vector_load %arg14[%swap3A_325] {strides = array<i32>} : memref<8192xf32, #tpu.memory_space<vmem>>, vector<16xf32>,
        %swap3A_327 = vector.shape_cast %swap3A_326 : vector<16xf32> to vector<16xf32>
        %swap3A_328 = vector.shape_cast %mul3A_320 : vector<16xf32> to vector<16xf32>
        tpu.vector_store %arg14[%swap3A_325], %swap3A_328 {strides = array<i32>} : memref<8192xf32, #tpu.memory_space<vmem>>, vector<16xf32>,
        %add3A_329 = vector.broadcast %squeeze3A_266 : i32 to vector<16xi32>
        %add3A_330 = arith.addi %add3A_49, %add3A_329 : vector<16xi32>
        %mul3A_331 = arith.constant 64 : i32
        %mul3A_332 = arith.muli %add3A_262, %mul3A_331 : i32
        %add3A_333 = arith.constant 32 : i32
        %add3A_334 = arith.addi %mul3A_332, %add3A_333 : i32
        %swap3A_335 = arith.index_cast %add3A_334 : i32 to index
        %swap3A_336 = tpu.vector_load %arg15[%swap3A_335] {strides = array<i32>} : memref<8192xi32, #tpu.memory_space<vmem>>, vector<16xi32>,
        %swap3A_337 = vector.shape_cast %swap3A_336 : vector<16xi32> to vector<16xi32>
        %swap3A_338 = vector.shape_cast %add3A_330 : vector<16xi32> to vector<16xi32>
        tpu.vector_store %arg15[%swap3A_335], %swap3A_338 {strides = array<i32>} : memref<8192xi32, #tpu.memory_space<vmem>>, vector<16xi32>,
        %get3A_339 = arith.index_cast %add3A_262 : i32 to index
        %get3A_340 = arith.constant 48 : index
        %get3A_341 = tpu.vector_load %arg13[%get3A_339, %get3A_340] {strides = array<i32>} : memref<128x128xf32, #tpu.memory_space<vmem>>, vector<1x16xf32>,
        %get3A_342 = vector.shape_cast %get3A_341 : vector<1x16xf32> to vector<16xf32>
        %mul3A_343 = vector.broadcast %squeeze3A_264 : f32 to vector<16xf32>
        %mul3A_344 = arith.mulf %get3A_342, %mul3A_343 : vector<16xf32>
        %mul3A_345 = arith.constant 64 : i32
        %mul3A_346 = arith.muli %add3A_262, %mul3A_345 : i32
        %add3A_347 = arith.constant 48 : i32
        %add3A_348 = arith.addi %mul3A_346, %add3A_347 : i32
        %swap3A_349 = arith.index_cast %add3A_348 : i32 to index
        %swap3A_350 = tpu.vector_load %arg14[%swap3A_349] {strides = array<i32>} : memref<8192xf32, #tpu.memory_space<vmem>>, vector<16xf32>,
        %swap3A_351 = vector.shape_cast %swap3A_350 : vector<16xf32> to vector<16xf32>
        %swap3A_352 = vector.shape_cast %mul3A_344 : vector<16xf32> to vector<16xf32>
        tpu.vector_store %arg14[%swap3A_349], %swap3A_352 {strides = array<i32>} : memref<8192xf32, #tpu.memory_space<vmem>>, vector<16xf32>,
        %add3A_353 = vector.broadcast %squeeze3A_266 : i32 to vector<16xi32>
        %add3A_354 = arith.addi %add3A_53, %add3A_353 : vector<16xi32>
        %mul3A_355 = arith.constant 64 : i32
        %mul3A_356 = arith.muli %add3A_262, %mul3A_355 : i32
        %add3A_357 = arith.constant 48 : i32
        %add3A_358 = arith.addi %mul3A_356, %add3A_357 : i32
        %swap3A_359 = arith.index_cast %add3A_358 : i32 to index
        %swap3A_360 = tpu.vector_load %arg15[%swap3A_359] {strides = array<i32>} : memref<8192xi32, #tpu.memory_space<vmem>>, vector<16xi32>,
        %swap3A_361 = vector.shape_cast %swap3A_360 : vector<16xi32> to vector<16xi32>
        %swap3A_362 = vector.shape_cast %add3A_354 : vector<16xi32> to vector<16xi32>
        tpu.vector_store %arg15[%swap3A_359], %swap3A_362 {strides = array<i32>} : memref<8192xi32, #tpu.memory_space<vmem>>, vector<16xi32>,
        %mul3A_363 = arith.constant 16 : i32
        %mul3A_364 = arith.muli %scan3A_147, %mul3A_363 : i32
        %add3A_365 = arith.constant 2 : i32
        %add3A_366 = arith.addi %mul3A_364, %add3A_365 : i32
        %slice3A_367 = vector.extract_strided_slice %get3A_152 {offsets = [2], sizes = [1], strides = [1]} : vector<16xf32> to vector<1xf32>
        %squeeze3A_368 = vector.extract %slice3A_367[0] : f32 from vector<1xf32>
        %slice3A_369 = vector.extract_strided_slice %get3A_157 {offsets = [2], sizes = [1], strides = [1]} : vector<16xi32> to vector<1xi32>
        %squeeze3A_370 = vector.extract %slice3A_369[0] : i32 from vector<1xi32>
        %get3A_371 = arith.index_cast %add3A_366 : i32 to index
        %get3A_372 = arith.constant 0 : index
        %get3A_373 = tpu.vector_load %arg13[%get3A_371, %get3A_372] {strides = array<i32>} : memref<128x128xf32, #tpu.memory_space<vmem>>, vector<1x16xf32>,
        %get3A_374 = vector.shape_cast %get3A_373 : vector<1x16xf32> to vector<16xf32>
        %mul3A_375 = vector.broadcast %squeeze3A_368 : f32 to vector<16xf32>
        %mul3A_376 = arith.mulf %get3A_374, %mul3A_375 : vector<16xf32>
        %mul3A_377 = arith.constant 64 : i32
        %mul3A_378 = arith.muli %add3A_366, %mul3A_377 : i32
        %add3A_379 = arith.constant 0 : i32
        %add3A_380 = arith.addi %mul3A_378, %add3A_379 : i32
        %swap3A_381 = arith.index_cast %add3A_380 : i32 to index
        %swap3A_382 = tpu.vector_load %arg14[%swap3A_381] {strides = array<i32>} : memref<8192xf32, #tpu.memory_space<vmem>>, vector<16xf32>,
        %swap3A_383 = vector.shape_cast %swap3A_382 : vector<16xf32> to vector<16xf32>
        %swap3A_384 = vector.shape_cast %mul3A_376 : vector<16xf32> to vector<16xf32>
        tpu.vector_store %arg14[%swap3A_381], %swap3A_384 {strides = array<i32>} : memref<8192xf32, #tpu.memory_space<vmem>>, vector<16xf32>,
        %add3A_385 = vector.broadcast %squeeze3A_370 : i32 to vector<16xi32>
        %add3A_386 = arith.addi %add3A_41, %add3A_385 : vector<16xi32>
        %mul3A_387 = arith.constant 64 : i32
        %mul3A_388 = arith.muli %add3A_366, %mul3A_387 : i32
        %add3A_389 = arith.constant 0 : i32
        %add3A_390 = arith.addi %mul3A_388, %add3A_389 : i32
        %swap3A_391 = arith.index_cast %add3A_390 : i32 to index
        %swap3A_392 = tpu.vector_load %arg15[%swap3A_391] {strides = array<i32>} : memref<8192xi32, #tpu.memory_space<vmem>>, vector<16xi32>,
        %swap3A_393 = vector.shape_cast %swap3A_392 : vector<16xi32> to vector<16xi32>
        %swap3A_394 = vector.shape_cast %add3A_386 : vector<16xi32> to vector<16xi32>
        tpu.vector_store %arg15[%swap3A_391], %swap3A_394 {strides = array<i32>} : memref<8192xi32, #tpu.memory_space<vmem>>, vector<16xi32>,
        %get3A_395 = arith.index_cast %add3A_366 : i32 to index
        %get3A_396 = arith.constant 16 : index
        %get3A_397 = tpu.vector_load %arg13[%get3A_395, %get3A_396] {strides = array<i32>} : memref<128x128xf32, #tpu.memory_space<vmem>>, vector<1x16xf32>,
        %get3A_398 = vector.shape_cast %get3A_397 : vector<1x16xf32> to vector<16xf32>
        %mul3A_399 = vector.broadcast %squeeze3A_368 : f32 to vector<16xf32>
        %mul3A_400 = arith.mulf %get3A_398, %mul3A_399 : vector<16xf32>
        %mul3A_401 = arith.constant 64 : i32
        %mul3A_402 = arith.muli %add3A_366, %mul3A_401 : i32
        %add3A_403 = arith.constant 16 : i32
        %add3A_404 = arith.addi %mul3A_402, %add3A_403 : i32
        %swap3A_405 = arith.index_cast %add3A_404 : i32 to index
        %swap3A_406 = tpu.vector_load %arg14[%swap3A_405] {strides = array<i32>} : memref<8192xf32, #tpu.memory_space<vmem>>, vector<16xf32>,
        %swap3A_407 = vector.shape_cast %swap3A_406 : vector<16xf32> to vector<16xf32>
        %swap3A_408 = vector.shape_cast %mul3A_400 : vector<16xf32> to vector<16xf32>
        tpu.vector_store %arg14[%swap3A_405], %swap3A_408 {strides = array<i32>} : memref<8192xf32, #tpu.memory_space<vmem>>, vector<16xf32>,
        %add3A_409 = vector.broadcast %squeeze3A_370 : i32 to vector<16xi32>
        %add3A_410 = arith.addi %add3A_45, %add3A_409 : vector<16xi32>
        %mul3A_411 = arith.constant 64 : i32
        %mul3A_412 = arith.muli %add3A_366, %mul3A_411 : i32
        %add3A_413 = arith.constant 16 : i32
        %add3A_414 = arith.addi %mul3A_412, %add3A_413 : i32
        %swap3A_415 = arith.index_cast %add3A_414 : i32 to index
        %swap3A_416 = tpu.vector_load %arg15[%swap3A_415] {strides = array<i32>} : memref<8192xi32, #tpu.memory_space<vmem>>, vector<16xi32>,
        %swap3A_417 = vector.shape_cast %swap3A_416 : vector<16xi32> to vector<16xi32>
        %swap3A_418 = vector.shape_cast %add3A_410 : vector<16xi32> to vector<16xi32>
        tpu.vector_store %arg15[%swap3A_415], %swap3A_418 {strides = array<i32>} : memref<8192xi32, #tpu.memory_space<vmem>>, vector<16xi32>,
        %get3A_419 = arith.index_cast %add3A_366 : i32 to index
        %get3A_420 = arith.constant 32 : index
        %get3A_421 = tpu.vector_load %arg13[%get3A_419, %get3A_420] {strides = array<i32>} : memref<128x128xf32, #tpu.memory_space<vmem>>, vector<1x16xf32>,
        %get3A_422 = vector.shape_cast %get3A_421 : vector<1x16xf32> to vector<16xf32>
        %mul3A_423 = vector.broadcast %squeeze3A_368 : f32 to vector<16xf32>
        %mul3A_424 = arith.mulf %get3A_422, %mul3A_423 : vector<16xf32>
        %mul3A_425 = arith.constant 64 : i32
        %mul3A_426 = arith.muli %add3A_366, %mul3A_425 : i32
        %add3A_427 = arith.constant 32 : i32
        %add3A_428 = arith.addi %mul3A_426, %add3A_427 : i32
        %swap3A_429 = arith.index_cast %add3A_428 : i32 to index
        %swap3A_430 = tpu.vector_load %arg14[%swap3A_429] {strides = array<i32>} : memref<8192xf32, #tpu.memory_space<vmem>>, vector<16xf32>,
        %swap3A_431 = vector.shape_cast %swap3A_430 : vector<16xf32> to vector<16xf32>
        %swap3A_432 = vector.shape_cast %mul3A_424 : vector<16xf32> to vector<16xf32>
        tpu.vector_store %arg14[%swap3A_429], %swap3A_432 {strides = array<i32>} : memref<8192xf32, #tpu.memory_space<vmem>>, vector<16xf32>,
        %add3A_433 = vector.broadcast %squeeze3A_370 : i32 to vector<16xi32>
        %add3A_434 = arith.addi %add3A_49, %add3A_433 : vector<16xi32>
        %mul3A_435 = arith.constant 64 : i32
        %mul3A_436 = arith.muli %add3A_366, %mul3A_435 : i32
        %add3A_437 = arith.constant 32 : i32
        %add3A_438 = arith.addi %mul3A_436, %add3A_437 : i32
        %swap3A_439 = arith.index_cast %add3A_438 : i32 to index
        %swap3A_440 = tpu.vector_load %arg15[%swap3A_439] {strides = array<i32>} : memref<8192xi32, #tpu.memory_space<vmem>>, vector<16xi32>,
        %swap3A_441 = vector.shape_cast %swap3A_440 : vector<16xi32> to vector<16xi32>
        %swap3A_442 = vector.shape_cast %add3A_434 : vector<16xi32> to vector<16xi32>
        tpu.vector_store %arg15[%swap3A_439], %swap3A_442 {strides = array<i32>} : memref<8192xi32, #tpu.memory_space<vmem>>, vector<16xi32>,
        %get3A_443 = arith.index_cast %add3A_366 : i32 to index
        %get3A_444 = arith.constant 48 : index
        %get3A_445 = tpu.vector_load %arg13[%get3A_443, %get3A_444] {strides = array<i32>} : memref<128x128xf32, #tpu.memory_space<vmem>>, vector<1x16xf32>,
        %get3A_446 = vector.shape_cast %get3A_445 : vector<1x16xf32> to vector<16xf32>
        %mul3A_447 = vector.broadcast %squeeze3A_368 : f32 to vector<16xf32>
        %mul3A_448 = arith.mulf %get3A_446, %mul3A_447 : vector<16xf32>
        %mul3A_449 = arith.constant 64 : i32
        %mul3A_450 = arith.muli %add3A_366, %mul3A_449 : i32
        %add3A_451 = arith.constant 48 : i32
        %add3A_452 = arith.addi %mul3A_450, %add3A_451 : i32
        %swap3A_453 = arith.index_cast %add3A_452 : i32 to index
        %swap3A_454 = tpu.vector_load %arg14[%swap3A_453] {strides = array<i32>} : memref<8192xf32, #tpu.memory_space<vmem>>, vector<16xf32>,
        %swap3A_455 = vector.shape_cast %swap3A_454 : vector<16xf32> to vector<16xf32>
        %swap3A_456 = vector.shape_cast %mul3A_448 : vector<16xf32> to vector<16xf32>
        tpu.vector_store %arg14[%swap3A_453], %swap3A_456 {strides = array<i32>} : memref<8192xf32, #tpu.memory_space<vmem>>, vector<16xf32>,
        %add3A_457 = vector.broadcast %squeeze3A_370 : i32 to vector<16xi32>
        %add3A_458 = arith.addi %add3A_53, %add3A_457 : vector<16xi32>
        %mul3A_459 = arith.constant 64 : i32
        %mul3A_460 = arith.muli %add3A_366, %mul3A_459 : i32
        %add3A_461 = arith.constant 48 : i32
        %add3A_462 = arith.addi %mul3A_460, %add3A_461 : i32
        %swap3A_463 = arith.index_cast %add3A_462 : i32 to index
        %swap3A_464 = tpu.vector_load %arg15[%swap3A_463] {strides = array<i32>} : memref<8192xi32, #tpu.memory_space<vmem>>, vector<16xi32>,
        %swap3A_465 = vector.shape_cast %swap3A_464 : vector<16xi32> to vector<16xi32>
        %swap3A_466 = vector.shape_cast %add3A_458 : vector<16xi32> to vector<16xi32>
        tpu.vector_store %arg15[%swap3A_463], %swap3A_466 {strides = array<i32>} : memref<8192xi32, #tpu.memory_space<vmem>>, vector<16xi32>,
        %mul3A_467 = arith.constant 16 : i32
        %mul3A_468 = arith.muli %scan3A_147, %mul3A_467 : i32
        %add3A_469 = arith.constant 3 : i32
        %add3A_470 = arith.addi %mul3A_468, %add3A_469 : i32
        %slice3A_471 = vector.extract_strided_slice %get3A_152 {offsets = [3], sizes = [1], strides = [1]} : vector<16xf32> to vector<1xf32>
        %squeeze3A_472 = vector.extract %slice3A_471[0] : f32 from vector<1xf32>
        %slice3A_473 = vector.extract_strided_slice %get3A_157 {offsets = [3], sizes = [1], strides = [1]} : vector<16xi32> to vector<1xi32>
        %squeeze3A_474 = vector.extract %slice3A_473[0] : i32 from vector<1xi32>
        %get3A_475 = arith.index_cast %add3A_470 : i32 to index
        %get3A_476 = arith.constant 0 : index
        %get3A_477 = tpu.vector_load %arg13[%get3A_475, %get3A_476] {strides = array<i32>} : memref<128x128xf32, #tpu.memory_space<vmem>>, vector<1x16xf32>,
        %get3A_478 = vector.shape_cast %get3A_477 : vector<1x16xf32> to vector<16xf32>
        %mul3A_479 = vector.broadcast %squeeze3A_472 : f32 to vector<16xf32>
        %mul3A_480 = arith.mulf %get3A_478, %mul3A_479 : vector<16xf32>
        %mul3A_481 = arith.constant 64 : i32
        %mul3A_482 = arith.muli %add3A_470, %mul3A_481 : i32
        %add3A_483 = arith.constant 0 : i32
        %add3A_484 = arith.addi %mul3A_482, %add3A_483 : i32
        %swap3A_485 = arith.index_cast %add3A_484 : i32 to index
        %swap3A_486 = tpu.vector_load %arg14[%swap3A_485] {strides = array<i32>} : memref<8192xf32, #tpu.memory_space<vmem>>, vector<16xf32>,
        %swap3A_487 = vector.shape_cast %swap3A_486 : vector<16xf32> to vector<16xf32>
        %swap3A_488 = vector.shape_cast %mul3A_480 : vector<16xf32> to vector<16xf32>
        tpu.vector_store %arg14[%swap3A_485], %swap3A_488 {strides = array<i32>} : memref<8192xf32, #tpu.memory_space<vmem>>, vector<16xf32>,
        %add3A_489 = vector.broadcast %squeeze3A_474 : i32 to vector<16xi32>
        %add3A_490 = arith.addi %add3A_41, %add3A_489 : vector<16xi32>
        %mul3A_491 = arith.constant 64 : i32
        %mul3A_492 = arith.muli %add3A_470, %mul3A_491 : i32
        %add3A_493 = arith.constant 0 : i32
        %add3A_494 = arith.addi %mul3A_492, %add3A_493 : i32
        %swap3A_495 = arith.index_cast %add3A_494 : i32 to index
        %swap3A_496 = tpu.vector_load %arg15[%swap3A_495] {strides = array<i32>} : memref<8192xi32, #tpu.memory_space<vmem>>, vector<16xi32>,
        %swap3A_497 = vector.shape_cast %swap3A_496 : vector<16xi32> to vector<16xi32>
        %swap3A_498 = vector.shape_cast %add3A_490 : vector<16xi32> to vector<16xi32>
        tpu.vector_store %arg15[%swap3A_495], %swap3A_498 {strides = array<i32>} : memref<8192xi32, #tpu.memory_space<vmem>>, vector<16xi32>,
        %get3A_499 = arith.index_cast %add3A_470 : i32 to index
        %get3A_500 = arith.constant 16 : index
        %get3A_501 = tpu.vector_load %arg13[%get3A_499, %get3A_500] {strides = array<i32>} : memref<128x128xf32, #tpu.memory_space<vmem>>, vector<1x16xf32>,
        %get3A_502 = vector.shape_cast %get3A_501 : vector<1x16xf32> to vector<16xf32>
        %mul3A_503 = vector.broadcast %squeeze3A_472 : f32 to vector<16xf32>
        %mul3A_504 = arith.mulf %get3A_502, %mul3A_503 : vector<16xf32>
        %mul3A_505 = arith.constant 64 : i32
        %mul3A_506 = arith.muli %add3A_470, %mul3A_505 : i32
        %add3A_507 = arith.constant 16 : i32
        %add3A_508 = arith.addi %mul3A_506, %add3A_507 : i32
        %swap3A_509 = arith.index_cast %add3A_508 : i32 to index
        %swap3A_510 = tpu.vector_load %arg14[%swap3A_509] {strides = array<i32>} : memref<8192xf32, #tpu.memory_space<vmem>>, vector<16xf32>,
        %swap3A_511 = vector.shape_cast %swap3A_510 : vector<16xf32> to vector<16xf32>
        %swap3A_512 = vector.shape_cast %mul3A_504 : vector<16xf32> to vector<16xf32>
        tpu.vector_store %arg14[%swap3A_509], %swap3A_512 {strides = array<i32>} : memref<8192xf32, #tpu.memory_space<vmem>>, vector<16xf32>,
        %add3A_513 = vector.broadcast %squeeze3A_474 : i32 to vector<16xi32>
        %add3A_514 = arith.addi %add3A_45, %add3A_513 : vector<16xi32>
        %mul3A_515 = arith.constant 64 : i32
        %mul3A_516 = arith.muli %add3A_470, %mul3A_515 : i32
        %add3A_517 = arith.constant 16 : i32
        %add3A_518 = arith.addi %mul3A_516, %add3A_517 : i32
        %swap3A_519 = arith.index_cast %add3A_518 : i32 to index
        %swap3A_520 = tpu.vector_load %arg15[%swap3A_519] {strides = array<i32>} : memref<8192xi32, #tpu.memory_space<vmem>>, vector<16xi32>,
        %swap3A_521 = vector.shape_cast %swap3A_520 : vector<16xi32> to vector<16xi32>
        %swap3A_522 = vector.shape_cast %add3A_514 : vector<16xi32> to vector<16xi32>
        tpu.vector_store %arg15[%swap3A_519], %swap3A_522 {strides = array<i32>} : memref<8192xi32, #tpu.memory_space<vmem>>, vector<16xi32>,
        %get3A_523 = arith.index_cast %add3A_470 : i32 to index
        %get3A_524 = arith.constant 32 : index
        %get3A_525 = tpu.vector_load %arg13[%get3A_523, %get3A_524] {strides = array<i32>} : memref<128x128xf32, #tpu.memory_space<vmem>>, vector<1x16xf32>,
        %get3A_526 = vector.shape_cast %get3A_525 : vector<1x16xf32> to vector<16xf32>
        %mul3A_527 = vector.broadcast %squeeze3A_472 : f32 to vector<16xf32>
        %mul3A_528 = arith.mulf %get3A_526, %mul3A_527 : vector<16xf32>
        %mul3A_529 = arith.constant 64 : i32
        %mul3A_530 = arith.muli %add3A_470, %mul3A_529 : i32
        %add3A_531 = arith.constant 32 : i32
        %add3A_532 = arith.addi %mul3A_530, %add3A_531 : i32
        %swap3A_533 = arith.index_cast %add3A_532 : i32 to index
        %swap3A_534 = tpu.vector_load %arg14[%swap3A_533] {strides = array<i32>} : memref<8192xf32, #tpu.memory_space<vmem>>, vector<16xf32>,
        %swap3A_535 = vector.shape_cast %swap3A_534 : vector<16xf32> to vector<16xf32>
        %swap3A_536 = vector.shape_cast %mul3A_528 : vector<16xf32> to vector<16xf32>
        tpu.vector_store %arg14[%swap3A_533], %swap3A_536 {strides = array<i32>} : memref<8192xf32, #tpu.memory_space<vmem>>, vector<16xf32>,
        %add3A_537 = vector.broadcast %squeeze3A_474 : i32 to vector<16xi32>
        %add3A_538 = arith.addi %add3A_49, %add3A_537 : vector<16xi32>
        %mul3A_539 = arith.constant 64 : i32
        %mul3A_540 = arith.muli %add3A_470, %mul3A_539 : i32
        %add3A_541 = arith.constant 32 : i32
        %add3A_542 = arith.addi %mul3A_540, %add3A_541 : i32
        %swap3A_543 = arith.index_cast %add3A_542 : i32 to index
        %swap3A_544 = tpu.vector_load %arg15[%swap3A_543] {strides = array<i32>} : memref<8192xi32, #tpu.memory_space<vmem>>, vector<16xi32>,
        %swap3A_545 = vector.shape_cast %swap3A_544 : vector<16xi32> to vector<16xi32>
        %swap3A_546 = vector.shape_cast %add3A_538 : vector<16xi32> to vector<16xi32>
        tpu.vector_store %arg15[%swap3A_543], %swap3A_546 {strides = array<i32>} : memref<8192xi32, #tpu.memory_space<vmem>>, vector<16xi32>,
        %get3A_547 = arith.index_cast %add3A_470 : i32 to index
        %get3A_548 = arith.constant 48 : index
        %get3A_549 = tpu.vector_load %arg13[%get3A_547, %get3A_548] {strides = array<i32>} : memref<128x128xf32, #tpu.memory_space<vmem>>, vector<1x16xf32>,
        %get3A_550 = vector.shape_cast %get3A_549 : vector<1x16xf32> to vector<16xf32>
        %mul3A_551 = vector.broadcast %squeeze3A_472 : f32 to vector<16xf32>
        %mul3A_552 = arith.mulf %get3A_550, %mul3A_551 : vector<16xf32>
        %mul3A_553 = arith.constant 64 : i32
        %mul3A_554 = arith.muli %add3A_470, %mul3A_553 : i32
        %add3A_555 = arith.constant 48 : i32
        %add3A_556 = arith.addi %mul3A_554, %add3A_555 : i32
        %swap3A_557 = arith.index_cast %add3A_556 : i32 to index
        %swap3A_558 = tpu.vector_load %arg14[%swap3A_557] {strides = array<i32>} : memref<8192xf32, #tpu.memory_space<vmem>>, vector<16xf32>,
        %swap3A_559 = vector.shape_cast %swap3A_558 : vector<16xf32> to vector<16xf32>
        %swap3A_560 = vector.shape_cast %mul3A_552 : vector<16xf32> to vector<16xf32>
        tpu.vector_store %arg14[%swap3A_557], %swap3A_560 {strides = array<i32>} : memref<8192xf32, #tpu.memory_space<vmem>>, vector<16xf32>,
        %add3A_561 = vector.broadcast %squeeze3A_474 : i32 to vector<16xi32>
        %add3A_562 = arith.addi %add3A_53, %add3A_561 : vector<16xi32>
        %mul3A_563 = arith.constant 64 : i32
        %mul3A_564 = arith.muli %add3A_470, %mul3A_563 : i32
        %add3A_565 = arith.constant 48 : i32
        %add3A_566 = arith.addi %mul3A_564, %add3A_565 : i32
        %swap3A_567 = arith.index_cast %add3A_566 : i32 to index
        %swap3A_568 = tpu.vector_load %arg15[%swap3A_567] {strides = array<i32>} : memref<8192xi32, #tpu.memory_space<vmem>>, vector<16xi32>,
        %swap3A_569 = vector.shape_cast %swap3A_568 : vector<16xi32> to vector<16xi32>
        %swap3A_570 = vector.shape_cast %add3A_562 : vector<16xi32> to vector<16xi32>
        tpu.vector_store %arg15[%swap3A_567], %swap3A_570 {strides = array<i32>} : memref<8192xi32, #tpu.memory_space<vmem>>, vector<16xi32>,
        %mul3A_571 = arith.constant 16 : i32
        %mul3A_572 = arith.muli %scan3A_147, %mul3A_571 : i32
        %add3A_573 = arith.constant 4 : i32
        %add3A_574 = arith.addi %mul3A_572, %add3A_573 : i32
        %slice3A_575 = vector.extract_strided_slice %get3A_152 {offsets = [4], sizes = [1], strides = [1]} : vector<16xf32> to vector<1xf32>
        %squeeze3A_576 = vector.extract %slice3A_575[0] : f32 from vector<1xf32>
        %slice3A_577 = vector.extract_strided_slice %get3A_157 {offsets = [4], sizes = [1], strides = [1]} : vector<16xi32> to vector<1xi32>
        %squeeze3A_578 = vector.extract %slice3A_577[0] : i32 from vector<1xi32>
        %get3A_579 = arith.index_cast %add3A_574 : i32 to index
        %get3A_580 = arith.constant 0 : index
        %get3A_581 = tpu.vector_load %arg13[%get3A_579, %get3A_580] {strides = array<i32>} : memref<128x128xf32, #tpu.memory_space<vmem>>, vector<1x16xf32>,
        %get3A_582 = vector.shape_cast %get3A_581 : vector<1x16xf32> to vector<16xf32>
        %mul3A_583 = vector.broadcast %squeeze3A_576 : f32 to vector<16xf32>
        %mul3A_584 = arith.mulf %get3A_582, %mul3A_583 : vector<16xf32>
        %mul3A_585 = arith.constant 64 : i32
        %mul3A_586 = arith.muli %add3A_574, %mul3A_585 : i32
        %add3A_587 = arith.constant 0 : i32
        %add3A_588 = arith.addi %mul3A_586, %add3A_587 : i32
        %swap3A_589 = arith.index_cast %add3A_588 : i32 to index
        %swap3A_590 = tpu.vector_load %arg14[%swap3A_589] {strides = array<i32>} : memref<8192xf32, #tpu.memory_space<vmem>>, vector<16xf32>,
        %swap3A_591 = vector.shape_cast %swap3A_590 : vector<16xf32> to vector<16xf32>
        %swap3A_592 = vector.shape_cast %mul3A_584 : vector<16xf32> to vector<16xf32>
        tpu.vector_store %arg14[%swap3A_589], %swap3A_592 {strides = array<i32>} : memref<8192xf32, #tpu.memory_space<vmem>>, vector<16xf32>,
        %add3A_593 = vector.broadcast %squeeze3A_578 : i32 to vector<16xi32>
        %add3A_594 = arith.addi %add3A_41, %add3A_593 : vector<16xi32>
        %mul3A_595 = arith.constant 64 : i32
        %mul3A_596 = arith.muli %add3A_574, %mul3A_595 : i32
        %add3A_597 = arith.constant 0 : i32
        %add3A_598 = arith.addi %mul3A_596, %add3A_597 : i32
        %swap3A_599 = arith.index_cast %add3A_598 : i32 to index
        %swap3A_600 = tpu.vector_load %arg15[%swap3A_599] {strides = array<i32>} : memref<8192xi32, #tpu.memory_space<vmem>>, vector<16xi32>,
        %swap3A_601 = vector.shape_cast %swap3A_600 : vector<16xi32> to vector<16xi32>
        %swap3A_602 = vector.shape_cast %add3A_594 : vector<16xi32> to vector<16xi32>
        tpu.vector_store %arg15[%swap3A_599], %swap3A_602 {strides = array<i32>} : memref<8192xi32, #tpu.memory_space<vmem>>, vector<16xi32>,
        %get3A_603 = arith.index_cast %add3A_574 : i32 to index
        %get3A_604 = arith.constant 16 : index
        %get3A_605 = tpu.vector_load %arg13[%get3A_603, %get3A_604] {strides = array<i32>} : memref<128x128xf32, #tpu.memory_space<vmem>>, vector<1x16xf32>,
        %get3A_606 = vector.shape_cast %get3A_605 : vector<1x16xf32> to vector<16xf32>
        %mul3A_607 = vector.broadcast %squeeze3A_576 : f32 to vector<16xf32>
        %mul3A_608 = arith.mulf %get3A_606, %mul3A_607 : vector<16xf32>
        %mul3A_609 = arith.constant 64 : i32
        %mul3A_610 = arith.muli %add3A_574, %mul3A_609 : i32
        %add3A_611 = arith.constant 16 : i32
        %add3A_612 = arith.addi %mul3A_610, %add3A_611 : i32
        %swap3A_613 = arith.index_cast %add3A_612 : i32 to index
        %swap3A_614 = tpu.vector_load %arg14[%swap3A_613] {strides = array<i32>} : memref<8192xf32, #tpu.memory_space<vmem>>, vector<16xf32>,
        %swap3A_615 = vector.shape_cast %swap3A_614 : vector<16xf32> to vector<16xf32>
        %swap3A_616 = vector.shape_cast %mul3A_608 : vector<16xf32> to vector<16xf32>
        tpu.vector_store %arg14[%swap3A_613], %swap3A_616 {strides = array<i32>} : memref<8192xf32, #tpu.memory_space<vmem>>, vector<16xf32>,
        %add3A_617 = vector.broadcast %squeeze3A_578 : i32 to vector<16xi32>
        %add3A_618 = arith.addi %add3A_45, %add3A_617 : vector<16xi32>
        %mul3A_619 = arith.constant 64 : i32
        %mul3A_620 = arith.muli %add3A_574, %mul3A_619 : i32
        %add3A_621 = arith.constant 16 : i32
        %add3A_622 = arith.addi %mul3A_620, %add3A_621 : i32
        %swap3A_623 = arith.index_cast %add3A_622 : i32 to index
        %swap3A_624 = tpu.vector_load %arg15[%swap3A_623] {strides = array<i32>} : memref<8192xi32, #tpu.memory_space<vmem>>, vector<16xi32>,
        %swap3A_625 = vector.shape_cast %swap3A_624 : vector<16xi32> to vector<16xi32>
        %swap3A_626 = vector.shape_cast %add3A_618 : vector<16xi32> to vector<16xi32>
        tpu.vector_store %arg15[%swap3A_623], %swap3A_626 {strides = array<i32>} : memref<8192xi32, #tpu.memory_space<vmem>>, vector<16xi32>,
        %get3A_627 = arith.index_cast %add3A_574 : i32 to index
        %get3A_628 = arith.constant 32 : index
        %get3A_629 = tpu.vector_load %arg13[%get3A_627, %get3A_628] {strides = array<i32>} : memref<128x128xf32, #tpu.memory_space<vmem>>, vector<1x16xf32>,
        %get3A_630 = vector.shape_cast %get3A_629 : vector<1x16xf32> to vector<16xf32>
        %mul3A_631 = vector.broadcast %squeeze3A_576 : f32 to vector<16xf32>
        %mul3A_632 = arith.mulf %get3A_630, %mul3A_631 : vector<16xf32>
        %mul3A_633 = arith.constant 64 : i32
        %mul3A_634 = arith.muli %add3A_574, %mul3A_633 : i32
        %add3A_635 = arith.constant 32 : i32
        %add3A_636 = arith.addi %mul3A_634, %add3A_635 : i32
        %swap3A_637 = arith.index_cast %add3A_636 : i32 to index
        %swap3A_638 = tpu.vector_load %arg14[%swap3A_637] {strides = array<i32>} : memref<8192xf32, #tpu.memory_space<vmem>>, vector<16xf32>,
        %swap3A_639 = vector.shape_cast %swap3A_638 : vector<16xf32> to vector<16xf32>
        %swap3A_640 = vector.shape_cast %mul3A_632 : vector<16xf32> to vector<16xf32>
        tpu.vector_store %arg14[%swap3A_637], %swap3A_640 {strides = array<i32>} : memref<8192xf32, #tpu.memory_space<vmem>>, vector<16xf32>,
        %add3A_641 = vector.broadcast %squeeze3A_578 : i32 to vector<16xi32>
        %add3A_642 = arith.addi %add3A_49, %add3A_641 : vector<16xi32>
        %mul3A_643 = arith.constant 64 : i32
        %mul3A_644 = arith.muli %add3A_574, %mul3A_643 : i32
        %add3A_645 = arith.constant 32 : i32
        %add3A_646 = arith.addi %mul3A_644, %add3A_645 : i32
        %swap3A_647 = arith.index_cast %add3A_646 : i32 to index
        %swap3A_648 = tpu.vector_load %arg15[%swap3A_647] {strides = array<i32>} : memref<8192xi32, #tpu.memory_space<vmem>>, vector<16xi32>,
        %swap3A_649 = vector.shape_cast %swap3A_648 : vector<16xi32> to vector<16xi32>
        %swap3A_650 = vector.shape_cast %add3A_642 : vector<16xi32> to vector<16xi32>
        tpu.vector_store %arg15[%swap3A_647], %swap3A_650 {strides = array<i32>} : memref<8192xi32, #tpu.memory_space<vmem>>, vector<16xi32>,
        %get3A_651 = arith.index_cast %add3A_574 : i32 to index
        %get3A_652 = arith.constant 48 : index
        %get3A_653 = tpu.vector_load %arg13[%get3A_651, %get3A_652] {strides = array<i32>} : memref<128x128xf32, #tpu.memory_space<vmem>>, vector<1x16xf32>,
        %get3A_654 = vector.shape_cast %get3A_653 : vector<1x16xf32> to vector<16xf32>
        %mul3A_655 = vector.broadcast %squeeze3A_576 : f32 to vector<16xf32>
        %mul3A_656 = arith.mulf %get3A_654, %mul3A_655 : vector<16xf32>
        %mul3A_657 = arith.constant 64 : i32
        %mul3A_658 = arith.muli %add3A_574, %mul3A_657 : i32
        %add3A_659 = arith.constant 48 : i32
        %add3A_660 = arith.addi %mul3A_658, %add3A_659 : i32
        %swap3A_661 = arith.index_cast %add3A_660 : i32 to index
        %swap3A_662 = tpu.vector_load %arg14[%swap3A_661] {strides = array<i32>} : memref<8192xf32, #tpu.memory_space<vmem>>, vector<16xf32>,
        %swap3A_663 = vector.shape_cast %swap3A_662 : vector<16xf32> to vector<16xf32>
        %swap3A_664 = vector.shape_cast %mul3A_656 : vector<16xf32> to vector<16xf32>
        tpu.vector_store %arg14[%swap3A_661], %swap3A_664 {strides = array<i32>} : memref<8192xf32, #tpu.memory_space<vmem>>, vector<16xf32>,
        %add3A_665 = vector.broadcast %squeeze3A_578 : i32 to vector<16xi32>
        %add3A_666 = arith.addi %add3A_53, %add3A_665 : vector<16xi32>
        %mul3A_667 = arith.constant 64 : i32
        %mul3A_668 = arith.muli %add3A_574, %mul3A_667 : i32
        %add3A_669 = arith.constant 48 : i32
        %add3A_670 = arith.addi %mul3A_668, %add3A_669 : i32
        %swap3A_671 = arith.index_cast %add3A_670 : i32 to index
        %swap3A_672 = tpu.vector_load %arg15[%swap3A_671] {strides = array<i32>} : memref<8192xi32, #tpu.memory_space<vmem>>, vector<16xi32>,
        %swap3A_673 = vector.shape_cast %swap3A_672 : vector<16xi32> to vector<16xi32>
        %swap3A_674 = vector.shape_cast %add3A_666 : vector<16xi32> to vector<16xi32>
        tpu.vector_store %arg15[%swap3A_671], %swap3A_674 {strides = array<i32>} : memref<8192xi32, #tpu.memory_space<vmem>>, vector<16xi32>,
        %mul3A_675 = arith.constant 16 : i32
        %mul3A_676 = arith.muli %scan3A_147, %mul3A_675 : i32
        %add3A_677 = arith.constant 5 : i32
        %add3A_678 = arith.addi %mul3A_676, %add3A_677 : i32
        %slice3A_679 = vector.extract_strided_slice %get3A_152 {offsets = [5], sizes = [1], strides = [1]} : vector<16xf32> to vector<1xf32>
        %squeeze3A_680 = vector.extract %slice3A_679[0] : f32 from vector<1xf32>
        %slice3A_681 = vector.extract_strided_slice %get3A_157 {offsets = [5], sizes = [1], strides = [1]} : vector<16xi32> to vector<1xi32>
        %squeeze3A_682 = vector.extract %slice3A_681[0] : i32 from vector<1xi32>
        %get3A_683 = arith.index_cast %add3A_678 : i32 to index
        %get3A_684 = arith.constant 0 : index
        %get3A_685 = tpu.vector_load %arg13[%get3A_683, %get3A_684] {strides = array<i32>} : memref<128x128xf32, #tpu.memory_space<vmem>>, vector<1x16xf32>,
        %get3A_686 = vector.shape_cast %get3A_685 : vector<1x16xf32> to vector<16xf32>
        %mul3A_687 = vector.broadcast %squeeze3A_680 : f32 to vector<16xf32>
        %mul3A_688 = arith.mulf %get3A_686, %mul3A_687 : vector<16xf32>
        %mul3A_689 = arith.constant 64 : i32
        %mul3A_690 = arith.muli %add3A_678, %mul3A_689 : i32
        %add3A_691 = arith.constant 0 : i32
        %add3A_692 = arith.addi %mul3A_690, %add3A_691 : i32
        %swap3A_693 = arith.index_cast %add3A_692 : i32 to index
        %swap3A_694 = tpu.vector_load %arg14[%swap3A_693] {strides = array<i32>} : memref<8192xf32, #tpu.memory_space<vmem>>, vector<16xf32>,
        %swap3A_695 = vector.shape_cast %swap3A_694 : vector<16xf32> to vector<16xf32>
        %swap3A_696 = vector.shape_cast %mul3A_688 : vector<16xf32> to vector<16xf32>
        tpu.vector_store %arg14[%swap3A_693], %swap3A_696 {strides = array<i32>} : memref<8192xf32, #tpu.memory_space<vmem>>, vector<16xf32>,
        %add3A_697 = vector.broadcast %squeeze3A_682 : i32 to vector<16xi32>
        %add3A_698 = arith.addi %add3A_41, %add3A_697 : vector<16xi32>
        %mul3A_699 = arith.constant 64 : i32
        %mul3A_700 = arith.muli %add3A_678, %mul3A_699 : i32
        %add3A_701 = arith.constant 0 : i32
        %add3A_702 = arith.addi %mul3A_700, %add3A_701 : i32
        %swap3A_703 = arith.index_cast %add3A_702 : i32 to index
        %swap3A_704 = tpu.vector_load %arg15[%swap3A_703] {strides = array<i32>} : memref<8192xi32, #tpu.memory_space<vmem>>, vector<16xi32>,
        %swap3A_705 = vector.shape_cast %swap3A_704 : vector<16xi32> to vector<16xi32>
        %swap3A_706 = vector.shape_cast %add3A_698 : vector<16xi32> to vector<16xi32>
        tpu.vector_store %arg15[%swap3A_703], %swap3A_706 {strides = array<i32>} : memref<8192xi32, #tpu.memory_space<vmem>>, vector<16xi32>,
        %get3A_707 = arith.index_cast %add3A_678 : i32 to index
        %get3A_708 = arith.constant 16 : index
        %get3A_709 = tpu.vector_load %arg13[%get3A_707, %get3A_708] {strides = array<i32>} : memref<128x128xf32, #tpu.memory_space<vmem>>, vector<1x16xf32>,
        %get3A_710 = vector.shape_cast %get3A_709 : vector<1x16xf32> to vector<16xf32>
        %mul3A_711 = vector.broadcast %squeeze3A_680 : f32 to vector<16xf32>
        %mul3A_712 = arith.mulf %get3A_710, %mul3A_711 : vector<16xf32>
        %mul3A_713 = arith.constant 64 : i32
        %mul3A_714 = arith.muli %add3A_678, %mul3A_713 : i32
        %add3A_715 = arith.constant 16 : i32
        %add3A_716 = arith.addi %mul3A_714, %add3A_715 : i32
        %swap3A_717 = arith.index_cast %add3A_716 : i32 to index
        %swap3A_718 = tpu.vector_load %arg14[%swap3A_717] {strides = array<i32>} : memref<8192xf32, #tpu.memory_space<vmem>>, vector<16xf32>,
        %swap3A_719 = vector.shape_cast %swap3A_718 : vector<16xf32> to vector<16xf32>
        %swap3A_720 = vector.shape_cast %mul3A_712 : vector<16xf32> to vector<16xf32>
        tpu.vector_store %arg14[%swap3A_717], %swap3A_720 {strides = array<i32>} : memref<8192xf32, #tpu.memory_space<vmem>>, vector<16xf32>,
        %add3A_721 = vector.broadcast %squeeze3A_682 : i32 to vector<16xi32>
        %add3A_722 = arith.addi %add3A_45, %add3A_721 : vector<16xi32>
        %mul3A_723 = arith.constant 64 : i32
        %mul3A_724 = arith.muli %add3A_678, %mul3A_723 : i32
        %add3A_725 = arith.constant 16 : i32
        %add3A_726 = arith.addi %mul3A_724, %add3A_725 : i32
        %swap3A_727 = arith.index_cast %add3A_726 : i32 to index
        %swap3A_728 = tpu.vector_load %arg15[%swap3A_727] {strides = array<i32>} : memref<8192xi32, #tpu.memory_space<vmem>>, vector<16xi32>,
        %swap3A_729 = vector.shape_cast %swap3A_728 : vector<16xi32> to vector<16xi32>
        %swap3A_730 = vector.shape_cast %add3A_722 : vector<16xi32> to vector<16xi32>
        tpu.vector_store %arg15[%swap3A_727], %swap3A_730 {strides = array<i32>} : memref<8192xi32, #tpu.memory_space<vmem>>, vector<16xi32>,
        %get3A_731 = arith.index_cast %add3A_678 : i32 to index
        %get3A_732 = arith.constant 32 : index
        %get3A_733 = tpu.vector_load %arg13[%get3A_731, %get3A_732] {strides = array<i32>} : memref<128x128xf32, #tpu.memory_space<vmem>>, vector<1x16xf32>,
        %get3A_734 = vector.shape_cast %get3A_733 : vector<1x16xf32> to vector<16xf32>
        %mul3A_735 = vector.broadcast %squeeze3A_680 : f32 to vector<16xf32>
        %mul3A_736 = arith.mulf %get3A_734, %mul3A_735 : vector<16xf32>
        %mul3A_737 = arith.constant 64 : i32
        %mul3A_738 = arith.muli %add3A_678, %mul3A_737 : i32
        %add3A_739 = arith.constant 32 : i32
        %add3A_740 = arith.addi %mul3A_738, %add3A_739 : i32
        %swap3A_741 = arith.index_cast %add3A_740 : i32 to index
        %swap3A_742 = tpu.vector_load %arg14[%swap3A_741] {strides = array<i32>} : memref<8192xf32, #tpu.memory_space<vmem>>, vector<16xf32>,
        %swap3A_743 = vector.shape_cast %swap3A_742 : vector<16xf32> to vector<16xf32>
        %swap3A_744 = vector.shape_cast %mul3A_736 : vector<16xf32> to vector<16xf32>
        tpu.vector_store %arg14[%swap3A_741], %swap3A_744 {strides = array<i32>} : memref<8192xf32, #tpu.memory_space<vmem>>, vector<16xf32>,
        %add3A_745 = vector.broadcast %squeeze3A_682 : i32 to vector<16xi32>
        %add3A_746 = arith.addi %add3A_49, %add3A_745 : vector<16xi32>
        %mul3A_747 = arith.constant 64 : i32
        %mul3A_748 = arith.muli %add3A_678, %mul3A_747 : i32
        %add3A_749 = arith.constant 32 : i32
        %add3A_750 = arith.addi %mul3A_748, %add3A_749 : i32
        %swap3A_751 = arith.index_cast %add3A_750 : i32 to index
        %swap3A_752 = tpu.vector_load %arg15[%swap3A_751] {strides = array<i32>} : memref<8192xi32, #tpu.memory_space<vmem>>, vector<16xi32>,
        %swap3A_753 = vector.shape_cast %swap3A_752 : vector<16xi32> to vector<16xi32>
        %swap3A_754 = vector.shape_cast %add3A_746 : vector<16xi32> to vector<16xi32>
        tpu.vector_store %arg15[%swap3A_751], %swap3A_754 {strides = array<i32>} : memref<8192xi32, #tpu.memory_space<vmem>>, vector<16xi32>,
        %get3A_755 = arith.index_cast %add3A_678 : i32 to index
        %get3A_756 = arith.constant 48 : index
        %get3A_757 = tpu.vector_load %arg13[%get3A_755, %get3A_756] {strides = array<i32>} : memref<128x128xf32, #tpu.memory_space<vmem>>, vector<1x16xf32>,
        %get3A_758 = vector.shape_cast %get3A_757 : vector<1x16xf32> to vector<16xf32>
        %mul3A_759 = vector.broadcast %squeeze3A_680 : f32 to vector<16xf32>
        %mul3A_760 = arith.mulf %get3A_758, %mul3A_759 : vector<16xf32>
        %mul3A_761 = arith.constant 64 : i32
        %mul3A_762 = arith.muli %add3A_678, %mul3A_761 : i32
        %add3A_763 = arith.constant 48 : i32
        %add3A_764 = arith.addi %mul3A_762, %add3A_763 : i32
        %swap3A_765 = arith.index_cast %add3A_764 : i32 to index
        %swap3A_766 = tpu.vector_load %arg14[%swap3A_765] {strides = array<i32>} : memref<8192xf32, #tpu.memory_space<vmem>>, vector<16xf32>,
        %swap3A_767 = vector.shape_cast %swap3A_766 : vector<16xf32> to vector<16xf32>
        %swap3A_768 = vector.shape_cast %mul3A_760 : vector<16xf32> to vector<16xf32>
        tpu.vector_store %arg14[%swap3A_765], %swap3A_768 {strides = array<i32>} : memref<8192xf32, #tpu.memory_space<vmem>>, vector<16xf32>,
        %add3A_769 = vector.broadcast %squeeze3A_682 : i32 to vector<16xi32>
        %add3A_770 = arith.addi %add3A_53, %add3A_769 : vector<16xi32>
        %mul3A_771 = arith.constant 64 : i32
        %mul3A_772 = arith.muli %add3A_678, %mul3A_771 : i32
        %add3A_773 = arith.constant 48 : i32
        %add3A_774 = arith.addi %mul3A_772, %add3A_773 : i32
        %swap3A_775 = arith.index_cast %add3A_774 : i32 to index
        %swap3A_776 = tpu.vector_load %arg15[%swap3A_775] {strides = array<i32>} : memref<8192xi32, #tpu.memory_space<vmem>>, vector<16xi32>,
        %swap3A_777 = vector.shape_cast %swap3A_776 : vector<16xi32> to vector<16xi32>
        %swap3A_778 = vector.shape_cast %add3A_770 : vector<16xi32> to vector<16xi32>
        tpu.vector_store %arg15[%swap3A_775], %swap3A_778 {strides = array<i32>} : memref<8192xi32, #tpu.memory_space<vmem>>, vector<16xi32>,
        %mul3A_779 = arith.constant 16 : i32
        %mul3A_780 = arith.muli %scan3A_147, %mul3A_779 : i32
        %add3A_781 = arith.constant 6 : i32
        %add3A_782 = arith.addi %mul3A_780, %add3A_781 : i32
        %slice3A_783 = vector.extract_strided_slice %get3A_152 {offsets = [6], sizes = [1], strides = [1]} : vector<16xf32> to vector<1xf32>
        %squeeze3A_784 = vector.extract %slice3A_783[0] : f32 from vector<1xf32>
        %slice3A_785 = vector.extract_strided_slice %get3A_157 {offsets = [6], sizes = [1], strides = [1]} : vector<16xi32> to vector<1xi32>
        %squeeze3A_786 = vector.extract %slice3A_785[0] : i32 from vector<1xi32>
        %get3A_787 = arith.index_cast %add3A_782 : i32 to index
        %get3A_788 = arith.constant 0 : index
        %get3A_789 = tpu.vector_load %arg13[%get3A_787, %get3A_788] {strides = array<i32>} : memref<128x128xf32, #tpu.memory_space<vmem>>, vector<1x16xf32>,
        %get3A_790 = vector.shape_cast %get3A_789 : vector<1x16xf32> to vector<16xf32>
        %mul3A_791 = vector.broadcast %squeeze3A_784 : f32 to vector<16xf32>
        %mul3A_792 = arith.mulf %get3A_790, %mul3A_791 : vector<16xf32>
        %mul3A_793 = arith.constant 64 : i32
        %mul3A_794 = arith.muli %add3A_782, %mul3A_793 : i32
        %add3A_795 = arith.constant 0 : i32
        %add3A_796 = arith.addi %mul3A_794, %add3A_795 : i32
        %swap3A_797 = arith.index_cast %add3A_796 : i32 to index
        %swap3A_798 = tpu.vector_load %arg14[%swap3A_797] {strides = array<i32>} : memref<8192xf32, #tpu.memory_space<vmem>>, vector<16xf32>,
        %swap3A_799 = vector.shape_cast %swap3A_798 : vector<16xf32> to vector<16xf32>
        %swap3A_800 = vector.shape_cast %mul3A_792 : vector<16xf32> to vector<16xf32>
        tpu.vector_store %arg14[%swap3A_797], %swap3A_800 {strides = array<i32>} : memref<8192xf32, #tpu.memory_space<vmem>>, vector<16xf32>,
        %add3A_801 = vector.broadcast %squeeze3A_786 : i32 to vector<16xi32>
        %add3A_802 = arith.addi %add3A_41, %add3A_801 : vector<16xi32>
        %mul3A_803 = arith.constant 64 : i32
        %mul3A_804 = arith.muli %add3A_782, %mul3A_803 : i32
        %add3A_805 = arith.constant 0 : i32
        %add3A_806 = arith.addi %mul3A_804, %add3A_805 : i32
        %swap3A_807 = arith.index_cast %add3A_806 : i32 to index
        %swap3A_808 = tpu.vector_load %arg15[%swap3A_807] {strides = array<i32>} : memref<8192xi32, #tpu.memory_space<vmem>>, vector<16xi32>,
        %swap3A_809 = vector.shape_cast %swap3A_808 : vector<16xi32> to vector<16xi32>
        %swap3A_810 = vector.shape_cast %add3A_802 : vector<16xi32> to vector<16xi32>
        tpu.vector_store %arg15[%swap3A_807], %swap3A_810 {strides = array<i32>} : memref<8192xi32, #tpu.memory_space<vmem>>, vector<16xi32>,
        %get3A_811 = arith.index_cast %add3A_782 : i32 to index
        %get3A_812 = arith.constant 16 : index
        %get3A_813 = tpu.vector_load %arg13[%get3A_811, %get3A_812] {strides = array<i32>} : memref<128x128xf32, #tpu.memory_space<vmem>>, vector<1x16xf32>,
        %get3A_814 = vector.shape_cast %get3A_813 : vector<1x16xf32> to vector<16xf32>
        %mul3A_815 = vector.broadcast %squeeze3A_784 : f32 to vector<16xf32>
        %mul3A_816 = arith.mulf %get3A_814, %mul3A_815 : vector<16xf32>
        %mul3A_817 = arith.constant 64 : i32
        %mul3A_818 = arith.muli %add3A_782, %mul3A_817 : i32
        %add3A_819 = arith.constant 16 : i32
        %add3A_820 = arith.addi %mul3A_818, %add3A_819 : i32
        %swap3A_821 = arith.index_cast %add3A_820 : i32 to index
        %swap3A_822 = tpu.vector_load %arg14[%swap3A_821] {strides = array<i32>} : memref<8192xf32, #tpu.memory_space<vmem>>, vector<16xf32>,
        %swap3A_823 = vector.shape_cast %swap3A_822 : vector<16xf32> to vector<16xf32>
        %swap3A_824 = vector.shape_cast %mul3A_816 : vector<16xf32> to vector<16xf32>
        tpu.vector_store %arg14[%swap3A_821], %swap3A_824 {strides = array<i32>} : memref<8192xf32, #tpu.memory_space<vmem>>, vector<16xf32>,
        %add3A_825 = vector.broadcast %squeeze3A_786 : i32 to vector<16xi32>
        %add3A_826 = arith.addi %add3A_45, %add3A_825 : vector<16xi32>
        %mul3A_827 = arith.constant 64 : i32
        %mul3A_828 = arith.muli %add3A_782, %mul3A_827 : i32
        %add3A_829 = arith.constant 16 : i32
        %add3A_830 = arith.addi %mul3A_828, %add3A_829 : i32
        %swap3A_831 = arith.index_cast %add3A_830 : i32 to index
        %swap3A_832 = tpu.vector_load %arg15[%swap3A_831] {strides = array<i32>} : memref<8192xi32, #tpu.memory_space<vmem>>, vector<16xi32>,
        %swap3A_833 = vector.shape_cast %swap3A_832 : vector<16xi32> to vector<16xi32>
        %swap3A_834 = vector.shape_cast %add3A_826 : vector<16xi32> to vector<16xi32>
        tpu.vector_store %arg15[%swap3A_831], %swap3A_834 {strides = array<i32>} : memref<8192xi32, #tpu.memory_space<vmem>>, vector<16xi32>,
        %get3A_835 = arith.index_cast %add3A_782 : i32 to index
        %get3A_836 = arith.constant 32 : index
        %get3A_837 = tpu.vector_load %arg13[%get3A_835, %get3A_836] {strides = array<i32>} : memref<128x128xf32, #tpu.memory_space<vmem>>, vector<1x16xf32>,
        %get3A_838 = vector.shape_cast %get3A_837 : vector<1x16xf32> to vector<16xf32>
        %mul3A_839 = vector.broadcast %squeeze3A_784 : f32 to vector<16xf32>
        %mul3A_840 = arith.mulf %get3A_838, %mul3A_839 : vector<16xf32>
        %mul3A_841 = arith.constant 64 : i32
        %mul3A_842 = arith.muli %add3A_782, %mul3A_841 : i32
        %add3A_843 = arith.constant 32 : i32
        %add3A_844 = arith.addi %mul3A_842, %add3A_843 : i32
        %swap3A_845 = arith.index_cast %add3A_844 : i32 to index
        %swap3A_846 = tpu.vector_load %arg14[%swap3A_845] {strides = array<i32>} : memref<8192xf32, #tpu.memory_space<vmem>>, vector<16xf32>,
        %swap3A_847 = vector.shape_cast %swap3A_846 : vector<16xf32> to vector<16xf32>
        %swap3A_848 = vector.shape_cast %mul3A_840 : vector<16xf32> to vector<16xf32>
        tpu.vector_store %arg14[%swap3A_845], %swap3A_848 {strides = array<i32>} : memref<8192xf32, #tpu.memory_space<vmem>>, vector<16xf32>,
        %add3A_849 = vector.broadcast %squeeze3A_786 : i32 to vector<16xi32>
        %add3A_850 = arith.addi %add3A_49, %add3A_849 : vector<16xi32>
        %mul3A_851 = arith.constant 64 : i32
        %mul3A_852 = arith.muli %add3A_782, %mul3A_851 : i32
        %add3A_853 = arith.constant 32 : i32
        %add3A_854 = arith.addi %mul3A_852, %add3A_853 : i32
        %swap3A_855 = arith.index_cast %add3A_854 : i32 to index
        %swap3A_856 = tpu.vector_load %arg15[%swap3A_855] {strides = array<i32>} : memref<8192xi32, #tpu.memory_space<vmem>>, vector<16xi32>,
        %swap3A_857 = vector.shape_cast %swap3A_856 : vector<16xi32> to vector<16xi32>
        %swap3A_858 = vector.shape_cast %add3A_850 : vector<16xi32> to vector<16xi32>
        tpu.vector_store %arg15[%swap3A_855], %swap3A_858 {strides = array<i32>} : memref<8192xi32, #tpu.memory_space<vmem>>, vector<16xi32>,
        %get3A_859 = arith.index_cast %add3A_782 : i32 to index
        %get3A_860 = arith.constant 48 : index
        %get3A_861 = tpu.vector_load %arg13[%get3A_859, %get3A_860] {strides = array<i32>} : memref<128x128xf32, #tpu.memory_space<vmem>>, vector<1x16xf32>,
        %get3A_862 = vector.shape_cast %get3A_861 : vector<1x16xf32> to vector<16xf32>
        %mul3A_863 = vector.broadcast %squeeze3A_784 : f32 to vector<16xf32>
        %mul3A_864 = arith.mulf %get3A_862, %mul3A_863 : vector<16xf32>
        %mul3A_865 = arith.constant 64 : i32
        %mul3A_866 = arith.muli %add3A_782, %mul3A_865 : i32
        %add3A_867 = arith.constant 48 : i32
        %add3A_868 = arith.addi %mul3A_866, %add3A_867 : i32
        %swap3A_869 = arith.index_cast %add3A_868 : i32 to index
        %swap3A_870 = tpu.vector_load %arg14[%swap3A_869] {strides = array<i32>} : memref<8192xf32, #tpu.memory_space<vmem>>, vector<16xf32>,
        %swap3A_871 = vector.shape_cast %swap3A_870 : vector<16xf32> to vector<16xf32>
        %swap3A_872 = vector.shape_cast %mul3A_864 : vector<16xf32> to vector<16xf32>
        tpu.vector_store %arg14[%swap3A_869], %swap3A_872 {strides = array<i32>} : memref<8192xf32, #tpu.memory_space<vmem>>, vector<16xf32>,
        %add3A_873 = vector.broadcast %squeeze3A_786 : i32 to vector<16xi32>
        %add3A_874 = arith.addi %add3A_53, %add3A_873 : vector<16xi32>
        %mul3A_875 = arith.constant 64 : i32
        %mul3A_876 = arith.muli %add3A_782, %mul3A_875 : i32
        %add3A_877 = arith.constant 48 : i32
        %add3A_878 = arith.addi %mul3A_876, %add3A_877 : i32
        %swap3A_879 = arith.index_cast %add3A_878 : i32 to index
        %swap3A_880 = tpu.vector_load %arg15[%swap3A_879] {strides = array<i32>} : memref<8192xi32, #tpu.memory_space<vmem>>, vector<16xi32>,
        %swap3A_881 = vector.shape_cast %swap3A_880 : vector<16xi32> to vector<16xi32>
        %swap3A_882 = vector.shape_cast %add3A_874 : vector<16xi32> to vector<16xi32>
        tpu.vector_store %arg15[%swap3A_879], %swap3A_882 {strides = array<i32>} : memref<8192xi32, #tpu.memory_space<vmem>>, vector<16xi32>,
        %mul3A_883 = arith.constant 16 : i32
        %mul3A_884 = arith.muli %scan3A_147, %mul3A_883 : i32
        %add3A_885 = arith.constant 7 : i32
        %add3A_886 = arith.addi %mul3A_884, %add3A_885 : i32
        %slice3A_887 = vector.extract_strided_slice %get3A_152 {offsets = [7], sizes = [1], strides = [1]} : vector<16xf32> to vector<1xf32>
        %squeeze3A_888 = vector.extract %slice3A_887[0] : f32 from vector<1xf32>
        %slice3A_889 = vector.extract_strided_slice %get3A_157 {offsets = [7], sizes = [1], strides = [1]} : vector<16xi32> to vector<1xi32>
        %squeeze3A_890 = vector.extract %slice3A_889[0] : i32 from vector<1xi32>
        %get3A_891 = arith.index_cast %add3A_886 : i32 to index
        %get3A_892 = arith.constant 0 : index
        %get3A_893 = tpu.vector_load %arg13[%get3A_891, %get3A_892] {strides = array<i32>} : memref<128x128xf32, #tpu.memory_space<vmem>>, vector<1x16xf32>,
        %get3A_894 = vector.shape_cast %get3A_893 : vector<1x16xf32> to vector<16xf32>
        %mul3A_895 = vector.broadcast %squeeze3A_888 : f32 to vector<16xf32>
        %mul3A_896 = arith.mulf %get3A_894, %mul3A_895 : vector<16xf32>
        %mul3A_897 = arith.constant 64 : i32
        %mul3A_898 = arith.muli %add3A_886, %mul3A_897 : i32
        %add3A_899 = arith.constant 0 : i32
        %add3A_900 = arith.addi %mul3A_898, %add3A_899 : i32
        %swap3A_901 = arith.index_cast %add3A_900 : i32 to index
        %swap3A_902 = tpu.vector_load %arg14[%swap3A_901] {strides = array<i32>} : memref<8192xf32, #tpu.memory_space<vmem>>, vector<16xf32>,
        %swap3A_903 = vector.shape_cast %swap3A_902 : vector<16xf32> to vector<16xf32>
        %swap3A_904 = vector.shape_cast %mul3A_896 : vector<16xf32> to vector<16xf32>
        tpu.vector_store %arg14[%swap3A_901], %swap3A_904 {strides = array<i32>} : memref<8192xf32, #tpu.memory_space<vmem>>, vector<16xf32>,
        %add3A_905 = vector.broadcast %squeeze3A_890 : i32 to vector<16xi32>
        %add3A_906 = arith.addi %add3A_41, %add3A_905 : vector<16xi32>
        %mul3A_907 = arith.constant 64 : i32
        %mul3A_908 = arith.muli %add3A_886, %mul3A_907 : i32
        %add3A_909 = arith.constant 0 : i32
        %add3A_910 = arith.addi %mul3A_908, %add3A_909 : i32
        %swap3A_911 = arith.index_cast %add3A_910 : i32 to index
        %swap3A_912 = tpu.vector_load %arg15[%swap3A_911] {strides = array<i32>} : memref<8192xi32, #tpu.memory_space<vmem>>, vector<16xi32>,
        %swap3A_913 = vector.shape_cast %swap3A_912 : vector<16xi32> to vector<16xi32>
        %swap3A_914 = vector.shape_cast %add3A_906 : vector<16xi32> to vector<16xi32>
        tpu.vector_store %arg15[%swap3A_911], %swap3A_914 {strides = array<i32>} : memref<8192xi32, #tpu.memory_space<vmem>>, vector<16xi32>,
        %get3A_915 = arith.index_cast %add3A_886 : i32 to index
        %get3A_916 = arith.constant 16 : index
        %get3A_917 = tpu.vector_load %arg13[%get3A_915, %get3A_916] {strides = array<i32>} : memref<128x128xf32, #tpu.memory_space<vmem>>, vector<1x16xf32>,
        %get3A_918 = vector.shape_cast %get3A_917 : vector<1x16xf32> to vector<16xf32>
        %mul3A_919 = vector.broadcast %squeeze3A_888 : f32 to vector<16xf32>
        %mul3A_920 = arith.mulf %get3A_918, %mul3A_919 : vector<16xf32>
        %mul3A_921 = arith.constant 64 : i32
        %mul3A_922 = arith.muli %add3A_886, %mul3A_921 : i32
        %add3A_923 = arith.constant 16 : i32
        %add3A_924 = arith.addi %mul3A_922, %add3A_923 : i32
        %swap3A_925 = arith.index_cast %add3A_924 : i32 to index
        %swap3A_926 = tpu.vector_load %arg14[%swap3A_925] {strides = array<i32>} : memref<8192xf32, #tpu.memory_space<vmem>>, vector<16xf32>,
        %swap3A_927 = vector.shape_cast %swap3A_926 : vector<16xf32> to vector<16xf32>
        %swap3A_928 = vector.shape_cast %mul3A_920 : vector<16xf32> to vector<16xf32>
        tpu.vector_store %arg14[%swap3A_925], %swap3A_928 {strides = array<i32>} : memref<8192xf32, #tpu.memory_space<vmem>>, vector<16xf32>,
        %add3A_929 = vector.broadcast %squeeze3A_890 : i32 to vector<16xi32>
        %add3A_930 = arith.addi %add3A_45, %add3A_929 : vector<16xi32>
        %mul3A_931 = arith.constant 64 : i32
        %mul3A_932 = arith.muli %add3A_886, %mul3A_931 : i32
        %add3A_933 = arith.constant 16 : i32
        %add3A_934 = arith.addi %mul3A_932, %add3A_933 : i32
        %swap3A_935 = arith.index_cast %add3A_934 : i32 to index
        %swap3A_936 = tpu.vector_load %arg15[%swap3A_935] {strides = array<i32>} : memref<8192xi32, #tpu.memory_space<vmem>>, vector<16xi32>,
        %swap3A_937 = vector.shape_cast %swap3A_936 : vector<16xi32> to vector<16xi32>
        %swap3A_938 = vector.shape_cast %add3A_930 : vector<16xi32> to vector<16xi32>
        tpu.vector_store %arg15[%swap3A_935], %swap3A_938 {strides = array<i32>} : memref<8192xi32, #tpu.memory_space<vmem>>, vector<16xi32>,
        %get3A_939 = arith.index_cast %add3A_886 : i32 to index
        %get3A_940 = arith.constant 32 : index
        %get3A_941 = tpu.vector_load %arg13[%get3A_939, %get3A_940] {strides = array<i32>} : memref<128x128xf32, #tpu.memory_space<vmem>>, vector<1x16xf32>,
        %get3A_942 = vector.shape_cast %get3A_941 : vector<1x16xf32> to vector<16xf32>
        %mul3A_943 = vector.broadcast %squeeze3A_888 : f32 to vector<16xf32>
        %mul3A_944 = arith.mulf %get3A_942, %mul3A_943 : vector<16xf32>
        %mul3A_945 = arith.constant 64 : i32
        %mul3A_946 = arith.muli %add3A_886, %mul3A_945 : i32
        %add3A_947 = arith.constant 32 : i32
        %add3A_948 = arith.addi %mul3A_946, %add3A_947 : i32
        %swap3A_949 = arith.index_cast %add3A_948 : i32 to index
        %swap3A_950 = tpu.vector_load %arg14[%swap3A_949] {strides = array<i32>} : memref<8192xf32, #tpu.memory_space<vmem>>, vector<16xf32>,
        %swap3A_951 = vector.shape_cast %swap3A_950 : vector<16xf32> to vector<16xf32>
        %swap3A_952 = vector.shape_cast %mul3A_944 : vector<16xf32> to vector<16xf32>
        tpu.vector_store %arg14[%swap3A_949], %swap3A_952 {strides = array<i32>} : memref<8192xf32, #tpu.memory_space<vmem>>, vector<16xf32>,
        %add3A_953 = vector.broadcast %squeeze3A_890 : i32 to vector<16xi32>
        %add3A_954 = arith.addi %add3A_49, %add3A_953 : vector<16xi32>
        %mul3A_955 = arith.constant 64 : i32
        %mul3A_956 = arith.muli %add3A_886, %mul3A_955 : i32
        %add3A_957 = arith.constant 32 : i32
        %add3A_958 = arith.addi %mul3A_956, %add3A_957 : i32
        %swap3A_959 = arith.index_cast %add3A_958 : i32 to index
        %swap3A_960 = tpu.vector_load %arg15[%swap3A_959] {strides = array<i32>} : memref<8192xi32, #tpu.memory_space<vmem>>, vector<16xi32>,
        %swap3A_961 = vector.shape_cast %swap3A_960 : vector<16xi32> to vector<16xi32>
        %swap3A_962 = vector.shape_cast %add3A_954 : vector<16xi32> to vector<16xi32>
        tpu.vector_store %arg15[%swap3A_959], %swap3A_962 {strides = array<i32>} : memref<8192xi32, #tpu.memory_space<vmem>>, vector<16xi32>,
        %get3A_963 = arith.index_cast %add3A_886 : i32 to index
        %get3A_964 = arith.constant 48 : index
        %get3A_965 = tpu.vector_load %arg13[%get3A_963, %get3A_964] {strides = array<i32>} : memref<128x128xf32, #tpu.memory_space<vmem>>, vector<1x16xf32>,
        %get3A_966 = vector.shape_cast %get3A_965 : vector<1x16xf32> to vector<16xf32>
        %mul3A_967 = vector.broadcast %squeeze3A_888 : f32 to vector<16xf32>
        %mul3A_968 = arith.mulf %get3A_966, %mul3A_967 : vector<16xf32>
        %mul3A_969 = arith.constant 64 : i32
        %mul3A_970 = arith.muli %add3A_886, %mul3A_969 : i32
        %add3A_971 = arith.constant 48 : i32
        %add3A_972 = arith.addi %mul3A_970, %add3A_971 : i32
        %swap3A_973 = arith.index_cast %add3A_972 : i32 to index
        %swap3A_974 = tpu.vector_load %arg14[%swap3A_973] {strides = array<i32>} : memref<8192xf32, #tpu.memory_space<vmem>>, vector<16xf32>,
        %swap3A_975 = vector.shape_cast %swap3A_974 : vector<16xf32> to vector<16xf32>
        %swap3A_976 = vector.shape_cast %mul3A_968 : vector<16xf32> to vector<16xf32>
        tpu.vector_store %arg14[%swap3A_973], %swap3A_976 {strides = array<i32>} : memref<8192xf32, #tpu.memory_space<vmem>>, vector<16xf32>,
        %add3A_977 = vector.broadcast %squeeze3A_890 : i32 to vector<16xi32>
        %add3A_978 = arith.addi %add3A_53, %add3A_977 : vector<16xi32>
        %mul3A_979 = arith.constant 64 : i32
        %mul3A_980 = arith.muli %add3A_886, %mul3A_979 : i32
        %add3A_981 = arith.constant 48 : i32
        %add3A_982 = arith.addi %mul3A_980, %add3A_981 : i32
        %swap3A_983 = arith.index_cast %add3A_982 : i32 to index
        %swap3A_984 = tpu.vector_load %arg15[%swap3A_983] {strides = array<i32>} : memref<8192xi32, #tpu.memory_space<vmem>>, vector<16xi32>,
        %swap3A_985 = vector.shape_cast %swap3A_984 : vector<16xi32> to vector<16xi32>
        %swap3A_986 = vector.shape_cast %add3A_978 : vector<16xi32> to vector<16xi32>
        tpu.vector_store %arg15[%swap3A_983], %swap3A_986 {strides = array<i32>} : memref<8192xi32, #tpu.memory_space<vmem>>, vector<16xi32>,
        %mul3A_987 = arith.constant 16 : i32
        %mul3A_988 = arith.muli %scan3A_147, %mul3A_987 : i32
        %add3A_989 = arith.constant 8 : i32
        %add3A_990 = arith.addi %mul3A_988, %add3A_989 : i32
        %slice3A_991 = vector.extract_strided_slice %get3A_152 {offsets = [8], sizes = [1], strides = [1]} : vector<16xf32> to vector<1xf32>
        %squeeze3A_992 = vector.extract %slice3A_991[0] : f32 from vector<1xf32>
        %slice3A_993 = vector.extract_strided_slice %get3A_157 {offsets = [8], sizes = [1], strides = [1]} : vector<16xi32> to vector<1xi32>
        %squeeze3A_994 = vector.extract %slice3A_993[0] : i32 from vector<1xi32>
        %get3A_995 = arith.index_cast %add3A_990 : i32 to index
        %get3A_996 = arith.constant 0 : index
        %get3A_997 = tpu.vector_load %arg13[%get3A_995, %get3A_996] {strides = array<i32>} : memref<128x128xf32, #tpu.memory_space<vmem>>, vector<1x16xf32>,
        %get3A_998 = vector.shape_cast %get3A_997 : vector<1x16xf32> to vector<16xf32>
        %mul3A_999 = vector.broadcast %squeeze3A_992 : f32 to vector<16xf32>
        %mul3A_1000 = arith.mulf %get3A_998, %mul3A_999 : vector<16xf32>
        %mul3A_1001 = arith.constant 64 : i32
        %mul3A_1002 = arith.muli %add3A_990, %mul3A_1001 : i32
        %add3A_1003 = arith.constant 0 : i32
        %add3A_1004 = arith.addi %mul3A_1002, %add3A_1003 : i32
        %swap3A_1005 = arith.index_cast %add3A_1004 : i32 to index
        %swap3A_1006 = tpu.vector_load %arg14[%swap3A_1005] {strides = array<i32>} : memref<8192xf32, #tpu.memory_space<vmem>>, vector<16xf32>,
        %swap3A_1007 = vector.shape_cast %swap3A_1006 : vector<16xf32> to vector<16xf32>
        %swap3A_1008 = vector.shape_cast %mul3A_1000 : vector<16xf32> to vector<16xf32>
        tpu.vector_store %arg14[%swap3A_1005], %swap3A_1008 {strides = array<i32>} : memref<8192xf32, #tpu.memory_space<vmem>>, vector<16xf32>,
        %add3A_1009 = vector.broadcast %squeeze3A_994 : i32 to vector<16xi32>
        %add3A_1010 = arith.addi %add3A_41, %add3A_1009 : vector<16xi32>
        %mul3A_1011 = arith.constant 64 : i32
        %mul3A_1012 = arith.muli %add3A_990, %mul3A_1011 : i32
        %add3A_1013 = arith.constant 0 : i32
        %add3A_1014 = arith.addi %mul3A_1012, %add3A_1013 : i32
        %swap3A_1015 = arith.index_cast %add3A_1014 : i32 to index
        %swap3A_1016 = tpu.vector_load %arg15[%swap3A_1015] {strides = array<i32>} : memref<8192xi32, #tpu.memory_space<vmem>>, vector<16xi32>,
        %swap3A_1017 = vector.shape_cast %swap3A_1016 : vector<16xi32> to vector<16xi32>
        %swap3A_1018 = vector.shape_cast %add3A_1010 : vector<16xi32> to vector<16xi32>
        tpu.vector_store %arg15[%swap3A_1015], %swap3A_1018 {strides = array<i32>} : memref<8192xi32, #tpu.memory_space<vmem>>, vector<16xi32>,
        %get3A_1019 = arith.index_cast %add3A_990 : i32 to index
        %get3A_1020 = arith.constant 16 : index
        %get3A_1021 = tpu.vector_load %arg13[%get3A_1019, %get3A_1020] {strides = array<i32>} : memref<128x128xf32, #tpu.memory_space<vmem>>, vector<1x16xf32>,
        %get3A_1022 = vector.shape_cast %get3A_1021 : vector<1x16xf32> to vector<16xf32>
        %mul3A_1023 = vector.broadcast %squeeze3A_992 : f32 to vector<16xf32>
        %mul3A_1024 = arith.mulf %get3A_1022, %mul3A_1023 : vector<16xf32>
        %mul3A_1025 = arith.constant 64 : i32
        %mul3A_1026 = arith.muli %add3A_990, %mul3A_1025 : i32
        %add3A_1027 = arith.constant 16 : i32
        %add3A_1028 = arith.addi %mul3A_1026, %add3A_1027 : i32
        %swap3A_1029 = arith.index_cast %add3A_1028 : i32 to index
        %swap3A_1030 = tpu.vector_load %arg14[%swap3A_1029] {strides = array<i32>} : memref<8192xf32, #tpu.memory_space<vmem>>, vector<16xf32>,
        %swap3A_1031 = vector.shape_cast %swap3A_1030 : vector<16xf32> to vector<16xf32>
        %swap3A_1032 = vector.shape_cast %mul3A_1024 : vector<16xf32> to vector<16xf32>
        tpu.vector_store %arg14[%swap3A_1029], %swap3A_1032 {strides = array<i32>} : memref<8192xf32, #tpu.memory_space<vmem>>, vector<16xf32>,
        %add3A_1033 = vector.broadcast %squeeze3A_994 : i32 to vector<16xi32>
        %add3A_1034 = arith.addi %add3A_45, %add3A_1033 : vector<16xi32>
        %mul3A_1035 = arith.constant 64 : i32
        %mul3A_1036 = arith.muli %add3A_990, %mul3A_1035 : i32
        %add3A_1037 = arith.constant 16 : i32
        %add3A_1038 = arith.addi %mul3A_1036, %add3A_1037 : i32
        %swap3A_1039 = arith.index_cast %add3A_1038 : i32 to index
        %swap3A_1040 = tpu.vector_load %arg15[%swap3A_1039] {strides = array<i32>} : memref<8192xi32, #tpu.memory_space<vmem>>, vector<16xi32>,
        %swap3A_1041 = vector.shape_cast %swap3A_1040 : vector<16xi32> to vector<16xi32>
        %swap3A_1042 = vector.shape_cast %add3A_1034 : vector<16xi32> to vector<16xi32>
        tpu.vector_store %arg15[%swap3A_1039], %swap3A_1042 {strides = array<i32>} : memref<8192xi32, #tpu.memory_space<vmem>>, vector<16xi32>,
        %get3A_1043 = arith.index_cast %add3A_990 : i32 to index
        %get3A_1044 = arith.constant 32 : index
        %get3A_1045 = tpu.vector_load %arg13[%get3A_1043, %get3A_1044] {strides = array<i32>} : memref<128x128xf32, #tpu.memory_space<vmem>>, vector<1x16xf32>,
        %get3A_1046 = vector.shape_cast %get3A_1045 : vector<1x16xf32> to vector<16xf32>
        %mul3A_1047 = vector.broadcast %squeeze3A_992 : f32 to vector<16xf32>
        %mul3A_1048 = arith.mulf %get3A_1046, %mul3A_1047 : vector<16xf32>
        %mul3A_1049 = arith.constant 64 : i32
        %mul3A_1050 = arith.muli %add3A_990, %mul3A_1049 : i32
        %add3A_1051 = arith.constant 32 : i32
        %add3A_1052 = arith.addi %mul3A_1050, %add3A_1051 : i32
        %swap3A_1053 = arith.index_cast %add3A_1052 : i32 to index
        %swap3A_1054 = tpu.vector_load %arg14[%swap3A_1053] {strides = array<i32>} : memref<8192xf32, #tpu.memory_space<vmem>>, vector<16xf32>,
        %swap3A_1055 = vector.shape_cast %swap3A_1054 : vector<16xf32> to vector<16xf32>
        %swap3A_1056 = vector.shape_cast %mul3A_1048 : vector<16xf32> to vector<16xf32>
        tpu.vector_store %arg14[%swap3A_1053], %swap3A_1056 {strides = array<i32>} : memref<8192xf32, #tpu.memory_space<vmem>>, vector<16xf32>,
        %add3A_1057 = vector.broadcast %squeeze3A_994 : i32 to vector<16xi32>
        %add3A_1058 = arith.addi %add3A_49, %add3A_1057 : vector<16xi32>
        %mul3A_1059 = arith.constant 64 : i32
        %mul3A_1060 = arith.muli %add3A_990, %mul3A_1059 : i32
        %add3A_1061 = arith.constant 32 : i32
        %add3A_1062 = arith.addi %mul3A_1060, %add3A_1061 : i32
        %swap3A_1063 = arith.index_cast %add3A_1062 : i32 to index
        %swap3A_1064 = tpu.vector_load %arg15[%swap3A_1063] {strides = array<i32>} : memref<8192xi32, #tpu.memory_space<vmem>>, vector<16xi32>,
        %swap3A_1065 = vector.shape_cast %swap3A_1064 : vector<16xi32> to vector<16xi32>
        %swap3A_1066 = vector.shape_cast %add3A_1058 : vector<16xi32> to vector<16xi32>
        tpu.vector_store %arg15[%swap3A_1063], %swap3A_1066 {strides = array<i32>} : memref<8192xi32, #tpu.memory_space<vmem>>, vector<16xi32>,
        %get3A_1067 = arith.index_cast %add3A_990 : i32 to index
        %get3A_1068 = arith.constant 48 : index
        %get3A_1069 = tpu.vector_load %arg13[%get3A_1067, %get3A_1068] {strides = array<i32>} : memref<128x128xf32, #tpu.memory_space<vmem>>, vector<1x16xf32>,
        %get3A_1070 = vector.shape_cast %get3A_1069 : vector<1x16xf32> to vector<16xf32>
        %mul3A_1071 = vector.broadcast %squeeze3A_992 : f32 to vector<16xf32>
        %mul3A_1072 = arith.mulf %get3A_1070, %mul3A_1071 : vector<16xf32>
        %mul3A_1073 = arith.constant 64 : i32
        %mul3A_1074 = arith.muli %add3A_990, %mul3A_1073 : i32
        %add3A_1075 = arith.constant 48 : i32
        %add3A_1076 = arith.addi %mul3A_1074, %add3A_1075 : i32
        %swap3A_1077 = arith.index_cast %add3A_1076 : i32 to index
        %swap3A_1078 = tpu.vector_load %arg14[%swap3A_1077] {strides = array<i32>} : memref<8192xf32, #tpu.memory_space<vmem>>, vector<16xf32>,
        %swap3A_1079 = vector.shape_cast %swap3A_1078 : vector<16xf32> to vector<16xf32>
        %swap3A_1080 = vector.shape_cast %mul3A_1072 : vector<16xf32> to vector<16xf32>
        tpu.vector_store %arg14[%swap3A_1077], %swap3A_1080 {strides = array<i32>} : memref<8192xf32, #tpu.memory_space<vmem>>, vector<16xf32>,
        %add3A_1081 = vector.broadcast %squeeze3A_994 : i32 to vector<16xi32>
        %add3A_1082 = arith.addi %add3A_53, %add3A_1081 : vector<16xi32>
        %mul3A_1083 = arith.constant 64 : i32
        %mul3A_1084 = arith.muli %add3A_990, %mul3A_1083 : i32
        %add3A_1085 = arith.constant 48 : i32
        %add3A_1086 = arith.addi %mul3A_1084, %add3A_1085 : i32
        %swap3A_1087 = arith.index_cast %add3A_1086 : i32 to index
        %swap3A_1088 = tpu.vector_load %arg15[%swap3A_1087] {strides = array<i32>} : memref<8192xi32, #tpu.memory_space<vmem>>, vector<16xi32>,
        %swap3A_1089 = vector.shape_cast %swap3A_1088 : vector<16xi32> to vector<16xi32>
        %swap3A_1090 = vector.shape_cast %add3A_1082 : vector<16xi32> to vector<16xi32>
        tpu.vector_store %arg15[%swap3A_1087], %swap3A_1090 {strides = array<i32>} : memref<8192xi32, #tpu.memory_space<vmem>>, vector<16xi32>,
        %mul3A_1091 = arith.constant 16 : i32
        %mul3A_1092 = arith.muli %scan3A_147, %mul3A_1091 : i32
        %add3A_1093 = arith.constant 9 : i32
        %add3A_1094 = arith.addi %mul3A_1092, %add3A_1093 : i32
        %slice3A_1095 = vector.extract_strided_slice %get3A_152 {offsets = [9], sizes = [1], strides = [1]} : vector<16xf32> to vector<1xf32>
        %squeeze3A_1096 = vector.extract %slice3A_1095[0] : f32 from vector<1xf32>
        %slice3A_1097 = vector.extract_strided_slice %get3A_157 {offsets = [9], sizes = [1], strides = [1]} : vector<16xi32> to vector<1xi32>
        %squeeze3A_1098 = vector.extract %slice3A_1097[0] : i32 from vector<1xi32>
        %get3A_1099 = arith.index_cast %add3A_1094 : i32 to index
        %get3A_1100 = arith.constant 0 : index
        %get3A_1101 = tpu.vector_load %arg13[%get3A_1099, %get3A_1100] {strides = array<i32>} : memref<128x128xf32, #tpu.memory_space<vmem>>, vector<1x16xf32>,
        %get3A_1102 = vector.shape_cast %get3A_1101 : vector<1x16xf32> to vector<16xf32>
        %mul3A_1103 = vector.broadcast %squeeze3A_1096 : f32 to vector<16xf32>
        %mul3A_1104 = arith.mulf %get3A_1102, %mul3A_1103 : vector<16xf32>
        %mul3A_1105 = arith.constant 64 : i32
        %mul3A_1106 = arith.muli %add3A_1094, %mul3A_1105 : i32
        %add3A_1107 = arith.constant 0 : i32
        %add3A_1108 = arith.addi %mul3A_1106, %add3A_1107 : i32
        %swap3A_1109 = arith.index_cast %add3A_1108 : i32 to index
        %swap3A_1110 = tpu.vector_load %arg14[%swap3A_1109] {strides = array<i32>} : memref<8192xf32, #tpu.memory_space<vmem>>, vector<16xf32>,
        %swap3A_1111 = vector.shape_cast %swap3A_1110 : vector<16xf32> to vector<16xf32>
        %swap3A_1112 = vector.shape_cast %mul3A_1104 : vector<16xf32> to vector<16xf32>
        tpu.vector_store %arg14[%swap3A_1109], %swap3A_1112 {strides = array<i32>} : memref<8192xf32, #tpu.memory_space<vmem>>, vector<16xf32>,
        %add3A_1113 = vector.broadcast %squeeze3A_1098 : i32 to vector<16xi32>
        %add3A_1114 = arith.addi %add3A_41, %add3A_1113 : vector<16xi32>
        %mul3A_1115 = arith.constant 64 : i32
        %mul3A_1116 = arith.muli %add3A_1094, %mul3A_1115 : i32
        %add3A_1117 = arith.constant 0 : i32
        %add3A_1118 = arith.addi %mul3A_1116, %add3A_1117 : i32
        %swap3A_1119 = arith.index_cast %add3A_1118 : i32 to index
        %swap3A_1120 = tpu.vector_load %arg15[%swap3A_1119] {strides = array<i32>} : memref<8192xi32, #tpu.memory_space<vmem>>, vector<16xi32>,
        %swap3A_1121 = vector.shape_cast %swap3A_1120 : vector<16xi32> to vector<16xi32>
        %swap3A_1122 = vector.shape_cast %add3A_1114 : vector<16xi32> to vector<16xi32>
        tpu.vector_store %arg15[%swap3A_1119], %swap3A_1122 {strides = array<i32>} : memref<8192xi32, #tpu.memory_space<vmem>>, vector<16xi32>,
        %get3A_1123 = arith.index_cast %add3A_1094 : i32 to index
        %get3A_1124 = arith.constant 16 : index
        %get3A_1125 = tpu.vector_load %arg13[%get3A_1123, %get3A_1124] {strides = array<i32>} : memref<128x128xf32, #tpu.memory_space<vmem>>, vector<1x16xf32>,
        %get3A_1126 = vector.shape_cast %get3A_1125 : vector<1x16xf32> to vector<16xf32>
        %mul3A_1127 = vector.broadcast %squeeze3A_1096 : f32 to vector<16xf32>
        %mul3A_1128 = arith.mulf %get3A_1126, %mul3A_1127 : vector<16xf32>
        %mul3A_1129 = arith.constant 64 : i32
        %mul3A_1130 = arith.muli %add3A_1094, %mul3A_1129 : i32
        %add3A_1131 = arith.constant 16 : i32
        %add3A_1132 = arith.addi %mul3A_1130, %add3A_1131 : i32
        %swap3A_1133 = arith.index_cast %add3A_1132 : i32 to index
        %swap3A_1134 = tpu.vector_load %arg14[%swap3A_1133] {strides = array<i32>} : memref<8192xf32, #tpu.memory_space<vmem>>, vector<16xf32>,
        %swap3A_1135 = vector.shape_cast %swap3A_1134 : vector<16xf32> to vector<16xf32>
        %swap3A_1136 = vector.shape_cast %mul3A_1128 : vector<16xf32> to vector<16xf32>
        tpu.vector_store %arg14[%swap3A_1133], %swap3A_1136 {strides = array<i32>} : memref<8192xf32, #tpu.memory_space<vmem>>, vector<16xf32>,
        %add3A_1137 = vector.broadcast %squeeze3A_1098 : i32 to vector<16xi32>
        %add3A_1138 = arith.addi %add3A_45, %add3A_1137 : vector<16xi32>
        %mul3A_1139 = arith.constant 64 : i32
        %mul3A_1140 = arith.muli %add3A_1094, %mul3A_1139 : i32
        %add3A_1141 = arith.constant 16 : i32
        %add3A_1142 = arith.addi %mul3A_1140, %add3A_1141 : i32
        %swap3A_1143 = arith.index_cast %add3A_1142 : i32 to index
        %swap3A_1144 = tpu.vector_load %arg15[%swap3A_1143] {strides = array<i32>} : memref<8192xi32, #tpu.memory_space<vmem>>, vector<16xi32>,
        %swap3A_1145 = vector.shape_cast %swap3A_1144 : vector<16xi32> to vector<16xi32>
        %swap3A_1146 = vector.shape_cast %add3A_1138 : vector<16xi32> to vector<16xi32>
        tpu.vector_store %arg15[%swap3A_1143], %swap3A_1146 {strides = array<i32>} : memref<8192xi32, #tpu.memory_space<vmem>>, vector<16xi32>,
        %get3A_1147 = arith.index_cast %add3A_1094 : i32 to index
        %get3A_1148 = arith.constant 32 : index
        %get3A_1149 = tpu.vector_load %arg13[%get3A_1147, %get3A_1148] {strides = array<i32>} : memref<128x128xf32, #tpu.memory_space<vmem>>, vector<1x16xf32>,
        %get3A_1150 = vector.shape_cast %get3A_1149 : vector<1x16xf32> to vector<16xf32>
        %mul3A_1151 = vector.broadcast %squeeze3A_1096 : f32 to vector<16xf32>
        %mul3A_1152 = arith.mulf %get3A_1150, %mul3A_1151 : vector<16xf32>
        %mul3A_1153 = arith.constant 64 : i32
        %mul3A_1154 = arith.muli %add3A_1094, %mul3A_1153 : i32
        %add3A_1155 = arith.constant 32 : i32
        %add3A_1156 = arith.addi %mul3A_1154, %add3A_1155 : i32
        %swap3A_1157 = arith.index_cast %add3A_1156 : i32 to index
        %swap3A_1158 = tpu.vector_load %arg14[%swap3A_1157] {strides = array<i32>} : memref<8192xf32, #tpu.memory_space<vmem>>, vector<16xf32>,
        %swap3A_1159 = vector.shape_cast %swap3A_1158 : vector<16xf32> to vector<16xf32>
        %swap3A_1160 = vector.shape_cast %mul3A_1152 : vector<16xf32> to vector<16xf32>
        tpu.vector_store %arg14[%swap3A_1157], %swap3A_1160 {strides = array<i32>} : memref<8192xf32, #tpu.memory_space<vmem>>, vector<16xf32>,
        %add3A_1161 = vector.broadcast %squeeze3A_1098 : i32 to vector<16xi32>
        %add3A_1162 = arith.addi %add3A_49, %add3A_1161 : vector<16xi32>
        %mul3A_1163 = arith.constant 64 : i32
        %mul3A_1164 = arith.muli %add3A_1094, %mul3A_1163 : i32
        %add3A_1165 = arith.constant 32 : i32
        %add3A_1166 = arith.addi %mul3A_1164, %add3A_1165 : i32
        %swap3A_1167 = arith.index_cast %add3A_1166 : i32 to index
        %swap3A_1168 = tpu.vector_load %arg15[%swap3A_1167] {strides = array<i32>} : memref<8192xi32, #tpu.memory_space<vmem>>, vector<16xi32>,
        %swap3A_1169 = vector.shape_cast %swap3A_1168 : vector<16xi32> to vector<16xi32>
        %swap3A_1170 = vector.shape_cast %add3A_1162 : vector<16xi32> to vector<16xi32>
        tpu.vector_store %arg15[%swap3A_1167], %swap3A_1170 {strides = array<i32>} : memref<8192xi32, #tpu.memory_space<vmem>>, vector<16xi32>,
        %get3A_1171 = arith.index_cast %add3A_1094 : i32 to index
        %get3A_1172 = arith.constant 48 : index
        %get3A_1173 = tpu.vector_load %arg13[%get3A_1171, %get3A_1172] {strides = array<i32>} : memref<128x128xf32, #tpu.memory_space<vmem>>, vector<1x16xf32>,
        %get3A_1174 = vector.shape_cast %get3A_1173 : vector<1x16xf32> to vector<16xf32>
        %mul3A_1175 = vector.broadcast %squeeze3A_1096 : f32 to vector<16xf32>
        %mul3A_1176 = arith.mulf %get3A_1174, %mul3A_1175 : vector<16xf32>
        %mul3A_1177 = arith.constant 64 : i32
        %mul3A_1178 = arith.muli %add3A_1094, %mul3A_1177 : i32
        %add3A_1179 = arith.constant 48 : i32
        %add3A_1180 = arith.addi %mul3A_1178, %add3A_1179 : i32
        %swap3A_1181 = arith.index_cast %add3A_1180 : i32 to index
        %swap3A_1182 = tpu.vector_load %arg14[%swap3A_1181] {strides = array<i32>} : memref<8192xf32, #tpu.memory_space<vmem>>, vector<16xf32>,
        %swap3A_1183 = vector.shape_cast %swap3A_1182 : vector<16xf32> to vector<16xf32>
        %swap3A_1184 = vector.shape_cast %mul3A_1176 : vector<16xf32> to vector<16xf32>
        tpu.vector_store %arg14[%swap3A_1181], %swap3A_1184 {strides = array<i32>} : memref<8192xf32, #tpu.memory_space<vmem>>, vector<16xf32>,
        %add3A_1185 = vector.broadcast %squeeze3A_1098 : i32 to vector<16xi32>
        %add3A_1186 = arith.addi %add3A_53, %add3A_1185 : vector<16xi32>
        %mul3A_1187 = arith.constant 64 : i32
        %mul3A_1188 = arith.muli %add3A_1094, %mul3A_1187 : i32
        %add3A_1189 = arith.constant 48 : i32
        %add3A_1190 = arith.addi %mul3A_1188, %add3A_1189 : i32
        %swap3A_1191 = arith.index_cast %add3A_1190 : i32 to index
        %swap3A_1192 = tpu.vector_load %arg15[%swap3A_1191] {strides = array<i32>} : memref<8192xi32, #tpu.memory_space<vmem>>, vector<16xi32>,
        %swap3A_1193 = vector.shape_cast %swap3A_1192 : vector<16xi32> to vector<16xi32>
        %swap3A_1194 = vector.shape_cast %add3A_1186 : vector<16xi32> to vector<16xi32>
        tpu.vector_store %arg15[%swap3A_1191], %swap3A_1194 {strides = array<i32>} : memref<8192xi32, #tpu.memory_space<vmem>>, vector<16xi32>,
        %mul3A_1195 = arith.constant 16 : i32
        %mul3A_1196 = arith.muli %scan3A_147, %mul3A_1195 : i32
        %add3A_1197 = arith.constant 10 : i32
        %add3A_1198 = arith.addi %mul3A_1196, %add3A_1197 : i32
        %slice3A_1199 = vector.extract_strided_slice %get3A_152 {offsets = [10], sizes = [1], strides = [1]} : vector<16xf32> to vector<1xf32>
        %squeeze3A_1200 = vector.extract %slice3A_1199[0] : f32 from vector<1xf32>
        %slice3A_1201 = vector.extract_strided_slice %get3A_157 {offsets = [10], sizes = [1], strides = [1]} : vector<16xi32> to vector<1xi32>
        %squeeze3A_1202 = vector.extract %slice3A_1201[0] : i32 from vector<1xi32>
        %get3A_1203 = arith.index_cast %add3A_1198 : i32 to index
        %get3A_1204 = arith.constant 0 : index
        %get3A_1205 = tpu.vector_load %arg13[%get3A_1203, %get3A_1204] {strides = array<i32>} : memref<128x128xf32, #tpu.memory_space<vmem>>, vector<1x16xf32>,
        %get3A_1206 = vector.shape_cast %get3A_1205 : vector<1x16xf32> to vector<16xf32>
        %mul3A_1207 = vector.broadcast %squeeze3A_1200 : f32 to vector<16xf32>
        %mul3A_1208 = arith.mulf %get3A_1206, %mul3A_1207 : vector<16xf32>
        %mul3A_1209 = arith.constant 64 : i32
        %mul3A_1210 = arith.muli %add3A_1198, %mul3A_1209 : i32
        %add3A_1211 = arith.constant 0 : i32
        %add3A_1212 = arith.addi %mul3A_1210, %add3A_1211 : i32
        %swap3A_1213 = arith.index_cast %add3A_1212 : i32 to index
        %swap3A_1214 = tpu.vector_load %arg14[%swap3A_1213] {strides = array<i32>} : memref<8192xf32, #tpu.memory_space<vmem>>, vector<16xf32>,
        %swap3A_1215 = vector.shape_cast %swap3A_1214 : vector<16xf32> to vector<16xf32>
        %swap3A_1216 = vector.shape_cast %mul3A_1208 : vector<16xf32> to vector<16xf32>
        tpu.vector_store %arg14[%swap3A_1213], %swap3A_1216 {strides = array<i32>} : memref<8192xf32, #tpu.memory_space<vmem>>, vector<16xf32>,
        %add3A_1217 = vector.broadcast %squeeze3A_1202 : i32 to vector<16xi32>
        %add3A_1218 = arith.addi %add3A_41, %add3A_1217 : vector<16xi32>
        %mul3A_1219 = arith.constant 64 : i32
        %mul3A_1220 = arith.muli %add3A_1198, %mul3A_1219 : i32
        %add3A_1221 = arith.constant 0 : i32
        %add3A_1222 = arith.addi %mul3A_1220, %add3A_1221 : i32
        %swap3A_1223 = arith.index_cast %add3A_1222 : i32 to index
        %swap3A_1224 = tpu.vector_load %arg15[%swap3A_1223] {strides = array<i32>} : memref<8192xi32, #tpu.memory_space<vmem>>, vector<16xi32>,
        %swap3A_1225 = vector.shape_cast %swap3A_1224 : vector<16xi32> to vector<16xi32>
        %swap3A_1226 = vector.shape_cast %add3A_1218 : vector<16xi32> to vector<16xi32>
        tpu.vector_store %arg15[%swap3A_1223], %swap3A_1226 {strides = array<i32>} : memref<8192xi32, #tpu.memory_space<vmem>>, vector<16xi32>,
        %get3A_1227 = arith.index_cast %add3A_1198 : i32 to index
        %get3A_1228 = arith.constant 16 : index
        %get3A_1229 = tpu.vector_load %arg13[%get3A_1227, %get3A_1228] {strides = array<i32>} : memref<128x128xf32, #tpu.memory_space<vmem>>, vector<1x16xf32>,
        %get3A_1230 = vector.shape_cast %get3A_1229 : vector<1x16xf32> to vector<16xf32>
        %mul3A_1231 = vector.broadcast %squeeze3A_1200 : f32 to vector<16xf32>
        %mul3A_1232 = arith.mulf %get3A_1230, %mul3A_1231 : vector<16xf32>
        %mul3A_1233 = arith.constant 64 : i32
        %mul3A_1234 = arith.muli %add3A_1198, %mul3A_1233 : i32
        %add3A_1235 = arith.constant 16 : i32
        %add3A_1236 = arith.addi %mul3A_1234, %add3A_1235 : i32
        %swap3A_1237 = arith.index_cast %add3A_1236 : i32 to index
        %swap3A_1238 = tpu.vector_load %arg14[%swap3A_1237] {strides = array<i32>} : memref<8192xf32, #tpu.memory_space<vmem>>, vector<16xf32>,
        %swap3A_1239 = vector.shape_cast %swap3A_1238 : vector<16xf32> to vector<16xf32>
        %swap3A_1240 = vector.shape_cast %mul3A_1232 : vector<16xf32> to vector<16xf32>
        tpu.vector_store %arg14[%swap3A_1237], %swap3A_1240 {strides = array<i32>} : memref<8192xf32, #tpu.memory_space<vmem>>, vector<16xf32>,
        %add3A_1241 = vector.broadcast %squeeze3A_1202 : i32 to vector<16xi32>
        %add3A_1242 = arith.addi %add3A_45, %add3A_1241 : vector<16xi32>
        %mul3A_1243 = arith.constant 64 : i32
        %mul3A_1244 = arith.muli %add3A_1198, %mul3A_1243 : i32
        %add3A_1245 = arith.constant 16 : i32
        %add3A_1246 = arith.addi %mul3A_1244, %add3A_1245 : i32
        %swap3A_1247 = arith.index_cast %add3A_1246 : i32 to index
        %swap3A_1248 = tpu.vector_load %arg15[%swap3A_1247] {strides = array<i32>} : memref<8192xi32, #tpu.memory_space<vmem>>, vector<16xi32>,
        %swap3A_1249 = vector.shape_cast %swap3A_1248 : vector<16xi32> to vector<16xi32>
        %swap3A_1250 = vector.shape_cast %add3A_1242 : vector<16xi32> to vector<16xi32>
        tpu.vector_store %arg15[%swap3A_1247], %swap3A_1250 {strides = array<i32>} : memref<8192xi32, #tpu.memory_space<vmem>>, vector<16xi32>,
        %get3A_1251 = arith.index_cast %add3A_1198 : i32 to index
        %get3A_1252 = arith.constant 32 : index
        %get3A_1253 = tpu.vector_load %arg13[%get3A_1251, %get3A_1252] {strides = array<i32>} : memref<128x128xf32, #tpu.memory_space<vmem>>, vector<1x16xf32>,
        %get3A_1254 = vector.shape_cast %get3A_1253 : vector<1x16xf32> to vector<16xf32>
        %mul3A_1255 = vector.broadcast %squeeze3A_1200 : f32 to vector<16xf32>
        %mul3A_1256 = arith.mulf %get3A_1254, %mul3A_1255 : vector<16xf32>
        %mul3A_1257 = arith.constant 64 : i32
        %mul3A_1258 = arith.muli %add3A_1198, %mul3A_1257 : i32
        %add3A_1259 = arith.constant 32 : i32
        %add3A_1260 = arith.addi %mul3A_1258, %add3A_1259 : i32
        %swap3A_1261 = arith.index_cast %add3A_1260 : i32 to index
        %swap3A_1262 = tpu.vector_load %arg14[%swap3A_1261] {strides = array<i32>} : memref<8192xf32, #tpu.memory_space<vmem>>, vector<16xf32>,
        %swap3A_1263 = vector.shape_cast %swap3A_1262 : vector<16xf32> to vector<16xf32>
        %swap3A_1264 = vector.shape_cast %mul3A_1256 : vector<16xf32> to vector<16xf32>
        tpu.vector_store %arg14[%swap3A_1261], %swap3A_1264 {strides = array<i32>} : memref<8192xf32, #tpu.memory_space<vmem>>, vector<16xf32>,
        %add3A_1265 = vector.broadcast %squeeze3A_1202 : i32 to vector<16xi32>
        %add3A_1266 = arith.addi %add3A_49, %add3A_1265 : vector<16xi32>
        %mul3A_1267 = arith.constant 64 : i32
        %mul3A_1268 = arith.muli %add3A_1198, %mul3A_1267 : i32
        %add3A_1269 = arith.constant 32 : i32
        %add3A_1270 = arith.addi %mul3A_1268, %add3A_1269 : i32
        %swap3A_1271 = arith.index_cast %add3A_1270 : i32 to index
        %swap3A_1272 = tpu.vector_load %arg15[%swap3A_1271] {strides = array<i32>} : memref<8192xi32, #tpu.memory_space<vmem>>, vector<16xi32>,
        %swap3A_1273 = vector.shape_cast %swap3A_1272 : vector<16xi32> to vector<16xi32>
        %swap3A_1274 = vector.shape_cast %add3A_1266 : vector<16xi32> to vector<16xi32>
        tpu.vector_store %arg15[%swap3A_1271], %swap3A_1274 {strides = array<i32>} : memref<8192xi32, #tpu.memory_space<vmem>>, vector<16xi32>,
        %get3A_1275 = arith.index_cast %add3A_1198 : i32 to index
        %get3A_1276 = arith.constant 48 : index
        %get3A_1277 = tpu.vector_load %arg13[%get3A_1275, %get3A_1276] {strides = array<i32>} : memref<128x128xf32, #tpu.memory_space<vmem>>, vector<1x16xf32>,
        %get3A_1278 = vector.shape_cast %get3A_1277 : vector<1x16xf32> to vector<16xf32>
        %mul3A_1279 = vector.broadcast %squeeze3A_1200 : f32 to vector<16xf32>
        %mul3A_1280 = arith.mulf %get3A_1278, %mul3A_1279 : vector<16xf32>
        %mul3A_1281 = arith.constant 64 : i32
        %mul3A_1282 = arith.muli %add3A_1198, %mul3A_1281 : i32
        %add3A_1283 = arith.constant 48 : i32
        %add3A_1284 = arith.addi %mul3A_1282, %add3A_1283 : i32
        %swap3A_1285 = arith.index_cast %add3A_1284 : i32 to index
        %swap3A_1286 = tpu.vector_load %arg14[%swap3A_1285] {strides = array<i32>} : memref<8192xf32, #tpu.memory_space<vmem>>, vector<16xf32>,
        %swap3A_1287 = vector.shape_cast %swap3A_1286 : vector<16xf32> to vector<16xf32>
        %swap3A_1288 = vector.shape_cast %mul3A_1280 : vector<16xf32> to vector<16xf32>
        tpu.vector_store %arg14[%swap3A_1285], %swap3A_1288 {strides = array<i32>} : memref<8192xf32, #tpu.memory_space<vmem>>, vector<16xf32>,
        %add3A_1289 = vector.broadcast %squeeze3A_1202 : i32 to vector<16xi32>
        %add3A_1290 = arith.addi %add3A_53, %add3A_1289 : vector<16xi32>
        %mul3A_1291 = arith.constant 64 : i32
        %mul3A_1292 = arith.muli %add3A_1198, %mul3A_1291 : i32
        %add3A_1293 = arith.constant 48 : i32
        %add3A_1294 = arith.addi %mul3A_1292, %add3A_1293 : i32
        %swap3A_1295 = arith.index_cast %add3A_1294 : i32 to index
        %swap3A_1296 = tpu.vector_load %arg15[%swap3A_1295] {strides = array<i32>} : memref<8192xi32, #tpu.memory_space<vmem>>, vector<16xi32>,
        %swap3A_1297 = vector.shape_cast %swap3A_1296 : vector<16xi32> to vector<16xi32>
        %swap3A_1298 = vector.shape_cast %add3A_1290 : vector<16xi32> to vector<16xi32>
        tpu.vector_store %arg15[%swap3A_1295], %swap3A_1298 {strides = array<i32>} : memref<8192xi32, #tpu.memory_space<vmem>>, vector<16xi32>,
        %mul3A_1299 = arith.constant 16 : i32
        %mul3A_1300 = arith.muli %scan3A_147, %mul3A_1299 : i32
        %add3A_1301 = arith.constant 11 : i32
        %add3A_1302 = arith.addi %mul3A_1300, %add3A_1301 : i32
        %slice3A_1303 = vector.extract_strided_slice %get3A_152 {offsets = [11], sizes = [1], strides = [1]} : vector<16xf32> to vector<1xf32>
        %squeeze3A_1304 = vector.extract %slice3A_1303[0] : f32 from vector<1xf32>
        %slice3A_1305 = vector.extract_strided_slice %get3A_157 {offsets = [11], sizes = [1], strides = [1]} : vector<16xi32> to vector<1xi32>
        %squeeze3A_1306 = vector.extract %slice3A_1305[0] : i32 from vector<1xi32>
        %get3A_1307 = arith.index_cast %add3A_1302 : i32 to index
        %get3A_1308 = arith.constant 0 : index
        %get3A_1309 = tpu.vector_load %arg13[%get3A_1307, %get3A_1308] {strides = array<i32>} : memref<128x128xf32, #tpu.memory_space<vmem>>, vector<1x16xf32>,
        %get3A_1310 = vector.shape_cast %get3A_1309 : vector<1x16xf32> to vector<16xf32>
        %mul3A_1311 = vector.broadcast %squeeze3A_1304 : f32 to vector<16xf32>
        %mul3A_1312 = arith.mulf %get3A_1310, %mul3A_1311 : vector<16xf32>
        %mul3A_1313 = arith.constant 64 : i32
        %mul3A_1314 = arith.muli %add3A_1302, %mul3A_1313 : i32
        %add3A_1315 = arith.constant 0 : i32
        %add3A_1316 = arith.addi %mul3A_1314, %add3A_1315 : i32
        %swap3A_1317 = arith.index_cast %add3A_1316 : i32 to index
        %swap3A_1318 = tpu.vector_load %arg14[%swap3A_1317] {strides = array<i32>} : memref<8192xf32, #tpu.memory_space<vmem>>, vector<16xf32>,
        %swap3A_1319 = vector.shape_cast %swap3A_1318 : vector<16xf32> to vector<16xf32>
        %swap3A_1320 = vector.shape_cast %mul3A_1312 : vector<16xf32> to vector<16xf32>
        tpu.vector_store %arg14[%swap3A_1317], %swap3A_1320 {strides = array<i32>} : memref<8192xf32, #tpu.memory_space<vmem>>, vector<16xf32>,
        %add3A_1321 = vector.broadcast %squeeze3A_1306 : i32 to vector<16xi32>
        %add3A_1322 = arith.addi %add3A_41, %add3A_1321 : vector<16xi32>
        %mul3A_1323 = arith.constant 64 : i32
        %mul3A_1324 = arith.muli %add3A_1302, %mul3A_1323 : i32
        %add3A_1325 = arith.constant 0 : i32
        %add3A_1326 = arith.addi %mul3A_1324, %add3A_1325 : i32
        %swap3A_1327 = arith.index_cast %add3A_1326 : i32 to index
        %swap3A_1328 = tpu.vector_load %arg15[%swap3A_1327] {strides = array<i32>} : memref<8192xi32, #tpu.memory_space<vmem>>, vector<16xi32>,
        %swap3A_1329 = vector.shape_cast %swap3A_1328 : vector<16xi32> to vector<16xi32>
        %swap3A_1330 = vector.shape_cast %add3A_1322 : vector<16xi32> to vector<16xi32>
        tpu.vector_store %arg15[%swap3A_1327], %swap3A_1330 {strides = array<i32>} : memref<8192xi32, #tpu.memory_space<vmem>>, vector<16xi32>,
        %get3A_1331 = arith.index_cast %add3A_1302 : i32 to index
        %get3A_1332 = arith.constant 16 : index
        %get3A_1333 = tpu.vector_load %arg13[%get3A_1331, %get3A_1332] {strides = array<i32>} : memref<128x128xf32, #tpu.memory_space<vmem>>, vector<1x16xf32>,
        %get3A_1334 = vector.shape_cast %get3A_1333 : vector<1x16xf32> to vector<16xf32>
        %mul3A_1335 = vector.broadcast %squeeze3A_1304 : f32 to vector<16xf32>
        %mul3A_1336 = arith.mulf %get3A_1334, %mul3A_1335 : vector<16xf32>
        %mul3A_1337 = arith.constant 64 : i32
        %mul3A_1338 = arith.muli %add3A_1302, %mul3A_1337 : i32
        %add3A_1339 = arith.constant 16 : i32
        %add3A_1340 = arith.addi %mul3A_1338, %add3A_1339 : i32
        %swap3A_1341 = arith.index_cast %add3A_1340 : i32 to index
        %swap3A_1342 = tpu.vector_load %arg14[%swap3A_1341] {strides = array<i32>} : memref<8192xf32, #tpu.memory_space<vmem>>, vector<16xf32>,
        %swap3A_1343 = vector.shape_cast %swap3A_1342 : vector<16xf32> to vector<16xf32>
        %swap3A_1344 = vector.shape_cast %mul3A_1336 : vector<16xf32> to vector<16xf32>
        tpu.vector_store %arg14[%swap3A_1341], %swap3A_1344 {strides = array<i32>} : memref<8192xf32, #tpu.memory_space<vmem>>, vector<16xf32>,
        %add3A_1345 = vector.broadcast %squeeze3A_1306 : i32 to vector<16xi32>
        %add3A_1346 = arith.addi %add3A_45, %add3A_1345 : vector<16xi32>
        %mul3A_1347 = arith.constant 64 : i32
        %mul3A_1348 = arith.muli %add3A_1302, %mul3A_1347 : i32
        %add3A_1349 = arith.constant 16 : i32
        %add3A_1350 = arith.addi %mul3A_1348, %add3A_1349 : i32
        %swap3A_1351 = arith.index_cast %add3A_1350 : i32 to index
        %swap3A_1352 = tpu.vector_load %arg15[%swap3A_1351] {strides = array<i32>} : memref<8192xi32, #tpu.memory_space<vmem>>, vector<16xi32>,
        %swap3A_1353 = vector.shape_cast %swap3A_1352 : vector<16xi32> to vector<16xi32>
        %swap3A_1354 = vector.shape_cast %add3A_1346 : vector<16xi32> to vector<16xi32>
        tpu.vector_store %arg15[%swap3A_1351], %swap3A_1354 {strides = array<i32>} : memref<8192xi32, #tpu.memory_space<vmem>>, vector<16xi32>,
        %get3A_1355 = arith.index_cast %add3A_1302 : i32 to index
        %get3A_1356 = arith.constant 32 : index
        %get3A_1357 = tpu.vector_load %arg13[%get3A_1355, %get3A_1356] {strides = array<i32>} : memref<128x128xf32, #tpu.memory_space<vmem>>, vector<1x16xf32>,
        %get3A_1358 = vector.shape_cast %get3A_1357 : vector<1x16xf32> to vector<16xf32>
        %mul3A_1359 = vector.broadcast %squeeze3A_1304 : f32 to vector<16xf32>
        %mul3A_1360 = arith.mulf %get3A_1358, %mul3A_1359 : vector<16xf32>
        %mul3A_1361 = arith.constant 64 : i32
        %mul3A_1362 = arith.muli %add3A_1302, %mul3A_1361 : i32
        %add3A_1363 = arith.constant 32 : i32
        %add3A_1364 = arith.addi %mul3A_1362, %add3A_1363 : i32
        %swap3A_1365 = arith.index_cast %add3A_1364 : i32 to index
        %swap3A_1366 = tpu.vector_load %arg14[%swap3A_1365] {strides = array<i32>} : memref<8192xf32, #tpu.memory_space<vmem>>, vector<16xf32>,
        %swap3A_1367 = vector.shape_cast %swap3A_1366 : vector<16xf32> to vector<16xf32>
        %swap3A_1368 = vector.shape_cast %mul3A_1360 : vector<16xf32> to vector<16xf32>
        tpu.vector_store %arg14[%swap3A_1365], %swap3A_1368 {strides = array<i32>} : memref<8192xf32, #tpu.memory_space<vmem>>, vector<16xf32>,
        %add3A_1369 = vector.broadcast %squeeze3A_1306 : i32 to vector<16xi32>
        %add3A_1370 = arith.addi %add3A_49, %add3A_1369 : vector<16xi32>
        %mul3A_1371 = arith.constant 64 : i32
        %mul3A_1372 = arith.muli %add3A_1302, %mul3A_1371 : i32
        %add3A_1373 = arith.constant 32 : i32
        %add3A_1374 = arith.addi %mul3A_1372, %add3A_1373 : i32
        %swap3A_1375 = arith.index_cast %add3A_1374 : i32 to index
        %swap3A_1376 = tpu.vector_load %arg15[%swap3A_1375] {strides = array<i32>} : memref<8192xi32, #tpu.memory_space<vmem>>, vector<16xi32>,
        %swap3A_1377 = vector.shape_cast %swap3A_1376 : vector<16xi32> to vector<16xi32>
        %swap3A_1378 = vector.shape_cast %add3A_1370 : vector<16xi32> to vector<16xi32>
        tpu.vector_store %arg15[%swap3A_1375], %swap3A_1378 {strides = array<i32>} : memref<8192xi32, #tpu.memory_space<vmem>>, vector<16xi32>,
        %get3A_1379 = arith.index_cast %add3A_1302 : i32 to index
        %get3A_1380 = arith.constant 48 : index
        %get3A_1381 = tpu.vector_load %arg13[%get3A_1379, %get3A_1380] {strides = array<i32>} : memref<128x128xf32, #tpu.memory_space<vmem>>, vector<1x16xf32>,
        %get3A_1382 = vector.shape_cast %get3A_1381 : vector<1x16xf32> to vector<16xf32>
        %mul3A_1383 = vector.broadcast %squeeze3A_1304 : f32 to vector<16xf32>
        %mul3A_1384 = arith.mulf %get3A_1382, %mul3A_1383 : vector<16xf32>
        %mul3A_1385 = arith.constant 64 : i32
        %mul3A_1386 = arith.muli %add3A_1302, %mul3A_1385 : i32
        %add3A_1387 = arith.constant 48 : i32
        %add3A_1388 = arith.addi %mul3A_1386, %add3A_1387 : i32
        %swap3A_1389 = arith.index_cast %add3A_1388 : i32 to index
        %swap3A_1390 = tpu.vector_load %arg14[%swap3A_1389] {strides = array<i32>} : memref<8192xf32, #tpu.memory_space<vmem>>, vector<16xf32>,
        %swap3A_1391 = vector.shape_cast %swap3A_1390 : vector<16xf32> to vector<16xf32>
        %swap3A_1392 = vector.shape_cast %mul3A_1384 : vector<16xf32> to vector<16xf32>
        tpu.vector_store %arg14[%swap3A_1389], %swap3A_1392 {strides = array<i32>} : memref<8192xf32, #tpu.memory_space<vmem>>, vector<16xf32>,
        %add3A_1393 = vector.broadcast %squeeze3A_1306 : i32 to vector<16xi32>
        %add3A_1394 = arith.addi %add3A_53, %add3A_1393 : vector<16xi32>
        %mul3A_1395 = arith.constant 64 : i32
        %mul3A_1396 = arith.muli %add3A_1302, %mul3A_1395 : i32
        %add3A_1397 = arith.constant 48 : i32
        %add3A_1398 = arith.addi %mul3A_1396, %add3A_1397 : i32
        %swap3A_1399 = arith.index_cast %add3A_1398 : i32 to index
        %swap3A_1400 = tpu.vector_load %arg15[%swap3A_1399] {strides = array<i32>} : memref<8192xi32, #tpu.memory_space<vmem>>, vector<16xi32>,
        %swap3A_1401 = vector.shape_cast %swap3A_1400 : vector<16xi32> to vector<16xi32>
        %swap3A_1402 = vector.shape_cast %add3A_1394 : vector<16xi32> to vector<16xi32>
        tpu.vector_store %arg15[%swap3A_1399], %swap3A_1402 {strides = array<i32>} : memref<8192xi32, #tpu.memory_space<vmem>>, vector<16xi32>,
        %mul3A_1403 = arith.constant 16 : i32
        %mul3A_1404 = arith.muli %scan3A_147, %mul3A_1403 : i32
        %add3A_1405 = arith.constant 12 : i32
        %add3A_1406 = arith.addi %mul3A_1404, %add3A_1405 : i32
        %slice3A_1407 = vector.extract_strided_slice %get3A_152 {offsets = [12], sizes = [1], strides = [1]} : vector<16xf32> to vector<1xf32>
        %squeeze3A_1408 = vector.extract %slice3A_1407[0] : f32 from vector<1xf32>
        %slice3A_1409 = vector.extract_strided_slice %get3A_157 {offsets = [12], sizes = [1], strides = [1]} : vector<16xi32> to vector<1xi32>
        %squeeze3A_1410 = vector.extract %slice3A_1409[0] : i32 from vector<1xi32>
        %get3A_1411 = arith.index_cast %add3A_1406 : i32 to index
        %get3A_1412 = arith.constant 0 : index
        %get3A_1413 = tpu.vector_load %arg13[%get3A_1411, %get3A_1412] {strides = array<i32>} : memref<128x128xf32, #tpu.memory_space<vmem>>, vector<1x16xf32>,
        %get3A_1414 = vector.shape_cast %get3A_1413 : vector<1x16xf32> to vector<16xf32>
        %mul3A_1415 = vector.broadcast %squeeze3A_1408 : f32 to vector<16xf32>
        %mul3A_1416 = arith.mulf %get3A_1414, %mul3A_1415 : vector<16xf32>
        %mul3A_1417 = arith.constant 64 : i32
        %mul3A_1418 = arith.muli %add3A_1406, %mul3A_1417 : i32
        %add3A_1419 = arith.constant 0 : i32
        %add3A_1420 = arith.addi %mul3A_1418, %add3A_1419 : i32
        %swap3A_1421 = arith.index_cast %add3A_1420 : i32 to index
        %swap3A_1422 = tpu.vector_load %arg14[%swap3A_1421] {strides = array<i32>} : memref<8192xf32, #tpu.memory_space<vmem>>, vector<16xf32>,
        %swap3A_1423 = vector.shape_cast %swap3A_1422 : vector<16xf32> to vector<16xf32>
        %swap3A_1424 = vector.shape_cast %mul3A_1416 : vector<16xf32> to vector<16xf32>
        tpu.vector_store %arg14[%swap3A_1421], %swap3A_1424 {strides = array<i32>} : memref<8192xf32, #tpu.memory_space<vmem>>, vector<16xf32>,
        %add3A_1425 = vector.broadcast %squeeze3A_1410 : i32 to vector<16xi32>
        %add3A_1426 = arith.addi %add3A_41, %add3A_1425 : vector<16xi32>
        %mul3A_1427 = arith.constant 64 : i32
        %mul3A_1428 = arith.muli %add3A_1406, %mul3A_1427 : i32
        %add3A_1429 = arith.constant 0 : i32
        %add3A_1430 = arith.addi %mul3A_1428, %add3A_1429 : i32
        %swap3A_1431 = arith.index_cast %add3A_1430 : i32 to index
        %swap3A_1432 = tpu.vector_load %arg15[%swap3A_1431] {strides = array<i32>} : memref<8192xi32, #tpu.memory_space<vmem>>, vector<16xi32>,
        %swap3A_1433 = vector.shape_cast %swap3A_1432 : vector<16xi32> to vector<16xi32>
        %swap3A_1434 = vector.shape_cast %add3A_1426 : vector<16xi32> to vector<16xi32>
        tpu.vector_store %arg15[%swap3A_1431], %swap3A_1434 {strides = array<i32>} : memref<8192xi32, #tpu.memory_space<vmem>>, vector<16xi32>,
        %get3A_1435 = arith.index_cast %add3A_1406 : i32 to index
        %get3A_1436 = arith.constant 16 : index
        %get3A_1437 = tpu.vector_load %arg13[%get3A_1435, %get3A_1436] {strides = array<i32>} : memref<128x128xf32, #tpu.memory_space<vmem>>, vector<1x16xf32>,
        %get3A_1438 = vector.shape_cast %get3A_1437 : vector<1x16xf32> to vector<16xf32>
        %mul3A_1439 = vector.broadcast %squeeze3A_1408 : f32 to vector<16xf32>
        %mul3A_1440 = arith.mulf %get3A_1438, %mul3A_1439 : vector<16xf32>
        %mul3A_1441 = arith.constant 64 : i32
        %mul3A_1442 = arith.muli %add3A_1406, %mul3A_1441 : i32
        %add3A_1443 = arith.constant 16 : i32
        %add3A_1444 = arith.addi %mul3A_1442, %add3A_1443 : i32
        %swap3A_1445 = arith.index_cast %add3A_1444 : i32 to index
        %swap3A_1446 = tpu.vector_load %arg14[%swap3A_1445] {strides = array<i32>} : memref<8192xf32, #tpu.memory_space<vmem>>, vector<16xf32>,
        %swap3A_1447 = vector.shape_cast %swap3A_1446 : vector<16xf32> to vector<16xf32>
        %swap3A_1448 = vector.shape_cast %mul3A_1440 : vector<16xf32> to vector<16xf32>
        tpu.vector_store %arg14[%swap3A_1445], %swap3A_1448 {strides = array<i32>} : memref<8192xf32, #tpu.memory_space<vmem>>, vector<16xf32>,
        %add3A_1449 = vector.broadcast %squeeze3A_1410 : i32 to vector<16xi32>
        %add3A_1450 = arith.addi %add3A_45, %add3A_1449 : vector<16xi32>
        %mul3A_1451 = arith.constant 64 : i32
        %mul3A_1452 = arith.muli %add3A_1406, %mul3A_1451 : i32
        %add3A_1453 = arith.constant 16 : i32
        %add3A_1454 = arith.addi %mul3A_1452, %add3A_1453 : i32
        %swap3A_1455 = arith.index_cast %add3A_1454 : i32 to index
        %swap3A_1456 = tpu.vector_load %arg15[%swap3A_1455] {strides = array<i32>} : memref<8192xi32, #tpu.memory_space<vmem>>, vector<16xi32>,
        %swap3A_1457 = vector.shape_cast %swap3A_1456 : vector<16xi32> to vector<16xi32>
        %swap3A_1458 = vector.shape_cast %add3A_1450 : vector<16xi32> to vector<16xi32>
        tpu.vector_store %arg15[%swap3A_1455], %swap3A_1458 {strides = array<i32>} : memref<8192xi32, #tpu.memory_space<vmem>>, vector<16xi32>,
        %get3A_1459 = arith.index_cast %add3A_1406 : i32 to index
        %get3A_1460 = arith.constant 32 : index
        %get3A_1461 = tpu.vector_load %arg13[%get3A_1459, %get3A_1460] {strides = array<i32>} : memref<128x128xf32, #tpu.memory_space<vmem>>, vector<1x16xf32>,
        %get3A_1462 = vector.shape_cast %get3A_1461 : vector<1x16xf32> to vector<16xf32>
        %mul3A_1463 = vector.broadcast %squeeze3A_1408 : f32 to vector<16xf32>
        %mul3A_1464 = arith.mulf %get3A_1462, %mul3A_1463 : vector<16xf32>
        %mul3A_1465 = arith.constant 64 : i32
        %mul3A_1466 = arith.muli %add3A_1406, %mul3A_1465 : i32
        %add3A_1467 = arith.constant 32 : i32
        %add3A_1468 = arith.addi %mul3A_1466, %add3A_1467 : i32
        %swap3A_1469 = arith.index_cast %add3A_1468 : i32 to index
        %swap3A_1470 = tpu.vector_load %arg14[%swap3A_1469] {strides = array<i32>} : memref<8192xf32, #tpu.memory_space<vmem>>, vector<16xf32>,
        %swap3A_1471 = vector.shape_cast %swap3A_1470 : vector<16xf32> to vector<16xf32>
        %swap3A_1472 = vector.shape_cast %mul3A_1464 : vector<16xf32> to vector<16xf32>
        tpu.vector_store %arg14[%swap3A_1469], %swap3A_1472 {strides = array<i32>} : memref<8192xf32, #tpu.memory_space<vmem>>, vector<16xf32>,
        %add3A_1473 = vector.broadcast %squeeze3A_1410 : i32 to vector<16xi32>
        %add3A_1474 = arith.addi %add3A_49, %add3A_1473 : vector<16xi32>
        %mul3A_1475 = arith.constant 64 : i32
        %mul3A_1476 = arith.muli %add3A_1406, %mul3A_1475 : i32
        %add3A_1477 = arith.constant 32 : i32
        %add3A_1478 = arith.addi %mul3A_1476, %add3A_1477 : i32
        %swap3A_1479 = arith.index_cast %add3A_1478 : i32 to index
        %swap3A_1480 = tpu.vector_load %arg15[%swap3A_1479] {strides = array<i32>} : memref<8192xi32, #tpu.memory_space<vmem>>, vector<16xi32>,
        %swap3A_1481 = vector.shape_cast %swap3A_1480 : vector<16xi32> to vector<16xi32>
        %swap3A_1482 = vector.shape_cast %add3A_1474 : vector<16xi32> to vector<16xi32>
        tpu.vector_store %arg15[%swap3A_1479], %swap3A_1482 {strides = array<i32>} : memref<8192xi32, #tpu.memory_space<vmem>>, vector<16xi32>,
        %get3A_1483 = arith.index_cast %add3A_1406 : i32 to index
        %get3A_1484 = arith.constant 48 : index
        %get3A_1485 = tpu.vector_load %arg13[%get3A_1483, %get3A_1484] {strides = array<i32>} : memref<128x128xf32, #tpu.memory_space<vmem>>, vector<1x16xf32>,
        %get3A_1486 = vector.shape_cast %get3A_1485 : vector<1x16xf32> to vector<16xf32>
        %mul3A_1487 = vector.broadcast %squeeze3A_1408 : f32 to vector<16xf32>
        %mul3A_1488 = arith.mulf %get3A_1486, %mul3A_1487 : vector<16xf32>
        %mul3A_1489 = arith.constant 64 : i32
        %mul3A_1490 = arith.muli %add3A_1406, %mul3A_1489 : i32
        %add3A_1491 = arith.constant 48 : i32
        %add3A_1492 = arith.addi %mul3A_1490, %add3A_1491 : i32
        %swap3A_1493 = arith.index_cast %add3A_1492 : i32 to index
        %swap3A_1494 = tpu.vector_load %arg14[%swap3A_1493] {strides = array<i32>} : memref<8192xf32, #tpu.memory_space<vmem>>, vector<16xf32>,
        %swap3A_1495 = vector.shape_cast %swap3A_1494 : vector<16xf32> to vector<16xf32>
        %swap3A_1496 = vector.shape_cast %mul3A_1488 : vector<16xf32> to vector<16xf32>
        tpu.vector_store %arg14[%swap3A_1493], %swap3A_1496 {strides = array<i32>} : memref<8192xf32, #tpu.memory_space<vmem>>, vector<16xf32>,
        %add3A_1497 = vector.broadcast %squeeze3A_1410 : i32 to vector<16xi32>
        %add3A_1498 = arith.addi %add3A_53, %add3A_1497 : vector<16xi32>
        %mul3A_1499 = arith.constant 64 : i32
        %mul3A_1500 = arith.muli %add3A_1406, %mul3A_1499 : i32
        %add3A_1501 = arith.constant 48 : i32
        %add3A_1502 = arith.addi %mul3A_1500, %add3A_1501 : i32
        %swap3A_1503 = arith.index_cast %add3A_1502 : i32 to index
        %swap3A_1504 = tpu.vector_load %arg15[%swap3A_1503] {strides = array<i32>} : memref<8192xi32, #tpu.memory_space<vmem>>, vector<16xi32>,
        %swap3A_1505 = vector.shape_cast %swap3A_1504 : vector<16xi32> to vector<16xi32>
        %swap3A_1506 = vector.shape_cast %add3A_1498 : vector<16xi32> to vector<16xi32>
        tpu.vector_store %arg15[%swap3A_1503], %swap3A_1506 {strides = array<i32>} : memref<8192xi32, #tpu.memory_space<vmem>>, vector<16xi32>,
        %mul3A_1507 = arith.constant 16 : i32
        %mul3A_1508 = arith.muli %scan3A_147, %mul3A_1507 : i32
        %add3A_1509 = arith.constant 13 : i32
        %add3A_1510 = arith.addi %mul3A_1508, %add3A_1509 : i32
        %slice3A_1511 = vector.extract_strided_slice %get3A_152 {offsets = [13], sizes = [1], strides = [1]} : vector<16xf32> to vector<1xf32>
        %squeeze3A_1512 = vector.extract %slice3A_1511[0] : f32 from vector<1xf32>
        %slice3A_1513 = vector.extract_strided_slice %get3A_157 {offsets = [13], sizes = [1], strides = [1]} : vector<16xi32> to vector<1xi32>
        %squeeze3A_1514 = vector.extract %slice3A_1513[0] : i32 from vector<1xi32>
        %get3A_1515 = arith.index_cast %add3A_1510 : i32 to index
        %get3A_1516 = arith.constant 0 : index
        %get3A_1517 = tpu.vector_load %arg13[%get3A_1515, %get3A_1516] {strides = array<i32>} : memref<128x128xf32, #tpu.memory_space<vmem>>, vector<1x16xf32>,
        %get3A_1518 = vector.shape_cast %get3A_1517 : vector<1x16xf32> to vector<16xf32>
        %mul3A_1519 = vector.broadcast %squeeze3A_1512 : f32 to vector<16xf32>
        %mul3A_1520 = arith.mulf %get3A_1518, %mul3A_1519 : vector<16xf32>
        %mul3A_1521 = arith.constant 64 : i32
        %mul3A_1522 = arith.muli %add3A_1510, %mul3A_1521 : i32
        %add3A_1523 = arith.constant 0 : i32
        %add3A_1524 = arith.addi %mul3A_1522, %add3A_1523 : i32
        %swap3A_1525 = arith.index_cast %add3A_1524 : i32 to index
        %swap3A_1526 = tpu.vector_load %arg14[%swap3A_1525] {strides = array<i32>} : memref<8192xf32, #tpu.memory_space<vmem>>, vector<16xf32>,
        %swap3A_1527 = vector.shape_cast %swap3A_1526 : vector<16xf32> to vector<16xf32>
        %swap3A_1528 = vector.shape_cast %mul3A_1520 : vector<16xf32> to vector<16xf32>
        tpu.vector_store %arg14[%swap3A_1525], %swap3A_1528 {strides = array<i32>} : memref<8192xf32, #tpu.memory_space<vmem>>, vector<16xf32>,
        %add3A_1529 = vector.broadcast %squeeze3A_1514 : i32 to vector<16xi32>
        %add3A_1530 = arith.addi %add3A_41, %add3A_1529 : vector<16xi32>
        %mul3A_1531 = arith.constant 64 : i32
        %mul3A_1532 = arith.muli %add3A_1510, %mul3A_1531 : i32
        %add3A_1533 = arith.constant 0 : i32
        %add3A_1534 = arith.addi %mul3A_1532, %add3A_1533 : i32
        %swap3A_1535 = arith.index_cast %add3A_1534 : i32 to index
        %swap3A_1536 = tpu.vector_load %arg15[%swap3A_1535] {strides = array<i32>} : memref<8192xi32, #tpu.memory_space<vmem>>, vector<16xi32>,
        %swap3A_1537 = vector.shape_cast %swap3A_1536 : vector<16xi32> to vector<16xi32>
        %swap3A_1538 = vector.shape_cast %add3A_1530 : vector<16xi32> to vector<16xi32>
        tpu.vector_store %arg15[%swap3A_1535], %swap3A_1538 {strides = array<i32>} : memref<8192xi32, #tpu.memory_space<vmem>>, vector<16xi32>,
        %get3A_1539 = arith.index_cast %add3A_1510 : i32 to index
        %get3A_1540 = arith.constant 16 : index
        %get3A_1541 = tpu.vector_load %arg13[%get3A_1539, %get3A_1540] {strides = array<i32>} : memref<128x128xf32, #tpu.memory_space<vmem>>, vector<1x16xf32>,
        %get3A_1542 = vector.shape_cast %get3A_1541 : vector<1x16xf32> to vector<16xf32>
        %mul3A_1543 = vector.broadcast %squeeze3A_1512 : f32 to vector<16xf32>
        %mul3A_1544 = arith.mulf %get3A_1542, %mul3A_1543 : vector<16xf32>
        %mul3A_1545 = arith.constant 64 : i32
        %mul3A_1546 = arith.muli %add3A_1510, %mul3A_1545 : i32
        %add3A_1547 = arith.constant 16 : i32
        %add3A_1548 = arith.addi %mul3A_1546, %add3A_1547 : i32
        %swap3A_1549 = arith.index_cast %add3A_1548 : i32 to index
        %swap3A_1550 = tpu.vector_load %arg14[%swap3A_1549] {strides = array<i32>} : memref<8192xf32, #tpu.memory_space<vmem>>, vector<16xf32>,
        %swap3A_1551 = vector.shape_cast %swap3A_1550 : vector<16xf32> to vector<16xf32>
        %swap3A_1552 = vector.shape_cast %mul3A_1544 : vector<16xf32> to vector<16xf32>
        tpu.vector_store %arg14[%swap3A_1549], %swap3A_1552 {strides = array<i32>} : memref<8192xf32, #tpu.memory_space<vmem>>, vector<16xf32>,
        %add3A_1553 = vector.broadcast %squeeze3A_1514 : i32 to vector<16xi32>
        %add3A_1554 = arith.addi %add3A_45, %add3A_1553 : vector<16xi32>
        %mul3A_1555 = arith.constant 64 : i32
        %mul3A_1556 = arith.muli %add3A_1510, %mul3A_1555 : i32
        %add3A_1557 = arith.constant 16 : i32
        %add3A_1558 = arith.addi %mul3A_1556, %add3A_1557 : i32
        %swap3A_1559 = arith.index_cast %add3A_1558 : i32 to index
        %swap3A_1560 = tpu.vector_load %arg15[%swap3A_1559] {strides = array<i32>} : memref<8192xi32, #tpu.memory_space<vmem>>, vector<16xi32>,
        %swap3A_1561 = vector.shape_cast %swap3A_1560 : vector<16xi32> to vector<16xi32>
        %swap3A_1562 = vector.shape_cast %add3A_1554 : vector<16xi32> to vector<16xi32>
        tpu.vector_store %arg15[%swap3A_1559], %swap3A_1562 {strides = array<i32>} : memref<8192xi32, #tpu.memory_space<vmem>>, vector<16xi32>,
        %get3A_1563 = arith.index_cast %add3A_1510 : i32 to index
        %get3A_1564 = arith.constant 32 : index
        %get3A_1565 = tpu.vector_load %arg13[%get3A_1563, %get3A_1564] {strides = array<i32>} : memref<128x128xf32, #tpu.memory_space<vmem>>, vector<1x16xf32>,
        %get3A_1566 = vector.shape_cast %get3A_1565 : vector<1x16xf32> to vector<16xf32>
        %mul3A_1567 = vector.broadcast %squeeze3A_1512 : f32 to vector<16xf32>
        %mul3A_1568 = arith.mulf %get3A_1566, %mul3A_1567 : vector<16xf32>
        %mul3A_1569 = arith.constant 64 : i32
        %mul3A_1570 = arith.muli %add3A_1510, %mul3A_1569 : i32
        %add3A_1571 = arith.constant 32 : i32
        %add3A_1572 = arith.addi %mul3A_1570, %add3A_1571 : i32
        %swap3A_1573 = arith.index_cast %add3A_1572 : i32 to index
        %swap3A_1574 = tpu.vector_load %arg14[%swap3A_1573] {strides = array<i32>} : memref<8192xf32, #tpu.memory_space<vmem>>, vector<16xf32>,
        %swap3A_1575 = vector.shape_cast %swap3A_1574 : vector<16xf32> to vector<16xf32>
        %swap3A_1576 = vector.shape_cast %mul3A_1568 : vector<16xf32> to vector<16xf32>
        tpu.vector_store %arg14[%swap3A_1573], %swap3A_1576 {strides = array<i32>} : memref<8192xf32, #tpu.memory_space<vmem>>, vector<16xf32>,
        %add3A_1577 = vector.broadcast %squeeze3A_1514 : i32 to vector<16xi32>
        %add3A_1578 = arith.addi %add3A_49, %add3A_1577 : vector<16xi32>
        %mul3A_1579 = arith.constant 64 : i32
        %mul3A_1580 = arith.muli %add3A_1510, %mul3A_1579 : i32
        %add3A_1581 = arith.constant 32 : i32
        %add3A_1582 = arith.addi %mul3A_1580, %add3A_1581 : i32
        %swap3A_1583 = arith.index_cast %add3A_1582 : i32 to index
        %swap3A_1584 = tpu.vector_load %arg15[%swap3A_1583] {strides = array<i32>} : memref<8192xi32, #tpu.memory_space<vmem>>, vector<16xi32>,
        %swap3A_1585 = vector.shape_cast %swap3A_1584 : vector<16xi32> to vector<16xi32>
        %swap3A_1586 = vector.shape_cast %add3A_1578 : vector<16xi32> to vector<16xi32>
        tpu.vector_store %arg15[%swap3A_1583], %swap3A_1586 {strides = array<i32>} : memref<8192xi32, #tpu.memory_space<vmem>>, vector<16xi32>,
        %get3A_1587 = arith.index_cast %add3A_1510 : i32 to index
        %get3A_1588 = arith.constant 48 : index
        %get3A_1589 = tpu.vector_load %arg13[%get3A_1587, %get3A_1588] {strides = array<i32>} : memref<128x128xf32, #tpu.memory_space<vmem>>, vector<1x16xf32>,
        %get3A_1590 = vector.shape_cast %get3A_1589 : vector<1x16xf32> to vector<16xf32>
        %mul3A_1591 = vector.broadcast %squeeze3A_1512 : f32 to vector<16xf32>
        %mul3A_1592 = arith.mulf %get3A_1590, %mul3A_1591 : vector<16xf32>
        %mul3A_1593 = arith.constant 64 : i32
        %mul3A_1594 = arith.muli %add3A_1510, %mul3A_1593 : i32
        %add3A_1595 = arith.constant 48 : i32
        %add3A_1596 = arith.addi %mul3A_1594, %add3A_1595 : i32
        %swap3A_1597 = arith.index_cast %add3A_1596 : i32 to index
        %swap3A_1598 = tpu.vector_load %arg14[%swap3A_1597] {strides = array<i32>} : memref<8192xf32, #tpu.memory_space<vmem>>, vector<16xf32>,
        %swap3A_1599 = vector.shape_cast %swap3A_1598 : vector<16xf32> to vector<16xf32>
        %swap3A_1600 = vector.shape_cast %mul3A_1592 : vector<16xf32> to vector<16xf32>
        tpu.vector_store %arg14[%swap3A_1597], %swap3A_1600 {strides = array<i32>} : memref<8192xf32, #tpu.memory_space<vmem>>, vector<16xf32>,
        %add3A_1601 = vector.broadcast %squeeze3A_1514 : i32 to vector<16xi32>
        %add3A_1602 = arith.addi %add3A_53, %add3A_1601 : vector<16xi32>
        %mul3A_1603 = arith.constant 64 : i32
        %mul3A_1604 = arith.muli %add3A_1510, %mul3A_1603 : i32
        %add3A_1605 = arith.constant 48 : i32
        %add3A_1606 = arith.addi %mul3A_1604, %add3A_1605 : i32
        %swap3A_1607 = arith.index_cast %add3A_1606 : i32 to index
        %swap3A_1608 = tpu.vector_load %arg15[%swap3A_1607] {strides = array<i32>} : memref<8192xi32, #tpu.memory_space<vmem>>, vector<16xi32>,
        %swap3A_1609 = vector.shape_cast %swap3A_1608 : vector<16xi32> to vector<16xi32>
        %swap3A_1610 = vector.shape_cast %add3A_1602 : vector<16xi32> to vector<16xi32>
        tpu.vector_store %arg15[%swap3A_1607], %swap3A_1610 {strides = array<i32>} : memref<8192xi32, #tpu.memory_space<vmem>>, vector<16xi32>,
        %mul3A_1611 = arith.constant 16 : i32
        %mul3A_1612 = arith.muli %scan3A_147, %mul3A_1611 : i32
        %add3A_1613 = arith.constant 14 : i32
        %add3A_1614 = arith.addi %mul3A_1612, %add3A_1613 : i32
        %slice3A_1615 = vector.extract_strided_slice %get3A_152 {offsets = [14], sizes = [1], strides = [1]} : vector<16xf32> to vector<1xf32>
        %squeeze3A_1616 = vector.extract %slice3A_1615[0] : f32 from vector<1xf32>
        %slice3A_1617 = vector.extract_strided_slice %get3A_157 {offsets = [14], sizes = [1], strides = [1]} : vector<16xi32> to vector<1xi32>
        %squeeze3A_1618 = vector.extract %slice3A_1617[0] : i32 from vector<1xi32>
        %get3A_1619 = arith.index_cast %add3A_1614 : i32 to index
        %get3A_1620 = arith.constant 0 : index
        %get3A_1621 = tpu.vector_load %arg13[%get3A_1619, %get3A_1620] {strides = array<i32>} : memref<128x128xf32, #tpu.memory_space<vmem>>, vector<1x16xf32>,
        %get3A_1622 = vector.shape_cast %get3A_1621 : vector<1x16xf32> to vector<16xf32>
        %mul3A_1623 = vector.broadcast %squeeze3A_1616 : f32 to vector<16xf32>
        %mul3A_1624 = arith.mulf %get3A_1622, %mul3A_1623 : vector<16xf32>
        %mul3A_1625 = arith.constant 64 : i32
        %mul3A_1626 = arith.muli %add3A_1614, %mul3A_1625 : i32
        %add3A_1627 = arith.constant 0 : i32
        %add3A_1628 = arith.addi %mul3A_1626, %add3A_1627 : i32
        %swap3A_1629 = arith.index_cast %add3A_1628 : i32 to index
        %swap3A_1630 = tpu.vector_load %arg14[%swap3A_1629] {strides = array<i32>} : memref<8192xf32, #tpu.memory_space<vmem>>, vector<16xf32>,
        %swap3A_1631 = vector.shape_cast %swap3A_1630 : vector<16xf32> to vector<16xf32>
        %swap3A_1632 = vector.shape_cast %mul3A_1624 : vector<16xf32> to vector<16xf32>
        tpu.vector_store %arg14[%swap3A_1629], %swap3A_1632 {strides = array<i32>} : memref<8192xf32, #tpu.memory_space<vmem>>, vector<16xf32>,
        %add3A_1633 = vector.broadcast %squeeze3A_1618 : i32 to vector<16xi32>
        %add3A_1634 = arith.addi %add3A_41, %add3A_1633 : vector<16xi32>
        %mul3A_1635 = arith.constant 64 : i32
        %mul3A_1636 = arith.muli %add3A_1614, %mul3A_1635 : i32
        %add3A_1637 = arith.constant 0 : i32
        %add3A_1638 = arith.addi %mul3A_1636, %add3A_1637 : i32
        %swap3A_1639 = arith.index_cast %add3A_1638 : i32 to index
        %swap3A_1640 = tpu.vector_load %arg15[%swap3A_1639] {strides = array<i32>} : memref<8192xi32, #tpu.memory_space<vmem>>, vector<16xi32>,
        %swap3A_1641 = vector.shape_cast %swap3A_1640 : vector<16xi32> to vector<16xi32>
        %swap3A_1642 = vector.shape_cast %add3A_1634 : vector<16xi32> to vector<16xi32>
        tpu.vector_store %arg15[%swap3A_1639], %swap3A_1642 {strides = array<i32>} : memref<8192xi32, #tpu.memory_space<vmem>>, vector<16xi32>,
        %get3A_1643 = arith.index_cast %add3A_1614 : i32 to index
        %get3A_1644 = arith.constant 16 : index
        %get3A_1645 = tpu.vector_load %arg13[%get3A_1643, %get3A_1644] {strides = array<i32>} : memref<128x128xf32, #tpu.memory_space<vmem>>, vector<1x16xf32>,
        %get3A_1646 = vector.shape_cast %get3A_1645 : vector<1x16xf32> to vector<16xf32>
        %mul3A_1647 = vector.broadcast %squeeze3A_1616 : f32 to vector<16xf32>
        %mul3A_1648 = arith.mulf %get3A_1646, %mul3A_1647 : vector<16xf32>
        %mul3A_1649 = arith.constant 64 : i32
        %mul3A_1650 = arith.muli %add3A_1614, %mul3A_1649 : i32
        %add3A_1651 = arith.constant 16 : i32
        %add3A_1652 = arith.addi %mul3A_1650, %add3A_1651 : i32
        %swap3A_1653 = arith.index_cast %add3A_1652 : i32 to index
        %swap3A_1654 = tpu.vector_load %arg14[%swap3A_1653] {strides = array<i32>} : memref<8192xf32, #tpu.memory_space<vmem>>, vector<16xf32>,
        %swap3A_1655 = vector.shape_cast %swap3A_1654 : vector<16xf32> to vector<16xf32>
        %swap3A_1656 = vector.shape_cast %mul3A_1648 : vector<16xf32> to vector<16xf32>
        tpu.vector_store %arg14[%swap3A_1653], %swap3A_1656 {strides = array<i32>} : memref<8192xf32, #tpu.memory_space<vmem>>, vector<16xf32>,
        %add3A_1657 = vector.broadcast %squeeze3A_1618 : i32 to vector<16xi32>
        %add3A_1658 = arith.addi %add3A_45, %add3A_1657 : vector<16xi32>
        %mul3A_1659 = arith.constant 64 : i32
        %mul3A_1660 = arith.muli %add3A_1614, %mul3A_1659 : i32
        %add3A_1661 = arith.constant 16 : i32
        %add3A_1662 = arith.addi %mul3A_1660, %add3A_1661 : i32
        %swap3A_1663 = arith.index_cast %add3A_1662 : i32 to index
        %swap3A_1664 = tpu.vector_load %arg15[%swap3A_1663] {strides = array<i32>} : memref<8192xi32, #tpu.memory_space<vmem>>, vector<16xi32>,
        %swap3A_1665 = vector.shape_cast %swap3A_1664 : vector<16xi32> to vector<16xi32>
        %swap3A_1666 = vector.shape_cast %add3A_1658 : vector<16xi32> to vector<16xi32>
        tpu.vector_store %arg15[%swap3A_1663], %swap3A_1666 {strides = array<i32>} : memref<8192xi32, #tpu.memory_space<vmem>>, vector<16xi32>,
        %get3A_1667 = arith.index_cast %add3A_1614 : i32 to index
        %get3A_1668 = arith.constant 32 : index
        %get3A_1669 = tpu.vector_load %arg13[%get3A_1667, %get3A_1668] {strides = array<i32>} : memref<128x128xf32, #tpu.memory_space<vmem>>, vector<1x16xf32>,
        %get3A_1670 = vector.shape_cast %get3A_1669 : vector<1x16xf32> to vector<16xf32>
        %mul3A_1671 = vector.broadcast %squeeze3A_1616 : f32 to vector<16xf32>
        %mul3A_1672 = arith.mulf %get3A_1670, %mul3A_1671 : vector<16xf32>
        %mul3A_1673 = arith.constant 64 : i32
        %mul3A_1674 = arith.muli %add3A_1614, %mul3A_1673 : i32
        %add3A_1675 = arith.constant 32 : i32
        %add3A_1676 = arith.addi %mul3A_1674, %add3A_1675 : i32
        %swap3A_1677 = arith.index_cast %add3A_1676 : i32 to index
        %swap3A_1678 = tpu.vector_load %arg14[%swap3A_1677] {strides = array<i32>} : memref<8192xf32, #tpu.memory_space<vmem>>, vector<16xf32>,
        %swap3A_1679 = vector.shape_cast %swap3A_1678 : vector<16xf32> to vector<16xf32>
        %swap3A_1680 = vector.shape_cast %mul3A_1672 : vector<16xf32> to vector<16xf32>
        tpu.vector_store %arg14[%swap3A_1677], %swap3A_1680 {strides = array<i32>} : memref<8192xf32, #tpu.memory_space<vmem>>, vector<16xf32>,
        %add3A_1681 = vector.broadcast %squeeze3A_1618 : i32 to vector<16xi32>
        %add3A_1682 = arith.addi %add3A_49, %add3A_1681 : vector<16xi32>
        %mul3A_1683 = arith.constant 64 : i32
        %mul3A_1684 = arith.muli %add3A_1614, %mul3A_1683 : i32
        %add3A_1685 = arith.constant 32 : i32
        %add3A_1686 = arith.addi %mul3A_1684, %add3A_1685 : i32
        %swap3A_1687 = arith.index_cast %add3A_1686 : i32 to index
        %swap3A_1688 = tpu.vector_load %arg15[%swap3A_1687] {strides = array<i32>} : memref<8192xi32, #tpu.memory_space<vmem>>, vector<16xi32>,
        %swap3A_1689 = vector.shape_cast %swap3A_1688 : vector<16xi32> to vector<16xi32>
        %swap3A_1690 = vector.shape_cast %add3A_1682 : vector<16xi32> to vector<16xi32>
        tpu.vector_store %arg15[%swap3A_1687], %swap3A_1690 {strides = array<i32>} : memref<8192xi32, #tpu.memory_space<vmem>>, vector<16xi32>,
        %get3A_1691 = arith.index_cast %add3A_1614 : i32 to index
        %get3A_1692 = arith.constant 48 : index
        %get3A_1693 = tpu.vector_load %arg13[%get3A_1691, %get3A_1692] {strides = array<i32>} : memref<128x128xf32, #tpu.memory_space<vmem>>, vector<1x16xf32>,
        %get3A_1694 = vector.shape_cast %get3A_1693 : vector<1x16xf32> to vector<16xf32>
        %mul3A_1695 = vector.broadcast %squeeze3A_1616 : f32 to vector<16xf32>
        %mul3A_1696 = arith.mulf %get3A_1694, %mul3A_1695 : vector<16xf32>
        %mul3A_1697 = arith.constant 64 : i32
        %mul3A_1698 = arith.muli %add3A_1614, %mul3A_1697 : i32
        %add3A_1699 = arith.constant 48 : i32
        %add3A_1700 = arith.addi %mul3A_1698, %add3A_1699 : i32
        %swap3A_1701 = arith.index_cast %add3A_1700 : i32 to index
        %swap3A_1702 = tpu.vector_load %arg14[%swap3A_1701] {strides = array<i32>} : memref<8192xf32, #tpu.memory_space<vmem>>, vector<16xf32>,
        %swap3A_1703 = vector.shape_cast %swap3A_1702 : vector<16xf32> to vector<16xf32>
        %swap3A_1704 = vector.shape_cast %mul3A_1696 : vector<16xf32> to vector<16xf32>
        tpu.vector_store %arg14[%swap3A_1701], %swap3A_1704 {strides = array<i32>} : memref<8192xf32, #tpu.memory_space<vmem>>, vector<16xf32>,
        %add3A_1705 = vector.broadcast %squeeze3A_1618 : i32 to vector<16xi32>
        %add3A_1706 = arith.addi %add3A_53, %add3A_1705 : vector<16xi32>
        %mul3A_1707 = arith.constant 64 : i32
        %mul3A_1708 = arith.muli %add3A_1614, %mul3A_1707 : i32
        %add3A_1709 = arith.constant 48 : i32
        %add3A_1710 = arith.addi %mul3A_1708, %add3A_1709 : i32
        %swap3A_1711 = arith.index_cast %add3A_1710 : i32 to index
        %swap3A_1712 = tpu.vector_load %arg15[%swap3A_1711] {strides = array<i32>} : memref<8192xi32, #tpu.memory_space<vmem>>, vector<16xi32>,
        %swap3A_1713 = vector.shape_cast %swap3A_1712 : vector<16xi32> to vector<16xi32>
        %swap3A_1714 = vector.shape_cast %add3A_1706 : vector<16xi32> to vector<16xi32>
        tpu.vector_store %arg15[%swap3A_1711], %swap3A_1714 {strides = array<i32>} : memref<8192xi32, #tpu.memory_space<vmem>>, vector<16xi32>,
        %mul3A_1715 = arith.constant 16 : i32
        %mul3A_1716 = arith.muli %scan3A_147, %mul3A_1715 : i32
        %add3A_1717 = arith.constant 15 : i32
        %add3A_1718 = arith.addi %mul3A_1716, %add3A_1717 : i32
        %slice3A_1719 = vector.extract_strided_slice %get3A_152 {offsets = [15], sizes = [1], strides = [1]} : vector<16xf32> to vector<1xf32>
        %squeeze3A_1720 = vector.extract %slice3A_1719[0] : f32 from vector<1xf32>
        %slice3A_1721 = vector.extract_strided_slice %get3A_157 {offsets = [15], sizes = [1], strides = [1]} : vector<16xi32> to vector<1xi32>
        %squeeze3A_1722 = vector.extract %slice3A_1721[0] : i32 from vector<1xi32>
        %get3A_1723 = arith.index_cast %add3A_1718 : i32 to index
        %get3A_1724 = arith.constant 0 : index
        %get3A_1725 = tpu.vector_load %arg13[%get3A_1723, %get3A_1724] {strides = array<i32>} : memref<128x128xf32, #tpu.memory_space<vmem>>, vector<1x16xf32>,
        %get3A_1726 = vector.shape_cast %get3A_1725 : vector<1x16xf32> to vector<16xf32>
        %mul3A_1727 = vector.broadcast %squeeze3A_1720 : f32 to vector<16xf32>
        %mul3A_1728 = arith.mulf %get3A_1726, %mul3A_1727 : vector<16xf32>
        %mul3A_1729 = arith.constant 64 : i32
        %mul3A_1730 = arith.muli %add3A_1718, %mul3A_1729 : i32
        %add3A_1731 = arith.constant 0 : i32
        %add3A_1732 = arith.addi %mul3A_1730, %add3A_1731 : i32
        %swap3A_1733 = arith.index_cast %add3A_1732 : i32 to index
        %swap3A_1734 = tpu.vector_load %arg14[%swap3A_1733] {strides = array<i32>} : memref<8192xf32, #tpu.memory_space<vmem>>, vector<16xf32>,
        %swap3A_1735 = vector.shape_cast %swap3A_1734 : vector<16xf32> to vector<16xf32>
        %swap3A_1736 = vector.shape_cast %mul3A_1728 : vector<16xf32> to vector<16xf32>
        tpu.vector_store %arg14[%swap3A_1733], %swap3A_1736 {strides = array<i32>} : memref<8192xf32, #tpu.memory_space<vmem>>, vector<16xf32>,
        %add3A_1737 = vector.broadcast %squeeze3A_1722 : i32 to vector<16xi32>
        %add3A_1738 = arith.addi %add3A_41, %add3A_1737 : vector<16xi32>
        %mul3A_1739 = arith.constant 64 : i32
        %mul3A_1740 = arith.muli %add3A_1718, %mul3A_1739 : i32
        %add3A_1741 = arith.constant 0 : i32
        %add3A_1742 = arith.addi %mul3A_1740, %add3A_1741 : i32
        %swap3A_1743 = arith.index_cast %add3A_1742 : i32 to index
        %swap3A_1744 = tpu.vector_load %arg15[%swap3A_1743] {strides = array<i32>} : memref<8192xi32, #tpu.memory_space<vmem>>, vector<16xi32>,
        %swap3A_1745 = vector.shape_cast %swap3A_1744 : vector<16xi32> to vector<16xi32>
        %swap3A_1746 = vector.shape_cast %add3A_1738 : vector<16xi32> to vector<16xi32>
        tpu.vector_store %arg15[%swap3A_1743], %swap3A_1746 {strides = array<i32>} : memref<8192xi32, #tpu.memory_space<vmem>>, vector<16xi32>,
        %get3A_1747 = arith.index_cast %add3A_1718 : i32 to index
        %get3A_1748 = arith.constant 16 : index
        %get3A_1749 = tpu.vector_load %arg13[%get3A_1747, %get3A_1748] {strides = array<i32>} : memref<128x128xf32, #tpu.memory_space<vmem>>, vector<1x16xf32>,
        %get3A_1750 = vector.shape_cast %get3A_1749 : vector<1x16xf32> to vector<16xf32>
        %mul3A_1751 = vector.broadcast %squeeze3A_1720 : f32 to vector<16xf32>
        %mul3A_1752 = arith.mulf %get3A_1750, %mul3A_1751 : vector<16xf32>
        %mul3A_1753 = arith.constant 64 : i32
        %mul3A_1754 = arith.muli %add3A_1718, %mul3A_1753 : i32
        %add3A_1755 = arith.constant 16 : i32
        %add3A_1756 = arith.addi %mul3A_1754, %add3A_1755 : i32
        %swap3A_1757 = arith.index_cast %add3A_1756 : i32 to index
        %swap3A_1758 = tpu.vector_load %arg14[%swap3A_1757] {strides = array<i32>} : memref<8192xf32, #tpu.memory_space<vmem>>, vector<16xf32>,
        %swap3A_1759 = vector.shape_cast %swap3A_1758 : vector<16xf32> to vector<16xf32>
        %swap3A_1760 = vector.shape_cast %mul3A_1752 : vector<16xf32> to vector<16xf32>
        tpu.vector_store %arg14[%swap3A_1757], %swap3A_1760 {strides = array<i32>} : memref<8192xf32, #tpu.memory_space<vmem>>, vector<16xf32>,
        %add3A_1761 = vector.broadcast %squeeze3A_1722 : i32 to vector<16xi32>
        %add3A_1762 = arith.addi %add3A_45, %add3A_1761 : vector<16xi32>
        %mul3A_1763 = arith.constant 64 : i32
        %mul3A_1764 = arith.muli %add3A_1718, %mul3A_1763 : i32
        %add3A_1765 = arith.constant 16 : i32
        %add3A_1766 = arith.addi %mul3A_1764, %add3A_1765 : i32
        %swap3A_1767 = arith.index_cast %add3A_1766 : i32 to index
        %swap3A_1768 = tpu.vector_load %arg15[%swap3A_1767] {strides = array<i32>} : memref<8192xi32, #tpu.memory_space<vmem>>, vector<16xi32>,
        %swap3A_1769 = vector.shape_cast %swap3A_1768 : vector<16xi32> to vector<16xi32>
        %swap3A_1770 = vector.shape_cast %add3A_1762 : vector<16xi32> to vector<16xi32>
        tpu.vector_store %arg15[%swap3A_1767], %swap3A_1770 {strides = array<i32>} : memref<8192xi32, #tpu.memory_space<vmem>>, vector<16xi32>,
        %get3A_1771 = arith.index_cast %add3A_1718 : i32 to index
        %get3A_1772 = arith.constant 32 : index
        %get3A_1773 = tpu.vector_load %arg13[%get3A_1771, %get3A_1772] {strides = array<i32>} : memref<128x128xf32, #tpu.memory_space<vmem>>, vector<1x16xf32>,
        %get3A_1774 = vector.shape_cast %get3A_1773 : vector<1x16xf32> to vector<16xf32>
        %mul3A_1775 = vector.broadcast %squeeze3A_1720 : f32 to vector<16xf32>
        %mul3A_1776 = arith.mulf %get3A_1774, %mul3A_1775 : vector<16xf32>
        %mul3A_1777 = arith.constant 64 : i32
        %mul3A_1778 = arith.muli %add3A_1718, %mul3A_1777 : i32
        %add3A_1779 = arith.constant 32 : i32
        %add3A_1780 = arith.addi %mul3A_1778, %add3A_1779 : i32
        %swap3A_1781 = arith.index_cast %add3A_1780 : i32 to index
        %swap3A_1782 = tpu.vector_load %arg14[%swap3A_1781] {strides = array<i32>} : memref<8192xf32, #tpu.memory_space<vmem>>, vector<16xf32>,
        %swap3A_1783 = vector.shape_cast %swap3A_1782 : vector<16xf32> to vector<16xf32>
        %swap3A_1784 = vector.shape_cast %mul3A_1776 : vector<16xf32> to vector<16xf32>
        tpu.vector_store %arg14[%swap3A_1781], %swap3A_1784 {strides = array<i32>} : memref<8192xf32, #tpu.memory_space<vmem>>, vector<16xf32>,
        %add3A_1785 = vector.broadcast %squeeze3A_1722 : i32 to vector<16xi32>
        %add3A_1786 = arith.addi %add3A_49, %add3A_1785 : vector<16xi32>
        %mul3A_1787 = arith.constant 64 : i32
        %mul3A_1788 = arith.muli %add3A_1718, %mul3A_1787 : i32
        %add3A_1789 = arith.constant 32 : i32
        %add3A_1790 = arith.addi %mul3A_1788, %add3A_1789 : i32
        %swap3A_1791 = arith.index_cast %add3A_1790 : i32 to index
        %swap3A_1792 = tpu.vector_load %arg15[%swap3A_1791] {strides = array<i32>} : memref<8192xi32, #tpu.memory_space<vmem>>, vector<16xi32>,
        %swap3A_1793 = vector.shape_cast %swap3A_1792 : vector<16xi32> to vector<16xi32>
        %swap3A_1794 = vector.shape_cast %add3A_1786 : vector<16xi32> to vector<16xi32>
        tpu.vector_store %arg15[%swap3A_1791], %swap3A_1794 {strides = array<i32>} : memref<8192xi32, #tpu.memory_space<vmem>>, vector<16xi32>,
        %get3A_1795 = arith.index_cast %add3A_1718 : i32 to index
        %get3A_1796 = arith.constant 48 : index
        %get3A_1797 = tpu.vector_load %arg13[%get3A_1795, %get3A_1796] {strides = array<i32>} : memref<128x128xf32, #tpu.memory_space<vmem>>, vector<1x16xf32>,
        %get3A_1798 = vector.shape_cast %get3A_1797 : vector<1x16xf32> to vector<16xf32>
        %mul3A_1799 = vector.broadcast %squeeze3A_1720 : f32 to vector<16xf32>
        %mul3A_1800 = arith.mulf %get3A_1798, %mul3A_1799 : vector<16xf32>
        %mul3A_1801 = arith.constant 64 : i32
        %mul3A_1802 = arith.muli %add3A_1718, %mul3A_1801 : i32
        %add3A_1803 = arith.constant 48 : i32
        %add3A_1804 = arith.addi %mul3A_1802, %add3A_1803 : i32
        %swap3A_1805 = arith.index_cast %add3A_1804 : i32 to index
        %swap3A_1806 = tpu.vector_load %arg14[%swap3A_1805] {strides = array<i32>} : memref<8192xf32, #tpu.memory_space<vmem>>, vector<16xf32>,
        %swap3A_1807 = vector.shape_cast %swap3A_1806 : vector<16xf32> to vector<16xf32>
        %swap3A_1808 = vector.shape_cast %mul3A_1800 : vector<16xf32> to vector<16xf32>
        tpu.vector_store %arg14[%swap3A_1805], %swap3A_1808 {strides = array<i32>} : memref<8192xf32, #tpu.memory_space<vmem>>, vector<16xf32>,
        %add3A_1809 = vector.broadcast %squeeze3A_1722 : i32 to vector<16xi32>
        %add3A_1810 = arith.addi %add3A_53, %add3A_1809 : vector<16xi32>
        %mul3A_1811 = arith.constant 64 : i32
        %mul3A_1812 = arith.muli %add3A_1718, %mul3A_1811 : i32
        %add3A_1813 = arith.constant 48 : i32
        %add3A_1814 = arith.addi %mul3A_1812, %add3A_1813 : i32
        %swap3A_1815 = arith.index_cast %add3A_1814 : i32 to index
        %swap3A_1816 = tpu.vector_load %arg15[%swap3A_1815] {strides = array<i32>} : memref<8192xi32, #tpu.memory_space<vmem>>, vector<16xi32>,
        %swap3A_1817 = vector.shape_cast %swap3A_1816 : vector<16xi32> to vector<16xi32>
        %swap3A_1818 = vector.shape_cast %add3A_1810 : vector<16xi32> to vector<16xi32>
        tpu.vector_store %arg15[%swap3A_1815], %swap3A_1818 {strides = array<i32>} : memref<8192xi32, #tpu.memory_space<vmem>>, vector<16xi32>,
        %scan3A_1819 = arith.constant 0 : i32
        scf.yield %scan3A_1819 : i32
      }
      %scan3A_102 = arith.constant 8 : i32
      %dma_start3A_103 = arith.constant 0 : i32
      %dma_start3A_104 = tpu.memref_slice %arg7[%dma_start3A_103] : memref<262144xf32, #tpu.memory_space<vmem_shared>> -> memref<262144xf32, #tpu.memory_space<vmem_shared>>
      tpu.enqueue_indirect_dma source(%arg14 : memref<8192xf32, #tpu.memory_space<vmem>>) target(%dma_start3A_104 : memref<262144xf32, #tpu.memory_space<vmem_shared>>) offsets(%arg15 : memref<8192xi32, #tpu.memory_space<vmem>>) semaphore(%arg21 : memref<!tpu.dma_semaphore, #tpu.memory_space<semaphore_mem>>) {add = true}
      %mul3A_105 = arith.constant 2 : i32
      %mul3A_106 = arith.muli %mul3A_105, %scan3A_71 : i32
      %add3A_107 = arith.constant 1 : i32
      %add3A_108 = arith.addi %mul3A_106, %add3A_107 : i32
      %mul3A_109 = arith.constant 4096 : i32
      %mul3A_110 = arith.muli %add3A, %mul3A_109 : i32
      %mul3A_111 = arith.constant 128 : i32
      %mul3A_112 = arith.muli %add3A_108, %mul3A_111 : i32
      %add3A_113 = arith.addi %mul3A_110, %mul3A_112 : i32
      %run_scoped3A_114 = arith.constant 0 : i32
      "tpu.region"() ({
        %run_scoped3A_147 = tpu.sem_alloc : memref<!tpu.dma_semaphore, #tpu.memory_space<semaphore_mem>>
        %dma_start3A_148 = tpu.memref_slice %arg3[%run_scoped3A_114, %add3A_113] : memref<2x131072xi32, #tpu.memory_space<hbm>> -> memref<1x128xi32, #tpu.memory_space<hbm>>
        %dma_start3A_149 = tpu.memref_squeeze %dma_start3A_148 : memref<1x128xi32, #tpu.memory_space<hbm>> -> memref<128xi32, #tpu.memory_space<hbm>>
        %dma_start3A_150 = tpu.memref_slice %arg3[%run_scoped3A_114, %add3A_113] : memref<2x131072xi32, #tpu.memory_space<hbm>> -> memref<1x128xi32, #tpu.memory_space<hbm>>
        %dma_start3A_151 = tpu.memref_squeeze %dma_start3A_150 : memref<1x128xi32, #tpu.memory_space<hbm>> -> memref<128xi32, #tpu.memory_space<hbm>>
        tpu.enqueue_dma source(%dma_start3A_151 : memref<128xi32, #tpu.memory_space<hbm>>) target(%arg8 : memref<128xi32, #tpu.memory_space<vmem>>) target_semaphore(%run_scoped3A_147 : memref<!tpu.dma_semaphore, #tpu.memory_space<semaphore_mem>>)
        %dma_wait3A_152 = tpu.memref_slice %arg3[%run_scoped3A_114, %add3A_113] : memref<2x131072xi32, #tpu.memory_space<hbm>> -> memref<1x128xi32, #tpu.memory_space<hbm>>
        %dma_wait3A_153 = tpu.memref_squeeze %dma_wait3A_152 : memref<1x128xi32, #tpu.memory_space<hbm>> -> memref<128xi32, #tpu.memory_space<hbm>>
        %dma_wait3A_154 = tpu.memref_slice %arg3[%run_scoped3A_114, %add3A_113] : memref<2x131072xi32, #tpu.memory_space<hbm>> -> memref<1x128xi32, #tpu.memory_space<hbm>>
        %dma_wait3A_155 = tpu.memref_squeeze %dma_wait3A_154 : memref<1x128xi32, #tpu.memory_space<hbm>> -> memref<128xi32, #tpu.memory_space<hbm>>
        tpu.wait_dma2 semaphore(%run_scoped3A_147 : memref<!tpu.dma_semaphore, #tpu.memory_space<semaphore_mem>>) src(%dma_wait3A_155 : memref<128xi32, #tpu.memory_space<hbm>>) dst(%arg8 : memref<128xi32, #tpu.memory_space<vmem>>)
        tpu.yield
      }) : () -> ()
      %run_scoped3A_115 = arith.constant 1 : i32
      "tpu.region"() ({
        %run_scoped3A_147 = tpu.sem_alloc : memref<!tpu.dma_semaphore, #tpu.memory_space<semaphore_mem>>
        %dma_start3A_148 = tpu.memref_slice %arg3[%run_scoped3A_115, %add3A_113] : memref<2x131072xi32, #tpu.memory_space<hbm>> -> memref<1x128xi32, #tpu.memory_space<hbm>>
        %dma_start3A_149 = tpu.memref_squeeze %dma_start3A_148 : memref<1x128xi32, #tpu.memory_space<hbm>> -> memref<128xi32, #tpu.memory_space<hbm>>
        %dma_start3A_150 = tpu.memref_slice %arg3[%run_scoped3A_115, %add3A_113] : memref<2x131072xi32, #tpu.memory_space<hbm>> -> memref<1x128xi32, #tpu.memory_space<hbm>>
        %dma_start3A_151 = tpu.memref_squeeze %dma_start3A_150 : memref<1x128xi32, #tpu.memory_space<hbm>> -> memref<128xi32, #tpu.memory_space<hbm>>
        tpu.enqueue_dma source(%dma_start3A_151 : memref<128xi32, #tpu.memory_space<hbm>>) target(%arg9 : memref<128xi32, #tpu.memory_space<vmem>>) target_semaphore(%run_scoped3A_147 : memref<!tpu.dma_semaphore, #tpu.memory_space<semaphore_mem>>)
        %dma_wait3A_152 = tpu.memref_slice %arg3[%run_scoped3A_115, %add3A_113] : memref<2x131072xi32, #tpu.memory_space<hbm>> -> memref<1x128xi32, #tpu.memory_space<hbm>>
        %dma_wait3A_153 = tpu.memref_squeeze %dma_wait3A_152 : memref<1x128xi32, #tpu.memory_space<hbm>> -> memref<128xi32, #tpu.memory_space<hbm>>
        %dma_wait3A_154 = tpu.memref_slice %arg3[%run_scoped3A_115, %add3A_113] : memref<2x131072xi32, #tpu.memory_space<hbm>> -> memref<1x128xi32, #tpu.memory_space<hbm>>
        %dma_wait3A_155 = tpu.memref_squeeze %dma_wait3A_154 : memref<1x128xi32, #tpu.memory_space<hbm>> -> memref<128xi32, #tpu.memory_space<hbm>>
        tpu.wait_dma2 semaphore(%run_scoped3A_147 : memref<!tpu.dma_semaphore, #tpu.memory_space<semaphore_mem>>) src(%dma_wait3A_155 : memref<128xi32, #tpu.memory_space<hbm>>) dst(%arg9 : memref<128xi32, #tpu.memory_space<vmem>>)
        tpu.yield
      }) : () -> ()
      "tpu.region"() ({
        %run_scoped3A_147 = tpu.sem_alloc : memref<!tpu.dma_semaphore, #tpu.memory_space<semaphore_mem>>
        %dma_start3A_148 = tpu.memref_slice %arg4[%add3A_113] : memref<131072xi32, #tpu.memory_space<hbm>> -> memref<128xi32, #tpu.memory_space<hbm>>
        %dma_start3A_149 = tpu.memref_slice %arg4[%add3A_113] : memref<131072xi32, #tpu.memory_space<hbm>> -> memref<128xi32, #tpu.memory_space<hbm>>
        tpu.enqueue_dma source(%dma_start3A_149 : memref<128xi32, #tpu.memory_space<hbm>>) target(%arg10 : memref<128xi32, #tpu.memory_space<vmem>>) target_semaphore(%run_scoped3A_147 : memref<!tpu.dma_semaphore, #tpu.memory_space<semaphore_mem>>)
        %dma_wait3A_150 = tpu.memref_slice %arg4[%add3A_113] : memref<131072xi32, #tpu.memory_space<hbm>> -> memref<128xi32, #tpu.memory_space<hbm>>
        %dma_wait3A_151 = tpu.memref_slice %arg4[%add3A_113] : memref<131072xi32, #tpu.memory_space<hbm>> -> memref<128xi32, #tpu.memory_space<hbm>>
        tpu.wait_dma2 semaphore(%run_scoped3A_147 : memref<!tpu.dma_semaphore, #tpu.memory_space<semaphore_mem>>) src(%dma_wait3A_151 : memref<128xi32, #tpu.memory_space<hbm>>) dst(%arg10 : memref<128xi32, #tpu.memory_space<vmem>>)
        tpu.yield
      }) : () -> ()
      %scan3A_116 = arith.constant 0 : i32
      %scan3A_117 = arith.constant 0 : i32
      %scan3A_118 = arith.constant 8 : i32
      %scan3A_119 = arith.addi %scan3A_117, %scan3A_118 : i32
      %scan3A_120 = arith.constant 1 : i32
      %scan3A_121 = scf.for %scan3A_147 = %scan3A_117 to %scan3A_119 step %scan3A_120 iter_args(%scan3A_148 = %scan3A_116) -> (i32)  : i32 {
        %mul3A_149 = arith.constant 16 : i32
        %mul3A_150 = arith.muli %scan3A_147, %mul3A_149 : i32
        %get3A = arith.index_cast %mul3A_150 : i32 to index
        %get3A_151 = tpu.vector_load %arg8[%get3A] {strides = array<i32>} : memref<128xi32, #tpu.memory_space<vmem>>, vector<16xi32>,
        %get3A_152 = vector.shape_cast %get3A_151 : vector<16xi32> to vector<16xi32>
        %mul3A_153 = arith.constant 16 : i32
        %mul3A_154 = arith.muli %scan3A_147, %mul3A_153 : i32
        %get3A_155 = arith.index_cast %mul3A_154 : i32 to index
        %get3A_156 = tpu.vector_load %arg9[%get3A_155] {strides = array<i32>} : memref<128xi32, #tpu.memory_space<vmem>>, vector<16xi32>,
        %get3A_157 = vector.shape_cast %get3A_156 : vector<16xi32> to vector<16xi32>
        %mul3A_158 = arith.constant 16 : i32
        %mul3A_159 = arith.muli %scan3A_147, %mul3A_158 : i32
        %get3A_160 = arith.index_cast %mul3A_159 : i32 to index
        %get3A_161 = tpu.vector_load %arg10[%get3A_160] {strides = array<i32>} : memref<128xi32, #tpu.memory_space<vmem>>, vector<16xi32>,
        %get3A_162 = vector.shape_cast %get3A_161 : vector<16xi32> to vector<16xi32>
        %mul3A_163 = arith.constant 4096 : i32
        %mul3A_164 = vector.broadcast %mul3A_163 : i32 to vector<16xi32>
        %mul3A_165 = arith.muli %get3A_162, %mul3A_164 : vector<16xi32>
        %add3A_166 = arith.addi %mul3A_165, %get3A_152 : vector<16xi32>
        %mul3A_167 = arith.constant 16 : i32
        %mul3A_168 = arith.muli %scan3A_147, %mul3A_167 : i32
        %swap3A = arith.index_cast %mul3A_168 : i32 to index
        %swap3A_169 = tpu.vector_load %arg11[%swap3A] {strides = array<i32>} : memref<128xi32, #tpu.memory_space<vmem>>, vector<16xi32>,
        %swap3A_170 = vector.shape_cast %swap3A_169 : vector<16xi32> to vector<16xi32>
        %swap3A_171 = vector.shape_cast %add3A_166 : vector<16xi32> to vector<16xi32>
        tpu.vector_store %arg11[%swap3A], %swap3A_171 {strides = array<i32>} : memref<128xi32, #tpu.memory_space<vmem>>, vector<16xi32>,
        %mul3A_172 = arith.constant 4096 : i32
        %mul3A_173 = vector.broadcast %mul3A_172 : i32 to vector<16xi32>
        %mul3A_174 = arith.muli %get3A_162, %mul3A_173 : vector<16xi32>
        %add3A_175 = arith.addi %mul3A_174, %get3A_157 : vector<16xi32>
        %mul3A_176 = arith.constant 64 : i32
        %mul3A_177 = vector.broadcast %mul3A_176 : i32 to vector<16xi32>
        %mul3A_178 = arith.muli %get3A_157, %mul3A_177 : vector<16xi32>
        %mul3A_179 = arith.constant 16 : i32
        %mul3A_180 = arith.muli %scan3A_147, %mul3A_179 : i32
        %swap3A_181 = arith.index_cast %mul3A_180 : i32 to index
        %swap3A_182 = tpu.vector_load %arg9[%swap3A_181] {strides = array<i32>} : memref<128xi32, #tpu.memory_space<vmem>>, vector<16xi32>,
        %swap3A_183 = vector.shape_cast %swap3A_182 : vector<16xi32> to vector<16xi32>
        %swap3A_184 = vector.shape_cast %mul3A_178 : vector<16xi32> to vector<16xi32>
        tpu.vector_store %arg9[%swap3A_181], %swap3A_184 {strides = array<i32>} : memref<128xi32, #tpu.memory_space<vmem>>, vector<16xi32>,
        %mul3A_185 = arith.constant 16 : i32
        %mul3A_186 = arith.muli %scan3A_147, %mul3A_185 : i32
        %swap3A_187 = arith.index_cast %mul3A_186 : i32 to index
        %swap3A_188 = tpu.vector_load %arg10[%swap3A_187] {strides = array<i32>} : memref<128xi32, #tpu.memory_space<vmem>>, vector<16xi32>,
        %swap3A_189 = vector.shape_cast %swap3A_188 : vector<16xi32> to vector<16xi32>
        %swap3A_190 = vector.shape_cast %add3A_175 : vector<16xi32> to vector<16xi32>
        tpu.vector_store %arg10[%swap3A_187], %swap3A_190 {strides = array<i32>} : memref<128xi32, #tpu.memory_space<vmem>>, vector<16xi32>,
        %scan3A_191 = arith.constant 0 : i32
        scf.yield %scan3A_191 : i32
      }
      %scan3A_122 = arith.constant 8 : i32
      %dma_start3A_123 = arith.constant 0 : i32
      %dma_start3A_124 = arith.constant 0 : i32
      %dma_start3A_125 = tpu.memref_slice %arg2[%dma_start3A_123, %dma_start3A_124] : memref<24576x128xf32, #tpu.memory_space<hbm>> -> memref<24576x128xf32, #tpu.memory_space<hbm>>
      tpu.enqueue_indirect_dma source(%dma_start3A_125 : memref<24576x128xf32, #tpu.memory_space<hbm>>) target(%arg13 : memref<128x128xf32, #tpu.memory_space<vmem>>) offsets(%arg11 : memref<128xi32, #tpu.memory_space<vmem>>) semaphore(%arg19 : memref<!tpu.dma_semaphore, #tpu.memory_space<semaphore_mem>>)
      %dma_start3A_126 = arith.constant 0 : i32
      %dma_start3A_127 = tpu.memref_slice %arg5[%dma_start3A_126] : memref<20480xf32, #tpu.memory_space<hbm>> -> memref<20480xf32, #tpu.memory_space<hbm>>
      tpu.enqueue_indirect_dma source(%dma_start3A_127 : memref<20480xf32, #tpu.memory_space<hbm>>) target(%arg12 : memref<128xf32, #tpu.memory_space<vmem>>) offsets(%arg10 : memref<128xi32, #tpu.memory_space<vmem>>) semaphore(%arg20 : memref<!tpu.dma_semaphore, #tpu.memory_space<semaphore_mem>>)
      %dma_wait3A_128 = arith.constant 0 : i32
      %dma_wait3A_129 = arith.constant 0 : i32
      %dma_wait3A_130 = tpu.memref_slice %arg2[%dma_wait3A_128, %dma_wait3A_129] : memref<24576x128xf32, #tpu.memory_space<hbm>> -> memref<24576x128xf32, #tpu.memory_space<hbm>>
      tpu.wait_indirect_dma semaphore(%arg19 : memref<!tpu.dma_semaphore, #tpu.memory_space<semaphore_mem>>) src(%dma_wait3A_130 : memref<24576x128xf32, #tpu.memory_space<hbm>>) dst(%arg13 : memref<128x128xf32, #tpu.memory_space<vmem>>)
      %dma_wait3A_131 = arith.constant 0 : i32
      %dma_wait3A_132 = tpu.memref_slice %arg5[%dma_wait3A_131] : memref<20480xf32, #tpu.memory_space<hbm>> -> memref<20480xf32, #tpu.memory_space<hbm>>
      tpu.wait_indirect_dma semaphore(%arg20 : memref<!tpu.dma_semaphore, #tpu.memory_space<semaphore_mem>>) src(%dma_wait3A_132 : memref<20480xf32, #tpu.memory_space<hbm>>) dst(%arg12 : memref<128xf32, #tpu.memory_space<vmem>>)
      %scan3A_133 = arith.constant 0 : i32
      %scan3A_134 = arith.constant 0 : i32
      %scan3A_135 = arith.constant 8 : i32
      %scan3A_136 = arith.addi %scan3A_134, %scan3A_135 : i32
      %scan3A_137 = arith.constant 1 : i32
      %scan3A_138 = scf.for %scan3A_147 = %scan3A_134 to %scan3A_136 step %scan3A_137 iter_args(%scan3A_148 = %scan3A_133) -> (i32)  : i32 {
        %mul3A_149 = arith.constant 16 : i32
        %mul3A_150 = arith.muli %scan3A_147, %mul3A_149 : i32
        %get3A = arith.index_cast %mul3A_150 : i32 to index
        %get3A_151 = tpu.vector_load %arg12[%get3A] {strides = array<i32>} : memref<128xf32, #tpu.memory_space<vmem>>, vector<16xf32>,
        %get3A_152 = vector.shape_cast %get3A_151 : vector<16xf32> to vector<16xf32>
        %mul3A_153 = arith.constant 16 : i32
        %mul3A_154 = arith.muli %scan3A_147, %mul3A_153 : i32
        %get3A_155 = arith.index_cast %mul3A_154 : i32 to index
        %get3A_156 = tpu.vector_load %arg9[%get3A_155] {strides = array<i32>} : memref<128xi32, #tpu.memory_space<vmem>>, vector<16xi32>,
        %get3A_157 = vector.shape_cast %get3A_156 : vector<16xi32> to vector<16xi32>
        %mul3A_158 = arith.constant 16 : i32
        %mul3A_159 = arith.muli %scan3A_147, %mul3A_158 : i32
        %add3A_160 = arith.constant 0 : i32
        %add3A_161 = arith.addi %mul3A_159, %add3A_160 : i32
        %slice3A = vector.extract_strided_slice %get3A_152 {offsets = [0], sizes = [1], strides = [1]} : vector<16xf32> to vector<1xf32>
        %squeeze3A = vector.extract %slice3A[0] : f32 from vector<1xf32>
        %slice3A_162 = vector.extract_strided_slice %get3A_157 {offsets = [0], sizes = [1], strides = [1]} : vector<16xi32> to vector<1xi32>
        %squeeze3A_163 = vector.extract %slice3A_162[0] : i32 from vector<1xi32>
        %get3A_164 = arith.index_cast %add3A_161 : i32 to index
        %get3A_165 = arith.constant 0 : index
        %get3A_166 = tpu.vector_load %arg13[%get3A_164, %get3A_165] {strides = array<i32>} : memref<128x128xf32, #tpu.memory_space<vmem>>, vector<1x16xf32>,
        %get3A_167 = vector.shape_cast %get3A_166 : vector<1x16xf32> to vector<16xf32>
        %mul3A_168 = vector.broadcast %squeeze3A : f32 to vector<16xf32>
        %mul3A_169 = arith.mulf %get3A_167, %mul3A_168 : vector<16xf32>
        %mul3A_170 = arith.constant 64 : i32
        %mul3A_171 = arith.muli %add3A_161, %mul3A_170 : i32
        %add3A_172 = arith.constant 0 : i32
        %add3A_173 = arith.addi %mul3A_171, %add3A_172 : i32
        %swap3A = arith.index_cast %add3A_173 : i32 to index
        %swap3A_174 = tpu.vector_load %arg16[%swap3A] {strides = array<i32>} : memref<8192xf32, #tpu.memory_space<vmem>>, vector<16xf32>,
        %swap3A_175 = vector.shape_cast %swap3A_174 : vector<16xf32> to vector<16xf32>
        %swap3A_176 = vector.shape_cast %mul3A_169 : vector<16xf32> to vector<16xf32>
        tpu.vector_store %arg16[%swap3A], %swap3A_176 {strides = array<i32>} : memref<8192xf32, #tpu.memory_space<vmem>>, vector<16xf32>,
        %add3A_177 = vector.broadcast %squeeze3A_163 : i32 to vector<16xi32>
        %add3A_178 = arith.addi %add3A_41, %add3A_177 : vector<16xi32>
        %mul3A_179 = arith.constant 64 : i32
        %mul3A_180 = arith.muli %add3A_161, %mul3A_179 : i32
        %add3A_181 = arith.constant 0 : i32
        %add3A_182 = arith.addi %mul3A_180, %add3A_181 : i32
        %swap3A_183 = arith.index_cast %add3A_182 : i32 to index
        %swap3A_184 = tpu.vector_load %arg17[%swap3A_183] {strides = array<i32>} : memref<8192xi32, #tpu.memory_space<vmem>>, vector<16xi32>,
        %swap3A_185 = vector.shape_cast %swap3A_184 : vector<16xi32> to vector<16xi32>
        %swap3A_186 = vector.shape_cast %add3A_178 : vector<16xi32> to vector<16xi32>
        tpu.vector_store %arg17[%swap3A_183], %swap3A_186 {strides = array<i32>} : memref<8192xi32, #tpu.memory_space<vmem>>, vector<16xi32>,
        %get3A_187 = arith.index_cast %add3A_161 : i32 to index
        %get3A_188 = arith.constant 16 : index
        %get3A_189 = tpu.vector_load %arg13[%get3A_187, %get3A_188] {strides = array<i32>} : memref<128x128xf32, #tpu.memory_space<vmem>>, vector<1x16xf32>,
        %get3A_190 = vector.shape_cast %get3A_189 : vector<1x16xf32> to vector<16xf32>
        %mul3A_191 = vector.broadcast %squeeze3A : f32 to vector<16xf32>
        %mul3A_192 = arith.mulf %get3A_190, %mul3A_191 : vector<16xf32>
        %mul3A_193 = arith.constant 64 : i32
        %mul3A_194 = arith.muli %add3A_161, %mul3A_193 : i32
        %add3A_195 = arith.constant 16 : i32
        %add3A_196 = arith.addi %mul3A_194, %add3A_195 : i32
        %swap3A_197 = arith.index_cast %add3A_196 : i32 to index
        %swap3A_198 = tpu.vector_load %arg16[%swap3A_197] {strides = array<i32>} : memref<8192xf32, #tpu.memory_space<vmem>>, vector<16xf32>,
        %swap3A_199 = vector.shape_cast %swap3A_198 : vector<16xf32> to vector<16xf32>
        %swap3A_200 = vector.shape_cast %mul3A_192 : vector<16xf32> to vector<16xf32>
        tpu.vector_store %arg16[%swap3A_197], %swap3A_200 {strides = array<i32>} : memref<8192xf32, #tpu.memory_space<vmem>>, vector<16xf32>,
        %add3A_201 = vector.broadcast %squeeze3A_163 : i32 to vector<16xi32>
        %add3A_202 = arith.addi %add3A_45, %add3A_201 : vector<16xi32>
        %mul3A_203 = arith.constant 64 : i32
        %mul3A_204 = arith.muli %add3A_161, %mul3A_203 : i32
        %add3A_205 = arith.constant 16 : i32
        %add3A_206 = arith.addi %mul3A_204, %add3A_205 : i32
        %swap3A_207 = arith.index_cast %add3A_206 : i32 to index
        %swap3A_208 = tpu.vector_load %arg17[%swap3A_207] {strides = array<i32>} : memref<8192xi32, #tpu.memory_space<vmem>>, vector<16xi32>,
        %swap3A_209 = vector.shape_cast %swap3A_208 : vector<16xi32> to vector<16xi32>
        %swap3A_210 = vector.shape_cast %add3A_202 : vector<16xi32> to vector<16xi32>
        tpu.vector_store %arg17[%swap3A_207], %swap3A_210 {strides = array<i32>} : memref<8192xi32, #tpu.memory_space<vmem>>, vector<16xi32>,
        %get3A_211 = arith.index_cast %add3A_161 : i32 to index
        %get3A_212 = arith.constant 32 : index
        %get3A_213 = tpu.vector_load %arg13[%get3A_211, %get3A_212] {strides = array<i32>} : memref<128x128xf32, #tpu.memory_space<vmem>>, vector<1x16xf32>,
        %get3A_214 = vector.shape_cast %get3A_213 : vector<1x16xf32> to vector<16xf32>
        %mul3A_215 = vector.broadcast %squeeze3A : f32 to vector<16xf32>
        %mul3A_216 = arith.mulf %get3A_214, %mul3A_215 : vector<16xf32>
        %mul3A_217 = arith.constant 64 : i32
        %mul3A_218 = arith.muli %add3A_161, %mul3A_217 : i32
        %add3A_219 = arith.constant 32 : i32
        %add3A_220 = arith.addi %mul3A_218, %add3A_219 : i32
        %swap3A_221 = arith.index_cast %add3A_220 : i32 to index
        %swap3A_222 = tpu.vector_load %arg16[%swap3A_221] {strides = array<i32>} : memref<8192xf32, #tpu.memory_space<vmem>>, vector<16xf32>,
        %swap3A_223 = vector.shape_cast %swap3A_222 : vector<16xf32> to vector<16xf32>
        %swap3A_224 = vector.shape_cast %mul3A_216 : vector<16xf32> to vector<16xf32>
        tpu.vector_store %arg16[%swap3A_221], %swap3A_224 {strides = array<i32>} : memref<8192xf32, #tpu.memory_space<vmem>>, vector<16xf32>,
        %add3A_225 = vector.broadcast %squeeze3A_163 : i32 to vector<16xi32>
        %add3A_226 = arith.addi %add3A_49, %add3A_225 : vector<16xi32>
        %mul3A_227 = arith.constant 64 : i32
        %mul3A_228 = arith.muli %add3A_161, %mul3A_227 : i32
        %add3A_229 = arith.constant 32 : i32
        %add3A_230 = arith.addi %mul3A_228, %add3A_229 : i32
        %swap3A_231 = arith.index_cast %add3A_230 : i32 to index
        %swap3A_232 = tpu.vector_load %arg17[%swap3A_231] {strides = array<i32>} : memref<8192xi32, #tpu.memory_space<vmem>>, vector<16xi32>,
        %swap3A_233 = vector.shape_cast %swap3A_232 : vector<16xi32> to vector<16xi32>
        %swap3A_234 = vector.shape_cast %add3A_226 : vector<16xi32> to vector<16xi32>
        tpu.vector_store %arg17[%swap3A_231], %swap3A_234 {strides = array<i32>} : memref<8192xi32, #tpu.memory_space<vmem>>, vector<16xi32>,
        %get3A_235 = arith.index_cast %add3A_161 : i32 to index
        %get3A_236 = arith.constant 48 : index
        %get3A_237 = tpu.vector_load %arg13[%get3A_235, %get3A_236] {strides = array<i32>} : memref<128x128xf32, #tpu.memory_space<vmem>>, vector<1x16xf32>,
        %get3A_238 = vector.shape_cast %get3A_237 : vector<1x16xf32> to vector<16xf32>
        %mul3A_239 = vector.broadcast %squeeze3A : f32 to vector<16xf32>
        %mul3A_240 = arith.mulf %get3A_238, %mul3A_239 : vector<16xf32>
        %mul3A_241 = arith.constant 64 : i32
        %mul3A_242 = arith.muli %add3A_161, %mul3A_241 : i32
        %add3A_243 = arith.constant 48 : i32
        %add3A_244 = arith.addi %mul3A_242, %add3A_243 : i32
        %swap3A_245 = arith.index_cast %add3A_244 : i32 to index
        %swap3A_246 = tpu.vector_load %arg16[%swap3A_245] {strides = array<i32>} : memref<8192xf32, #tpu.memory_space<vmem>>, vector<16xf32>,
        %swap3A_247 = vector.shape_cast %swap3A_246 : vector<16xf32> to vector<16xf32>
        %swap3A_248 = vector.shape_cast %mul3A_240 : vector<16xf32> to vector<16xf32>
        tpu.vector_store %arg16[%swap3A_245], %swap3A_248 {strides = array<i32>} : memref<8192xf32, #tpu.memory_space<vmem>>, vector<16xf32>,
        %add3A_249 = vector.broadcast %squeeze3A_163 : i32 to vector<16xi32>
        %add3A_250 = arith.addi %add3A_53, %add3A_249 : vector<16xi32>
        %mul3A_251 = arith.constant 64 : i32
        %mul3A_252 = arith.muli %add3A_161, %mul3A_251 : i32
        %add3A_253 = arith.constant 48 : i32
        %add3A_254 = arith.addi %mul3A_252, %add3A_253 : i32
        %swap3A_255 = arith.index_cast %add3A_254 : i32 to index
        %swap3A_256 = tpu.vector_load %arg17[%swap3A_255] {strides = array<i32>} : memref<8192xi32, #tpu.memory_space<vmem>>, vector<16xi32>,
        %swap3A_257 = vector.shape_cast %swap3A_256 : vector<16xi32> to vector<16xi32>
        %swap3A_258 = vector.shape_cast %add3A_250 : vector<16xi32> to vector<16xi32>
        tpu.vector_store %arg17[%swap3A_255], %swap3A_258 {strides = array<i32>} : memref<8192xi32, #tpu.memory_space<vmem>>, vector<16xi32>,
        %mul3A_259 = arith.constant 16 : i32
        %mul3A_260 = arith.muli %scan3A_147, %mul3A_259 : i32
        %add3A_261 = arith.constant 1 : i32
        %add3A_262 = arith.addi %mul3A_260, %add3A_261 : i32
        %slice3A_263 = vector.extract_strided_slice %get3A_152 {offsets = [1], sizes = [1], strides = [1]} : vector<16xf32> to vector<1xf32>
        %squeeze3A_264 = vector.extract %slice3A_263[0] : f32 from vector<1xf32>
        %slice3A_265 = vector.extract_strided_slice %get3A_157 {offsets = [1], sizes = [1], strides = [1]} : vector<16xi32> to vector<1xi32>
        %squeeze3A_266 = vector.extract %slice3A_265[0] : i32 from vector<1xi32>
        %get3A_267 = arith.index_cast %add3A_262 : i32 to index
        %get3A_268 = arith.constant 0 : index
        %get3A_269 = tpu.vector_load %arg13[%get3A_267, %get3A_268] {strides = array<i32>} : memref<128x128xf32, #tpu.memory_space<vmem>>, vector<1x16xf32>,
        %get3A_270 = vector.shape_cast %get3A_269 : vector<1x16xf32> to vector<16xf32>
        %mul3A_271 = vector.broadcast %squeeze3A_264 : f32 to vector<16xf32>
        %mul3A_272 = arith.mulf %get3A_270, %mul3A_271 : vector<16xf32>
        %mul3A_273 = arith.constant 64 : i32
        %mul3A_274 = arith.muli %add3A_262, %mul3A_273 : i32
        %add3A_275 = arith.constant 0 : i32
        %add3A_276 = arith.addi %mul3A_274, %add3A_275 : i32
        %swap3A_277 = arith.index_cast %add3A_276 : i32 to index
        %swap3A_278 = tpu.vector_load %arg16[%swap3A_277] {strides = array<i32>} : memref<8192xf32, #tpu.memory_space<vmem>>, vector<16xf32>,
        %swap3A_279 = vector.shape_cast %swap3A_278 : vector<16xf32> to vector<16xf32>
        %swap3A_280 = vector.shape_cast %mul3A_272 : vector<16xf32> to vector<16xf32>
        tpu.vector_store %arg16[%swap3A_277], %swap3A_280 {strides = array<i32>} : memref<8192xf32, #tpu.memory_space<vmem>>, vector<16xf32>,
        %add3A_281 = vector.broadcast %squeeze3A_266 : i32 to vector<16xi32>
        %add3A_282 = arith.addi %add3A_41, %add3A_281 : vector<16xi32>
        %mul3A_283 = arith.constant 64 : i32
        %mul3A_284 = arith.muli %add3A_262, %mul3A_283 : i32
        %add3A_285 = arith.constant 0 : i32
        %add3A_286 = arith.addi %mul3A_284, %add3A_285 : i32
        %swap3A_287 = arith.index_cast %add3A_286 : i32 to index
        %swap3A_288 = tpu.vector_load %arg17[%swap3A_287] {strides = array<i32>} : memref<8192xi32, #tpu.memory_space<vmem>>, vector<16xi32>,
        %swap3A_289 = vector.shape_cast %swap3A_288 : vector<16xi32> to vector<16xi32>
        %swap3A_290 = vector.shape_cast %add3A_282 : vector<16xi32> to vector<16xi32>
        tpu.vector_store %arg17[%swap3A_287], %swap3A_290 {strides = array<i32>} : memref<8192xi32, #tpu.memory_space<vmem>>, vector<16xi32>,
        %get3A_291 = arith.index_cast %add3A_262 : i32 to index
        %get3A_292 = arith.constant 16 : index
        %get3A_293 = tpu.vector_load %arg13[%get3A_291, %get3A_292] {strides = array<i32>} : memref<128x128xf32, #tpu.memory_space<vmem>>, vector<1x16xf32>,
        %get3A_294 = vector.shape_cast %get3A_293 : vector<1x16xf32> to vector<16xf32>
        %mul3A_295 = vector.broadcast %squeeze3A_264 : f32 to vector<16xf32>
        %mul3A_296 = arith.mulf %get3A_294, %mul3A_295 : vector<16xf32>
        %mul3A_297 = arith.constant 64 : i32
        %mul3A_298 = arith.muli %add3A_262, %mul3A_297 : i32
        %add3A_299 = arith.constant 16 : i32
        %add3A_300 = arith.addi %mul3A_298, %add3A_299 : i32
        %swap3A_301 = arith.index_cast %add3A_300 : i32 to index
        %swap3A_302 = tpu.vector_load %arg16[%swap3A_301] {strides = array<i32>} : memref<8192xf32, #tpu.memory_space<vmem>>, vector<16xf32>,
        %swap3A_303 = vector.shape_cast %swap3A_302 : vector<16xf32> to vector<16xf32>
        %swap3A_304 = vector.shape_cast %mul3A_296 : vector<16xf32> to vector<16xf32>
        tpu.vector_store %arg16[%swap3A_301], %swap3A_304 {strides = array<i32>} : memref<8192xf32, #tpu.memory_space<vmem>>, vector<16xf32>,
        %add3A_305 = vector.broadcast %squeeze3A_266 : i32 to vector<16xi32>
        %add3A_306 = arith.addi %add3A_45, %add3A_305 : vector<16xi32>
        %mul3A_307 = arith.constant 64 : i32
        %mul3A_308 = arith.muli %add3A_262, %mul3A_307 : i32
        %add3A_309 = arith.constant 16 : i32
        %add3A_310 = arith.addi %mul3A_308, %add3A_309 : i32
        %swap3A_311 = arith.index_cast %add3A_310 : i32 to index
        %swap3A_312 = tpu.vector_load %arg17[%swap3A_311] {strides = array<i32>} : memref<8192xi32, #tpu.memory_space<vmem>>, vector<16xi32>,
        %swap3A_313 = vector.shape_cast %swap3A_312 : vector<16xi32> to vector<16xi32>
        %swap3A_314 = vector.shape_cast %add3A_306 : vector<16xi32> to vector<16xi32>
        tpu.vector_store %arg17[%swap3A_311], %swap3A_314 {strides = array<i32>} : memref<8192xi32, #tpu.memory_space<vmem>>, vector<16xi32>,
        %get3A_315 = arith.index_cast %add3A_262 : i32 to index
        %get3A_316 = arith.constant 32 : index
        %get3A_317 = tpu.vector_load %arg13[%get3A_315, %get3A_316] {strides = array<i32>} : memref<128x128xf32, #tpu.memory_space<vmem>>, vector<1x16xf32>,
        %get3A_318 = vector.shape_cast %get3A_317 : vector<1x16xf32> to vector<16xf32>
        %mul3A_319 = vector.broadcast %squeeze3A_264 : f32 to vector<16xf32>
        %mul3A_320 = arith.mulf %get3A_318, %mul3A_319 : vector<16xf32>
        %mul3A_321 = arith.constant 64 : i32
        %mul3A_322 = arith.muli %add3A_262, %mul3A_321 : i32
        %add3A_323 = arith.constant 32 : i32
        %add3A_324 = arith.addi %mul3A_322, %add3A_323 : i32
        %swap3A_325 = arith.index_cast %add3A_324 : i32 to index
        %swap3A_326 = tpu.vector_load %arg16[%swap3A_325] {strides = array<i32>} : memref<8192xf32, #tpu.memory_space<vmem>>, vector<16xf32>,
        %swap3A_327 = vector.shape_cast %swap3A_326 : vector<16xf32> to vector<16xf32>
        %swap3A_328 = vector.shape_cast %mul3A_320 : vector<16xf32> to vector<16xf32>
        tpu.vector_store %arg16[%swap3A_325], %swap3A_328 {strides = array<i32>} : memref<8192xf32, #tpu.memory_space<vmem>>, vector<16xf32>,
        %add3A_329 = vector.broadcast %squeeze3A_266 : i32 to vector<16xi32>
        %add3A_330 = arith.addi %add3A_49, %add3A_329 : vector<16xi32>
        %mul3A_331 = arith.constant 64 : i32
        %mul3A_332 = arith.muli %add3A_262, %mul3A_331 : i32
        %add3A_333 = arith.constant 32 : i32
        %add3A_334 = arith.addi %mul3A_332, %add3A_333 : i32
        %swap3A_335 = arith.index_cast %add3A_334 : i32 to index
        %swap3A_336 = tpu.vector_load %arg17[%swap3A_335] {strides = array<i32>} : memref<8192xi32, #tpu.memory_space<vmem>>, vector<16xi32>,
        %swap3A_337 = vector.shape_cast %swap3A_336 : vector<16xi32> to vector<16xi32>
        %swap3A_338 = vector.shape_cast %add3A_330 : vector<16xi32> to vector<16xi32>
        tpu.vector_store %arg17[%swap3A_335], %swap3A_338 {strides = array<i32>} : memref<8192xi32, #tpu.memory_space<vmem>>, vector<16xi32>,
        %get3A_339 = arith.index_cast %add3A_262 : i32 to index
        %get3A_340 = arith.constant 48 : index
        %get3A_341 = tpu.vector_load %arg13[%get3A_339, %get3A_340] {strides = array<i32>} : memref<128x128xf32, #tpu.memory_space<vmem>>, vector<1x16xf32>,
        %get3A_342 = vector.shape_cast %get3A_341 : vector<1x16xf32> to vector<16xf32>
        %mul3A_343 = vector.broadcast %squeeze3A_264 : f32 to vector<16xf32>
        %mul3A_344 = arith.mulf %get3A_342, %mul3A_343 : vector<16xf32>
        %mul3A_345 = arith.constant 64 : i32
        %mul3A_346 = arith.muli %add3A_262, %mul3A_345 : i32
        %add3A_347 = arith.constant 48 : i32
        %add3A_348 = arith.addi %mul3A_346, %add3A_347 : i32
        %swap3A_349 = arith.index_cast %add3A_348 : i32 to index
        %swap3A_350 = tpu.vector_load %arg16[%swap3A_349] {strides = array<i32>} : memref<8192xf32, #tpu.memory_space<vmem>>, vector<16xf32>,
        %swap3A_351 = vector.shape_cast %swap3A_350 : vector<16xf32> to vector<16xf32>
        %swap3A_352 = vector.shape_cast %mul3A_344 : vector<16xf32> to vector<16xf32>
        tpu.vector_store %arg16[%swap3A_349], %swap3A_352 {strides = array<i32>} : memref<8192xf32, #tpu.memory_space<vmem>>, vector<16xf32>,
        %add3A_353 = vector.broadcast %squeeze3A_266 : i32 to vector<16xi32>
        %add3A_354 = arith.addi %add3A_53, %add3A_353 : vector<16xi32>
        %mul3A_355 = arith.constant 64 : i32
        %mul3A_356 = arith.muli %add3A_262, %mul3A_355 : i32
        %add3A_357 = arith.constant 48 : i32
        %add3A_358 = arith.addi %mul3A_356, %add3A_357 : i32
        %swap3A_359 = arith.index_cast %add3A_358 : i32 to index
        %swap3A_360 = tpu.vector_load %arg17[%swap3A_359] {strides = array<i32>} : memref<8192xi32, #tpu.memory_space<vmem>>, vector<16xi32>,
        %swap3A_361 = vector.shape_cast %swap3A_360 : vector<16xi32> to vector<16xi32>
        %swap3A_362 = vector.shape_cast %add3A_354 : vector<16xi32> to vector<16xi32>
        tpu.vector_store %arg17[%swap3A_359], %swap3A_362 {strides = array<i32>} : memref<8192xi32, #tpu.memory_space<vmem>>, vector<16xi32>,
        %mul3A_363 = arith.constant 16 : i32
        %mul3A_364 = arith.muli %scan3A_147, %mul3A_363 : i32
        %add3A_365 = arith.constant 2 : i32
        %add3A_366 = arith.addi %mul3A_364, %add3A_365 : i32
        %slice3A_367 = vector.extract_strided_slice %get3A_152 {offsets = [2], sizes = [1], strides = [1]} : vector<16xf32> to vector<1xf32>
        %squeeze3A_368 = vector.extract %slice3A_367[0] : f32 from vector<1xf32>
        %slice3A_369 = vector.extract_strided_slice %get3A_157 {offsets = [2], sizes = [1], strides = [1]} : vector<16xi32> to vector<1xi32>
        %squeeze3A_370 = vector.extract %slice3A_369[0] : i32 from vector<1xi32>
        %get3A_371 = arith.index_cast %add3A_366 : i32 to index
        %get3A_372 = arith.constant 0 : index
        %get3A_373 = tpu.vector_load %arg13[%get3A_371, %get3A_372] {strides = array<i32>} : memref<128x128xf32, #tpu.memory_space<vmem>>, vector<1x16xf32>,
        %get3A_374 = vector.shape_cast %get3A_373 : vector<1x16xf32> to vector<16xf32>
        %mul3A_375 = vector.broadcast %squeeze3A_368 : f32 to vector<16xf32>
        %mul3A_376 = arith.mulf %get3A_374, %mul3A_375 : vector<16xf32>
        %mul3A_377 = arith.constant 64 : i32
        %mul3A_378 = arith.muli %add3A_366, %mul3A_377 : i32
        %add3A_379 = arith.constant 0 : i32
        %add3A_380 = arith.addi %mul3A_378, %add3A_379 : i32
        %swap3A_381 = arith.index_cast %add3A_380 : i32 to index
        %swap3A_382 = tpu.vector_load %arg16[%swap3A_381] {strides = array<i32>} : memref<8192xf32, #tpu.memory_space<vmem>>, vector<16xf32>,
        %swap3A_383 = vector.shape_cast %swap3A_382 : vector<16xf32> to vector<16xf32>
        %swap3A_384 = vector.shape_cast %mul3A_376 : vector<16xf32> to vector<16xf32>
        tpu.vector_store %arg16[%swap3A_381], %swap3A_384 {strides = array<i32>} : memref<8192xf32, #tpu.memory_space<vmem>>, vector<16xf32>,
        %add3A_385 = vector.broadcast %squeeze3A_370 : i32 to vector<16xi32>
        %add3A_386 = arith.addi %add3A_41, %add3A_385 : vector<16xi32>
        %mul3A_387 = arith.constant 64 : i32
        %mul3A_388 = arith.muli %add3A_366, %mul3A_387 : i32
        %add3A_389 = arith.constant 0 : i32
        %add3A_390 = arith.addi %mul3A_388, %add3A_389 : i32
        %swap3A_391 = arith.index_cast %add3A_390 : i32 to index
        %swap3A_392 = tpu.vector_load %arg17[%swap3A_391] {strides = array<i32>} : memref<8192xi32, #tpu.memory_space<vmem>>, vector<16xi32>,
        %swap3A_393 = vector.shape_cast %swap3A_392 : vector<16xi32> to vector<16xi32>
        %swap3A_394 = vector.shape_cast %add3A_386 : vector<16xi32> to vector<16xi32>
        tpu.vector_store %arg17[%swap3A_391], %swap3A_394 {strides = array<i32>} : memref<8192xi32, #tpu.memory_space<vmem>>, vector<16xi32>,
        %get3A_395 = arith.index_cast %add3A_366 : i32 to index
        %get3A_396 = arith.constant 16 : index
        %get3A_397 = tpu.vector_load %arg13[%get3A_395, %get3A_396] {strides = array<i32>} : memref<128x128xf32, #tpu.memory_space<vmem>>, vector<1x16xf32>,
        %get3A_398 = vector.shape_cast %get3A_397 : vector<1x16xf32> to vector<16xf32>
        %mul3A_399 = vector.broadcast %squeeze3A_368 : f32 to vector<16xf32>
        %mul3A_400 = arith.mulf %get3A_398, %mul3A_399 : vector<16xf32>
        %mul3A_401 = arith.constant 64 : i32
        %mul3A_402 = arith.muli %add3A_366, %mul3A_401 : i32
        %add3A_403 = arith.constant 16 : i32
        %add3A_404 = arith.addi %mul3A_402, %add3A_403 : i32
        %swap3A_405 = arith.index_cast %add3A_404 : i32 to index
        %swap3A_406 = tpu.vector_load %arg16[%swap3A_405] {strides = array<i32>} : memref<8192xf32, #tpu.memory_space<vmem>>, vector<16xf32>,
        %swap3A_407 = vector.shape_cast %swap3A_406 : vector<16xf32> to vector<16xf32>
        %swap3A_408 = vector.shape_cast %mul3A_400 : vector<16xf32> to vector<16xf32>
        tpu.vector_store %arg16[%swap3A_405], %swap3A_408 {strides = array<i32>} : memref<8192xf32, #tpu.memory_space<vmem>>, vector<16xf32>,
        %add3A_409 = vector.broadcast %squeeze3A_370 : i32 to vector<16xi32>
        %add3A_410 = arith.addi %add3A_45, %add3A_409 : vector<16xi32>
        %mul3A_411 = arith.constant 64 : i32
        %mul3A_412 = arith.muli %add3A_366, %mul3A_411 : i32
        %add3A_413 = arith.constant 16 : i32
        %add3A_414 = arith.addi %mul3A_412, %add3A_413 : i32
        %swap3A_415 = arith.index_cast %add3A_414 : i32 to index
        %swap3A_416 = tpu.vector_load %arg17[%swap3A_415] {strides = array<i32>} : memref<8192xi32, #tpu.memory_space<vmem>>, vector<16xi32>,
        %swap3A_417 = vector.shape_cast %swap3A_416 : vector<16xi32> to vector<16xi32>
        %swap3A_418 = vector.shape_cast %add3A_410 : vector<16xi32> to vector<16xi32>
        tpu.vector_store %arg17[%swap3A_415], %swap3A_418 {strides = array<i32>} : memref<8192xi32, #tpu.memory_space<vmem>>, vector<16xi32>,
        %get3A_419 = arith.index_cast %add3A_366 : i32 to index
        %get3A_420 = arith.constant 32 : index
        %get3A_421 = tpu.vector_load %arg13[%get3A_419, %get3A_420] {strides = array<i32>} : memref<128x128xf32, #tpu.memory_space<vmem>>, vector<1x16xf32>,
        %get3A_422 = vector.shape_cast %get3A_421 : vector<1x16xf32> to vector<16xf32>
        %mul3A_423 = vector.broadcast %squeeze3A_368 : f32 to vector<16xf32>
        %mul3A_424 = arith.mulf %get3A_422, %mul3A_423 : vector<16xf32>
        %mul3A_425 = arith.constant 64 : i32
        %mul3A_426 = arith.muli %add3A_366, %mul3A_425 : i32
        %add3A_427 = arith.constant 32 : i32
        %add3A_428 = arith.addi %mul3A_426, %add3A_427 : i32
        %swap3A_429 = arith.index_cast %add3A_428 : i32 to index
        %swap3A_430 = tpu.vector_load %arg16[%swap3A_429] {strides = array<i32>} : memref<8192xf32, #tpu.memory_space<vmem>>, vector<16xf32>,
        %swap3A_431 = vector.shape_cast %swap3A_430 : vector<16xf32> to vector<16xf32>
        %swap3A_432 = vector.shape_cast %mul3A_424 : vector<16xf32> to vector<16xf32>
        tpu.vector_store %arg16[%swap3A_429], %swap3A_432 {strides = array<i32>} : memref<8192xf32, #tpu.memory_space<vmem>>, vector<16xf32>,
        %add3A_433 = vector.broadcast %squeeze3A_370 : i32 to vector<16xi32>
        %add3A_434 = arith.addi %add3A_49, %add3A_433 : vector<16xi32>
        %mul3A_435 = arith.constant 64 : i32
        %mul3A_436 = arith.muli %add3A_366, %mul3A_435 : i32
        %add3A_437 = arith.constant 32 : i32
        %add3A_438 = arith.addi %mul3A_436, %add3A_437 : i32
        %swap3A_439 = arith.index_cast %add3A_438 : i32 to index
        %swap3A_440 = tpu.vector_load %arg17[%swap3A_439] {strides = array<i32>} : memref<8192xi32, #tpu.memory_space<vmem>>, vector<16xi32>,
        %swap3A_441 = vector.shape_cast %swap3A_440 : vector<16xi32> to vector<16xi32>
        %swap3A_442 = vector.shape_cast %add3A_434 : vector<16xi32> to vector<16xi32>
        tpu.vector_store %arg17[%swap3A_439], %swap3A_442 {strides = array<i32>} : memref<8192xi32, #tpu.memory_space<vmem>>, vector<16xi32>,
        %get3A_443 = arith.index_cast %add3A_366 : i32 to index
        %get3A_444 = arith.constant 48 : index
        %get3A_445 = tpu.vector_load %arg13[%get3A_443, %get3A_444] {strides = array<i32>} : memref<128x128xf32, #tpu.memory_space<vmem>>, vector<1x16xf32>,
        %get3A_446 = vector.shape_cast %get3A_445 : vector<1x16xf32> to vector<16xf32>
        %mul3A_447 = vector.broadcast %squeeze3A_368 : f32 to vector<16xf32>
        %mul3A_448 = arith.mulf %get3A_446, %mul3A_447 : vector<16xf32>
        %mul3A_449 = arith.constant 64 : i32
        %mul3A_450 = arith.muli %add3A_366, %mul3A_449 : i32
        %add3A_451 = arith.constant 48 : i32
        %add3A_452 = arith.addi %mul3A_450, %add3A_451 : i32
        %swap3A_453 = arith.index_cast %add3A_452 : i32 to index
        %swap3A_454 = tpu.vector_load %arg16[%swap3A_453] {strides = array<i32>} : memref<8192xf32, #tpu.memory_space<vmem>>, vector<16xf32>,
        %swap3A_455 = vector.shape_cast %swap3A_454 : vector<16xf32> to vector<16xf32>
        %swap3A_456 = vector.shape_cast %mul3A_448 : vector<16xf32> to vector<16xf32>
        tpu.vector_store %arg16[%swap3A_453], %swap3A_456 {strides = array<i32>} : memref<8192xf32, #tpu.memory_space<vmem>>, vector<16xf32>,
        %add3A_457 = vector.broadcast %squeeze3A_370 : i32 to vector<16xi32>
        %add3A_458 = arith.addi %add3A_53, %add3A_457 : vector<16xi32>
        %mul3A_459 = arith.constant 64 : i32
        %mul3A_460 = arith.muli %add3A_366, %mul3A_459 : i32
        %add3A_461 = arith.constant 48 : i32
        %add3A_462 = arith.addi %mul3A_460, %add3A_461 : i32
        %swap3A_463 = arith.index_cast %add3A_462 : i32 to index
        %swap3A_464 = tpu.vector_load %arg17[%swap3A_463] {strides = array<i32>} : memref<8192xi32, #tpu.memory_space<vmem>>, vector<16xi32>,
        %swap3A_465 = vector.shape_cast %swap3A_464 : vector<16xi32> to vector<16xi32>
        %swap3A_466 = vector.shape_cast %add3A_458 : vector<16xi32> to vector<16xi32>
        tpu.vector_store %arg17[%swap3A_463], %swap3A_466 {strides = array<i32>} : memref<8192xi32, #tpu.memory_space<vmem>>, vector<16xi32>,
        %mul3A_467 = arith.constant 16 : i32
        %mul3A_468 = arith.muli %scan3A_147, %mul3A_467 : i32
        %add3A_469 = arith.constant 3 : i32
        %add3A_470 = arith.addi %mul3A_468, %add3A_469 : i32
        %slice3A_471 = vector.extract_strided_slice %get3A_152 {offsets = [3], sizes = [1], strides = [1]} : vector<16xf32> to vector<1xf32>
        %squeeze3A_472 = vector.extract %slice3A_471[0] : f32 from vector<1xf32>
        %slice3A_473 = vector.extract_strided_slice %get3A_157 {offsets = [3], sizes = [1], strides = [1]} : vector<16xi32> to vector<1xi32>
        %squeeze3A_474 = vector.extract %slice3A_473[0] : i32 from vector<1xi32>
        %get3A_475 = arith.index_cast %add3A_470 : i32 to index
        %get3A_476 = arith.constant 0 : index
        %get3A_477 = tpu.vector_load %arg13[%get3A_475, %get3A_476] {strides = array<i32>} : memref<128x128xf32, #tpu.memory_space<vmem>>, vector<1x16xf32>,
        %get3A_478 = vector.shape_cast %get3A_477 : vector<1x16xf32> to vector<16xf32>
        %mul3A_479 = vector.broadcast %squeeze3A_472 : f32 to vector<16xf32>
        %mul3A_480 = arith.mulf %get3A_478, %mul3A_479 : vector<16xf32>
        %mul3A_481 = arith.constant 64 : i32
        %mul3A_482 = arith.muli %add3A_470, %mul3A_481 : i32
        %add3A_483 = arith.constant 0 : i32
        %add3A_484 = arith.addi %mul3A_482, %add3A_483 : i32
        %swap3A_485 = arith.index_cast %add3A_484 : i32 to index
        %swap3A_486 = tpu.vector_load %arg16[%swap3A_485] {strides = array<i32>} : memref<8192xf32, #tpu.memory_space<vmem>>, vector<16xf32>,
        %swap3A_487 = vector.shape_cast %swap3A_486 : vector<16xf32> to vector<16xf32>
        %swap3A_488 = vector.shape_cast %mul3A_480 : vector<16xf32> to vector<16xf32>
        tpu.vector_store %arg16[%swap3A_485], %swap3A_488 {strides = array<i32>} : memref<8192xf32, #tpu.memory_space<vmem>>, vector<16xf32>,
        %add3A_489 = vector.broadcast %squeeze3A_474 : i32 to vector<16xi32>
        %add3A_490 = arith.addi %add3A_41, %add3A_489 : vector<16xi32>
        %mul3A_491 = arith.constant 64 : i32
        %mul3A_492 = arith.muli %add3A_470, %mul3A_491 : i32
        %add3A_493 = arith.constant 0 : i32
        %add3A_494 = arith.addi %mul3A_492, %add3A_493 : i32
        %swap3A_495 = arith.index_cast %add3A_494 : i32 to index
        %swap3A_496 = tpu.vector_load %arg17[%swap3A_495] {strides = array<i32>} : memref<8192xi32, #tpu.memory_space<vmem>>, vector<16xi32>,
        %swap3A_497 = vector.shape_cast %swap3A_496 : vector<16xi32> to vector<16xi32>
        %swap3A_498 = vector.shape_cast %add3A_490 : vector<16xi32> to vector<16xi32>
        tpu.vector_store %arg17[%swap3A_495], %swap3A_498 {strides = array<i32>} : memref<8192xi32, #tpu.memory_space<vmem>>, vector<16xi32>,
        %get3A_499 = arith.index_cast %add3A_470 : i32 to index
        %get3A_500 = arith.constant 16 : index
        %get3A_501 = tpu.vector_load %arg13[%get3A_499, %get3A_500] {strides = array<i32>} : memref<128x128xf32, #tpu.memory_space<vmem>>, vector<1x16xf32>,
        %get3A_502 = vector.shape_cast %get3A_501 : vector<1x16xf32> to vector<16xf32>
        %mul3A_503 = vector.broadcast %squeeze3A_472 : f32 to vector<16xf32>
        %mul3A_504 = arith.mulf %get3A_502, %mul3A_503 : vector<16xf32>
        %mul3A_505 = arith.constant 64 : i32
        %mul3A_506 = arith.muli %add3A_470, %mul3A_505 : i32
        %add3A_507 = arith.constant 16 : i32
        %add3A_508 = arith.addi %mul3A_506, %add3A_507 : i32
        %swap3A_509 = arith.index_cast %add3A_508 : i32 to index
        %swap3A_510 = tpu.vector_load %arg16[%swap3A_509] {strides = array<i32>} : memref<8192xf32, #tpu.memory_space<vmem>>, vector<16xf32>,
        %swap3A_511 = vector.shape_cast %swap3A_510 : vector<16xf32> to vector<16xf32>
        %swap3A_512 = vector.shape_cast %mul3A_504 : vector<16xf32> to vector<16xf32>
        tpu.vector_store %arg16[%swap3A_509], %swap3A_512 {strides = array<i32>} : memref<8192xf32, #tpu.memory_space<vmem>>, vector<16xf32>,
        %add3A_513 = vector.broadcast %squeeze3A_474 : i32 to vector<16xi32>
        %add3A_514 = arith.addi %add3A_45, %add3A_513 : vector<16xi32>
        %mul3A_515 = arith.constant 64 : i32
        %mul3A_516 = arith.muli %add3A_470, %mul3A_515 : i32
        %add3A_517 = arith.constant 16 : i32
        %add3A_518 = arith.addi %mul3A_516, %add3A_517 : i32
        %swap3A_519 = arith.index_cast %add3A_518 : i32 to index
        %swap3A_520 = tpu.vector_load %arg17[%swap3A_519] {strides = array<i32>} : memref<8192xi32, #tpu.memory_space<vmem>>, vector<16xi32>,
        %swap3A_521 = vector.shape_cast %swap3A_520 : vector<16xi32> to vector<16xi32>
        %swap3A_522 = vector.shape_cast %add3A_514 : vector<16xi32> to vector<16xi32>
        tpu.vector_store %arg17[%swap3A_519], %swap3A_522 {strides = array<i32>} : memref<8192xi32, #tpu.memory_space<vmem>>, vector<16xi32>,
        %get3A_523 = arith.index_cast %add3A_470 : i32 to index
        %get3A_524 = arith.constant 32 : index
        %get3A_525 = tpu.vector_load %arg13[%get3A_523, %get3A_524] {strides = array<i32>} : memref<128x128xf32, #tpu.memory_space<vmem>>, vector<1x16xf32>,
        %get3A_526 = vector.shape_cast %get3A_525 : vector<1x16xf32> to vector<16xf32>
        %mul3A_527 = vector.broadcast %squeeze3A_472 : f32 to vector<16xf32>
        %mul3A_528 = arith.mulf %get3A_526, %mul3A_527 : vector<16xf32>
        %mul3A_529 = arith.constant 64 : i32
        %mul3A_530 = arith.muli %add3A_470, %mul3A_529 : i32
        %add3A_531 = arith.constant 32 : i32
        %add3A_532 = arith.addi %mul3A_530, %add3A_531 : i32
        %swap3A_533 = arith.index_cast %add3A_532 : i32 to index
        %swap3A_534 = tpu.vector_load %arg16[%swap3A_533] {strides = array<i32>} : memref<8192xf32, #tpu.memory_space<vmem>>, vector<16xf32>,
        %swap3A_535 = vector.shape_cast %swap3A_534 : vector<16xf32> to vector<16xf32>
        %swap3A_536 = vector.shape_cast %mul3A_528 : vector<16xf32> to vector<16xf32>
        tpu.vector_store %arg16[%swap3A_533], %swap3A_536 {strides = array<i32>} : memref<8192xf32, #tpu.memory_space<vmem>>, vector<16xf32>,
        %add3A_537 = vector.broadcast %squeeze3A_474 : i32 to vector<16xi32>
        %add3A_538 = arith.addi %add3A_49, %add3A_537 : vector<16xi32>
        %mul3A_539 = arith.constant 64 : i32
        %mul3A_540 = arith.muli %add3A_470, %mul3A_539 : i32
        %add3A_541 = arith.constant 32 : i32
        %add3A_542 = arith.addi %mul3A_540, %add3A_541 : i32
        %swap3A_543 = arith.index_cast %add3A_542 : i32 to index
        %swap3A_544 = tpu.vector_load %arg17[%swap3A_543] {strides = array<i32>} : memref<8192xi32, #tpu.memory_space<vmem>>, vector<16xi32>,
        %swap3A_545 = vector.shape_cast %swap3A_544 : vector<16xi32> to vector<16xi32>
        %swap3A_546 = vector.shape_cast %add3A_538 : vector<16xi32> to vector<16xi32>
        tpu.vector_store %arg17[%swap3A_543], %swap3A_546 {strides = array<i32>} : memref<8192xi32, #tpu.memory_space<vmem>>, vector<16xi32>,
        %get3A_547 = arith.index_cast %add3A_470 : i32 to index
        %get3A_548 = arith.constant 48 : index
        %get3A_549 = tpu.vector_load %arg13[%get3A_547, %get3A_548] {strides = array<i32>} : memref<128x128xf32, #tpu.memory_space<vmem>>, vector<1x16xf32>,
        %get3A_550 = vector.shape_cast %get3A_549 : vector<1x16xf32> to vector<16xf32>
        %mul3A_551 = vector.broadcast %squeeze3A_472 : f32 to vector<16xf32>
        %mul3A_552 = arith.mulf %get3A_550, %mul3A_551 : vector<16xf32>
        %mul3A_553 = arith.constant 64 : i32
        %mul3A_554 = arith.muli %add3A_470, %mul3A_553 : i32
        %add3A_555 = arith.constant 48 : i32
        %add3A_556 = arith.addi %mul3A_554, %add3A_555 : i32
        %swap3A_557 = arith.index_cast %add3A_556 : i32 to index
        %swap3A_558 = tpu.vector_load %arg16[%swap3A_557] {strides = array<i32>} : memref<8192xf32, #tpu.memory_space<vmem>>, vector<16xf32>,
        %swap3A_559 = vector.shape_cast %swap3A_558 : vector<16xf32> to vector<16xf32>
        %swap3A_560 = vector.shape_cast %mul3A_552 : vector<16xf32> to vector<16xf32>
        tpu.vector_store %arg16[%swap3A_557], %swap3A_560 {strides = array<i32>} : memref<8192xf32, #tpu.memory_space<vmem>>, vector<16xf32>,
        %add3A_561 = vector.broadcast %squeeze3A_474 : i32 to vector<16xi32>
        %add3A_562 = arith.addi %add3A_53, %add3A_561 : vector<16xi32>
        %mul3A_563 = arith.constant 64 : i32
        %mul3A_564 = arith.muli %add3A_470, %mul3A_563 : i32
        %add3A_565 = arith.constant 48 : i32
        %add3A_566 = arith.addi %mul3A_564, %add3A_565 : i32
        %swap3A_567 = arith.index_cast %add3A_566 : i32 to index
        %swap3A_568 = tpu.vector_load %arg17[%swap3A_567] {strides = array<i32>} : memref<8192xi32, #tpu.memory_space<vmem>>, vector<16xi32>,
        %swap3A_569 = vector.shape_cast %swap3A_568 : vector<16xi32> to vector<16xi32>
        %swap3A_570 = vector.shape_cast %add3A_562 : vector<16xi32> to vector<16xi32>
        tpu.vector_store %arg17[%swap3A_567], %swap3A_570 {strides = array<i32>} : memref<8192xi32, #tpu.memory_space<vmem>>, vector<16xi32>,
        %mul3A_571 = arith.constant 16 : i32
        %mul3A_572 = arith.muli %scan3A_147, %mul3A_571 : i32
        %add3A_573 = arith.constant 4 : i32
        %add3A_574 = arith.addi %mul3A_572, %add3A_573 : i32
        %slice3A_575 = vector.extract_strided_slice %get3A_152 {offsets = [4], sizes = [1], strides = [1]} : vector<16xf32> to vector<1xf32>
        %squeeze3A_576 = vector.extract %slice3A_575[0] : f32 from vector<1xf32>
        %slice3A_577 = vector.extract_strided_slice %get3A_157 {offsets = [4], sizes = [1], strides = [1]} : vector<16xi32> to vector<1xi32>
        %squeeze3A_578 = vector.extract %slice3A_577[0] : i32 from vector<1xi32>
        %get3A_579 = arith.index_cast %add3A_574 : i32 to index
        %get3A_580 = arith.constant 0 : index
        %get3A_581 = tpu.vector_load %arg13[%get3A_579, %get3A_580] {strides = array<i32>} : memref<128x128xf32, #tpu.memory_space<vmem>>, vector<1x16xf32>,
        %get3A_582 = vector.shape_cast %get3A_581 : vector<1x16xf32> to vector<16xf32>
        %mul3A_583 = vector.broadcast %squeeze3A_576 : f32 to vector<16xf32>
        %mul3A_584 = arith.mulf %get3A_582, %mul3A_583 : vector<16xf32>
        %mul3A_585 = arith.constant 64 : i32
        %mul3A_586 = arith.muli %add3A_574, %mul3A_585 : i32
        %add3A_587 = arith.constant 0 : i32
        %add3A_588 = arith.addi %mul3A_586, %add3A_587 : i32
        %swap3A_589 = arith.index_cast %add3A_588 : i32 to index
        %swap3A_590 = tpu.vector_load %arg16[%swap3A_589] {strides = array<i32>} : memref<8192xf32, #tpu.memory_space<vmem>>, vector<16xf32>,
        %swap3A_591 = vector.shape_cast %swap3A_590 : vector<16xf32> to vector<16xf32>
        %swap3A_592 = vector.shape_cast %mul3A_584 : vector<16xf32> to vector<16xf32>
        tpu.vector_store %arg16[%swap3A_589], %swap3A_592 {strides = array<i32>} : memref<8192xf32, #tpu.memory_space<vmem>>, vector<16xf32>,
        %add3A_593 = vector.broadcast %squeeze3A_578 : i32 to vector<16xi32>
        %add3A_594 = arith.addi %add3A_41, %add3A_593 : vector<16xi32>
        %mul3A_595 = arith.constant 64 : i32
        %mul3A_596 = arith.muli %add3A_574, %mul3A_595 : i32
        %add3A_597 = arith.constant 0 : i32
        %add3A_598 = arith.addi %mul3A_596, %add3A_597 : i32
        %swap3A_599 = arith.index_cast %add3A_598 : i32 to index
        %swap3A_600 = tpu.vector_load %arg17[%swap3A_599] {strides = array<i32>} : memref<8192xi32, #tpu.memory_space<vmem>>, vector<16xi32>,
        %swap3A_601 = vector.shape_cast %swap3A_600 : vector<16xi32> to vector<16xi32>
        %swap3A_602 = vector.shape_cast %add3A_594 : vector<16xi32> to vector<16xi32>
        tpu.vector_store %arg17[%swap3A_599], %swap3A_602 {strides = array<i32>} : memref<8192xi32, #tpu.memory_space<vmem>>, vector<16xi32>,
        %get3A_603 = arith.index_cast %add3A_574 : i32 to index
        %get3A_604 = arith.constant 16 : index
        %get3A_605 = tpu.vector_load %arg13[%get3A_603, %get3A_604] {strides = array<i32>} : memref<128x128xf32, #tpu.memory_space<vmem>>, vector<1x16xf32>,
        %get3A_606 = vector.shape_cast %get3A_605 : vector<1x16xf32> to vector<16xf32>
        %mul3A_607 = vector.broadcast %squeeze3A_576 : f32 to vector<16xf32>
        %mul3A_608 = arith.mulf %get3A_606, %mul3A_607 : vector<16xf32>
        %mul3A_609 = arith.constant 64 : i32
        %mul3A_610 = arith.muli %add3A_574, %mul3A_609 : i32
        %add3A_611 = arith.constant 16 : i32
        %add3A_612 = arith.addi %mul3A_610, %add3A_611 : i32
        %swap3A_613 = arith.index_cast %add3A_612 : i32 to index
        %swap3A_614 = tpu.vector_load %arg16[%swap3A_613] {strides = array<i32>} : memref<8192xf32, #tpu.memory_space<vmem>>, vector<16xf32>,
        %swap3A_615 = vector.shape_cast %swap3A_614 : vector<16xf32> to vector<16xf32>
        %swap3A_616 = vector.shape_cast %mul3A_608 : vector<16xf32> to vector<16xf32>
        tpu.vector_store %arg16[%swap3A_613], %swap3A_616 {strides = array<i32>} : memref<8192xf32, #tpu.memory_space<vmem>>, vector<16xf32>,
        %add3A_617 = vector.broadcast %squeeze3A_578 : i32 to vector<16xi32>
        %add3A_618 = arith.addi %add3A_45, %add3A_617 : vector<16xi32>
        %mul3A_619 = arith.constant 64 : i32
        %mul3A_620 = arith.muli %add3A_574, %mul3A_619 : i32
        %add3A_621 = arith.constant 16 : i32
        %add3A_622 = arith.addi %mul3A_620, %add3A_621 : i32
        %swap3A_623 = arith.index_cast %add3A_622 : i32 to index
        %swap3A_624 = tpu.vector_load %arg17[%swap3A_623] {strides = array<i32>} : memref<8192xi32, #tpu.memory_space<vmem>>, vector<16xi32>,
        %swap3A_625 = vector.shape_cast %swap3A_624 : vector<16xi32> to vector<16xi32>
        %swap3A_626 = vector.shape_cast %add3A_618 : vector<16xi32> to vector<16xi32>
        tpu.vector_store %arg17[%swap3A_623], %swap3A_626 {strides = array<i32>} : memref<8192xi32, #tpu.memory_space<vmem>>, vector<16xi32>,
        %get3A_627 = arith.index_cast %add3A_574 : i32 to index
        %get3A_628 = arith.constant 32 : index
        %get3A_629 = tpu.vector_load %arg13[%get3A_627, %get3A_628] {strides = array<i32>} : memref<128x128xf32, #tpu.memory_space<vmem>>, vector<1x16xf32>,
        %get3A_630 = vector.shape_cast %get3A_629 : vector<1x16xf32> to vector<16xf32>
        %mul3A_631 = vector.broadcast %squeeze3A_576 : f32 to vector<16xf32>
        %mul3A_632 = arith.mulf %get3A_630, %mul3A_631 : vector<16xf32>
        %mul3A_633 = arith.constant 64 : i32
        %mul3A_634 = arith.muli %add3A_574, %mul3A_633 : i32
        %add3A_635 = arith.constant 32 : i32
        %add3A_636 = arith.addi %mul3A_634, %add3A_635 : i32
        %swap3A_637 = arith.index_cast %add3A_636 : i32 to index
        %swap3A_638 = tpu.vector_load %arg16[%swap3A_637] {strides = array<i32>} : memref<8192xf32, #tpu.memory_space<vmem>>, vector<16xf32>,
        %swap3A_639 = vector.shape_cast %swap3A_638 : vector<16xf32> to vector<16xf32>
        %swap3A_640 = vector.shape_cast %mul3A_632 : vector<16xf32> to vector<16xf32>
        tpu.vector_store %arg16[%swap3A_637], %swap3A_640 {strides = array<i32>} : memref<8192xf32, #tpu.memory_space<vmem>>, vector<16xf32>,
        %add3A_641 = vector.broadcast %squeeze3A_578 : i32 to vector<16xi32>
        %add3A_642 = arith.addi %add3A_49, %add3A_641 : vector<16xi32>
        %mul3A_643 = arith.constant 64 : i32
        %mul3A_644 = arith.muli %add3A_574, %mul3A_643 : i32
        %add3A_645 = arith.constant 32 : i32
        %add3A_646 = arith.addi %mul3A_644, %add3A_645 : i32
        %swap3A_647 = arith.index_cast %add3A_646 : i32 to index
        %swap3A_648 = tpu.vector_load %arg17[%swap3A_647] {strides = array<i32>} : memref<8192xi32, #tpu.memory_space<vmem>>, vector<16xi32>,
        %swap3A_649 = vector.shape_cast %swap3A_648 : vector<16xi32> to vector<16xi32>
        %swap3A_650 = vector.shape_cast %add3A_642 : vector<16xi32> to vector<16xi32>
        tpu.vector_store %arg17[%swap3A_647], %swap3A_650 {strides = array<i32>} : memref<8192xi32, #tpu.memory_space<vmem>>, vector<16xi32>,
        %get3A_651 = arith.index_cast %add3A_574 : i32 to index
        %get3A_652 = arith.constant 48 : index
        %get3A_653 = tpu.vector_load %arg13[%get3A_651, %get3A_652] {strides = array<i32>} : memref<128x128xf32, #tpu.memory_space<vmem>>, vector<1x16xf32>,
        %get3A_654 = vector.shape_cast %get3A_653 : vector<1x16xf32> to vector<16xf32>
        %mul3A_655 = vector.broadcast %squeeze3A_576 : f32 to vector<16xf32>
        %mul3A_656 = arith.mulf %get3A_654, %mul3A_655 : vector<16xf32>
        %mul3A_657 = arith.constant 64 : i32
        %mul3A_658 = arith.muli %add3A_574, %mul3A_657 : i32
        %add3A_659 = arith.constant 48 : i32
        %add3A_660 = arith.addi %mul3A_658, %add3A_659 : i32
        %swap3A_661 = arith.index_cast %add3A_660 : i32 to index
        %swap3A_662 = tpu.vector_load %arg16[%swap3A_661] {strides = array<i32>} : memref<8192xf32, #tpu.memory_space<vmem>>, vector<16xf32>,
        %swap3A_663 = vector.shape_cast %swap3A_662 : vector<16xf32> to vector<16xf32>
        %swap3A_664 = vector.shape_cast %mul3A_656 : vector<16xf32> to vector<16xf32>
        tpu.vector_store %arg16[%swap3A_661], %swap3A_664 {strides = array<i32>} : memref<8192xf32, #tpu.memory_space<vmem>>, vector<16xf32>,
        %add3A_665 = vector.broadcast %squeeze3A_578 : i32 to vector<16xi32>
        %add3A_666 = arith.addi %add3A_53, %add3A_665 : vector<16xi32>
        %mul3A_667 = arith.constant 64 : i32
        %mul3A_668 = arith.muli %add3A_574, %mul3A_667 : i32
        %add3A_669 = arith.constant 48 : i32
        %add3A_670 = arith.addi %mul3A_668, %add3A_669 : i32
        %swap3A_671 = arith.index_cast %add3A_670 : i32 to index
        %swap3A_672 = tpu.vector_load %arg17[%swap3A_671] {strides = array<i32>} : memref<8192xi32, #tpu.memory_space<vmem>>, vector<16xi32>,
        %swap3A_673 = vector.shape_cast %swap3A_672 : vector<16xi32> to vector<16xi32>
        %swap3A_674 = vector.shape_cast %add3A_666 : vector<16xi32> to vector<16xi32>
        tpu.vector_store %arg17[%swap3A_671], %swap3A_674 {strides = array<i32>} : memref<8192xi32, #tpu.memory_space<vmem>>, vector<16xi32>,
        %mul3A_675 = arith.constant 16 : i32
        %mul3A_676 = arith.muli %scan3A_147, %mul3A_675 : i32
        %add3A_677 = arith.constant 5 : i32
        %add3A_678 = arith.addi %mul3A_676, %add3A_677 : i32
        %slice3A_679 = vector.extract_strided_slice %get3A_152 {offsets = [5], sizes = [1], strides = [1]} : vector<16xf32> to vector<1xf32>
        %squeeze3A_680 = vector.extract %slice3A_679[0] : f32 from vector<1xf32>
        %slice3A_681 = vector.extract_strided_slice %get3A_157 {offsets = [5], sizes = [1], strides = [1]} : vector<16xi32> to vector<1xi32>
        %squeeze3A_682 = vector.extract %slice3A_681[0] : i32 from vector<1xi32>
        %get3A_683 = arith.index_cast %add3A_678 : i32 to index
        %get3A_684 = arith.constant 0 : index
        %get3A_685 = tpu.vector_load %arg13[%get3A_683, %get3A_684] {strides = array<i32>} : memref<128x128xf32, #tpu.memory_space<vmem>>, vector<1x16xf32>,
        %get3A_686 = vector.shape_cast %get3A_685 : vector<1x16xf32> to vector<16xf32>
        %mul3A_687 = vector.broadcast %squeeze3A_680 : f32 to vector<16xf32>
        %mul3A_688 = arith.mulf %get3A_686, %mul3A_687 : vector<16xf32>
        %mul3A_689 = arith.constant 64 : i32
        %mul3A_690 = arith.muli %add3A_678, %mul3A_689 : i32
        %add3A_691 = arith.constant 0 : i32
        %add3A_692 = arith.addi %mul3A_690, %add3A_691 : i32
        %swap3A_693 = arith.index_cast %add3A_692 : i32 to index
        %swap3A_694 = tpu.vector_load %arg16[%swap3A_693] {strides = array<i32>} : memref<8192xf32, #tpu.memory_space<vmem>>, vector<16xf32>,
        %swap3A_695 = vector.shape_cast %swap3A_694 : vector<16xf32> to vector<16xf32>
        %swap3A_696 = vector.shape_cast %mul3A_688 : vector<16xf32> to vector<16xf32>
        tpu.vector_store %arg16[%swap3A_693], %swap3A_696 {strides = array<i32>} : memref<8192xf32, #tpu.memory_space<vmem>>, vector<16xf32>,
        %add3A_697 = vector.broadcast %squeeze3A_682 : i32 to vector<16xi32>
        %add3A_698 = arith.addi %add3A_41, %add3A_697 : vector<16xi32>
        %mul3A_699 = arith.constant 64 : i32
        %mul3A_700 = arith.muli %add3A_678, %mul3A_699 : i32
        %add3A_701 = arith.constant 0 : i32
        %add3A_702 = arith.addi %mul3A_700, %add3A_701 : i32
        %swap3A_703 = arith.index_cast %add3A_702 : i32 to index
        %swap3A_704 = tpu.vector_load %arg17[%swap3A_703] {strides = array<i32>} : memref<8192xi32, #tpu.memory_space<vmem>>, vector<16xi32>,
        %swap3A_705 = vector.shape_cast %swap3A_704 : vector<16xi32> to vector<16xi32>
        %swap3A_706 = vector.shape_cast %add3A_698 : vector<16xi32> to vector<16xi32>
        tpu.vector_store %arg17[%swap3A_703], %swap3A_706 {strides = array<i32>} : memref<8192xi32, #tpu.memory_space<vmem>>, vector<16xi32>,
        %get3A_707 = arith.index_cast %add3A_678 : i32 to index
        %get3A_708 = arith.constant 16 : index
        %get3A_709 = tpu.vector_load %arg13[%get3A_707, %get3A_708] {strides = array<i32>} : memref<128x128xf32, #tpu.memory_space<vmem>>, vector<1x16xf32>,
        %get3A_710 = vector.shape_cast %get3A_709 : vector<1x16xf32> to vector<16xf32>
        %mul3A_711 = vector.broadcast %squeeze3A_680 : f32 to vector<16xf32>
        %mul3A_712 = arith.mulf %get3A_710, %mul3A_711 : vector<16xf32>
        %mul3A_713 = arith.constant 64 : i32
        %mul3A_714 = arith.muli %add3A_678, %mul3A_713 : i32
        %add3A_715 = arith.constant 16 : i32
        %add3A_716 = arith.addi %mul3A_714, %add3A_715 : i32
        %swap3A_717 = arith.index_cast %add3A_716 : i32 to index
        %swap3A_718 = tpu.vector_load %arg16[%swap3A_717] {strides = array<i32>} : memref<8192xf32, #tpu.memory_space<vmem>>, vector<16xf32>,
        %swap3A_719 = vector.shape_cast %swap3A_718 : vector<16xf32> to vector<16xf32>
        %swap3A_720 = vector.shape_cast %mul3A_712 : vector<16xf32> to vector<16xf32>
        tpu.vector_store %arg16[%swap3A_717], %swap3A_720 {strides = array<i32>} : memref<8192xf32, #tpu.memory_space<vmem>>, vector<16xf32>,
        %add3A_721 = vector.broadcast %squeeze3A_682 : i32 to vector<16xi32>
        %add3A_722 = arith.addi %add3A_45, %add3A_721 : vector<16xi32>
        %mul3A_723 = arith.constant 64 : i32
        %mul3A_724 = arith.muli %add3A_678, %mul3A_723 : i32
        %add3A_725 = arith.constant 16 : i32
        %add3A_726 = arith.addi %mul3A_724, %add3A_725 : i32
        %swap3A_727 = arith.index_cast %add3A_726 : i32 to index
        %swap3A_728 = tpu.vector_load %arg17[%swap3A_727] {strides = array<i32>} : memref<8192xi32, #tpu.memory_space<vmem>>, vector<16xi32>,
        %swap3A_729 = vector.shape_cast %swap3A_728 : vector<16xi32> to vector<16xi32>
        %swap3A_730 = vector.shape_cast %add3A_722 : vector<16xi32> to vector<16xi32>
        tpu.vector_store %arg17[%swap3A_727], %swap3A_730 {strides = array<i32>} : memref<8192xi32, #tpu.memory_space<vmem>>, vector<16xi32>,
        %get3A_731 = arith.index_cast %add3A_678 : i32 to index
        %get3A_732 = arith.constant 32 : index
        %get3A_733 = tpu.vector_load %arg13[%get3A_731, %get3A_732] {strides = array<i32>} : memref<128x128xf32, #tpu.memory_space<vmem>>, vector<1x16xf32>,
        %get3A_734 = vector.shape_cast %get3A_733 : vector<1x16xf32> to vector<16xf32>
        %mul3A_735 = vector.broadcast %squeeze3A_680 : f32 to vector<16xf32>
        %mul3A_736 = arith.mulf %get3A_734, %mul3A_735 : vector<16xf32>
        %mul3A_737 = arith.constant 64 : i32
        %mul3A_738 = arith.muli %add3A_678, %mul3A_737 : i32
        %add3A_739 = arith.constant 32 : i32
        %add3A_740 = arith.addi %mul3A_738, %add3A_739 : i32
        %swap3A_741 = arith.index_cast %add3A_740 : i32 to index
        %swap3A_742 = tpu.vector_load %arg16[%swap3A_741] {strides = array<i32>} : memref<8192xf32, #tpu.memory_space<vmem>>, vector<16xf32>,
        %swap3A_743 = vector.shape_cast %swap3A_742 : vector<16xf32> to vector<16xf32>
        %swap3A_744 = vector.shape_cast %mul3A_736 : vector<16xf32> to vector<16xf32>
        tpu.vector_store %arg16[%swap3A_741], %swap3A_744 {strides = array<i32>} : memref<8192xf32, #tpu.memory_space<vmem>>, vector<16xf32>,
        %add3A_745 = vector.broadcast %squeeze3A_682 : i32 to vector<16xi32>
        %add3A_746 = arith.addi %add3A_49, %add3A_745 : vector<16xi32>
        %mul3A_747 = arith.constant 64 : i32
        %mul3A_748 = arith.muli %add3A_678, %mul3A_747 : i32
        %add3A_749 = arith.constant 32 : i32
        %add3A_750 = arith.addi %mul3A_748, %add3A_749 : i32
        %swap3A_751 = arith.index_cast %add3A_750 : i32 to index
        %swap3A_752 = tpu.vector_load %arg17[%swap3A_751] {strides = array<i32>} : memref<8192xi32, #tpu.memory_space<vmem>>, vector<16xi32>,
        %swap3A_753 = vector.shape_cast %swap3A_752 : vector<16xi32> to vector<16xi32>
        %swap3A_754 = vector.shape_cast %add3A_746 : vector<16xi32> to vector<16xi32>
        tpu.vector_store %arg17[%swap3A_751], %swap3A_754 {strides = array<i32>} : memref<8192xi32, #tpu.memory_space<vmem>>, vector<16xi32>,
        %get3A_755 = arith.index_cast %add3A_678 : i32 to index
        %get3A_756 = arith.constant 48 : index
        %get3A_757 = tpu.vector_load %arg13[%get3A_755, %get3A_756] {strides = array<i32>} : memref<128x128xf32, #tpu.memory_space<vmem>>, vector<1x16xf32>,
        %get3A_758 = vector.shape_cast %get3A_757 : vector<1x16xf32> to vector<16xf32>
        %mul3A_759 = vector.broadcast %squeeze3A_680 : f32 to vector<16xf32>
        %mul3A_760 = arith.mulf %get3A_758, %mul3A_759 : vector<16xf32>
        %mul3A_761 = arith.constant 64 : i32
        %mul3A_762 = arith.muli %add3A_678, %mul3A_761 : i32
        %add3A_763 = arith.constant 48 : i32
        %add3A_764 = arith.addi %mul3A_762, %add3A_763 : i32
        %swap3A_765 = arith.index_cast %add3A_764 : i32 to index
        %swap3A_766 = tpu.vector_load %arg16[%swap3A_765] {strides = array<i32>} : memref<8192xf32, #tpu.memory_space<vmem>>, vector<16xf32>,
        %swap3A_767 = vector.shape_cast %swap3A_766 : vector<16xf32> to vector<16xf32>
        %swap3A_768 = vector.shape_cast %mul3A_760 : vector<16xf32> to vector<16xf32>
        tpu.vector_store %arg16[%swap3A_765], %swap3A_768 {strides = array<i32>} : memref<8192xf32, #tpu.memory_space<vmem>>, vector<16xf32>,
        %add3A_769 = vector.broadcast %squeeze3A_682 : i32 to vector<16xi32>
        %add3A_770 = arith.addi %add3A_53, %add3A_769 : vector<16xi32>
        %mul3A_771 = arith.constant 64 : i32
        %mul3A_772 = arith.muli %add3A_678, %mul3A_771 : i32
        %add3A_773 = arith.constant 48 : i32
        %add3A_774 = arith.addi %mul3A_772, %add3A_773 : i32
        %swap3A_775 = arith.index_cast %add3A_774 : i32 to index
        %swap3A_776 = tpu.vector_load %arg17[%swap3A_775] {strides = array<i32>} : memref<8192xi32, #tpu.memory_space<vmem>>, vector<16xi32>,
        %swap3A_777 = vector.shape_cast %swap3A_776 : vector<16xi32> to vector<16xi32>
        %swap3A_778 = vector.shape_cast %add3A_770 : vector<16xi32> to vector<16xi32>
        tpu.vector_store %arg17[%swap3A_775], %swap3A_778 {strides = array<i32>} : memref<8192xi32, #tpu.memory_space<vmem>>, vector<16xi32>,
        %mul3A_779 = arith.constant 16 : i32
        %mul3A_780 = arith.muli %scan3A_147, %mul3A_779 : i32
        %add3A_781 = arith.constant 6 : i32
        %add3A_782 = arith.addi %mul3A_780, %add3A_781 : i32
        %slice3A_783 = vector.extract_strided_slice %get3A_152 {offsets = [6], sizes = [1], strides = [1]} : vector<16xf32> to vector<1xf32>
        %squeeze3A_784 = vector.extract %slice3A_783[0] : f32 from vector<1xf32>
        %slice3A_785 = vector.extract_strided_slice %get3A_157 {offsets = [6], sizes = [1], strides = [1]} : vector<16xi32> to vector<1xi32>
        %squeeze3A_786 = vector.extract %slice3A_785[0] : i32 from vector<1xi32>
        %get3A_787 = arith.index_cast %add3A_782 : i32 to index
        %get3A_788 = arith.constant 0 : index
        %get3A_789 = tpu.vector_load %arg13[%get3A_787, %get3A_788] {strides = array<i32>} : memref<128x128xf32, #tpu.memory_space<vmem>>, vector<1x16xf32>,
        %get3A_790 = vector.shape_cast %get3A_789 : vector<1x16xf32> to vector<16xf32>
        %mul3A_791 = vector.broadcast %squeeze3A_784 : f32 to vector<16xf32>
        %mul3A_792 = arith.mulf %get3A_790, %mul3A_791 : vector<16xf32>
        %mul3A_793 = arith.constant 64 : i32
        %mul3A_794 = arith.muli %add3A_782, %mul3A_793 : i32
        %add3A_795 = arith.constant 0 : i32
        %add3A_796 = arith.addi %mul3A_794, %add3A_795 : i32
        %swap3A_797 = arith.index_cast %add3A_796 : i32 to index
        %swap3A_798 = tpu.vector_load %arg16[%swap3A_797] {strides = array<i32>} : memref<8192xf32, #tpu.memory_space<vmem>>, vector<16xf32>,
        %swap3A_799 = vector.shape_cast %swap3A_798 : vector<16xf32> to vector<16xf32>
        %swap3A_800 = vector.shape_cast %mul3A_792 : vector<16xf32> to vector<16xf32>
        tpu.vector_store %arg16[%swap3A_797], %swap3A_800 {strides = array<i32>} : memref<8192xf32, #tpu.memory_space<vmem>>, vector<16xf32>,
        %add3A_801 = vector.broadcast %squeeze3A_786 : i32 to vector<16xi32>
        %add3A_802 = arith.addi %add3A_41, %add3A_801 : vector<16xi32>
        %mul3A_803 = arith.constant 64 : i32
        %mul3A_804 = arith.muli %add3A_782, %mul3A_803 : i32
        %add3A_805 = arith.constant 0 : i32
        %add3A_806 = arith.addi %mul3A_804, %add3A_805 : i32
        %swap3A_807 = arith.index_cast %add3A_806 : i32 to index
        %swap3A_808 = tpu.vector_load %arg17[%swap3A_807] {strides = array<i32>} : memref<8192xi32, #tpu.memory_space<vmem>>, vector<16xi32>,
        %swap3A_809 = vector.shape_cast %swap3A_808 : vector<16xi32> to vector<16xi32>
        %swap3A_810 = vector.shape_cast %add3A_802 : vector<16xi32> to vector<16xi32>
        tpu.vector_store %arg17[%swap3A_807], %swap3A_810 {strides = array<i32>} : memref<8192xi32, #tpu.memory_space<vmem>>, vector<16xi32>,
        %get3A_811 = arith.index_cast %add3A_782 : i32 to index
        %get3A_812 = arith.constant 16 : index
        %get3A_813 = tpu.vector_load %arg13[%get3A_811, %get3A_812] {strides = array<i32>} : memref<128x128xf32, #tpu.memory_space<vmem>>, vector<1x16xf32>,
        %get3A_814 = vector.shape_cast %get3A_813 : vector<1x16xf32> to vector<16xf32>
        %mul3A_815 = vector.broadcast %squeeze3A_784 : f32 to vector<16xf32>
        %mul3A_816 = arith.mulf %get3A_814, %mul3A_815 : vector<16xf32>
        %mul3A_817 = arith.constant 64 : i32
        %mul3A_818 = arith.muli %add3A_782, %mul3A_817 : i32
        %add3A_819 = arith.constant 16 : i32
        %add3A_820 = arith.addi %mul3A_818, %add3A_819 : i32
        %swap3A_821 = arith.index_cast %add3A_820 : i32 to index
        %swap3A_822 = tpu.vector_load %arg16[%swap3A_821] {strides = array<i32>} : memref<8192xf32, #tpu.memory_space<vmem>>, vector<16xf32>,
        %swap3A_823 = vector.shape_cast %swap3A_822 : vector<16xf32> to vector<16xf32>
        %swap3A_824 = vector.shape_cast %mul3A_816 : vector<16xf32> to vector<16xf32>
        tpu.vector_store %arg16[%swap3A_821], %swap3A_824 {strides = array<i32>} : memref<8192xf32, #tpu.memory_space<vmem>>, vector<16xf32>,
        %add3A_825 = vector.broadcast %squeeze3A_786 : i32 to vector<16xi32>
        %add3A_826 = arith.addi %add3A_45, %add3A_825 : vector<16xi32>
        %mul3A_827 = arith.constant 64 : i32
        %mul3A_828 = arith.muli %add3A_782, %mul3A_827 : i32
        %add3A_829 = arith.constant 16 : i32
        %add3A_830 = arith.addi %mul3A_828, %add3A_829 : i32
        %swap3A_831 = arith.index_cast %add3A_830 : i32 to index
        %swap3A_832 = tpu.vector_load %arg17[%swap3A_831] {strides = array<i32>} : memref<8192xi32, #tpu.memory_space<vmem>>, vector<16xi32>,
        %swap3A_833 = vector.shape_cast %swap3A_832 : vector<16xi32> to vector<16xi32>
        %swap3A_834 = vector.shape_cast %add3A_826 : vector<16xi32> to vector<16xi32>
        tpu.vector_store %arg17[%swap3A_831], %swap3A_834 {strides = array<i32>} : memref<8192xi32, #tpu.memory_space<vmem>>, vector<16xi32>,
        %get3A_835 = arith.index_cast %add3A_782 : i32 to index
        %get3A_836 = arith.constant 32 : index
        %get3A_837 = tpu.vector_load %arg13[%get3A_835, %get3A_836] {strides = array<i32>} : memref<128x128xf32, #tpu.memory_space<vmem>>, vector<1x16xf32>,
        %get3A_838 = vector.shape_cast %get3A_837 : vector<1x16xf32> to vector<16xf32>
        %mul3A_839 = vector.broadcast %squeeze3A_784 : f32 to vector<16xf32>
        %mul3A_840 = arith.mulf %get3A_838, %mul3A_839 : vector<16xf32>
        %mul3A_841 = arith.constant 64 : i32
        %mul3A_842 = arith.muli %add3A_782, %mul3A_841 : i32
        %add3A_843 = arith.constant 32 : i32
        %add3A_844 = arith.addi %mul3A_842, %add3A_843 : i32
        %swap3A_845 = arith.index_cast %add3A_844 : i32 to index
        %swap3A_846 = tpu.vector_load %arg16[%swap3A_845] {strides = array<i32>} : memref<8192xf32, #tpu.memory_space<vmem>>, vector<16xf32>,
        %swap3A_847 = vector.shape_cast %swap3A_846 : vector<16xf32> to vector<16xf32>
        %swap3A_848 = vector.shape_cast %mul3A_840 : vector<16xf32> to vector<16xf32>
        tpu.vector_store %arg16[%swap3A_845], %swap3A_848 {strides = array<i32>} : memref<8192xf32, #tpu.memory_space<vmem>>, vector<16xf32>,
        %add3A_849 = vector.broadcast %squeeze3A_786 : i32 to vector<16xi32>
        %add3A_850 = arith.addi %add3A_49, %add3A_849 : vector<16xi32>
        %mul3A_851 = arith.constant 64 : i32
        %mul3A_852 = arith.muli %add3A_782, %mul3A_851 : i32
        %add3A_853 = arith.constant 32 : i32
        %add3A_854 = arith.addi %mul3A_852, %add3A_853 : i32
        %swap3A_855 = arith.index_cast %add3A_854 : i32 to index
        %swap3A_856 = tpu.vector_load %arg17[%swap3A_855] {strides = array<i32>} : memref<8192xi32, #tpu.memory_space<vmem>>, vector<16xi32>,
        %swap3A_857 = vector.shape_cast %swap3A_856 : vector<16xi32> to vector<16xi32>
        %swap3A_858 = vector.shape_cast %add3A_850 : vector<16xi32> to vector<16xi32>
        tpu.vector_store %arg17[%swap3A_855], %swap3A_858 {strides = array<i32>} : memref<8192xi32, #tpu.memory_space<vmem>>, vector<16xi32>,
        %get3A_859 = arith.index_cast %add3A_782 : i32 to index
        %get3A_860 = arith.constant 48 : index
        %get3A_861 = tpu.vector_load %arg13[%get3A_859, %get3A_860] {strides = array<i32>} : memref<128x128xf32, #tpu.memory_space<vmem>>, vector<1x16xf32>,
        %get3A_862 = vector.shape_cast %get3A_861 : vector<1x16xf32> to vector<16xf32>
        %mul3A_863 = vector.broadcast %squeeze3A_784 : f32 to vector<16xf32>
        %mul3A_864 = arith.mulf %get3A_862, %mul3A_863 : vector<16xf32>
        %mul3A_865 = arith.constant 64 : i32
        %mul3A_866 = arith.muli %add3A_782, %mul3A_865 : i32
        %add3A_867 = arith.constant 48 : i32
        %add3A_868 = arith.addi %mul3A_866, %add3A_867 : i32
        %swap3A_869 = arith.index_cast %add3A_868 : i32 to index
        %swap3A_870 = tpu.vector_load %arg16[%swap3A_869] {strides = array<i32>} : memref<8192xf32, #tpu.memory_space<vmem>>, vector<16xf32>,
        %swap3A_871 = vector.shape_cast %swap3A_870 : vector<16xf32> to vector<16xf32>
        %swap3A_872 = vector.shape_cast %mul3A_864 : vector<16xf32> to vector<16xf32>
        tpu.vector_store %arg16[%swap3A_869], %swap3A_872 {strides = array<i32>} : memref<8192xf32, #tpu.memory_space<vmem>>, vector<16xf32>,
        %add3A_873 = vector.broadcast %squeeze3A_786 : i32 to vector<16xi32>
        %add3A_874 = arith.addi %add3A_53, %add3A_873 : vector<16xi32>
        %mul3A_875 = arith.constant 64 : i32
        %mul3A_876 = arith.muli %add3A_782, %mul3A_875 : i32
        %add3A_877 = arith.constant 48 : i32
        %add3A_878 = arith.addi %mul3A_876, %add3A_877 : i32
        %swap3A_879 = arith.index_cast %add3A_878 : i32 to index
        %swap3A_880 = tpu.vector_load %arg17[%swap3A_879] {strides = array<i32>} : memref<8192xi32, #tpu.memory_space<vmem>>, vector<16xi32>,
        %swap3A_881 = vector.shape_cast %swap3A_880 : vector<16xi32> to vector<16xi32>
        %swap3A_882 = vector.shape_cast %add3A_874 : vector<16xi32> to vector<16xi32>
        tpu.vector_store %arg17[%swap3A_879], %swap3A_882 {strides = array<i32>} : memref<8192xi32, #tpu.memory_space<vmem>>, vector<16xi32>,
        %mul3A_883 = arith.constant 16 : i32
        %mul3A_884 = arith.muli %scan3A_147, %mul3A_883 : i32
        %add3A_885 = arith.constant 7 : i32
        %add3A_886 = arith.addi %mul3A_884, %add3A_885 : i32
        %slice3A_887 = vector.extract_strided_slice %get3A_152 {offsets = [7], sizes = [1], strides = [1]} : vector<16xf32> to vector<1xf32>
        %squeeze3A_888 = vector.extract %slice3A_887[0] : f32 from vector<1xf32>
        %slice3A_889 = vector.extract_strided_slice %get3A_157 {offsets = [7], sizes = [1], strides = [1]} : vector<16xi32> to vector<1xi32>
        %squeeze3A_890 = vector.extract %slice3A_889[0] : i32 from vector<1xi32>
        %get3A_891 = arith.index_cast %add3A_886 : i32 to index
        %get3A_892 = arith.constant 0 : index
        %get3A_893 = tpu.vector_load %arg13[%get3A_891, %get3A_892] {strides = array<i32>} : memref<128x128xf32, #tpu.memory_space<vmem>>, vector<1x16xf32>,
        %get3A_894 = vector.shape_cast %get3A_893 : vector<1x16xf32> to vector<16xf32>
        %mul3A_895 = vector.broadcast %squeeze3A_888 : f32 to vector<16xf32>
        %mul3A_896 = arith.mulf %get3A_894, %mul3A_895 : vector<16xf32>
        %mul3A_897 = arith.constant 64 : i32
        %mul3A_898 = arith.muli %add3A_886, %mul3A_897 : i32
        %add3A_899 = arith.constant 0 : i32
        %add3A_900 = arith.addi %mul3A_898, %add3A_899 : i32
        %swap3A_901 = arith.index_cast %add3A_900 : i32 to index
        %swap3A_902 = tpu.vector_load %arg16[%swap3A_901] {strides = array<i32>} : memref<8192xf32, #tpu.memory_space<vmem>>, vector<16xf32>,
        %swap3A_903 = vector.shape_cast %swap3A_902 : vector<16xf32> to vector<16xf32>
        %swap3A_904 = vector.shape_cast %mul3A_896 : vector<16xf32> to vector<16xf32>
        tpu.vector_store %arg16[%swap3A_901], %swap3A_904 {strides = array<i32>} : memref<8192xf32, #tpu.memory_space<vmem>>, vector<16xf32>,
        %add3A_905 = vector.broadcast %squeeze3A_890 : i32 to vector<16xi32>
        %add3A_906 = arith.addi %add3A_41, %add3A_905 : vector<16xi32>
        %mul3A_907 = arith.constant 64 : i32
        %mul3A_908 = arith.muli %add3A_886, %mul3A_907 : i32
        %add3A_909 = arith.constant 0 : i32
        %add3A_910 = arith.addi %mul3A_908, %add3A_909 : i32
        %swap3A_911 = arith.index_cast %add3A_910 : i32 to index
        %swap3A_912 = tpu.vector_load %arg17[%swap3A_911] {strides = array<i32>} : memref<8192xi32, #tpu.memory_space<vmem>>, vector<16xi32>,
        %swap3A_913 = vector.shape_cast %swap3A_912 : vector<16xi32> to vector<16xi32>
        %swap3A_914 = vector.shape_cast %add3A_906 : vector<16xi32> to vector<16xi32>
        tpu.vector_store %arg17[%swap3A_911], %swap3A_914 {strides = array<i32>} : memref<8192xi32, #tpu.memory_space<vmem>>, vector<16xi32>,
        %get3A_915 = arith.index_cast %add3A_886 : i32 to index
        %get3A_916 = arith.constant 16 : index
        %get3A_917 = tpu.vector_load %arg13[%get3A_915, %get3A_916] {strides = array<i32>} : memref<128x128xf32, #tpu.memory_space<vmem>>, vector<1x16xf32>,
        %get3A_918 = vector.shape_cast %get3A_917 : vector<1x16xf32> to vector<16xf32>
        %mul3A_919 = vector.broadcast %squeeze3A_888 : f32 to vector<16xf32>
        %mul3A_920 = arith.mulf %get3A_918, %mul3A_919 : vector<16xf32>
        %mul3A_921 = arith.constant 64 : i32
        %mul3A_922 = arith.muli %add3A_886, %mul3A_921 : i32
        %add3A_923 = arith.constant 16 : i32
        %add3A_924 = arith.addi %mul3A_922, %add3A_923 : i32
        %swap3A_925 = arith.index_cast %add3A_924 : i32 to index
        %swap3A_926 = tpu.vector_load %arg16[%swap3A_925] {strides = array<i32>} : memref<8192xf32, #tpu.memory_space<vmem>>, vector<16xf32>,
        %swap3A_927 = vector.shape_cast %swap3A_926 : vector<16xf32> to vector<16xf32>
        %swap3A_928 = vector.shape_cast %mul3A_920 : vector<16xf32> to vector<16xf32>
        tpu.vector_store %arg16[%swap3A_925], %swap3A_928 {strides = array<i32>} : memref<8192xf32, #tpu.memory_space<vmem>>, vector<16xf32>,
        %add3A_929 = vector.broadcast %squeeze3A_890 : i32 to vector<16xi32>
        %add3A_930 = arith.addi %add3A_45, %add3A_929 : vector<16xi32>
        %mul3A_931 = arith.constant 64 : i32
        %mul3A_932 = arith.muli %add3A_886, %mul3A_931 : i32
        %add3A_933 = arith.constant 16 : i32
        %add3A_934 = arith.addi %mul3A_932, %add3A_933 : i32
        %swap3A_935 = arith.index_cast %add3A_934 : i32 to index
        %swap3A_936 = tpu.vector_load %arg17[%swap3A_935] {strides = array<i32>} : memref<8192xi32, #tpu.memory_space<vmem>>, vector<16xi32>,
        %swap3A_937 = vector.shape_cast %swap3A_936 : vector<16xi32> to vector<16xi32>
        %swap3A_938 = vector.shape_cast %add3A_930 : vector<16xi32> to vector<16xi32>
        tpu.vector_store %arg17[%swap3A_935], %swap3A_938 {strides = array<i32>} : memref<8192xi32, #tpu.memory_space<vmem>>, vector<16xi32>,
        %get3A_939 = arith.index_cast %add3A_886 : i32 to index
        %get3A_940 = arith.constant 32 : index
        %get3A_941 = tpu.vector_load %arg13[%get3A_939, %get3A_940] {strides = array<i32>} : memref<128x128xf32, #tpu.memory_space<vmem>>, vector<1x16xf32>,
        %get3A_942 = vector.shape_cast %get3A_941 : vector<1x16xf32> to vector<16xf32>
        %mul3A_943 = vector.broadcast %squeeze3A_888 : f32 to vector<16xf32>
        %mul3A_944 = arith.mulf %get3A_942, %mul3A_943 : vector<16xf32>
        %mul3A_945 = arith.constant 64 : i32
        %mul3A_946 = arith.muli %add3A_886, %mul3A_945 : i32
        %add3A_947 = arith.constant 32 : i32
        %add3A_948 = arith.addi %mul3A_946, %add3A_947 : i32
        %swap3A_949 = arith.index_cast %add3A_948 : i32 to index
        %swap3A_950 = tpu.vector_load %arg16[%swap3A_949] {strides = array<i32>} : memref<8192xf32, #tpu.memory_space<vmem>>, vector<16xf32>,
        %swap3A_951 = vector.shape_cast %swap3A_950 : vector<16xf32> to vector<16xf32>
        %swap3A_952 = vector.shape_cast %mul3A_944 : vector<16xf32> to vector<16xf32>
        tpu.vector_store %arg16[%swap3A_949], %swap3A_952 {strides = array<i32>} : memref<8192xf32, #tpu.memory_space<vmem>>, vector<16xf32>,
        %add3A_953 = vector.broadcast %squeeze3A_890 : i32 to vector<16xi32>
        %add3A_954 = arith.addi %add3A_49, %add3A_953 : vector<16xi32>
        %mul3A_955 = arith.constant 64 : i32
        %mul3A_956 = arith.muli %add3A_886, %mul3A_955 : i32
        %add3A_957 = arith.constant 32 : i32
        %add3A_958 = arith.addi %mul3A_956, %add3A_957 : i32
        %swap3A_959 = arith.index_cast %add3A_958 : i32 to index
        %swap3A_960 = tpu.vector_load %arg17[%swap3A_959] {strides = array<i32>} : memref<8192xi32, #tpu.memory_space<vmem>>, vector<16xi32>,
        %swap3A_961 = vector.shape_cast %swap3A_960 : vector<16xi32> to vector<16xi32>
        %swap3A_962 = vector.shape_cast %add3A_954 : vector<16xi32> to vector<16xi32>
        tpu.vector_store %arg17[%swap3A_959], %swap3A_962 {strides = array<i32>} : memref<8192xi32, #tpu.memory_space<vmem>>, vector<16xi32>,
        %get3A_963 = arith.index_cast %add3A_886 : i32 to index
        %get3A_964 = arith.constant 48 : index
        %get3A_965 = tpu.vector_load %arg13[%get3A_963, %get3A_964] {strides = array<i32>} : memref<128x128xf32, #tpu.memory_space<vmem>>, vector<1x16xf32>,
        %get3A_966 = vector.shape_cast %get3A_965 : vector<1x16xf32> to vector<16xf32>
        %mul3A_967 = vector.broadcast %squeeze3A_888 : f32 to vector<16xf32>
        %mul3A_968 = arith.mulf %get3A_966, %mul3A_967 : vector<16xf32>
        %mul3A_969 = arith.constant 64 : i32
        %mul3A_970 = arith.muli %add3A_886, %mul3A_969 : i32
        %add3A_971 = arith.constant 48 : i32
        %add3A_972 = arith.addi %mul3A_970, %add3A_971 : i32
        %swap3A_973 = arith.index_cast %add3A_972 : i32 to index
        %swap3A_974 = tpu.vector_load %arg16[%swap3A_973] {strides = array<i32>} : memref<8192xf32, #tpu.memory_space<vmem>>, vector<16xf32>,
        %swap3A_975 = vector.shape_cast %swap3A_974 : vector<16xf32> to vector<16xf32>
        %swap3A_976 = vector.shape_cast %mul3A_968 : vector<16xf32> to vector<16xf32>
        tpu.vector_store %arg16[%swap3A_973], %swap3A_976 {strides = array<i32>} : memref<8192xf32, #tpu.memory_space<vmem>>, vector<16xf32>,
        %add3A_977 = vector.broadcast %squeeze3A_890 : i32 to vector<16xi32>
        %add3A_978 = arith.addi %add3A_53, %add3A_977 : vector<16xi32>
        %mul3A_979 = arith.constant 64 : i32
        %mul3A_980 = arith.muli %add3A_886, %mul3A_979 : i32
        %add3A_981 = arith.constant 48 : i32
        %add3A_982 = arith.addi %mul3A_980, %add3A_981 : i32
        %swap3A_983 = arith.index_cast %add3A_982 : i32 to index
        %swap3A_984 = tpu.vector_load %arg17[%swap3A_983] {strides = array<i32>} : memref<8192xi32, #tpu.memory_space<vmem>>, vector<16xi32>,
        %swap3A_985 = vector.shape_cast %swap3A_984 : vector<16xi32> to vector<16xi32>
        %swap3A_986 = vector.shape_cast %add3A_978 : vector<16xi32> to vector<16xi32>
        tpu.vector_store %arg17[%swap3A_983], %swap3A_986 {strides = array<i32>} : memref<8192xi32, #tpu.memory_space<vmem>>, vector<16xi32>,
        %mul3A_987 = arith.constant 16 : i32
        %mul3A_988 = arith.muli %scan3A_147, %mul3A_987 : i32
        %add3A_989 = arith.constant 8 : i32
        %add3A_990 = arith.addi %mul3A_988, %add3A_989 : i32
        %slice3A_991 = vector.extract_strided_slice %get3A_152 {offsets = [8], sizes = [1], strides = [1]} : vector<16xf32> to vector<1xf32>
        %squeeze3A_992 = vector.extract %slice3A_991[0] : f32 from vector<1xf32>
        %slice3A_993 = vector.extract_strided_slice %get3A_157 {offsets = [8], sizes = [1], strides = [1]} : vector<16xi32> to vector<1xi32>
        %squeeze3A_994 = vector.extract %slice3A_993[0] : i32 from vector<1xi32>
        %get3A_995 = arith.index_cast %add3A_990 : i32 to index
        %get3A_996 = arith.constant 0 : index
        %get3A_997 = tpu.vector_load %arg13[%get3A_995, %get3A_996] {strides = array<i32>} : memref<128x128xf32, #tpu.memory_space<vmem>>, vector<1x16xf32>,
        %get3A_998 = vector.shape_cast %get3A_997 : vector<1x16xf32> to vector<16xf32>
        %mul3A_999 = vector.broadcast %squeeze3A_992 : f32 to vector<16xf32>
        %mul3A_1000 = arith.mulf %get3A_998, %mul3A_999 : vector<16xf32>
        %mul3A_1001 = arith.constant 64 : i32
        %mul3A_1002 = arith.muli %add3A_990, %mul3A_1001 : i32
        %add3A_1003 = arith.constant 0 : i32
        %add3A_1004 = arith.addi %mul3A_1002, %add3A_1003 : i32
        %swap3A_1005 = arith.index_cast %add3A_1004 : i32 to index
        %swap3A_1006 = tpu.vector_load %arg16[%swap3A_1005] {strides = array<i32>} : memref<8192xf32, #tpu.memory_space<vmem>>, vector<16xf32>,
        %swap3A_1007 = vector.shape_cast %swap3A_1006 : vector<16xf32> to vector<16xf32>
        %swap3A_1008 = vector.shape_cast %mul3A_1000 : vector<16xf32> to vector<16xf32>
        tpu.vector_store %arg16[%swap3A_1005], %swap3A_1008 {strides = array<i32>} : memref<8192xf32, #tpu.memory_space<vmem>>, vector<16xf32>,
        %add3A_1009 = vector.broadcast %squeeze3A_994 : i32 to vector<16xi32>
        %add3A_1010 = arith.addi %add3A_41, %add3A_1009 : vector<16xi32>
        %mul3A_1011 = arith.constant 64 : i32
        %mul3A_1012 = arith.muli %add3A_990, %mul3A_1011 : i32
        %add3A_1013 = arith.constant 0 : i32
        %add3A_1014 = arith.addi %mul3A_1012, %add3A_1013 : i32
        %swap3A_1015 = arith.index_cast %add3A_1014 : i32 to index
        %swap3A_1016 = tpu.vector_load %arg17[%swap3A_1015] {strides = array<i32>} : memref<8192xi32, #tpu.memory_space<vmem>>, vector<16xi32>,
        %swap3A_1017 = vector.shape_cast %swap3A_1016 : vector<16xi32> to vector<16xi32>
        %swap3A_1018 = vector.shape_cast %add3A_1010 : vector<16xi32> to vector<16xi32>
        tpu.vector_store %arg17[%swap3A_1015], %swap3A_1018 {strides = array<i32>} : memref<8192xi32, #tpu.memory_space<vmem>>, vector<16xi32>,
        %get3A_1019 = arith.index_cast %add3A_990 : i32 to index
        %get3A_1020 = arith.constant 16 : index
        %get3A_1021 = tpu.vector_load %arg13[%get3A_1019, %get3A_1020] {strides = array<i32>} : memref<128x128xf32, #tpu.memory_space<vmem>>, vector<1x16xf32>,
        %get3A_1022 = vector.shape_cast %get3A_1021 : vector<1x16xf32> to vector<16xf32>
        %mul3A_1023 = vector.broadcast %squeeze3A_992 : f32 to vector<16xf32>
        %mul3A_1024 = arith.mulf %get3A_1022, %mul3A_1023 : vector<16xf32>
        %mul3A_1025 = arith.constant 64 : i32
        %mul3A_1026 = arith.muli %add3A_990, %mul3A_1025 : i32
        %add3A_1027 = arith.constant 16 : i32
        %add3A_1028 = arith.addi %mul3A_1026, %add3A_1027 : i32
        %swap3A_1029 = arith.index_cast %add3A_1028 : i32 to index
        %swap3A_1030 = tpu.vector_load %arg16[%swap3A_1029] {strides = array<i32>} : memref<8192xf32, #tpu.memory_space<vmem>>, vector<16xf32>,
        %swap3A_1031 = vector.shape_cast %swap3A_1030 : vector<16xf32> to vector<16xf32>
        %swap3A_1032 = vector.shape_cast %mul3A_1024 : vector<16xf32> to vector<16xf32>
        tpu.vector_store %arg16[%swap3A_1029], %swap3A_1032 {strides = array<i32>} : memref<8192xf32, #tpu.memory_space<vmem>>, vector<16xf32>,
        %add3A_1033 = vector.broadcast %squeeze3A_994 : i32 to vector<16xi32>
        %add3A_1034 = arith.addi %add3A_45, %add3A_1033 : vector<16xi32>
        %mul3A_1035 = arith.constant 64 : i32
        %mul3A_1036 = arith.muli %add3A_990, %mul3A_1035 : i32
        %add3A_1037 = arith.constant 16 : i32
        %add3A_1038 = arith.addi %mul3A_1036, %add3A_1037 : i32
        %swap3A_1039 = arith.index_cast %add3A_1038 : i32 to index
        %swap3A_1040 = tpu.vector_load %arg17[%swap3A_1039] {strides = array<i32>} : memref<8192xi32, #tpu.memory_space<vmem>>, vector<16xi32>,
        %swap3A_1041 = vector.shape_cast %swap3A_1040 : vector<16xi32> to vector<16xi32>
        %swap3A_1042 = vector.shape_cast %add3A_1034 : vector<16xi32> to vector<16xi32>
        tpu.vector_store %arg17[%swap3A_1039], %swap3A_1042 {strides = array<i32>} : memref<8192xi32, #tpu.memory_space<vmem>>, vector<16xi32>,
        %get3A_1043 = arith.index_cast %add3A_990 : i32 to index
        %get3A_1044 = arith.constant 32 : index
        %get3A_1045 = tpu.vector_load %arg13[%get3A_1043, %get3A_1044] {strides = array<i32>} : memref<128x128xf32, #tpu.memory_space<vmem>>, vector<1x16xf32>,
        %get3A_1046 = vector.shape_cast %get3A_1045 : vector<1x16xf32> to vector<16xf32>
        %mul3A_1047 = vector.broadcast %squeeze3A_992 : f32 to vector<16xf32>
        %mul3A_1048 = arith.mulf %get3A_1046, %mul3A_1047 : vector<16xf32>
        %mul3A_1049 = arith.constant 64 : i32
        %mul3A_1050 = arith.muli %add3A_990, %mul3A_1049 : i32
        %add3A_1051 = arith.constant 32 : i32
        %add3A_1052 = arith.addi %mul3A_1050, %add3A_1051 : i32
        %swap3A_1053 = arith.index_cast %add3A_1052 : i32 to index
        %swap3A_1054 = tpu.vector_load %arg16[%swap3A_1053] {strides = array<i32>} : memref<8192xf32, #tpu.memory_space<vmem>>, vector<16xf32>,
        %swap3A_1055 = vector.shape_cast %swap3A_1054 : vector<16xf32> to vector<16xf32>
        %swap3A_1056 = vector.shape_cast %mul3A_1048 : vector<16xf32> to vector<16xf32>
        tpu.vector_store %arg16[%swap3A_1053], %swap3A_1056 {strides = array<i32>} : memref<8192xf32, #tpu.memory_space<vmem>>, vector<16xf32>,
        %add3A_1057 = vector.broadcast %squeeze3A_994 : i32 to vector<16xi32>
        %add3A_1058 = arith.addi %add3A_49, %add3A_1057 : vector<16xi32>
        %mul3A_1059 = arith.constant 64 : i32
        %mul3A_1060 = arith.muli %add3A_990, %mul3A_1059 : i32
        %add3A_1061 = arith.constant 32 : i32
        %add3A_1062 = arith.addi %mul3A_1060, %add3A_1061 : i32
        %swap3A_1063 = arith.index_cast %add3A_1062 : i32 to index
        %swap3A_1064 = tpu.vector_load %arg17[%swap3A_1063] {strides = array<i32>} : memref<8192xi32, #tpu.memory_space<vmem>>, vector<16xi32>,
        %swap3A_1065 = vector.shape_cast %swap3A_1064 : vector<16xi32> to vector<16xi32>
        %swap3A_1066 = vector.shape_cast %add3A_1058 : vector<16xi32> to vector<16xi32>
        tpu.vector_store %arg17[%swap3A_1063], %swap3A_1066 {strides = array<i32>} : memref<8192xi32, #tpu.memory_space<vmem>>, vector<16xi32>,
        %get3A_1067 = arith.index_cast %add3A_990 : i32 to index
        %get3A_1068 = arith.constant 48 : index
        %get3A_1069 = tpu.vector_load %arg13[%get3A_1067, %get3A_1068] {strides = array<i32>} : memref<128x128xf32, #tpu.memory_space<vmem>>, vector<1x16xf32>,
        %get3A_1070 = vector.shape_cast %get3A_1069 : vector<1x16xf32> to vector<16xf32>
        %mul3A_1071 = vector.broadcast %squeeze3A_992 : f32 to vector<16xf32>
        %mul3A_1072 = arith.mulf %get3A_1070, %mul3A_1071 : vector<16xf32>
        %mul3A_1073 = arith.constant 64 : i32
        %mul3A_1074 = arith.muli %add3A_990, %mul3A_1073 : i32
        %add3A_1075 = arith.constant 48 : i32
        %add3A_1076 = arith.addi %mul3A_1074, %add3A_1075 : i32
        %swap3A_1077 = arith.index_cast %add3A_1076 : i32 to index
        %swap3A_1078 = tpu.vector_load %arg16[%swap3A_1077] {strides = array<i32>} : memref<8192xf32, #tpu.memory_space<vmem>>, vector<16xf32>,
        %swap3A_1079 = vector.shape_cast %swap3A_1078 : vector<16xf32> to vector<16xf32>
        %swap3A_1080 = vector.shape_cast %mul3A_1072 : vector<16xf32> to vector<16xf32>
        tpu.vector_store %arg16[%swap3A_1077], %swap3A_1080 {strides = array<i32>} : memref<8192xf32, #tpu.memory_space<vmem>>, vector<16xf32>,
        %add3A_1081 = vector.broadcast %squeeze3A_994 : i32 to vector<16xi32>
        %add3A_1082 = arith.addi %add3A_53, %add3A_1081 : vector<16xi32>
        %mul3A_1083 = arith.constant 64 : i32
        %mul3A_1084 = arith.muli %add3A_990, %mul3A_1083 : i32
        %add3A_1085 = arith.constant 48 : i32
        %add3A_1086 = arith.addi %mul3A_1084, %add3A_1085 : i32
        %swap3A_1087 = arith.index_cast %add3A_1086 : i32 to index
        %swap3A_1088 = tpu.vector_load %arg17[%swap3A_1087] {strides = array<i32>} : memref<8192xi32, #tpu.memory_space<vmem>>, vector<16xi32>,
        %swap3A_1089 = vector.shape_cast %swap3A_1088 : vector<16xi32> to vector<16xi32>
        %swap3A_1090 = vector.shape_cast %add3A_1082 : vector<16xi32> to vector<16xi32>
        tpu.vector_store %arg17[%swap3A_1087], %swap3A_1090 {strides = array<i32>} : memref<8192xi32, #tpu.memory_space<vmem>>, vector<16xi32>,
        %mul3A_1091 = arith.constant 16 : i32
        %mul3A_1092 = arith.muli %scan3A_147, %mul3A_1091 : i32
        %add3A_1093 = arith.constant 9 : i32
        %add3A_1094 = arith.addi %mul3A_1092, %add3A_1093 : i32
        %slice3A_1095 = vector.extract_strided_slice %get3A_152 {offsets = [9], sizes = [1], strides = [1]} : vector<16xf32> to vector<1xf32>
        %squeeze3A_1096 = vector.extract %slice3A_1095[0] : f32 from vector<1xf32>
        %slice3A_1097 = vector.extract_strided_slice %get3A_157 {offsets = [9], sizes = [1], strides = [1]} : vector<16xi32> to vector<1xi32>
        %squeeze3A_1098 = vector.extract %slice3A_1097[0] : i32 from vector<1xi32>
        %get3A_1099 = arith.index_cast %add3A_1094 : i32 to index
        %get3A_1100 = arith.constant 0 : index
        %get3A_1101 = tpu.vector_load %arg13[%get3A_1099, %get3A_1100] {strides = array<i32>} : memref<128x128xf32, #tpu.memory_space<vmem>>, vector<1x16xf32>,
        %get3A_1102 = vector.shape_cast %get3A_1101 : vector<1x16xf32> to vector<16xf32>
        %mul3A_1103 = vector.broadcast %squeeze3A_1096 : f32 to vector<16xf32>
        %mul3A_1104 = arith.mulf %get3A_1102, %mul3A_1103 : vector<16xf32>
        %mul3A_1105 = arith.constant 64 : i32
        %mul3A_1106 = arith.muli %add3A_1094, %mul3A_1105 : i32
        %add3A_1107 = arith.constant 0 : i32
        %add3A_1108 = arith.addi %mul3A_1106, %add3A_1107 : i32
        %swap3A_1109 = arith.index_cast %add3A_1108 : i32 to index
        %swap3A_1110 = tpu.vector_load %arg16[%swap3A_1109] {strides = array<i32>} : memref<8192xf32, #tpu.memory_space<vmem>>, vector<16xf32>,
        %swap3A_1111 = vector.shape_cast %swap3A_1110 : vector<16xf32> to vector<16xf32>
        %swap3A_1112 = vector.shape_cast %mul3A_1104 : vector<16xf32> to vector<16xf32>
        tpu.vector_store %arg16[%swap3A_1109], %swap3A_1112 {strides = array<i32>} : memref<8192xf32, #tpu.memory_space<vmem>>, vector<16xf32>,
        %add3A_1113 = vector.broadcast %squeeze3A_1098 : i32 to vector<16xi32>
        %add3A_1114 = arith.addi %add3A_41, %add3A_1113 : vector<16xi32>
        %mul3A_1115 = arith.constant 64 : i32
        %mul3A_1116 = arith.muli %add3A_1094, %mul3A_1115 : i32
        %add3A_1117 = arith.constant 0 : i32
        %add3A_1118 = arith.addi %mul3A_1116, %add3A_1117 : i32
        %swap3A_1119 = arith.index_cast %add3A_1118 : i32 to index
        %swap3A_1120 = tpu.vector_load %arg17[%swap3A_1119] {strides = array<i32>} : memref<8192xi32, #tpu.memory_space<vmem>>, vector<16xi32>,
        %swap3A_1121 = vector.shape_cast %swap3A_1120 : vector<16xi32> to vector<16xi32>
        %swap3A_1122 = vector.shape_cast %add3A_1114 : vector<16xi32> to vector<16xi32>
        tpu.vector_store %arg17[%swap3A_1119], %swap3A_1122 {strides = array<i32>} : memref<8192xi32, #tpu.memory_space<vmem>>, vector<16xi32>,
        %get3A_1123 = arith.index_cast %add3A_1094 : i32 to index
        %get3A_1124 = arith.constant 16 : index
        %get3A_1125 = tpu.vector_load %arg13[%get3A_1123, %get3A_1124] {strides = array<i32>} : memref<128x128xf32, #tpu.memory_space<vmem>>, vector<1x16xf32>,
        %get3A_1126 = vector.shape_cast %get3A_1125 : vector<1x16xf32> to vector<16xf32>
        %mul3A_1127 = vector.broadcast %squeeze3A_1096 : f32 to vector<16xf32>
        %mul3A_1128 = arith.mulf %get3A_1126, %mul3A_1127 : vector<16xf32>
        %mul3A_1129 = arith.constant 64 : i32
        %mul3A_1130 = arith.muli %add3A_1094, %mul3A_1129 : i32
        %add3A_1131 = arith.constant 16 : i32
        %add3A_1132 = arith.addi %mul3A_1130, %add3A_1131 : i32
        %swap3A_1133 = arith.index_cast %add3A_1132 : i32 to index
        %swap3A_1134 = tpu.vector_load %arg16[%swap3A_1133] {strides = array<i32>} : memref<8192xf32, #tpu.memory_space<vmem>>, vector<16xf32>,
        %swap3A_1135 = vector.shape_cast %swap3A_1134 : vector<16xf32> to vector<16xf32>
        %swap3A_1136 = vector.shape_cast %mul3A_1128 : vector<16xf32> to vector<16xf32>
        tpu.vector_store %arg16[%swap3A_1133], %swap3A_1136 {strides = array<i32>} : memref<8192xf32, #tpu.memory_space<vmem>>, vector<16xf32>,
        %add3A_1137 = vector.broadcast %squeeze3A_1098 : i32 to vector<16xi32>
        %add3A_1138 = arith.addi %add3A_45, %add3A_1137 : vector<16xi32>
        %mul3A_1139 = arith.constant 64 : i32
        %mul3A_1140 = arith.muli %add3A_1094, %mul3A_1139 : i32
        %add3A_1141 = arith.constant 16 : i32
        %add3A_1142 = arith.addi %mul3A_1140, %add3A_1141 : i32
        %swap3A_1143 = arith.index_cast %add3A_1142 : i32 to index
        %swap3A_1144 = tpu.vector_load %arg17[%swap3A_1143] {strides = array<i32>} : memref<8192xi32, #tpu.memory_space<vmem>>, vector<16xi32>,
        %swap3A_1145 = vector.shape_cast %swap3A_1144 : vector<16xi32> to vector<16xi32>
        %swap3A_1146 = vector.shape_cast %add3A_1138 : vector<16xi32> to vector<16xi32>
        tpu.vector_store %arg17[%swap3A_1143], %swap3A_1146 {strides = array<i32>} : memref<8192xi32, #tpu.memory_space<vmem>>, vector<16xi32>,
        %get3A_1147 = arith.index_cast %add3A_1094 : i32 to index
        %get3A_1148 = arith.constant 32 : index
        %get3A_1149 = tpu.vector_load %arg13[%get3A_1147, %get3A_1148] {strides = array<i32>} : memref<128x128xf32, #tpu.memory_space<vmem>>, vector<1x16xf32>,
        %get3A_1150 = vector.shape_cast %get3A_1149 : vector<1x16xf32> to vector<16xf32>
        %mul3A_1151 = vector.broadcast %squeeze3A_1096 : f32 to vector<16xf32>
        %mul3A_1152 = arith.mulf %get3A_1150, %mul3A_1151 : vector<16xf32>
        %mul3A_1153 = arith.constant 64 : i32
        %mul3A_1154 = arith.muli %add3A_1094, %mul3A_1153 : i32
        %add3A_1155 = arith.constant 32 : i32
        %add3A_1156 = arith.addi %mul3A_1154, %add3A_1155 : i32
        %swap3A_1157 = arith.index_cast %add3A_1156 : i32 to index
        %swap3A_1158 = tpu.vector_load %arg16[%swap3A_1157] {strides = array<i32>} : memref<8192xf32, #tpu.memory_space<vmem>>, vector<16xf32>,
        %swap3A_1159 = vector.shape_cast %swap3A_1158 : vector<16xf32> to vector<16xf32>
        %swap3A_1160 = vector.shape_cast %mul3A_1152 : vector<16xf32> to vector<16xf32>
        tpu.vector_store %arg16[%swap3A_1157], %swap3A_1160 {strides = array<i32>} : memref<8192xf32, #tpu.memory_space<vmem>>, vector<16xf32>,
        %add3A_1161 = vector.broadcast %squeeze3A_1098 : i32 to vector<16xi32>
        %add3A_1162 = arith.addi %add3A_49, %add3A_1161 : vector<16xi32>
        %mul3A_1163 = arith.constant 64 : i32
        %mul3A_1164 = arith.muli %add3A_1094, %mul3A_1163 : i32
        %add3A_1165 = arith.constant 32 : i32
        %add3A_1166 = arith.addi %mul3A_1164, %add3A_1165 : i32
        %swap3A_1167 = arith.index_cast %add3A_1166 : i32 to index
        %swap3A_1168 = tpu.vector_load %arg17[%swap3A_1167] {strides = array<i32>} : memref<8192xi32, #tpu.memory_space<vmem>>, vector<16xi32>,
        %swap3A_1169 = vector.shape_cast %swap3A_1168 : vector<16xi32> to vector<16xi32>
        %swap3A_1170 = vector.shape_cast %add3A_1162 : vector<16xi32> to vector<16xi32>
        tpu.vector_store %arg17[%swap3A_1167], %swap3A_1170 {strides = array<i32>} : memref<8192xi32, #tpu.memory_space<vmem>>, vector<16xi32>,
        %get3A_1171 = arith.index_cast %add3A_1094 : i32 to index
        %get3A_1172 = arith.constant 48 : index
        %get3A_1173 = tpu.vector_load %arg13[%get3A_1171, %get3A_1172] {strides = array<i32>} : memref<128x128xf32, #tpu.memory_space<vmem>>, vector<1x16xf32>,
        %get3A_1174 = vector.shape_cast %get3A_1173 : vector<1x16xf32> to vector<16xf32>
        %mul3A_1175 = vector.broadcast %squeeze3A_1096 : f32 to vector<16xf32>
        %mul3A_1176 = arith.mulf %get3A_1174, %mul3A_1175 : vector<16xf32>
        %mul3A_1177 = arith.constant 64 : i32
        %mul3A_1178 = arith.muli %add3A_1094, %mul3A_1177 : i32
        %add3A_1179 = arith.constant 48 : i32
        %add3A_1180 = arith.addi %mul3A_1178, %add3A_1179 : i32
        %swap3A_1181 = arith.index_cast %add3A_1180 : i32 to index
        %swap3A_1182 = tpu.vector_load %arg16[%swap3A_1181] {strides = array<i32>} : memref<8192xf32, #tpu.memory_space<vmem>>, vector<16xf32>,
        %swap3A_1183 = vector.shape_cast %swap3A_1182 : vector<16xf32> to vector<16xf32>
        %swap3A_1184 = vector.shape_cast %mul3A_1176 : vector<16xf32> to vector<16xf32>
        tpu.vector_store %arg16[%swap3A_1181], %swap3A_1184 {strides = array<i32>} : memref<8192xf32, #tpu.memory_space<vmem>>, vector<16xf32>,
        %add3A_1185 = vector.broadcast %squeeze3A_1098 : i32 to vector<16xi32>
        %add3A_1186 = arith.addi %add3A_53, %add3A_1185 : vector<16xi32>
        %mul3A_1187 = arith.constant 64 : i32
        %mul3A_1188 = arith.muli %add3A_1094, %mul3A_1187 : i32
        %add3A_1189 = arith.constant 48 : i32
        %add3A_1190 = arith.addi %mul3A_1188, %add3A_1189 : i32
        %swap3A_1191 = arith.index_cast %add3A_1190 : i32 to index
        %swap3A_1192 = tpu.vector_load %arg17[%swap3A_1191] {strides = array<i32>} : memref<8192xi32, #tpu.memory_space<vmem>>, vector<16xi32>,
        %swap3A_1193 = vector.shape_cast %swap3A_1192 : vector<16xi32> to vector<16xi32>
        %swap3A_1194 = vector.shape_cast %add3A_1186 : vector<16xi32> to vector<16xi32>
        tpu.vector_store %arg17[%swap3A_1191], %swap3A_1194 {strides = array<i32>} : memref<8192xi32, #tpu.memory_space<vmem>>, vector<16xi32>,
        %mul3A_1195 = arith.constant 16 : i32
        %mul3A_1196 = arith.muli %scan3A_147, %mul3A_1195 : i32
        %add3A_1197 = arith.constant 10 : i32
        %add3A_1198 = arith.addi %mul3A_1196, %add3A_1197 : i32
        %slice3A_1199 = vector.extract_strided_slice %get3A_152 {offsets = [10], sizes = [1], strides = [1]} : vector<16xf32> to vector<1xf32>
        %squeeze3A_1200 = vector.extract %slice3A_1199[0] : f32 from vector<1xf32>
        %slice3A_1201 = vector.extract_strided_slice %get3A_157 {offsets = [10], sizes = [1], strides = [1]} : vector<16xi32> to vector<1xi32>
        %squeeze3A_1202 = vector.extract %slice3A_1201[0] : i32 from vector<1xi32>
        %get3A_1203 = arith.index_cast %add3A_1198 : i32 to index
        %get3A_1204 = arith.constant 0 : index
        %get3A_1205 = tpu.vector_load %arg13[%get3A_1203, %get3A_1204] {strides = array<i32>} : memref<128x128xf32, #tpu.memory_space<vmem>>, vector<1x16xf32>,
        %get3A_1206 = vector.shape_cast %get3A_1205 : vector<1x16xf32> to vector<16xf32>
        %mul3A_1207 = vector.broadcast %squeeze3A_1200 : f32 to vector<16xf32>
        %mul3A_1208 = arith.mulf %get3A_1206, %mul3A_1207 : vector<16xf32>
        %mul3A_1209 = arith.constant 64 : i32
        %mul3A_1210 = arith.muli %add3A_1198, %mul3A_1209 : i32
        %add3A_1211 = arith.constant 0 : i32
        %add3A_1212 = arith.addi %mul3A_1210, %add3A_1211 : i32
        %swap3A_1213 = arith.index_cast %add3A_1212 : i32 to index
        %swap3A_1214 = tpu.vector_load %arg16[%swap3A_1213] {strides = array<i32>} : memref<8192xf32, #tpu.memory_space<vmem>>, vector<16xf32>,
        %swap3A_1215 = vector.shape_cast %swap3A_1214 : vector<16xf32> to vector<16xf32>
        %swap3A_1216 = vector.shape_cast %mul3A_1208 : vector<16xf32> to vector<16xf32>
        tpu.vector_store %arg16[%swap3A_1213], %swap3A_1216 {strides = array<i32>} : memref<8192xf32, #tpu.memory_space<vmem>>, vector<16xf32>,
        %add3A_1217 = vector.broadcast %squeeze3A_1202 : i32 to vector<16xi32>
        %add3A_1218 = arith.addi %add3A_41, %add3A_1217 : vector<16xi32>
        %mul3A_1219 = arith.constant 64 : i32
        %mul3A_1220 = arith.muli %add3A_1198, %mul3A_1219 : i32
        %add3A_1221 = arith.constant 0 : i32
        %add3A_1222 = arith.addi %mul3A_1220, %add3A_1221 : i32
        %swap3A_1223 = arith.index_cast %add3A_1222 : i32 to index
        %swap3A_1224 = tpu.vector_load %arg17[%swap3A_1223] {strides = array<i32>} : memref<8192xi32, #tpu.memory_space<vmem>>, vector<16xi32>,
        %swap3A_1225 = vector.shape_cast %swap3A_1224 : vector<16xi32> to vector<16xi32>
        %swap3A_1226 = vector.shape_cast %add3A_1218 : vector<16xi32> to vector<16xi32>
        tpu.vector_store %arg17[%swap3A_1223], %swap3A_1226 {strides = array<i32>} : memref<8192xi32, #tpu.memory_space<vmem>>, vector<16xi32>,
        %get3A_1227 = arith.index_cast %add3A_1198 : i32 to index
        %get3A_1228 = arith.constant 16 : index
        %get3A_1229 = tpu.vector_load %arg13[%get3A_1227, %get3A_1228] {strides = array<i32>} : memref<128x128xf32, #tpu.memory_space<vmem>>, vector<1x16xf32>,
        %get3A_1230 = vector.shape_cast %get3A_1229 : vector<1x16xf32> to vector<16xf32>
        %mul3A_1231 = vector.broadcast %squeeze3A_1200 : f32 to vector<16xf32>
        %mul3A_1232 = arith.mulf %get3A_1230, %mul3A_1231 : vector<16xf32>
        %mul3A_1233 = arith.constant 64 : i32
        %mul3A_1234 = arith.muli %add3A_1198, %mul3A_1233 : i32
        %add3A_1235 = arith.constant 16 : i32
        %add3A_1236 = arith.addi %mul3A_1234, %add3A_1235 : i32
        %swap3A_1237 = arith.index_cast %add3A_1236 : i32 to index
        %swap3A_1238 = tpu.vector_load %arg16[%swap3A_1237] {strides = array<i32>} : memref<8192xf32, #tpu.memory_space<vmem>>, vector<16xf32>,
        %swap3A_1239 = vector.shape_cast %swap3A_1238 : vector<16xf32> to vector<16xf32>
        %swap3A_1240 = vector.shape_cast %mul3A_1232 : vector<16xf32> to vector<16xf32>
        tpu.vector_store %arg16[%swap3A_1237], %swap3A_1240 {strides = array<i32>} : memref<8192xf32, #tpu.memory_space<vmem>>, vector<16xf32>,
        %add3A_1241 = vector.broadcast %squeeze3A_1202 : i32 to vector<16xi32>
        %add3A_1242 = arith.addi %add3A_45, %add3A_1241 : vector<16xi32>
        %mul3A_1243 = arith.constant 64 : i32
        %mul3A_1244 = arith.muli %add3A_1198, %mul3A_1243 : i32
        %add3A_1245 = arith.constant 16 : i32
        %add3A_1246 = arith.addi %mul3A_1244, %add3A_1245 : i32
        %swap3A_1247 = arith.index_cast %add3A_1246 : i32 to index
        %swap3A_1248 = tpu.vector_load %arg17[%swap3A_1247] {strides = array<i32>} : memref<8192xi32, #tpu.memory_space<vmem>>, vector<16xi32>,
        %swap3A_1249 = vector.shape_cast %swap3A_1248 : vector<16xi32> to vector<16xi32>
        %swap3A_1250 = vector.shape_cast %add3A_1242 : vector<16xi32> to vector<16xi32>
        tpu.vector_store %arg17[%swap3A_1247], %swap3A_1250 {strides = array<i32>} : memref<8192xi32, #tpu.memory_space<vmem>>, vector<16xi32>,
        %get3A_1251 = arith.index_cast %add3A_1198 : i32 to index
        %get3A_1252 = arith.constant 32 : index
        %get3A_1253 = tpu.vector_load %arg13[%get3A_1251, %get3A_1252] {strides = array<i32>} : memref<128x128xf32, #tpu.memory_space<vmem>>, vector<1x16xf32>,
        %get3A_1254 = vector.shape_cast %get3A_1253 : vector<1x16xf32> to vector<16xf32>
        %mul3A_1255 = vector.broadcast %squeeze3A_1200 : f32 to vector<16xf32>
        %mul3A_1256 = arith.mulf %get3A_1254, %mul3A_1255 : vector<16xf32>
        %mul3A_1257 = arith.constant 64 : i32
        %mul3A_1258 = arith.muli %add3A_1198, %mul3A_1257 : i32
        %add3A_1259 = arith.constant 32 : i32
        %add3A_1260 = arith.addi %mul3A_1258, %add3A_1259 : i32
        %swap3A_1261 = arith.index_cast %add3A_1260 : i32 to index
        %swap3A_1262 = tpu.vector_load %arg16[%swap3A_1261] {strides = array<i32>} : memref<8192xf32, #tpu.memory_space<vmem>>, vector<16xf32>,
        %swap3A_1263 = vector.shape_cast %swap3A_1262 : vector<16xf32> to vector<16xf32>
        %swap3A_1264 = vector.shape_cast %mul3A_1256 : vector<16xf32> to vector<16xf32>
        tpu.vector_store %arg16[%swap3A_1261], %swap3A_1264 {strides = array<i32>} : memref<8192xf32, #tpu.memory_space<vmem>>, vector<16xf32>,
        %add3A_1265 = vector.broadcast %squeeze3A_1202 : i32 to vector<16xi32>
        %add3A_1266 = arith.addi %add3A_49, %add3A_1265 : vector<16xi32>
        %mul3A_1267 = arith.constant 64 : i32
        %mul3A_1268 = arith.muli %add3A_1198, %mul3A_1267 : i32
        %add3A_1269 = arith.constant 32 : i32
        %add3A_1270 = arith.addi %mul3A_1268, %add3A_1269 : i32
        %swap3A_1271 = arith.index_cast %add3A_1270 : i32 to index
        %swap3A_1272 = tpu.vector_load %arg17[%swap3A_1271] {strides = array<i32>} : memref<8192xi32, #tpu.memory_space<vmem>>, vector<16xi32>,
        %swap3A_1273 = vector.shape_cast %swap3A_1272 : vector<16xi32> to vector<16xi32>
        %swap3A_1274 = vector.shape_cast %add3A_1266 : vector<16xi32> to vector<16xi32>
        tpu.vector_store %arg17[%swap3A_1271], %swap3A_1274 {strides = array<i32>} : memref<8192xi32, #tpu.memory_space<vmem>>, vector<16xi32>,
        %get3A_1275 = arith.index_cast %add3A_1198 : i32 to index
        %get3A_1276 = arith.constant 48 : index
        %get3A_1277 = tpu.vector_load %arg13[%get3A_1275, %get3A_1276] {strides = array<i32>} : memref<128x128xf32, #tpu.memory_space<vmem>>, vector<1x16xf32>,
        %get3A_1278 = vector.shape_cast %get3A_1277 : vector<1x16xf32> to vector<16xf32>
        %mul3A_1279 = vector.broadcast %squeeze3A_1200 : f32 to vector<16xf32>
        %mul3A_1280 = arith.mulf %get3A_1278, %mul3A_1279 : vector<16xf32>
        %mul3A_1281 = arith.constant 64 : i32
        %mul3A_1282 = arith.muli %add3A_1198, %mul3A_1281 : i32
        %add3A_1283 = arith.constant 48 : i32
        %add3A_1284 = arith.addi %mul3A_1282, %add3A_1283 : i32
        %swap3A_1285 = arith.index_cast %add3A_1284 : i32 to index
        %swap3A_1286 = tpu.vector_load %arg16[%swap3A_1285] {strides = array<i32>} : memref<8192xf32, #tpu.memory_space<vmem>>, vector<16xf32>,
        %swap3A_1287 = vector.shape_cast %swap3A_1286 : vector<16xf32> to vector<16xf32>
        %swap3A_1288 = vector.shape_cast %mul3A_1280 : vector<16xf32> to vector<16xf32>
        tpu.vector_store %arg16[%swap3A_1285], %swap3A_1288 {strides = array<i32>} : memref<8192xf32, #tpu.memory_space<vmem>>, vector<16xf32>,
        %add3A_1289 = vector.broadcast %squeeze3A_1202 : i32 to vector<16xi32>
        %add3A_1290 = arith.addi %add3A_53, %add3A_1289 : vector<16xi32>
        %mul3A_1291 = arith.constant 64 : i32
        %mul3A_1292 = arith.muli %add3A_1198, %mul3A_1291 : i32
        %add3A_1293 = arith.constant 48 : i32
        %add3A_1294 = arith.addi %mul3A_1292, %add3A_1293 : i32
        %swap3A_1295 = arith.index_cast %add3A_1294 : i32 to index
        %swap3A_1296 = tpu.vector_load %arg17[%swap3A_1295] {strides = array<i32>} : memref<8192xi32, #tpu.memory_space<vmem>>, vector<16xi32>,
        %swap3A_1297 = vector.shape_cast %swap3A_1296 : vector<16xi32> to vector<16xi32>
        %swap3A_1298 = vector.shape_cast %add3A_1290 : vector<16xi32> to vector<16xi32>
        tpu.vector_store %arg17[%swap3A_1295], %swap3A_1298 {strides = array<i32>} : memref<8192xi32, #tpu.memory_space<vmem>>, vector<16xi32>,
        %mul3A_1299 = arith.constant 16 : i32
        %mul3A_1300 = arith.muli %scan3A_147, %mul3A_1299 : i32
        %add3A_1301 = arith.constant 11 : i32
        %add3A_1302 = arith.addi %mul3A_1300, %add3A_1301 : i32
        %slice3A_1303 = vector.extract_strided_slice %get3A_152 {offsets = [11], sizes = [1], strides = [1]} : vector<16xf32> to vector<1xf32>
        %squeeze3A_1304 = vector.extract %slice3A_1303[0] : f32 from vector<1xf32>
        %slice3A_1305 = vector.extract_strided_slice %get3A_157 {offsets = [11], sizes = [1], strides = [1]} : vector<16xi32> to vector<1xi32>
        %squeeze3A_1306 = vector.extract %slice3A_1305[0] : i32 from vector<1xi32>
        %get3A_1307 = arith.index_cast %add3A_1302 : i32 to index
        %get3A_1308 = arith.constant 0 : index
        %get3A_1309 = tpu.vector_load %arg13[%get3A_1307, %get3A_1308] {strides = array<i32>} : memref<128x128xf32, #tpu.memory_space<vmem>>, vector<1x16xf32>,
        %get3A_1310 = vector.shape_cast %get3A_1309 : vector<1x16xf32> to vector<16xf32>
        %mul3A_1311 = vector.broadcast %squeeze3A_1304 : f32 to vector<16xf32>
        %mul3A_1312 = arith.mulf %get3A_1310, %mul3A_1311 : vector<16xf32>
        %mul3A_1313 = arith.constant 64 : i32
        %mul3A_1314 = arith.muli %add3A_1302, %mul3A_1313 : i32
        %add3A_1315 = arith.constant 0 : i32
        %add3A_1316 = arith.addi %mul3A_1314, %add3A_1315 : i32
        %swap3A_1317 = arith.index_cast %add3A_1316 : i32 to index
        %swap3A_1318 = tpu.vector_load %arg16[%swap3A_1317] {strides = array<i32>} : memref<8192xf32, #tpu.memory_space<vmem>>, vector<16xf32>,
        %swap3A_1319 = vector.shape_cast %swap3A_1318 : vector<16xf32> to vector<16xf32>
        %swap3A_1320 = vector.shape_cast %mul3A_1312 : vector<16xf32> to vector<16xf32>
        tpu.vector_store %arg16[%swap3A_1317], %swap3A_1320 {strides = array<i32>} : memref<8192xf32, #tpu.memory_space<vmem>>, vector<16xf32>,
        %add3A_1321 = vector.broadcast %squeeze3A_1306 : i32 to vector<16xi32>
        %add3A_1322 = arith.addi %add3A_41, %add3A_1321 : vector<16xi32>
        %mul3A_1323 = arith.constant 64 : i32
        %mul3A_1324 = arith.muli %add3A_1302, %mul3A_1323 : i32
        %add3A_1325 = arith.constant 0 : i32
        %add3A_1326 = arith.addi %mul3A_1324, %add3A_1325 : i32
        %swap3A_1327 = arith.index_cast %add3A_1326 : i32 to index
        %swap3A_1328 = tpu.vector_load %arg17[%swap3A_1327] {strides = array<i32>} : memref<8192xi32, #tpu.memory_space<vmem>>, vector<16xi32>,
        %swap3A_1329 = vector.shape_cast %swap3A_1328 : vector<16xi32> to vector<16xi32>
        %swap3A_1330 = vector.shape_cast %add3A_1322 : vector<16xi32> to vector<16xi32>
        tpu.vector_store %arg17[%swap3A_1327], %swap3A_1330 {strides = array<i32>} : memref<8192xi32, #tpu.memory_space<vmem>>, vector<16xi32>,
        %get3A_1331 = arith.index_cast %add3A_1302 : i32 to index
        %get3A_1332 = arith.constant 16 : index
        %get3A_1333 = tpu.vector_load %arg13[%get3A_1331, %get3A_1332] {strides = array<i32>} : memref<128x128xf32, #tpu.memory_space<vmem>>, vector<1x16xf32>,
        %get3A_1334 = vector.shape_cast %get3A_1333 : vector<1x16xf32> to vector<16xf32>
        %mul3A_1335 = vector.broadcast %squeeze3A_1304 : f32 to vector<16xf32>
        %mul3A_1336 = arith.mulf %get3A_1334, %mul3A_1335 : vector<16xf32>
        %mul3A_1337 = arith.constant 64 : i32
        %mul3A_1338 = arith.muli %add3A_1302, %mul3A_1337 : i32
        %add3A_1339 = arith.constant 16 : i32
        %add3A_1340 = arith.addi %mul3A_1338, %add3A_1339 : i32
        %swap3A_1341 = arith.index_cast %add3A_1340 : i32 to index
        %swap3A_1342 = tpu.vector_load %arg16[%swap3A_1341] {strides = array<i32>} : memref<8192xf32, #tpu.memory_space<vmem>>, vector<16xf32>,
        %swap3A_1343 = vector.shape_cast %swap3A_1342 : vector<16xf32> to vector<16xf32>
        %swap3A_1344 = vector.shape_cast %mul3A_1336 : vector<16xf32> to vector<16xf32>
        tpu.vector_store %arg16[%swap3A_1341], %swap3A_1344 {strides = array<i32>} : memref<8192xf32, #tpu.memory_space<vmem>>, vector<16xf32>,
        %add3A_1345 = vector.broadcast %squeeze3A_1306 : i32 to vector<16xi32>
        %add3A_1346 = arith.addi %add3A_45, %add3A_1345 : vector<16xi32>
        %mul3A_1347 = arith.constant 64 : i32
        %mul3A_1348 = arith.muli %add3A_1302, %mul3A_1347 : i32
        %add3A_1349 = arith.constant 16 : i32
        %add3A_1350 = arith.addi %mul3A_1348, %add3A_1349 : i32
        %swap3A_1351 = arith.index_cast %add3A_1350 : i32 to index
        %swap3A_1352 = tpu.vector_load %arg17[%swap3A_1351] {strides = array<i32>} : memref<8192xi32, #tpu.memory_space<vmem>>, vector<16xi32>,
        %swap3A_1353 = vector.shape_cast %swap3A_1352 : vector<16xi32> to vector<16xi32>
        %swap3A_1354 = vector.shape_cast %add3A_1346 : vector<16xi32> to vector<16xi32>
        tpu.vector_store %arg17[%swap3A_1351], %swap3A_1354 {strides = array<i32>} : memref<8192xi32, #tpu.memory_space<vmem>>, vector<16xi32>,
        %get3A_1355 = arith.index_cast %add3A_1302 : i32 to index
        %get3A_1356 = arith.constant 32 : index
        %get3A_1357 = tpu.vector_load %arg13[%get3A_1355, %get3A_1356] {strides = array<i32>} : memref<128x128xf32, #tpu.memory_space<vmem>>, vector<1x16xf32>,
        %get3A_1358 = vector.shape_cast %get3A_1357 : vector<1x16xf32> to vector<16xf32>
        %mul3A_1359 = vector.broadcast %squeeze3A_1304 : f32 to vector<16xf32>
        %mul3A_1360 = arith.mulf %get3A_1358, %mul3A_1359 : vector<16xf32>
        %mul3A_1361 = arith.constant 64 : i32
        %mul3A_1362 = arith.muli %add3A_1302, %mul3A_1361 : i32
        %add3A_1363 = arith.constant 32 : i32
        %add3A_1364 = arith.addi %mul3A_1362, %add3A_1363 : i32
        %swap3A_1365 = arith.index_cast %add3A_1364 : i32 to index
        %swap3A_1366 = tpu.vector_load %arg16[%swap3A_1365] {strides = array<i32>} : memref<8192xf32, #tpu.memory_space<vmem>>, vector<16xf32>,
        %swap3A_1367 = vector.shape_cast %swap3A_1366 : vector<16xf32> to vector<16xf32>
        %swap3A_1368 = vector.shape_cast %mul3A_1360 : vector<16xf32> to vector<16xf32>
        tpu.vector_store %arg16[%swap3A_1365], %swap3A_1368 {strides = array<i32>} : memref<8192xf32, #tpu.memory_space<vmem>>, vector<16xf32>,
        %add3A_1369 = vector.broadcast %squeeze3A_1306 : i32 to vector<16xi32>
        %add3A_1370 = arith.addi %add3A_49, %add3A_1369 : vector<16xi32>
        %mul3A_1371 = arith.constant 64 : i32
        %mul3A_1372 = arith.muli %add3A_1302, %mul3A_1371 : i32
        %add3A_1373 = arith.constant 32 : i32
        %add3A_1374 = arith.addi %mul3A_1372, %add3A_1373 : i32
        %swap3A_1375 = arith.index_cast %add3A_1374 : i32 to index
        %swap3A_1376 = tpu.vector_load %arg17[%swap3A_1375] {strides = array<i32>} : memref<8192xi32, #tpu.memory_space<vmem>>, vector<16xi32>,
        %swap3A_1377 = vector.shape_cast %swap3A_1376 : vector<16xi32> to vector<16xi32>
        %swap3A_1378 = vector.shape_cast %add3A_1370 : vector<16xi32> to vector<16xi32>
        tpu.vector_store %arg17[%swap3A_1375], %swap3A_1378 {strides = array<i32>} : memref<8192xi32, #tpu.memory_space<vmem>>, vector<16xi32>,
        %get3A_1379 = arith.index_cast %add3A_1302 : i32 to index
        %get3A_1380 = arith.constant 48 : index
        %get3A_1381 = tpu.vector_load %arg13[%get3A_1379, %get3A_1380] {strides = array<i32>} : memref<128x128xf32, #tpu.memory_space<vmem>>, vector<1x16xf32>,
        %get3A_1382 = vector.shape_cast %get3A_1381 : vector<1x16xf32> to vector<16xf32>
        %mul3A_1383 = vector.broadcast %squeeze3A_1304 : f32 to vector<16xf32>
        %mul3A_1384 = arith.mulf %get3A_1382, %mul3A_1383 : vector<16xf32>
        %mul3A_1385 = arith.constant 64 : i32
        %mul3A_1386 = arith.muli %add3A_1302, %mul3A_1385 : i32
        %add3A_1387 = arith.constant 48 : i32
        %add3A_1388 = arith.addi %mul3A_1386, %add3A_1387 : i32
        %swap3A_1389 = arith.index_cast %add3A_1388 : i32 to index
        %swap3A_1390 = tpu.vector_load %arg16[%swap3A_1389] {strides = array<i32>} : memref<8192xf32, #tpu.memory_space<vmem>>, vector<16xf32>,
        %swap3A_1391 = vector.shape_cast %swap3A_1390 : vector<16xf32> to vector<16xf32>
        %swap3A_1392 = vector.shape_cast %mul3A_1384 : vector<16xf32> to vector<16xf32>
        tpu.vector_store %arg16[%swap3A_1389], %swap3A_1392 {strides = array<i32>} : memref<8192xf32, #tpu.memory_space<vmem>>, vector<16xf32>,
        %add3A_1393 = vector.broadcast %squeeze3A_1306 : i32 to vector<16xi32>
        %add3A_1394 = arith.addi %add3A_53, %add3A_1393 : vector<16xi32>
        %mul3A_1395 = arith.constant 64 : i32
        %mul3A_1396 = arith.muli %add3A_1302, %mul3A_1395 : i32
        %add3A_1397 = arith.constant 48 : i32
        %add3A_1398 = arith.addi %mul3A_1396, %add3A_1397 : i32
        %swap3A_1399 = arith.index_cast %add3A_1398 : i32 to index
        %swap3A_1400 = tpu.vector_load %arg17[%swap3A_1399] {strides = array<i32>} : memref<8192xi32, #tpu.memory_space<vmem>>, vector<16xi32>,
        %swap3A_1401 = vector.shape_cast %swap3A_1400 : vector<16xi32> to vector<16xi32>
        %swap3A_1402 = vector.shape_cast %add3A_1394 : vector<16xi32> to vector<16xi32>
        tpu.vector_store %arg17[%swap3A_1399], %swap3A_1402 {strides = array<i32>} : memref<8192xi32, #tpu.memory_space<vmem>>, vector<16xi32>,
        %mul3A_1403 = arith.constant 16 : i32
        %mul3A_1404 = arith.muli %scan3A_147, %mul3A_1403 : i32
        %add3A_1405 = arith.constant 12 : i32
        %add3A_1406 = arith.addi %mul3A_1404, %add3A_1405 : i32
        %slice3A_1407 = vector.extract_strided_slice %get3A_152 {offsets = [12], sizes = [1], strides = [1]} : vector<16xf32> to vector<1xf32>
        %squeeze3A_1408 = vector.extract %slice3A_1407[0] : f32 from vector<1xf32>
        %slice3A_1409 = vector.extract_strided_slice %get3A_157 {offsets = [12], sizes = [1], strides = [1]} : vector<16xi32> to vector<1xi32>
        %squeeze3A_1410 = vector.extract %slice3A_1409[0] : i32 from vector<1xi32>
        %get3A_1411 = arith.index_cast %add3A_1406 : i32 to index
        %get3A_1412 = arith.constant 0 : index
        %get3A_1413 = tpu.vector_load %arg13[%get3A_1411, %get3A_1412] {strides = array<i32>} : memref<128x128xf32, #tpu.memory_space<vmem>>, vector<1x16xf32>,
        %get3A_1414 = vector.shape_cast %get3A_1413 : vector<1x16xf32> to vector<16xf32>
        %mul3A_1415 = vector.broadcast %squeeze3A_1408 : f32 to vector<16xf32>
        %mul3A_1416 = arith.mulf %get3A_1414, %mul3A_1415 : vector<16xf32>
        %mul3A_1417 = arith.constant 64 : i32
        %mul3A_1418 = arith.muli %add3A_1406, %mul3A_1417 : i32
        %add3A_1419 = arith.constant 0 : i32
        %add3A_1420 = arith.addi %mul3A_1418, %add3A_1419 : i32
        %swap3A_1421 = arith.index_cast %add3A_1420 : i32 to index
        %swap3A_1422 = tpu.vector_load %arg16[%swap3A_1421] {strides = array<i32>} : memref<8192xf32, #tpu.memory_space<vmem>>, vector<16xf32>,
        %swap3A_1423 = vector.shape_cast %swap3A_1422 : vector<16xf32> to vector<16xf32>
        %swap3A_1424 = vector.shape_cast %mul3A_1416 : vector<16xf32> to vector<16xf32>
        tpu.vector_store %arg16[%swap3A_1421], %swap3A_1424 {strides = array<i32>} : memref<8192xf32, #tpu.memory_space<vmem>>, vector<16xf32>,
        %add3A_1425 = vector.broadcast %squeeze3A_1410 : i32 to vector<16xi32>
        %add3A_1426 = arith.addi %add3A_41, %add3A_1425 : vector<16xi32>
        %mul3A_1427 = arith.constant 64 : i32
        %mul3A_1428 = arith.muli %add3A_1406, %mul3A_1427 : i32
        %add3A_1429 = arith.constant 0 : i32
        %add3A_1430 = arith.addi %mul3A_1428, %add3A_1429 : i32
        %swap3A_1431 = arith.index_cast %add3A_1430 : i32 to index
        %swap3A_1432 = tpu.vector_load %arg17[%swap3A_1431] {strides = array<i32>} : memref<8192xi32, #tpu.memory_space<vmem>>, vector<16xi32>,
        %swap3A_1433 = vector.shape_cast %swap3A_1432 : vector<16xi32> to vector<16xi32>
        %swap3A_1434 = vector.shape_cast %add3A_1426 : vector<16xi32> to vector<16xi32>
        tpu.vector_store %arg17[%swap3A_1431], %swap3A_1434 {strides = array<i32>} : memref<8192xi32, #tpu.memory_space<vmem>>, vector<16xi32>,
        %get3A_1435 = arith.index_cast %add3A_1406 : i32 to index
        %get3A_1436 = arith.constant 16 : index
        %get3A_1437 = tpu.vector_load %arg13[%get3A_1435, %get3A_1436] {strides = array<i32>} : memref<128x128xf32, #tpu.memory_space<vmem>>, vector<1x16xf32>,
        %get3A_1438 = vector.shape_cast %get3A_1437 : vector<1x16xf32> to vector<16xf32>
        %mul3A_1439 = vector.broadcast %squeeze3A_1408 : f32 to vector<16xf32>
        %mul3A_1440 = arith.mulf %get3A_1438, %mul3A_1439 : vector<16xf32>
        %mul3A_1441 = arith.constant 64 : i32
        %mul3A_1442 = arith.muli %add3A_1406, %mul3A_1441 : i32
        %add3A_1443 = arith.constant 16 : i32
        %add3A_1444 = arith.addi %mul3A_1442, %add3A_1443 : i32
        %swap3A_1445 = arith.index_cast %add3A_1444 : i32 to index
        %swap3A_1446 = tpu.vector_load %arg16[%swap3A_1445] {strides = array<i32>} : memref<8192xf32, #tpu.memory_space<vmem>>, vector<16xf32>,
        %swap3A_1447 = vector.shape_cast %swap3A_1446 : vector<16xf32> to vector<16xf32>
        %swap3A_1448 = vector.shape_cast %mul3A_1440 : vector<16xf32> to vector<16xf32>
        tpu.vector_store %arg16[%swap3A_1445], %swap3A_1448 {strides = array<i32>} : memref<8192xf32, #tpu.memory_space<vmem>>, vector<16xf32>,
        %add3A_1449 = vector.broadcast %squeeze3A_1410 : i32 to vector<16xi32>
        %add3A_1450 = arith.addi %add3A_45, %add3A_1449 : vector<16xi32>
        %mul3A_1451 = arith.constant 64 : i32
        %mul3A_1452 = arith.muli %add3A_1406, %mul3A_1451 : i32
        %add3A_1453 = arith.constant 16 : i32
        %add3A_1454 = arith.addi %mul3A_1452, %add3A_1453 : i32
        %swap3A_1455 = arith.index_cast %add3A_1454 : i32 to index
        %swap3A_1456 = tpu.vector_load %arg17[%swap3A_1455] {strides = array<i32>} : memref<8192xi32, #tpu.memory_space<vmem>>, vector<16xi32>,
        %swap3A_1457 = vector.shape_cast %swap3A_1456 : vector<16xi32> to vector<16xi32>
        %swap3A_1458 = vector.shape_cast %add3A_1450 : vector<16xi32> to vector<16xi32>
        tpu.vector_store %arg17[%swap3A_1455], %swap3A_1458 {strides = array<i32>} : memref<8192xi32, #tpu.memory_space<vmem>>, vector<16xi32>,
        %get3A_1459 = arith.index_cast %add3A_1406 : i32 to index
        %get3A_1460 = arith.constant 32 : index
        %get3A_1461 = tpu.vector_load %arg13[%get3A_1459, %get3A_1460] {strides = array<i32>} : memref<128x128xf32, #tpu.memory_space<vmem>>, vector<1x16xf32>,
        %get3A_1462 = vector.shape_cast %get3A_1461 : vector<1x16xf32> to vector<16xf32>
        %mul3A_1463 = vector.broadcast %squeeze3A_1408 : f32 to vector<16xf32>
        %mul3A_1464 = arith.mulf %get3A_1462, %mul3A_1463 : vector<16xf32>
        %mul3A_1465 = arith.constant 64 : i32
        %mul3A_1466 = arith.muli %add3A_1406, %mul3A_1465 : i32
        %add3A_1467 = arith.constant 32 : i32
        %add3A_1468 = arith.addi %mul3A_1466, %add3A_1467 : i32
        %swap3A_1469 = arith.index_cast %add3A_1468 : i32 to index
        %swap3A_1470 = tpu.vector_load %arg16[%swap3A_1469] {strides = array<i32>} : memref<8192xf32, #tpu.memory_space<vmem>>, vector<16xf32>,
        %swap3A_1471 = vector.shape_cast %swap3A_1470 : vector<16xf32> to vector<16xf32>
        %swap3A_1472 = vector.shape_cast %mul3A_1464 : vector<16xf32> to vector<16xf32>
        tpu.vector_store %arg16[%swap3A_1469], %swap3A_1472 {strides = array<i32>} : memref<8192xf32, #tpu.memory_space<vmem>>, vector<16xf32>,
        %add3A_1473 = vector.broadcast %squeeze3A_1410 : i32 to vector<16xi32>
        %add3A_1474 = arith.addi %add3A_49, %add3A_1473 : vector<16xi32>
        %mul3A_1475 = arith.constant 64 : i32
        %mul3A_1476 = arith.muli %add3A_1406, %mul3A_1475 : i32
        %add3A_1477 = arith.constant 32 : i32
        %add3A_1478 = arith.addi %mul3A_1476, %add3A_1477 : i32
        %swap3A_1479 = arith.index_cast %add3A_1478 : i32 to index
        %swap3A_1480 = tpu.vector_load %arg17[%swap3A_1479] {strides = array<i32>} : memref<8192xi32, #tpu.memory_space<vmem>>, vector<16xi32>,
        %swap3A_1481 = vector.shape_cast %swap3A_1480 : vector<16xi32> to vector<16xi32>
        %swap3A_1482 = vector.shape_cast %add3A_1474 : vector<16xi32> to vector<16xi32>
        tpu.vector_store %arg17[%swap3A_1479], %swap3A_1482 {strides = array<i32>} : memref<8192xi32, #tpu.memory_space<vmem>>, vector<16xi32>,
        %get3A_1483 = arith.index_cast %add3A_1406 : i32 to index
        %get3A_1484 = arith.constant 48 : index
        %get3A_1485 = tpu.vector_load %arg13[%get3A_1483, %get3A_1484] {strides = array<i32>} : memref<128x128xf32, #tpu.memory_space<vmem>>, vector<1x16xf32>,
        %get3A_1486 = vector.shape_cast %get3A_1485 : vector<1x16xf32> to vector<16xf32>
        %mul3A_1487 = vector.broadcast %squeeze3A_1408 : f32 to vector<16xf32>
        %mul3A_1488 = arith.mulf %get3A_1486, %mul3A_1487 : vector<16xf32>
        %mul3A_1489 = arith.constant 64 : i32
        %mul3A_1490 = arith.muli %add3A_1406, %mul3A_1489 : i32
        %add3A_1491 = arith.constant 48 : i32
        %add3A_1492 = arith.addi %mul3A_1490, %add3A_1491 : i32
        %swap3A_1493 = arith.index_cast %add3A_1492 : i32 to index
        %swap3A_1494 = tpu.vector_load %arg16[%swap3A_1493] {strides = array<i32>} : memref<8192xf32, #tpu.memory_space<vmem>>, vector<16xf32>,
        %swap3A_1495 = vector.shape_cast %swap3A_1494 : vector<16xf32> to vector<16xf32>
        %swap3A_1496 = vector.shape_cast %mul3A_1488 : vector<16xf32> to vector<16xf32>
        tpu.vector_store %arg16[%swap3A_1493], %swap3A_1496 {strides = array<i32>} : memref<8192xf32, #tpu.memory_space<vmem>>, vector<16xf32>,
        %add3A_1497 = vector.broadcast %squeeze3A_1410 : i32 to vector<16xi32>
        %add3A_1498 = arith.addi %add3A_53, %add3A_1497 : vector<16xi32>
        %mul3A_1499 = arith.constant 64 : i32
        %mul3A_1500 = arith.muli %add3A_1406, %mul3A_1499 : i32
        %add3A_1501 = arith.constant 48 : i32
        %add3A_1502 = arith.addi %mul3A_1500, %add3A_1501 : i32
        %swap3A_1503 = arith.index_cast %add3A_1502 : i32 to index
        %swap3A_1504 = tpu.vector_load %arg17[%swap3A_1503] {strides = array<i32>} : memref<8192xi32, #tpu.memory_space<vmem>>, vector<16xi32>,
        %swap3A_1505 = vector.shape_cast %swap3A_1504 : vector<16xi32> to vector<16xi32>
        %swap3A_1506 = vector.shape_cast %add3A_1498 : vector<16xi32> to vector<16xi32>
        tpu.vector_store %arg17[%swap3A_1503], %swap3A_1506 {strides = array<i32>} : memref<8192xi32, #tpu.memory_space<vmem>>, vector<16xi32>,
        %mul3A_1507 = arith.constant 16 : i32
        %mul3A_1508 = arith.muli %scan3A_147, %mul3A_1507 : i32
        %add3A_1509 = arith.constant 13 : i32
        %add3A_1510 = arith.addi %mul3A_1508, %add3A_1509 : i32
        %slice3A_1511 = vector.extract_strided_slice %get3A_152 {offsets = [13], sizes = [1], strides = [1]} : vector<16xf32> to vector<1xf32>
        %squeeze3A_1512 = vector.extract %slice3A_1511[0] : f32 from vector<1xf32>
        %slice3A_1513 = vector.extract_strided_slice %get3A_157 {offsets = [13], sizes = [1], strides = [1]} : vector<16xi32> to vector<1xi32>
        %squeeze3A_1514 = vector.extract %slice3A_1513[0] : i32 from vector<1xi32>
        %get3A_1515 = arith.index_cast %add3A_1510 : i32 to index
        %get3A_1516 = arith.constant 0 : index
        %get3A_1517 = tpu.vector_load %arg13[%get3A_1515, %get3A_1516] {strides = array<i32>} : memref<128x128xf32, #tpu.memory_space<vmem>>, vector<1x16xf32>,
        %get3A_1518 = vector.shape_cast %get3A_1517 : vector<1x16xf32> to vector<16xf32>
        %mul3A_1519 = vector.broadcast %squeeze3A_1512 : f32 to vector<16xf32>
        %mul3A_1520 = arith.mulf %get3A_1518, %mul3A_1519 : vector<16xf32>
        %mul3A_1521 = arith.constant 64 : i32
        %mul3A_1522 = arith.muli %add3A_1510, %mul3A_1521 : i32
        %add3A_1523 = arith.constant 0 : i32
        %add3A_1524 = arith.addi %mul3A_1522, %add3A_1523 : i32
        %swap3A_1525 = arith.index_cast %add3A_1524 : i32 to index
        %swap3A_1526 = tpu.vector_load %arg16[%swap3A_1525] {strides = array<i32>} : memref<8192xf32, #tpu.memory_space<vmem>>, vector<16xf32>,
        %swap3A_1527 = vector.shape_cast %swap3A_1526 : vector<16xf32> to vector<16xf32>
        %swap3A_1528 = vector.shape_cast %mul3A_1520 : vector<16xf32> to vector<16xf32>
        tpu.vector_store %arg16[%swap3A_1525], %swap3A_1528 {strides = array<i32>} : memref<8192xf32, #tpu.memory_space<vmem>>, vector<16xf32>,
        %add3A_1529 = vector.broadcast %squeeze3A_1514 : i32 to vector<16xi32>
        %add3A_1530 = arith.addi %add3A_41, %add3A_1529 : vector<16xi32>
        %mul3A_1531 = arith.constant 64 : i32
        %mul3A_1532 = arith.muli %add3A_1510, %mul3A_1531 : i32
        %add3A_1533 = arith.constant 0 : i32
        %add3A_1534 = arith.addi %mul3A_1532, %add3A_1533 : i32
        %swap3A_1535 = arith.index_cast %add3A_1534 : i32 to index
        %swap3A_1536 = tpu.vector_load %arg17[%swap3A_1535] {strides = array<i32>} : memref<8192xi32, #tpu.memory_space<vmem>>, vector<16xi32>,
        %swap3A_1537 = vector.shape_cast %swap3A_1536 : vector<16xi32> to vector<16xi32>
        %swap3A_1538 = vector.shape_cast %add3A_1530 : vector<16xi32> to vector<16xi32>
        tpu.vector_store %arg17[%swap3A_1535], %swap3A_1538 {strides = array<i32>} : memref<8192xi32, #tpu.memory_space<vmem>>, vector<16xi32>,
        %get3A_1539 = arith.index_cast %add3A_1510 : i32 to index
        %get3A_1540 = arith.constant 16 : index
        %get3A_1541 = tpu.vector_load %arg13[%get3A_1539, %get3A_1540] {strides = array<i32>} : memref<128x128xf32, #tpu.memory_space<vmem>>, vector<1x16xf32>,
        %get3A_1542 = vector.shape_cast %get3A_1541 : vector<1x16xf32> to vector<16xf32>
        %mul3A_1543 = vector.broadcast %squeeze3A_1512 : f32 to vector<16xf32>
        %mul3A_1544 = arith.mulf %get3A_1542, %mul3A_1543 : vector<16xf32>
        %mul3A_1545 = arith.constant 64 : i32
        %mul3A_1546 = arith.muli %add3A_1510, %mul3A_1545 : i32
        %add3A_1547 = arith.constant 16 : i32
        %add3A_1548 = arith.addi %mul3A_1546, %add3A_1547 : i32
        %swap3A_1549 = arith.index_cast %add3A_1548 : i32 to index
        %swap3A_1550 = tpu.vector_load %arg16[%swap3A_1549] {strides = array<i32>} : memref<8192xf32, #tpu.memory_space<vmem>>, vector<16xf32>,
        %swap3A_1551 = vector.shape_cast %swap3A_1550 : vector<16xf32> to vector<16xf32>
        %swap3A_1552 = vector.shape_cast %mul3A_1544 : vector<16xf32> to vector<16xf32>
        tpu.vector_store %arg16[%swap3A_1549], %swap3A_1552 {strides = array<i32>} : memref<8192xf32, #tpu.memory_space<vmem>>, vector<16xf32>,
        %add3A_1553 = vector.broadcast %squeeze3A_1514 : i32 to vector<16xi32>
        %add3A_1554 = arith.addi %add3A_45, %add3A_1553 : vector<16xi32>
        %mul3A_1555 = arith.constant 64 : i32
        %mul3A_1556 = arith.muli %add3A_1510, %mul3A_1555 : i32
        %add3A_1557 = arith.constant 16 : i32
        %add3A_1558 = arith.addi %mul3A_1556, %add3A_1557 : i32
        %swap3A_1559 = arith.index_cast %add3A_1558 : i32 to index
        %swap3A_1560 = tpu.vector_load %arg17[%swap3A_1559] {strides = array<i32>} : memref<8192xi32, #tpu.memory_space<vmem>>, vector<16xi32>,
        %swap3A_1561 = vector.shape_cast %swap3A_1560 : vector<16xi32> to vector<16xi32>
        %swap3A_1562 = vector.shape_cast %add3A_1554 : vector<16xi32> to vector<16xi32>
        tpu.vector_store %arg17[%swap3A_1559], %swap3A_1562 {strides = array<i32>} : memref<8192xi32, #tpu.memory_space<vmem>>, vector<16xi32>,
        %get3A_1563 = arith.index_cast %add3A_1510 : i32 to index
        %get3A_1564 = arith.constant 32 : index
        %get3A_1565 = tpu.vector_load %arg13[%get3A_1563, %get3A_1564] {strides = array<i32>} : memref<128x128xf32, #tpu.memory_space<vmem>>, vector<1x16xf32>,
        %get3A_1566 = vector.shape_cast %get3A_1565 : vector<1x16xf32> to vector<16xf32>
        %mul3A_1567 = vector.broadcast %squeeze3A_1512 : f32 to vector<16xf32>
        %mul3A_1568 = arith.mulf %get3A_1566, %mul3A_1567 : vector<16xf32>
        %mul3A_1569 = arith.constant 64 : i32
        %mul3A_1570 = arith.muli %add3A_1510, %mul3A_1569 : i32
        %add3A_1571 = arith.constant 32 : i32
        %add3A_1572 = arith.addi %mul3A_1570, %add3A_1571 : i32
        %swap3A_1573 = arith.index_cast %add3A_1572 : i32 to index
        %swap3A_1574 = tpu.vector_load %arg16[%swap3A_1573] {strides = array<i32>} : memref<8192xf32, #tpu.memory_space<vmem>>, vector<16xf32>,
        %swap3A_1575 = vector.shape_cast %swap3A_1574 : vector<16xf32> to vector<16xf32>
        %swap3A_1576 = vector.shape_cast %mul3A_1568 : vector<16xf32> to vector<16xf32>
        tpu.vector_store %arg16[%swap3A_1573], %swap3A_1576 {strides = array<i32>} : memref<8192xf32, #tpu.memory_space<vmem>>, vector<16xf32>,
        %add3A_1577 = vector.broadcast %squeeze3A_1514 : i32 to vector<16xi32>
        %add3A_1578 = arith.addi %add3A_49, %add3A_1577 : vector<16xi32>
        %mul3A_1579 = arith.constant 64 : i32
        %mul3A_1580 = arith.muli %add3A_1510, %mul3A_1579 : i32
        %add3A_1581 = arith.constant 32 : i32
        %add3A_1582 = arith.addi %mul3A_1580, %add3A_1581 : i32
        %swap3A_1583 = arith.index_cast %add3A_1582 : i32 to index
        %swap3A_1584 = tpu.vector_load %arg17[%swap3A_1583] {strides = array<i32>} : memref<8192xi32, #tpu.memory_space<vmem>>, vector<16xi32>,
        %swap3A_1585 = vector.shape_cast %swap3A_1584 : vector<16xi32> to vector<16xi32>
        %swap3A_1586 = vector.shape_cast %add3A_1578 : vector<16xi32> to vector<16xi32>
        tpu.vector_store %arg17[%swap3A_1583], %swap3A_1586 {strides = array<i32>} : memref<8192xi32, #tpu.memory_space<vmem>>, vector<16xi32>,
        %get3A_1587 = arith.index_cast %add3A_1510 : i32 to index
        %get3A_1588 = arith.constant 48 : index
        %get3A_1589 = tpu.vector_load %arg13[%get3A_1587, %get3A_1588] {strides = array<i32>} : memref<128x128xf32, #tpu.memory_space<vmem>>, vector<1x16xf32>,
        %get3A_1590 = vector.shape_cast %get3A_1589 : vector<1x16xf32> to vector<16xf32>
        %mul3A_1591 = vector.broadcast %squeeze3A_1512 : f32 to vector<16xf32>
        %mul3A_1592 = arith.mulf %get3A_1590, %mul3A_1591 : vector<16xf32>
        %mul3A_1593 = arith.constant 64 : i32
        %mul3A_1594 = arith.muli %add3A_1510, %mul3A_1593 : i32
        %add3A_1595 = arith.constant 48 : i32
        %add3A_1596 = arith.addi %mul3A_1594, %add3A_1595 : i32
        %swap3A_1597 = arith.index_cast %add3A_1596 : i32 to index
        %swap3A_1598 = tpu.vector_load %arg16[%swap3A_1597] {strides = array<i32>} : memref<8192xf32, #tpu.memory_space<vmem>>, vector<16xf32>,
        %swap3A_1599 = vector.shape_cast %swap3A_1598 : vector<16xf32> to vector<16xf32>
        %swap3A_1600 = vector.shape_cast %mul3A_1592 : vector<16xf32> to vector<16xf32>
        tpu.vector_store %arg16[%swap3A_1597], %swap3A_1600 {strides = array<i32>} : memref<8192xf32, #tpu.memory_space<vmem>>, vector<16xf32>,
        %add3A_1601 = vector.broadcast %squeeze3A_1514 : i32 to vector<16xi32>
        %add3A_1602 = arith.addi %add3A_53, %add3A_1601 : vector<16xi32>
        %mul3A_1603 = arith.constant 64 : i32
        %mul3A_1604 = arith.muli %add3A_1510, %mul3A_1603 : i32
        %add3A_1605 = arith.constant 48 : i32
        %add3A_1606 = arith.addi %mul3A_1604, %add3A_1605 : i32
        %swap3A_1607 = arith.index_cast %add3A_1606 : i32 to index
        %swap3A_1608 = tpu.vector_load %arg17[%swap3A_1607] {strides = array<i32>} : memref<8192xi32, #tpu.memory_space<vmem>>, vector<16xi32>,
        %swap3A_1609 = vector.shape_cast %swap3A_1608 : vector<16xi32> to vector<16xi32>
        %swap3A_1610 = vector.shape_cast %add3A_1602 : vector<16xi32> to vector<16xi32>
        tpu.vector_store %arg17[%swap3A_1607], %swap3A_1610 {strides = array<i32>} : memref<8192xi32, #tpu.memory_space<vmem>>, vector<16xi32>,
        %mul3A_1611 = arith.constant 16 : i32
        %mul3A_1612 = arith.muli %scan3A_147, %mul3A_1611 : i32
        %add3A_1613 = arith.constant 14 : i32
        %add3A_1614 = arith.addi %mul3A_1612, %add3A_1613 : i32
        %slice3A_1615 = vector.extract_strided_slice %get3A_152 {offsets = [14], sizes = [1], strides = [1]} : vector<16xf32> to vector<1xf32>
        %squeeze3A_1616 = vector.extract %slice3A_1615[0] : f32 from vector<1xf32>
        %slice3A_1617 = vector.extract_strided_slice %get3A_157 {offsets = [14], sizes = [1], strides = [1]} : vector<16xi32> to vector<1xi32>
        %squeeze3A_1618 = vector.extract %slice3A_1617[0] : i32 from vector<1xi32>
        %get3A_1619 = arith.index_cast %add3A_1614 : i32 to index
        %get3A_1620 = arith.constant 0 : index
        %get3A_1621 = tpu.vector_load %arg13[%get3A_1619, %get3A_1620] {strides = array<i32>} : memref<128x128xf32, #tpu.memory_space<vmem>>, vector<1x16xf32>,
        %get3A_1622 = vector.shape_cast %get3A_1621 : vector<1x16xf32> to vector<16xf32>
        %mul3A_1623 = vector.broadcast %squeeze3A_1616 : f32 to vector<16xf32>
        %mul3A_1624 = arith.mulf %get3A_1622, %mul3A_1623 : vector<16xf32>
        %mul3A_1625 = arith.constant 64 : i32
        %mul3A_1626 = arith.muli %add3A_1614, %mul3A_1625 : i32
        %add3A_1627 = arith.constant 0 : i32
        %add3A_1628 = arith.addi %mul3A_1626, %add3A_1627 : i32
        %swap3A_1629 = arith.index_cast %add3A_1628 : i32 to index
        %swap3A_1630 = tpu.vector_load %arg16[%swap3A_1629] {strides = array<i32>} : memref<8192xf32, #tpu.memory_space<vmem>>, vector<16xf32>,
        %swap3A_1631 = vector.shape_cast %swap3A_1630 : vector<16xf32> to vector<16xf32>
        %swap3A_1632 = vector.shape_cast %mul3A_1624 : vector<16xf32> to vector<16xf32>
        tpu.vector_store %arg16[%swap3A_1629], %swap3A_1632 {strides = array<i32>} : memref<8192xf32, #tpu.memory_space<vmem>>, vector<16xf32>,
        %add3A_1633 = vector.broadcast %squeeze3A_1618 : i32 to vector<16xi32>
        %add3A_1634 = arith.addi %add3A_41, %add3A_1633 : vector<16xi32>
        %mul3A_1635 = arith.constant 64 : i32
        %mul3A_1636 = arith.muli %add3A_1614, %mul3A_1635 : i32
        %add3A_1637 = arith.constant 0 : i32
        %add3A_1638 = arith.addi %mul3A_1636, %add3A_1637 : i32
        %swap3A_1639 = arith.index_cast %add3A_1638 : i32 to index
        %swap3A_1640 = tpu.vector_load %arg17[%swap3A_1639] {strides = array<i32>} : memref<8192xi32, #tpu.memory_space<vmem>>, vector<16xi32>,
        %swap3A_1641 = vector.shape_cast %swap3A_1640 : vector<16xi32> to vector<16xi32>
        %swap3A_1642 = vector.shape_cast %add3A_1634 : vector<16xi32> to vector<16xi32>
        tpu.vector_store %arg17[%swap3A_1639], %swap3A_1642 {strides = array<i32>} : memref<8192xi32, #tpu.memory_space<vmem>>, vector<16xi32>,
        %get3A_1643 = arith.index_cast %add3A_1614 : i32 to index
        %get3A_1644 = arith.constant 16 : index
        %get3A_1645 = tpu.vector_load %arg13[%get3A_1643, %get3A_1644] {strides = array<i32>} : memref<128x128xf32, #tpu.memory_space<vmem>>, vector<1x16xf32>,
        %get3A_1646 = vector.shape_cast %get3A_1645 : vector<1x16xf32> to vector<16xf32>
        %mul3A_1647 = vector.broadcast %squeeze3A_1616 : f32 to vector<16xf32>
        %mul3A_1648 = arith.mulf %get3A_1646, %mul3A_1647 : vector<16xf32>
        %mul3A_1649 = arith.constant 64 : i32
        %mul3A_1650 = arith.muli %add3A_1614, %mul3A_1649 : i32
        %add3A_1651 = arith.constant 16 : i32
        %add3A_1652 = arith.addi %mul3A_1650, %add3A_1651 : i32
        %swap3A_1653 = arith.index_cast %add3A_1652 : i32 to index
        %swap3A_1654 = tpu.vector_load %arg16[%swap3A_1653] {strides = array<i32>} : memref<8192xf32, #tpu.memory_space<vmem>>, vector<16xf32>,
        %swap3A_1655 = vector.shape_cast %swap3A_1654 : vector<16xf32> to vector<16xf32>
        %swap3A_1656 = vector.shape_cast %mul3A_1648 : vector<16xf32> to vector<16xf32>
        tpu.vector_store %arg16[%swap3A_1653], %swap3A_1656 {strides = array<i32>} : memref<8192xf32, #tpu.memory_space<vmem>>, vector<16xf32>,
        %add3A_1657 = vector.broadcast %squeeze3A_1618 : i32 to vector<16xi32>
        %add3A_1658 = arith.addi %add3A_45, %add3A_1657 : vector<16xi32>
        %mul3A_1659 = arith.constant 64 : i32
        %mul3A_1660 = arith.muli %add3A_1614, %mul3A_1659 : i32
        %add3A_1661 = arith.constant 16 : i32
        %add3A_1662 = arith.addi %mul3A_1660, %add3A_1661 : i32
        %swap3A_1663 = arith.index_cast %add3A_1662 : i32 to index
        %swap3A_1664 = tpu.vector_load %arg17[%swap3A_1663] {strides = array<i32>} : memref<8192xi32, #tpu.memory_space<vmem>>, vector<16xi32>,
        %swap3A_1665 = vector.shape_cast %swap3A_1664 : vector<16xi32> to vector<16xi32>
        %swap3A_1666 = vector.shape_cast %add3A_1658 : vector<16xi32> to vector<16xi32>
        tpu.vector_store %arg17[%swap3A_1663], %swap3A_1666 {strides = array<i32>} : memref<8192xi32, #tpu.memory_space<vmem>>, vector<16xi32>,
        %get3A_1667 = arith.index_cast %add3A_1614 : i32 to index
        %get3A_1668 = arith.constant 32 : index
        %get3A_1669 = tpu.vector_load %arg13[%get3A_1667, %get3A_1668] {strides = array<i32>} : memref<128x128xf32, #tpu.memory_space<vmem>>, vector<1x16xf32>,
        %get3A_1670 = vector.shape_cast %get3A_1669 : vector<1x16xf32> to vector<16xf32>
        %mul3A_1671 = vector.broadcast %squeeze3A_1616 : f32 to vector<16xf32>
        %mul3A_1672 = arith.mulf %get3A_1670, %mul3A_1671 : vector<16xf32>
        %mul3A_1673 = arith.constant 64 : i32
        %mul3A_1674 = arith.muli %add3A_1614, %mul3A_1673 : i32
        %add3A_1675 = arith.constant 32 : i32
        %add3A_1676 = arith.addi %mul3A_1674, %add3A_1675 : i32
        %swap3A_1677 = arith.index_cast %add3A_1676 : i32 to index
        %swap3A_1678 = tpu.vector_load %arg16[%swap3A_1677] {strides = array<i32>} : memref<8192xf32, #tpu.memory_space<vmem>>, vector<16xf32>,
        %swap3A_1679 = vector.shape_cast %swap3A_1678 : vector<16xf32> to vector<16xf32>
        %swap3A_1680 = vector.shape_cast %mul3A_1672 : vector<16xf32> to vector<16xf32>
        tpu.vector_store %arg16[%swap3A_1677], %swap3A_1680 {strides = array<i32>} : memref<8192xf32, #tpu.memory_space<vmem>>, vector<16xf32>,
        %add3A_1681 = vector.broadcast %squeeze3A_1618 : i32 to vector<16xi32>
        %add3A_1682 = arith.addi %add3A_49, %add3A_1681 : vector<16xi32>
        %mul3A_1683 = arith.constant 64 : i32
        %mul3A_1684 = arith.muli %add3A_1614, %mul3A_1683 : i32
        %add3A_1685 = arith.constant 32 : i32
        %add3A_1686 = arith.addi %mul3A_1684, %add3A_1685 : i32
        %swap3A_1687 = arith.index_cast %add3A_1686 : i32 to index
        %swap3A_1688 = tpu.vector_load %arg17[%swap3A_1687] {strides = array<i32>} : memref<8192xi32, #tpu.memory_space<vmem>>, vector<16xi32>,
        %swap3A_1689 = vector.shape_cast %swap3A_1688 : vector<16xi32> to vector<16xi32>
        %swap3A_1690 = vector.shape_cast %add3A_1682 : vector<16xi32> to vector<16xi32>
        tpu.vector_store %arg17[%swap3A_1687], %swap3A_1690 {strides = array<i32>} : memref<8192xi32, #tpu.memory_space<vmem>>, vector<16xi32>,
        %get3A_1691 = arith.index_cast %add3A_1614 : i32 to index
        %get3A_1692 = arith.constant 48 : index
        %get3A_1693 = tpu.vector_load %arg13[%get3A_1691, %get3A_1692] {strides = array<i32>} : memref<128x128xf32, #tpu.memory_space<vmem>>, vector<1x16xf32>,
        %get3A_1694 = vector.shape_cast %get3A_1693 : vector<1x16xf32> to vector<16xf32>
        %mul3A_1695 = vector.broadcast %squeeze3A_1616 : f32 to vector<16xf32>
        %mul3A_1696 = arith.mulf %get3A_1694, %mul3A_1695 : vector<16xf32>
        %mul3A_1697 = arith.constant 64 : i32
        %mul3A_1698 = arith.muli %add3A_1614, %mul3A_1697 : i32
        %add3A_1699 = arith.constant 48 : i32
        %add3A_1700 = arith.addi %mul3A_1698, %add3A_1699 : i32
        %swap3A_1701 = arith.index_cast %add3A_1700 : i32 to index
        %swap3A_1702 = tpu.vector_load %arg16[%swap3A_1701] {strides = array<i32>} : memref<8192xf32, #tpu.memory_space<vmem>>, vector<16xf32>,
        %swap3A_1703 = vector.shape_cast %swap3A_1702 : vector<16xf32> to vector<16xf32>
        %swap3A_1704 = vector.shape_cast %mul3A_1696 : vector<16xf32> to vector<16xf32>
        tpu.vector_store %arg16[%swap3A_1701], %swap3A_1704 {strides = array<i32>} : memref<8192xf32, #tpu.memory_space<vmem>>, vector<16xf32>,
        %add3A_1705 = vector.broadcast %squeeze3A_1618 : i32 to vector<16xi32>
        %add3A_1706 = arith.addi %add3A_53, %add3A_1705 : vector<16xi32>
        %mul3A_1707 = arith.constant 64 : i32
        %mul3A_1708 = arith.muli %add3A_1614, %mul3A_1707 : i32
        %add3A_1709 = arith.constant 48 : i32
        %add3A_1710 = arith.addi %mul3A_1708, %add3A_1709 : i32
        %swap3A_1711 = arith.index_cast %add3A_1710 : i32 to index
        %swap3A_1712 = tpu.vector_load %arg17[%swap3A_1711] {strides = array<i32>} : memref<8192xi32, #tpu.memory_space<vmem>>, vector<16xi32>,
        %swap3A_1713 = vector.shape_cast %swap3A_1712 : vector<16xi32> to vector<16xi32>
        %swap3A_1714 = vector.shape_cast %add3A_1706 : vector<16xi32> to vector<16xi32>
        tpu.vector_store %arg17[%swap3A_1711], %swap3A_1714 {strides = array<i32>} : memref<8192xi32, #tpu.memory_space<vmem>>, vector<16xi32>,
        %mul3A_1715 = arith.constant 16 : i32
        %mul3A_1716 = arith.muli %scan3A_147, %mul3A_1715 : i32
        %add3A_1717 = arith.constant 15 : i32
        %add3A_1718 = arith.addi %mul3A_1716, %add3A_1717 : i32
        %slice3A_1719 = vector.extract_strided_slice %get3A_152 {offsets = [15], sizes = [1], strides = [1]} : vector<16xf32> to vector<1xf32>
        %squeeze3A_1720 = vector.extract %slice3A_1719[0] : f32 from vector<1xf32>
        %slice3A_1721 = vector.extract_strided_slice %get3A_157 {offsets = [15], sizes = [1], strides = [1]} : vector<16xi32> to vector<1xi32>
        %squeeze3A_1722 = vector.extract %slice3A_1721[0] : i32 from vector<1xi32>
        %get3A_1723 = arith.index_cast %add3A_1718 : i32 to index
        %get3A_1724 = arith.constant 0 : index
        %get3A_1725 = tpu.vector_load %arg13[%get3A_1723, %get3A_1724] {strides = array<i32>} : memref<128x128xf32, #tpu.memory_space<vmem>>, vector<1x16xf32>,
        %get3A_1726 = vector.shape_cast %get3A_1725 : vector<1x16xf32> to vector<16xf32>
        %mul3A_1727 = vector.broadcast %squeeze3A_1720 : f32 to vector<16xf32>
        %mul3A_1728 = arith.mulf %get3A_1726, %mul3A_1727 : vector<16xf32>
        %mul3A_1729 = arith.constant 64 : i32
        %mul3A_1730 = arith.muli %add3A_1718, %mul3A_1729 : i32
        %add3A_1731 = arith.constant 0 : i32
        %add3A_1732 = arith.addi %mul3A_1730, %add3A_1731 : i32
        %swap3A_1733 = arith.index_cast %add3A_1732 : i32 to index
        %swap3A_1734 = tpu.vector_load %arg16[%swap3A_1733] {strides = array<i32>} : memref<8192xf32, #tpu.memory_space<vmem>>, vector<16xf32>,
        %swap3A_1735 = vector.shape_cast %swap3A_1734 : vector<16xf32> to vector<16xf32>
        %swap3A_1736 = vector.shape_cast %mul3A_1728 : vector<16xf32> to vector<16xf32>
        tpu.vector_store %arg16[%swap3A_1733], %swap3A_1736 {strides = array<i32>} : memref<8192xf32, #tpu.memory_space<vmem>>, vector<16xf32>,
        %add3A_1737 = vector.broadcast %squeeze3A_1722 : i32 to vector<16xi32>
        %add3A_1738 = arith.addi %add3A_41, %add3A_1737 : vector<16xi32>
        %mul3A_1739 = arith.constant 64 : i32
        %mul3A_1740 = arith.muli %add3A_1718, %mul3A_1739 : i32
        %add3A_1741 = arith.constant 0 : i32
        %add3A_1742 = arith.addi %mul3A_1740, %add3A_1741 : i32
        %swap3A_1743 = arith.index_cast %add3A_1742 : i32 to index
        %swap3A_1744 = tpu.vector_load %arg17[%swap3A_1743] {strides = array<i32>} : memref<8192xi32, #tpu.memory_space<vmem>>, vector<16xi32>,
        %swap3A_1745 = vector.shape_cast %swap3A_1744 : vector<16xi32> to vector<16xi32>
        %swap3A_1746 = vector.shape_cast %add3A_1738 : vector<16xi32> to vector<16xi32>
        tpu.vector_store %arg17[%swap3A_1743], %swap3A_1746 {strides = array<i32>} : memref<8192xi32, #tpu.memory_space<vmem>>, vector<16xi32>,
        %get3A_1747 = arith.index_cast %add3A_1718 : i32 to index
        %get3A_1748 = arith.constant 16 : index
        %get3A_1749 = tpu.vector_load %arg13[%get3A_1747, %get3A_1748] {strides = array<i32>} : memref<128x128xf32, #tpu.memory_space<vmem>>, vector<1x16xf32>,
        %get3A_1750 = vector.shape_cast %get3A_1749 : vector<1x16xf32> to vector<16xf32>
        %mul3A_1751 = vector.broadcast %squeeze3A_1720 : f32 to vector<16xf32>
        %mul3A_1752 = arith.mulf %get3A_1750, %mul3A_1751 : vector<16xf32>
        %mul3A_1753 = arith.constant 64 : i32
        %mul3A_1754 = arith.muli %add3A_1718, %mul3A_1753 : i32
        %add3A_1755 = arith.constant 16 : i32
        %add3A_1756 = arith.addi %mul3A_1754, %add3A_1755 : i32
        %swap3A_1757 = arith.index_cast %add3A_1756 : i32 to index
        %swap3A_1758 = tpu.vector_load %arg16[%swap3A_1757] {strides = array<i32>} : memref<8192xf32, #tpu.memory_space<vmem>>, vector<16xf32>,
        %swap3A_1759 = vector.shape_cast %swap3A_1758 : vector<16xf32> to vector<16xf32>
        %swap3A_1760 = vector.shape_cast %mul3A_1752 : vector<16xf32> to vector<16xf32>
        tpu.vector_store %arg16[%swap3A_1757], %swap3A_1760 {strides = array<i32>} : memref<8192xf32, #tpu.memory_space<vmem>>, vector<16xf32>,
        %add3A_1761 = vector.broadcast %squeeze3A_1722 : i32 to vector<16xi32>
        %add3A_1762 = arith.addi %add3A_45, %add3A_1761 : vector<16xi32>
        %mul3A_1763 = arith.constant 64 : i32
        %mul3A_1764 = arith.muli %add3A_1718, %mul3A_1763 : i32
        %add3A_1765 = arith.constant 16 : i32
        %add3A_1766 = arith.addi %mul3A_1764, %add3A_1765 : i32
        %swap3A_1767 = arith.index_cast %add3A_1766 : i32 to index
        %swap3A_1768 = tpu.vector_load %arg17[%swap3A_1767] {strides = array<i32>} : memref<8192xi32, #tpu.memory_space<vmem>>, vector<16xi32>,
        %swap3A_1769 = vector.shape_cast %swap3A_1768 : vector<16xi32> to vector<16xi32>
        %swap3A_1770 = vector.shape_cast %add3A_1762 : vector<16xi32> to vector<16xi32>
        tpu.vector_store %arg17[%swap3A_1767], %swap3A_1770 {strides = array<i32>} : memref<8192xi32, #tpu.memory_space<vmem>>, vector<16xi32>,
        %get3A_1771 = arith.index_cast %add3A_1718 : i32 to index
        %get3A_1772 = arith.constant 32 : index
        %get3A_1773 = tpu.vector_load %arg13[%get3A_1771, %get3A_1772] {strides = array<i32>} : memref<128x128xf32, #tpu.memory_space<vmem>>, vector<1x16xf32>,
        %get3A_1774 = vector.shape_cast %get3A_1773 : vector<1x16xf32> to vector<16xf32>
        %mul3A_1775 = vector.broadcast %squeeze3A_1720 : f32 to vector<16xf32>
        %mul3A_1776 = arith.mulf %get3A_1774, %mul3A_1775 : vector<16xf32>
        %mul3A_1777 = arith.constant 64 : i32
        %mul3A_1778 = arith.muli %add3A_1718, %mul3A_1777 : i32
        %add3A_1779 = arith.constant 32 : i32
        %add3A_1780 = arith.addi %mul3A_1778, %add3A_1779 : i32
        %swap3A_1781 = arith.index_cast %add3A_1780 : i32 to index
        %swap3A_1782 = tpu.vector_load %arg16[%swap3A_1781] {strides = array<i32>} : memref<8192xf32, #tpu.memory_space<vmem>>, vector<16xf32>,
        %swap3A_1783 = vector.shape_cast %swap3A_1782 : vector<16xf32> to vector<16xf32>
        %swap3A_1784 = vector.shape_cast %mul3A_1776 : vector<16xf32> to vector<16xf32>
        tpu.vector_store %arg16[%swap3A_1781], %swap3A_1784 {strides = array<i32>} : memref<8192xf32, #tpu.memory_space<vmem>>, vector<16xf32>,
        %add3A_1785 = vector.broadcast %squeeze3A_1722 : i32 to vector<16xi32>
        %add3A_1786 = arith.addi %add3A_49, %add3A_1785 : vector<16xi32>
        %mul3A_1787 = arith.constant 64 : i32
        %mul3A_1788 = arith.muli %add3A_1718, %mul3A_1787 : i32
        %add3A_1789 = arith.constant 32 : i32
        %add3A_1790 = arith.addi %mul3A_1788, %add3A_1789 : i32
        %swap3A_1791 = arith.index_cast %add3A_1790 : i32 to index
        %swap3A_1792 = tpu.vector_load %arg17[%swap3A_1791] {strides = array<i32>} : memref<8192xi32, #tpu.memory_space<vmem>>, vector<16xi32>,
        %swap3A_1793 = vector.shape_cast %swap3A_1792 : vector<16xi32> to vector<16xi32>
        %swap3A_1794 = vector.shape_cast %add3A_1786 : vector<16xi32> to vector<16xi32>
        tpu.vector_store %arg17[%swap3A_1791], %swap3A_1794 {strides = array<i32>} : memref<8192xi32, #tpu.memory_space<vmem>>, vector<16xi32>,
        %get3A_1795 = arith.index_cast %add3A_1718 : i32 to index
        %get3A_1796 = arith.constant 48 : index
        %get3A_1797 = tpu.vector_load %arg13[%get3A_1795, %get3A_1796] {strides = array<i32>} : memref<128x128xf32, #tpu.memory_space<vmem>>, vector<1x16xf32>,
        %get3A_1798 = vector.shape_cast %get3A_1797 : vector<1x16xf32> to vector<16xf32>
        %mul3A_1799 = vector.broadcast %squeeze3A_1720 : f32 to vector<16xf32>
        %mul3A_1800 = arith.mulf %get3A_1798, %mul3A_1799 : vector<16xf32>
        %mul3A_1801 = arith.constant 64 : i32
        %mul3A_1802 = arith.muli %add3A_1718, %mul3A_1801 : i32
        %add3A_1803 = arith.constant 48 : i32
        %add3A_1804 = arith.addi %mul3A_1802, %add3A_1803 : i32
        %swap3A_1805 = arith.index_cast %add3A_1804 : i32 to index
        %swap3A_1806 = tpu.vector_load %arg16[%swap3A_1805] {strides = array<i32>} : memref<8192xf32, #tpu.memory_space<vmem>>, vector<16xf32>,
        %swap3A_1807 = vector.shape_cast %swap3A_1806 : vector<16xf32> to vector<16xf32>
        %swap3A_1808 = vector.shape_cast %mul3A_1800 : vector<16xf32> to vector<16xf32>
        tpu.vector_store %arg16[%swap3A_1805], %swap3A_1808 {strides = array<i32>} : memref<8192xf32, #tpu.memory_space<vmem>>, vector<16xf32>,
        %add3A_1809 = vector.broadcast %squeeze3A_1722 : i32 to vector<16xi32>
        %add3A_1810 = arith.addi %add3A_53, %add3A_1809 : vector<16xi32>
        %mul3A_1811 = arith.constant 64 : i32
        %mul3A_1812 = arith.muli %add3A_1718, %mul3A_1811 : i32
        %add3A_1813 = arith.constant 48 : i32
        %add3A_1814 = arith.addi %mul3A_1812, %add3A_1813 : i32
        %swap3A_1815 = arith.index_cast %add3A_1814 : i32 to index
        %swap3A_1816 = tpu.vector_load %arg17[%swap3A_1815] {strides = array<i32>} : memref<8192xi32, #tpu.memory_space<vmem>>, vector<16xi32>,
        %swap3A_1817 = vector.shape_cast %swap3A_1816 : vector<16xi32> to vector<16xi32>
        %swap3A_1818 = vector.shape_cast %add3A_1810 : vector<16xi32> to vector<16xi32>
        tpu.vector_store %arg17[%swap3A_1815], %swap3A_1818 {strides = array<i32>} : memref<8192xi32, #tpu.memory_space<vmem>>, vector<16xi32>,
        %scan3A_1819 = arith.constant 0 : i32
        scf.yield %scan3A_1819 : i32
      }
      %scan3A_139 = arith.constant 8 : i32
      %dma_wait3A_140 = arith.constant 0 : i32
      %dma_wait3A_141 = tpu.memref_slice %arg7[%dma_wait3A_140] : memref<262144xf32, #tpu.memory_space<vmem_shared>> -> memref<262144xf32, #tpu.memory_space<vmem_shared>>
      tpu.wait_indirect_dma semaphore(%arg21 : memref<!tpu.dma_semaphore, #tpu.memory_space<semaphore_mem>>) src(%arg14 : memref<8192xf32, #tpu.memory_space<vmem>>) dst(%dma_wait3A_141 : memref<262144xf32, #tpu.memory_space<vmem_shared>>)
      %dma_start3A_142 = arith.constant 0 : i32
      %dma_start3A_143 = tpu.memref_slice %arg7[%dma_start3A_142] : memref<262144xf32, #tpu.memory_space<vmem_shared>> -> memref<262144xf32, #tpu.memory_space<vmem_shared>>
      tpu.enqueue_indirect_dma source(%arg16 : memref<8192xf32, #tpu.memory_space<vmem>>) target(%dma_start3A_143 : memref<262144xf32, #tpu.memory_space<vmem_shared>>) offsets(%arg17 : memref<8192xi32, #tpu.memory_space<vmem>>) semaphore(%arg22 : memref<!tpu.dma_semaphore, #tpu.memory_space<semaphore_mem>>) {add = true}
      %dma_wait3A_144 = arith.constant 0 : i32
      %dma_wait3A_145 = tpu.memref_slice %arg7[%dma_wait3A_144] : memref<262144xf32, #tpu.memory_space<vmem_shared>> -> memref<262144xf32, #tpu.memory_space<vmem_shared>>
      tpu.wait_indirect_dma semaphore(%arg22 : memref<!tpu.dma_semaphore, #tpu.memory_space<semaphore_mem>>) src(%arg16 : memref<8192xf32, #tpu.memory_space<vmem>>) dst(%dma_wait3A_145 : memref<262144xf32, #tpu.memory_space<vmem_shared>>)
      %scan3A_146 = arith.constant 0 : i32
      scf.yield %scan3A_146 : i32
    }
    %scan3A_60 = arith.constant 16 : i32
    %barrier3A_61 = arith.constant 0 : index
    tpu.barrier barrier_id(%barrier3A_61)
    %mul3A_62 = arith.constant 16384 : i32
    %mul3A_63 = arith.muli %arg1, %mul3A_62 : i32
    %mul3A_64 = arith.constant 4096 : i32
    %mul3A_65 = arith.muli %arg0, %mul3A_64 : i32
    %mul3A_66 = arith.constant 64 : i32
    %mul3A_67 = arith.muli %mul3A_65, %mul3A_66 : i32
    %mul3A_68 = arith.constant 16384 : i32
    %mul3A_69 = arith.muli %arg1, %mul3A_68 : i32
    %add3A_70 = arith.addi %mul3A_67, %mul3A_69 : i32
    "tpu.region"() ({
      %run_scoped3A = tpu.sem_alloc : memref<!tpu.dma_semaphore, #tpu.memory_space<semaphore_mem>>
      %dma_start3A = tpu.memref_slice %arg6[%add3A_70] : memref<524288xf32, #tpu.memory_space<hbm>> -> memref<16384xf32, #tpu.memory_space<hbm>>
      %dma_start3A_71 = tpu.memref_slice %arg7[%mul3A_63] : memref<262144xf32, #tpu.memory_space<vmem_shared>> -> memref<16384xf32, #tpu.memory_space<vmem_shared>>
      tpu.enqueue_dma source(%dma_start3A_71 : memref<16384xf32, #tpu.memory_space<vmem_shared>>) target(%dma_start3A : memref<16384xf32, #tpu.memory_space<hbm>>) target_semaphore(%run_scoped3A : memref<!tpu.dma_semaphore, #tpu.memory_space<semaphore_mem>>)
      %dma_wait3A = tpu.memref_slice %arg6[%add3A_70] : memref<524288xf32, #tpu.memory_space<hbm>> -> memref<16384xf32, #tpu.memory_space<hbm>>
      %dma_wait3A_72 = tpu.memref_slice %arg7[%mul3A_63] : memref<262144xf32, #tpu.memory_space<vmem_shared>> -> memref<16384xf32, #tpu.memory_space<vmem_shared>>
      tpu.wait_dma2 semaphore(%run_scoped3A : memref<!tpu.dma_semaphore, #tpu.memory_space<semaphore_mem>>) src(%dma_wait3A_72 : memref<16384xf32, #tpu.memory_space<vmem_shared>>) dst(%dma_wait3A : memref<16384xf32, #tpu.memory_space<hbm>>)
      tpu.yield
    }) : () -> ()
    return
  }
}

#map = affine_map<(d0, d1) -> (0, 0)>
#map1 = affine_map<(d0, d1) -> (0)>
module attributes {stable_mosaic.version = 14 : i64} {
  func.func @k(%arg0: i32, %arg1: i32, %arg2: memref<2x131072xi32, #tpu.memory_space<hbm>>, %arg3: memref<131072xi32, #tpu.memory_space<hbm>>, %arg4: memref<2x20480xf32, #tpu.memory_space<hbm>>, %arg5: memref<20480xf32, #tpu.memory_space<vmem_shared>>, %arg6: memref<1024xi32, #tpu.memory_space<vmem>>, %arg7: memref<1024xi32, #tpu.memory_space<vmem>>, %arg8: memref<1024xi32, #tpu.memory_space<vmem>>, %arg9: memref<1024xf32, #tpu.memory_space<vmem>>, %arg10: memref<1280xf32, #tpu.memory_space<vmem>>) attributes {dimension_semantics = [#tpu.dimension_semantics<core_parallel>, #tpu.dimension_semantics<subcore_parallel>], iteration_bounds = array<i64: 2, 16>, scalar_prefetch = 0 : i64, scratch_operands = 6 : i64, tpu.core_type = #tpu.core_type<sc_vector_subcore>, window_params = [{transform_indices = #map}, {transform_indices = #map1}, {transform_indices = #map}]} {
    %mul3A = arith.constant 16 : i32
    %mul3A_0 = arith.muli %arg0, %mul3A : i32
    %add3A = arith.addi %mul3A_0, %arg1 : i32
    %scan3A = arith.constant 0 : i32
    %scan3A_1 = arith.constant 0 : i32
    %scan3A_2 = arith.constant 80 : i32
    %scan3A_3 = arith.addi %scan3A_1, %scan3A_2 : i32
    %scan3A_4 = arith.constant 1 : i32
    %scan3A_5 = scf.for %scan3A_28 = %scan3A_1 to %scan3A_3 step %scan3A_4 iter_args(%scan3A_29 = %scan3A) -> (i32)  : i32 {
      %broadcast_in_dim3A = arith.constant 0.000000e+00 : f32
      %broadcast_in_dim3A_30 = vector.broadcast %broadcast_in_dim3A : f32 to vector<16xf32>
      %mul3A_31 = arith.constant 16 : i32
      %mul3A_32 = arith.muli %scan3A_28, %mul3A_31 : i32
      %swap3A = arith.index_cast %mul3A_32 : i32 to index
      %swap3A_33 = tpu.vector_load %arg10[%swap3A] {strides = array<i32>} : memref<1280xf32, #tpu.memory_space<vmem>>, vector<16xf32>,
      %swap3A_34 = vector.shape_cast %swap3A_33 : vector<16xf32> to vector<16xf32>
      %swap3A_35 = vector.shape_cast %broadcast_in_dim3A_30 : vector<16xf32> to vector<16xf32>
      tpu.vector_store %arg10[%swap3A], %swap3A_35 {strides = array<i32>} : memref<1280xf32, #tpu.memory_space<vmem>>, vector<16xf32>,
      %scan3A_36 = arith.constant 0 : i32
      scf.yield %scan3A_36 : i32
    }
    %scan3A_6 = arith.constant 80 : i32
    %scan3A_7 = arith.constant 0 : i32
    %scan3A_8 = arith.constant 0 : i32
    %scan3A_9 = arith.constant 64 : i32
    %scan3A_10 = arith.addi %scan3A_8, %scan3A_9 : i32
    %scan3A_11 = arith.constant 1 : i32
    %scan3A_12 = scf.for %scan3A_28 = %scan3A_8 to %scan3A_10 step %scan3A_11 iter_args(%scan3A_29 = %scan3A_7) -> (i32)  : i32 {
      %broadcast_in_dim3A = arith.constant 1.000000e+00 : f32
      %broadcast_in_dim3A_30 = vector.broadcast %broadcast_in_dim3A : f32 to vector<16xf32>
      %mul3A_31 = arith.constant 16 : i32
      %mul3A_32 = arith.muli %scan3A_28, %mul3A_31 : i32
      %swap3A = arith.index_cast %mul3A_32 : i32 to index
      %swap3A_33 = tpu.vector_load %arg9[%swap3A] {strides = array<i32>} : memref<1024xf32, #tpu.memory_space<vmem>>, vector<16xf32>,
      %swap3A_34 = vector.shape_cast %swap3A_33 : vector<16xf32> to vector<16xf32>
      %swap3A_35 = vector.shape_cast %broadcast_in_dim3A_30 : vector<16xf32> to vector<16xf32>
      tpu.vector_store %arg9[%swap3A], %swap3A_35 {strides = array<i32>} : memref<1024xf32, #tpu.memory_space<vmem>>, vector<16xf32>,
      %scan3A_36 = arith.constant 0 : i32
      scf.yield %scan3A_36 : i32
    }
    %scan3A_13 = arith.constant 64 : i32
    %mul3A_14 = arith.constant 1280 : i32
    %mul3A_15 = arith.muli %arg1, %mul3A_14 : i32
    "tpu.region"() ({
      %run_scoped3A = tpu.sem_alloc : memref<!tpu.dma_semaphore, #tpu.memory_space<semaphore_mem>>
      %dma_start3A = tpu.memref_slice %arg5[%mul3A_15] : memref<20480xf32, #tpu.memory_space<vmem_shared>> -> memref<1280xf32, #tpu.memory_space<vmem_shared>>
      %dma_start3A_28 = tpu.memref_slice %arg5[%mul3A_15] : memref<20480xf32, #tpu.memory_space<vmem_shared>> -> memref<1280xf32, #tpu.memory_space<vmem_shared>>
      tpu.enqueue_dma source(%arg10 : memref<1280xf32, #tpu.memory_space<vmem>>) target(%dma_start3A_28 : memref<1280xf32, #tpu.memory_space<vmem_shared>>) target_semaphore(%run_scoped3A : memref<!tpu.dma_semaphore, #tpu.memory_space<semaphore_mem>>)
      %dma_wait3A = tpu.memref_slice %arg5[%mul3A_15] : memref<20480xf32, #tpu.memory_space<vmem_shared>> -> memref<1280xf32, #tpu.memory_space<vmem_shared>>
      %dma_wait3A_29 = tpu.memref_slice %arg5[%mul3A_15] : memref<20480xf32, #tpu.memory_space<vmem_shared>> -> memref<1280xf32, #tpu.memory_space<vmem_shared>>
      tpu.wait_dma2 semaphore(%run_scoped3A : memref<!tpu.dma_semaphore, #tpu.memory_space<semaphore_mem>>) src(%arg10 : memref<1280xf32, #tpu.memory_space<vmem>>) dst(%dma_wait3A_29 : memref<1280xf32, #tpu.memory_space<vmem_shared>>)
      tpu.yield
    }) : () -> ()
    %barrier3A = arith.constant 0 : index
    tpu.barrier barrier_id(%barrier3A)
    %scan3A_16 = arith.constant 0 : i32
    %scan3A_17 = arith.constant 0 : i32
    %scan3A_18 = arith.constant 4 : i32
    %scan3A_19 = arith.addi %scan3A_17, %scan3A_18 : i32
    %scan3A_20 = arith.constant 1 : i32
    %scan3A_21 = scf.for %scan3A_28 = %scan3A_17 to %scan3A_19 step %scan3A_20 iter_args(%scan3A_29 = %scan3A_16) -> (i32)  : i32 {
      %mul3A_30 = arith.constant 4096 : i32
      %mul3A_31 = arith.muli %add3A, %mul3A_30 : i32
      %mul3A_32 = arith.constant 1024 : i32
      %mul3A_33 = arith.muli %scan3A_28, %mul3A_32 : i32
      %add3A_34 = arith.addi %mul3A_31, %mul3A_33 : i32
      %run_scoped3A = arith.constant 1 : i32
      "tpu.region"() ({
        %run_scoped3A_43 = tpu.sem_alloc : memref<!tpu.dma_semaphore, #tpu.memory_space<semaphore_mem>>
        %dma_start3A = tpu.memref_slice %arg2[%run_scoped3A, %add3A_34] : memref<2x131072xi32, #tpu.memory_space<hbm>> -> memref<1x1024xi32, #tpu.memory_space<hbm>>
        %dma_start3A_44 = tpu.memref_squeeze %dma_start3A : memref<1x1024xi32, #tpu.memory_space<hbm>> -> memref<1024xi32, #tpu.memory_space<hbm>>
        %dma_start3A_45 = tpu.memref_slice %arg2[%run_scoped3A, %add3A_34] : memref<2x131072xi32, #tpu.memory_space<hbm>> -> memref<1x1024xi32, #tpu.memory_space<hbm>>
        %dma_start3A_46 = tpu.memref_squeeze %dma_start3A_45 : memref<1x1024xi32, #tpu.memory_space<hbm>> -> memref<1024xi32, #tpu.memory_space<hbm>>
        tpu.enqueue_dma source(%dma_start3A_46 : memref<1024xi32, #tpu.memory_space<hbm>>) target(%arg6 : memref<1024xi32, #tpu.memory_space<vmem>>) target_semaphore(%run_scoped3A_43 : memref<!tpu.dma_semaphore, #tpu.memory_space<semaphore_mem>>)
        %dma_wait3A = tpu.memref_slice %arg2[%run_scoped3A, %add3A_34] : memref<2x131072xi32, #tpu.memory_space<hbm>> -> memref<1x1024xi32, #tpu.memory_space<hbm>>
        %dma_wait3A_47 = tpu.memref_squeeze %dma_wait3A : memref<1x1024xi32, #tpu.memory_space<hbm>> -> memref<1024xi32, #tpu.memory_space<hbm>>
        %dma_wait3A_48 = tpu.memref_slice %arg2[%run_scoped3A, %add3A_34] : memref<2x131072xi32, #tpu.memory_space<hbm>> -> memref<1x1024xi32, #tpu.memory_space<hbm>>
        %dma_wait3A_49 = tpu.memref_squeeze %dma_wait3A_48 : memref<1x1024xi32, #tpu.memory_space<hbm>> -> memref<1024xi32, #tpu.memory_space<hbm>>
        tpu.wait_dma2 semaphore(%run_scoped3A_43 : memref<!tpu.dma_semaphore, #tpu.memory_space<semaphore_mem>>) src(%dma_wait3A_49 : memref<1024xi32, #tpu.memory_space<hbm>>) dst(%arg6 : memref<1024xi32, #tpu.memory_space<vmem>>)
        tpu.yield
      }) : () -> ()
      "tpu.region"() ({
        %run_scoped3A_43 = tpu.sem_alloc : memref<!tpu.dma_semaphore, #tpu.memory_space<semaphore_mem>>
        %dma_start3A = tpu.memref_slice %arg3[%add3A_34] : memref<131072xi32, #tpu.memory_space<hbm>> -> memref<1024xi32, #tpu.memory_space<hbm>>
        %dma_start3A_44 = tpu.memref_slice %arg3[%add3A_34] : memref<131072xi32, #tpu.memory_space<hbm>> -> memref<1024xi32, #tpu.memory_space<hbm>>
        tpu.enqueue_dma source(%dma_start3A_44 : memref<1024xi32, #tpu.memory_space<hbm>>) target(%arg7 : memref<1024xi32, #tpu.memory_space<vmem>>) target_semaphore(%run_scoped3A_43 : memref<!tpu.dma_semaphore, #tpu.memory_space<semaphore_mem>>)
        %dma_wait3A = tpu.memref_slice %arg3[%add3A_34] : memref<131072xi32, #tpu.memory_space<hbm>> -> memref<1024xi32, #tpu.memory_space<hbm>>
        %dma_wait3A_45 = tpu.memref_slice %arg3[%add3A_34] : memref<131072xi32, #tpu.memory_space<hbm>> -> memref<1024xi32, #tpu.memory_space<hbm>>
        tpu.wait_dma2 semaphore(%run_scoped3A_43 : memref<!tpu.dma_semaphore, #tpu.memory_space<semaphore_mem>>) src(%dma_wait3A_45 : memref<1024xi32, #tpu.memory_space<hbm>>) dst(%arg7 : memref<1024xi32, #tpu.memory_space<vmem>>)
        tpu.yield
      }) : () -> ()
      %scan3A_35 = arith.constant 0 : i32
      %scan3A_36 = arith.constant 0 : i32
      %scan3A_37 = arith.constant 64 : i32
      %scan3A_38 = arith.addi %scan3A_36, %scan3A_37 : i32
      %scan3A_39 = arith.constant 1 : i32
      %scan3A_40 = scf.for %scan3A_43 = %scan3A_36 to %scan3A_38 step %scan3A_39 iter_args(%scan3A_44 = %scan3A_35) -> (i32)  : i32 {
        %mul3A_45 = arith.constant 16 : i32
        %mul3A_46 = arith.muli %scan3A_43, %mul3A_45 : i32
        %get3A = arith.index_cast %mul3A_46 : i32 to index
        %get3A_47 = tpu.vector_load %arg6[%get3A] {strides = array<i32>} : memref<1024xi32, #tpu.memory_space<vmem>>, vector<16xi32>,
        %get3A_48 = vector.shape_cast %get3A_47 : vector<16xi32> to vector<16xi32>
        %mul3A_49 = arith.constant 16 : i32
        %mul3A_50 = arith.muli %scan3A_43, %mul3A_49 : i32
        %get3A_51 = arith.index_cast %mul3A_50 : i32 to index
        %get3A_52 = tpu.vector_load %arg7[%get3A_51] {strides = array<i32>} : memref<1024xi32, #tpu.memory_space<vmem>>, vector<16xi32>,
        %get3A_53 = vector.shape_cast %get3A_52 : vector<16xi32> to vector<16xi32>
        %mul3A_54 = arith.constant 4096 : i32
        %mul3A_55 = vector.broadcast %mul3A_54 : i32 to vector<16xi32>
        %mul3A_56 = arith.muli %get3A_53, %mul3A_55 : vector<16xi32>
        %add3A_57 = arith.addi %mul3A_56, %get3A_48 : vector<16xi32>
        %mul3A_58 = arith.constant 16 : i32
        %mul3A_59 = arith.muli %scan3A_43, %mul3A_58 : i32
        %swap3A = arith.index_cast %mul3A_59 : i32 to index
        %swap3A_60 = tpu.vector_load %arg8[%swap3A] {strides = array<i32>} : memref<1024xi32, #tpu.memory_space<vmem>>, vector<16xi32>,
        %swap3A_61 = vector.shape_cast %swap3A_60 : vector<16xi32> to vector<16xi32>
        %swap3A_62 = vector.shape_cast %add3A_57 : vector<16xi32> to vector<16xi32>
        tpu.vector_store %arg8[%swap3A], %swap3A_62 {strides = array<i32>} : memref<1024xi32, #tpu.memory_space<vmem>>, vector<16xi32>,
        %scan3A_63 = arith.constant 0 : i32
        scf.yield %scan3A_63 : i32
      }
      %scan3A_41 = arith.constant 64 : i32
      "tpu.region"() ({
        %run_scoped3A_43 = tpu.sem_alloc : memref<!tpu.dma_semaphore, #tpu.memory_space<semaphore_mem>>
        %dma_start3A = arith.constant 0 : i32
        %dma_start3A_44 = tpu.memref_slice %arg5[%dma_start3A] : memref<20480xf32, #tpu.memory_space<vmem_shared>> -> memref<20480xf32, #tpu.memory_space<vmem_shared>>
        tpu.enqueue_indirect_dma source(%arg9 : memref<1024xf32, #tpu.memory_space<vmem>>) target(%dma_start3A_44 : memref<20480xf32, #tpu.memory_space<vmem_shared>>) offsets(%arg8 : memref<1024xi32, #tpu.memory_space<vmem>>) semaphore(%run_scoped3A_43 : memref<!tpu.dma_semaphore, #tpu.memory_space<semaphore_mem>>) {add = true}
        %dma_wait3A = arith.constant 0 : i32
        %dma_wait3A_45 = tpu.memref_slice %arg5[%dma_wait3A] : memref<20480xf32, #tpu.memory_space<vmem_shared>> -> memref<20480xf32, #tpu.memory_space<vmem_shared>>
        tpu.wait_indirect_dma semaphore(%run_scoped3A_43 : memref<!tpu.dma_semaphore, #tpu.memory_space<semaphore_mem>>) src(%arg9 : memref<1024xf32, #tpu.memory_space<vmem>>) dst(%dma_wait3A_45 : memref<20480xf32, #tpu.memory_space<vmem_shared>>)
        tpu.yield
      }) : () -> ()
      %scan3A_42 = arith.constant 0 : i32
      scf.yield %scan3A_42 : i32
    }
    %scan3A_22 = arith.constant 4 : i32
    %barrier3A_23 = arith.constant 0 : index
    tpu.barrier barrier_id(%barrier3A_23)
    %mul3A_24 = arith.constant 1280 : i32
    %mul3A_25 = arith.muli %arg1, %mul3A_24 : i32
    %mul3A_26 = arith.constant 1280 : i32
    %mul3A_27 = arith.muli %arg1, %mul3A_26 : i32
    "tpu.region"() ({
      %run_scoped3A = tpu.sem_alloc : memref<!tpu.dma_semaphore, #tpu.memory_space<semaphore_mem>>
      %dma_start3A = tpu.memref_slice %arg4[%arg0, %mul3A_27] : memref<2x20480xf32, #tpu.memory_space<hbm>> -> memref<1x1280xf32, #tpu.memory_space<hbm>>
      %dma_start3A_28 = tpu.memref_squeeze %dma_start3A : memref<1x1280xf32, #tpu.memory_space<hbm>> -> memref<1280xf32, #tpu.memory_space<hbm>>
      %dma_start3A_29 = tpu.memref_slice %arg5[%mul3A_25] : memref<20480xf32, #tpu.memory_space<vmem_shared>> -> memref<1280xf32, #tpu.memory_space<vmem_shared>>
      tpu.enqueue_dma source(%dma_start3A_29 : memref<1280xf32, #tpu.memory_space<vmem_shared>>) target(%dma_start3A_28 : memref<1280xf32, #tpu.memory_space<hbm>>) target_semaphore(%run_scoped3A : memref<!tpu.dma_semaphore, #tpu.memory_space<semaphore_mem>>)
      %dma_wait3A = tpu.memref_slice %arg4[%arg0, %mul3A_27] : memref<2x20480xf32, #tpu.memory_space<hbm>> -> memref<1x1280xf32, #tpu.memory_space<hbm>>
      %dma_wait3A_30 = tpu.memref_squeeze %dma_wait3A : memref<1x1280xf32, #tpu.memory_space<hbm>> -> memref<1280xf32, #tpu.memory_space<hbm>>
      %dma_wait3A_31 = tpu.memref_slice %arg5[%mul3A_25] : memref<20480xf32, #tpu.memory_space<vmem_shared>> -> memref<1280xf32, #tpu.memory_space<vmem_shared>>
      tpu.wait_dma2 semaphore(%run_scoped3A : memref<!tpu.dma_semaphore, #tpu.memory_space<semaphore_mem>>) src(%dma_wait3A_31 : memref<1280xf32, #tpu.memory_space<vmem_shared>>) dst(%dma_wait3A_30 : memref<1280xf32, #tpu.memory_space<hbm>>)
      tpu.yield
    }) : () -> ()
    return
  }
}

module attributes {stable_mosaic.version = 14 : i64} {
  func.func @_projfc_body(%arg0: i32, %arg1: memref<2048x256xf32, #tpu.memory_space<vmem>>, %arg2: memref<256x64xf32, #tpu.memory_space<vmem>>, %arg3: memref<2048x64xf32, #tpu.memory_space<vmem>>) attributes {dimension_semantics = [#tpu.dimension_semantics<arbitrary>], iteration_bounds = array<i64: 2>, scalar_prefetch = 0 : i64, scratch_operands = 0 : i64, tpu.core_type = #tpu.core_type<tc>, window_params = [{transform_indices = @transform_0, window_bounds = array<i64: 2048, 256>}, {pipeline_mode = #tpu.pipeline_mode<synchronous>, transform_indices = @transform_1, window_bounds = array<i64: 256, 64>}, {transform_indices = @transform_2, window_bounds = array<i64: 2048, 64>}]} {
    %get3A = arith.constant 0 : index
    %get3A_0 = arith.constant 0 : index
    %get3A_1 = vector.load %arg1[%get3A, %get3A_0] : memref<2048x256xf32, #tpu.memory_space<vmem>>, vector<2048x256xf32>
    %get3A_2 = arith.constant 0 : index
    %get3A_3 = arith.constant 0 : index
    %get3A_4 = vector.load %arg2[%get3A_2, %get3A_3] : memref<256x64xf32, #tpu.memory_space<vmem>>, vector<256x64xf32>
    %dot_general3A = arith.constant dense<0.000000e+00> : vector<2048x64xf32>
    %dot_general3A_5 = tpu.matmul %get3A_1, %get3A_4, %dot_general3A {dimension_numbers = #tpu.dot_dimension_numbers<[1], [0], [0], [1], [0, 0, 1, 1], [], []>, transpose_lhs_hint = false} : vector<2048x256xf32>, vector<256x64xf32>, vector<2048x64xf32> -> vector<2048x64xf32>
    %swap3A = arith.constant 0 : index
    %swap3A_6 = arith.constant 0 : index
    %swap3A_7 = vector.load %arg3[%swap3A, %swap3A_6] : memref<2048x64xf32, #tpu.memory_space<vmem>>, vector<2048x64xf32>
    tpu.vector_store %arg3[%swap3A, %swap3A_6], %dot_general3A_5 {strides = array<i32>} : memref<2048x64xf32, #tpu.memory_space<vmem>>, vector<2048x64xf32>,
    return
  }
  func.func @transform_0(%arg0: i32) -> (i32, i32) {
    %c0_i32 = arith.constant 0 : i32
    %c0_i32_0 = arith.constant 0 : i32
    return %arg0, %c0_i32 : i32, i32
  }
  func.func @transform_1(%arg0: i32) -> (i32, i32) {
    %c0_i32 = arith.constant 0 : i32
    %c0_i32_0 = arith.constant 0 : i32
    %c0_i32_1 = arith.constant 0 : i32
    return %c0_i32, %c0_i32_0 : i32, i32
  }
  func.func @transform_2(%arg0: i32) -> (i32, i32) {
    %c0_i32 = arith.constant 0 : i32
    %c0_i32_0 = arith.constant 0 : i32
    return %arg0, %c0_i32 : i32, i32
  }
}

module attributes {stable_mosaic.version = 14 : i64} {
  func.func @_projfc_body(%arg0: i32, %arg1: memref<2048x256xf32, #tpu.memory_space<vmem>>, %arg2: memref<256x64xf32, #tpu.memory_space<vmem>>, %arg3: memref<2048x64xf32, #tpu.memory_space<vmem>>) attributes {dimension_semantics = [#tpu.dimension_semantics<arbitrary>], iteration_bounds = array<i64: 60>, scalar_prefetch = 0 : i64, scratch_operands = 0 : i64, tpu.core_type = #tpu.core_type<tc>, window_params = [{transform_indices = @transform_0, window_bounds = array<i64: 2048, 256>}, {pipeline_mode = #tpu.pipeline_mode<synchronous>, transform_indices = @transform_1, window_bounds = array<i64: 256, 64>}, {transform_indices = @transform_2, window_bounds = array<i64: 2048, 64>}]} {
    %get3A = arith.constant 0 : index
    %get3A_0 = arith.constant 0 : index
    %get3A_1 = vector.load %arg1[%get3A, %get3A_0] : memref<2048x256xf32, #tpu.memory_space<vmem>>, vector<2048x256xf32>
    %get3A_2 = arith.constant 0 : index
    %get3A_3 = arith.constant 0 : index
    %get3A_4 = vector.load %arg2[%get3A_2, %get3A_3] : memref<256x64xf32, #tpu.memory_space<vmem>>, vector<256x64xf32>
    %dot_general3A = arith.constant dense<0.000000e+00> : vector<2048x64xf32>
    %dot_general3A_5 = tpu.matmul %get3A_1, %get3A_4, %dot_general3A {dimension_numbers = #tpu.dot_dimension_numbers<[1], [0], [0], [1], [0, 0, 1, 1], [], []>, transpose_lhs_hint = false} : vector<2048x256xf32>, vector<256x64xf32>, vector<2048x64xf32> -> vector<2048x64xf32>
    %swap3A = arith.constant 0 : index
    %swap3A_6 = arith.constant 0 : index
    %swap3A_7 = vector.load %arg3[%swap3A, %swap3A_6] : memref<2048x64xf32, #tpu.memory_space<vmem>>, vector<2048x64xf32>
    tpu.vector_store %arg3[%swap3A, %swap3A_6], %dot_general3A_5 {strides = array<i32>} : memref<2048x64xf32, #tpu.memory_space<vmem>>, vector<2048x64xf32>,
    return
  }
  func.func @transform_0(%arg0: i32) -> (i32, i32) {
    %c0_i32 = arith.constant 0 : i32
    %c0_i32_0 = arith.constant 0 : i32
    return %arg0, %c0_i32 : i32, i32
  }
  func.func @transform_1(%arg0: i32) -> (i32, i32) {
    %c0_i32 = arith.constant 0 : i32
    %c0_i32_0 = arith.constant 0 : i32
    %c0_i32_1 = arith.constant 0 : i32
    return %c0_i32, %c0_i32_0 : i32, i32
  }
  func.func @transform_2(%arg0: i32) -> (i32, i32) {
    %c0_i32 = arith.constant 0 : i32
    %c0_i32_0 = arith.constant 0 : i32
    return %arg0, %c0_i32 : i32, i32
  }
}

module attributes {stable_mosaic.version = 14 : i64} {
  func.func @_wf_body(%arg0: i32, %arg1: memref<5x30xf32, #tpu.memory_space<vmem>>, %arg2: memref<30x8192xf32, #tpu.memory_space<vmem>>, %arg3: memref<1x8192xf32, #tpu.memory_space<vmem>>, %arg4: memref<6x8192xf32, #tpu.memory_space<vmem>>) attributes {dimension_semantics = [#tpu.dimension_semantics<arbitrary>], iteration_bounds = array<i64: 32>, scalar_prefetch = 0 : i64, scratch_operands = 0 : i64, tpu.core_type = #tpu.core_type<tc>, window_params = [{pipeline_mode = #tpu.pipeline_mode<synchronous>, transform_indices = @transform_0, window_bounds = array<i64: 5, 30>}, {transform_indices = @transform_1, window_bounds = array<i64: 30, 8192>}, {transform_indices = @transform_2, window_bounds = array<i64: 1, 8192>}, {transform_indices = @transform_3, window_bounds = array<i64: 6, 8192>}]} {
    %get3A = arith.constant 0 : index
    %get3A_0 = arith.constant 0 : index
    %get3A_1 = vector.load %arg1[%get3A, %get3A_0] : memref<5x30xf32, #tpu.memory_space<vmem>>, vector<5x30xf32>
    %get3A_2 = arith.constant 0 : index
    %get3A_3 = arith.constant 0 : index
    %get3A_4 = vector.load %arg2[%get3A_2, %get3A_3] : memref<30x8192xf32, #tpu.memory_space<vmem>>, vector<30x8192xf32>
    %dot_general3A = arith.constant dense<0.000000e+00> : vector<5x8192xf32>
    %dot_general3A_5 = tpu.matmul %get3A_1, %get3A_4, %dot_general3A {dimension_numbers = #tpu.dot_dimension_numbers<[1], [0], [0], [1], [0, 0, 1, 1], [], []>, transpose_lhs_hint = false} : vector<5x30xf32>, vector<30x8192xf32>, vector<5x8192xf32> -> vector<5x8192xf32>
    %get3A_6 = arith.constant 0 : index
    %get3A_7 = arith.constant 0 : index
    %get3A_8 = vector.load %arg3[%get3A_6, %get3A_7] : memref<1x8192xf32, #tpu.memory_space<vmem>>, vector<1x8192xf32>
    %concatenate3A = tpu.concatenate %dot_general3A_5, %get3A_8 in 0 : vector<5x8192xf32>, vector<1x8192xf32> -> vector<6x8192xf32>
    %swap3A = arith.constant 0 : index
    %swap3A_9 = arith.constant 0 : index
    %swap3A_10 = vector.load %arg4[%swap3A, %swap3A_9] : memref<6x8192xf32, #tpu.memory_space<vmem>>, vector<6x8192xf32>
    tpu.vector_store %arg4[%swap3A, %swap3A_9], %concatenate3A {strides = array<i32>} : memref<6x8192xf32, #tpu.memory_space<vmem>>, vector<6x8192xf32>,
    return
  }
  func.func @transform_0(%arg0: i32) -> (i32, i32) {
    %c0_i32 = arith.constant 0 : i32
    %c0_i32_0 = arith.constant 0 : i32
    %c0_i32_1 = arith.constant 0 : i32
    return %c0_i32, %c0_i32_0 : i32, i32
  }
  func.func @transform_1(%arg0: i32) -> (i32, i32) {
    %c0_i32 = arith.constant 0 : i32
    %c0_i32_0 = arith.constant 0 : i32
    return %c0_i32, %arg0 : i32, i32
  }
  func.func @transform_2(%arg0: i32) -> (i32, i32) {
    %c0_i32 = arith.constant 0 : i32
    %c0_i32_0 = arith.constant 0 : i32
    return %c0_i32, %arg0 : i32, i32
  }
  func.func @transform_3(%arg0: i32) -> (i32, i32) {
    %c0_i32 = arith.constant 0 : i32
    %c0_i32_0 = arith.constant 0 : i32
    return %c0_i32, %arg0 : i32, i32
  }
}

module attributes {stable_mosaic.version = 14 : i64} {
  func.func @_xwf_body(%arg0: i32, %arg1: i32, %arg2: memref<1024x512xf32, #tpu.memory_space<vmem>>, %arg3: memref<6x512x64xf32, #tpu.memory_space<vmem>>, %arg4: memref<6x1024x128xf32, #tpu.memory_space<vmem>>) attributes {dimension_semantics = [#tpu.dimension_semantics<arbitrary>, #tpu.dimension_semantics<arbitrary>], iteration_bounds = array<i64: 4, 8>, scalar_prefetch = 0 : i64, scratch_operands = 0 : i64, tpu.core_type = #tpu.core_type<tc>, window_params = [{transform_indices = @transform_0, window_bounds = array<i64: 1024, 512>}, {transform_indices = @transform_1, window_bounds = array<i64: 6, 512, 64>}, {transform_indices = @transform_2, window_bounds = array<i64: 6, 1024, 128>}]} {
    %get3A = arith.constant 0 : index
    %get3A_0 = arith.constant 0 : index
    %get3A_1 = vector.load %arg2[%get3A, %get3A_0] : memref<1024x512xf32, #tpu.memory_space<vmem>>, vector<1024x512xf32>
    %get3A_2 = arith.constant 0 : index
    %get3A_3 = arith.constant 0 : index
    %get3A_4 = arith.constant 0 : index
    %get3A_5 = vector.load %arg3[%get3A_2, %get3A_3, %get3A_4] : memref<6x512x64xf32, #tpu.memory_space<vmem>>, vector<1x512x64xf32>
    %get3A_6 = vector.shape_cast %get3A_5 : vector<1x512x64xf32> to vector<512x64xf32>
    %dot_general3A = arith.constant dense<0.000000e+00> : vector<1024x64xf32>
    %dot_general3A_7 = tpu.matmul %get3A_1, %get3A_6, %dot_general3A {dimension_numbers = #tpu.dot_dimension_numbers<[1], [0], [0], [1], [0, 0, 1, 1], [], []>, transpose_lhs_hint = false} : vector<1024x512xf32>, vector<512x64xf32>, vector<1024x64xf32> -> vector<1024x64xf32>
    %broadcast_in_dim3A = arith.constant 0.000000e+00 : f32
    %broadcast_in_dim3A_8 = vector.broadcast %broadcast_in_dim3A : f32 to vector<1024x64xf32>
    %concatenate3A = tpu.concatenate %dot_general3A_7, %broadcast_in_dim3A_8 in 1 : vector<1024x64xf32>, vector<1024x64xf32> -> vector<1024x128xf32>
    %eq3A = arith.constant 0 : i32
    %eq3A_9 = arith.cmpi eq, %arg1, %eq3A : i32
    %convert_element_type3A = arith.extui %eq3A_9 : i1 to i32
    %cond3A = arith.constant 0 : i32
    %cond3A_10 = arith.cmpi ne, %convert_element_type3A, %cond3A : i32
    scf.if %cond3A_10 {
      %swap3A = arith.constant 0 : index
      %swap3A_130 = arith.constant 0 : index
      %swap3A_131 = arith.constant 0 : index
      %swap3A_132 = vector.load %arg4[%swap3A, %swap3A_130, %swap3A_131] : memref<6x1024x128xf32, #tpu.memory_space<vmem>>, vector<1x1024x128xf32>
      %swap3A_133 = vector.shape_cast %swap3A_132 : vector<1x1024x128xf32> to vector<1024x128xf32>
      %swap3A_134 = vector.shape_cast %concatenate3A : vector<1024x128xf32> to vector<1x1024x128xf32>
      tpu.vector_store %arg4[%swap3A, %swap3A_130, %swap3A_131], %swap3A_134 {strides = array<i32>} : memref<6x1024x128xf32, #tpu.memory_space<vmem>>, vector<1x1024x128xf32>,
    } else {
    }
    %gt3A = arith.constant 0 : i32
    %gt3A_11 = arith.cmpi sgt, %arg1, %gt3A : i32
    %convert_element_type3A_12 = arith.extui %gt3A_11 : i1 to i32
    %cond3A_13 = arith.constant 0 : i32
    %cond3A_14 = arith.cmpi ne, %convert_element_type3A_12, %cond3A_13 : i32
    scf.if %cond3A_14 {
      %get3A_130 = arith.constant 0 : index
      %get3A_131 = arith.constant 0 : index
      %get3A_132 = arith.constant 0 : index
      %get3A_133 = vector.load %arg4[%get3A_130, %get3A_131, %get3A_132] : memref<6x1024x128xf32, #tpu.memory_space<vmem>>, vector<1x1024x128xf32>
      %get3A_134 = vector.shape_cast %get3A_133 : vector<1x1024x128xf32> to vector<1024x128xf32>
      %add3A = arith.addf %get3A_134, %concatenate3A : vector<1024x128xf32>
      %swap3A = arith.constant 0 : index
      %swap3A_135 = arith.constant 0 : index
      %swap3A_136 = arith.constant 0 : index
      %swap3A_137 = vector.load %arg4[%swap3A, %swap3A_135, %swap3A_136] : memref<6x1024x128xf32, #tpu.memory_space<vmem>>, vector<1x1024x128xf32>
      %swap3A_138 = vector.shape_cast %swap3A_137 : vector<1x1024x128xf32> to vector<1024x128xf32>
      %swap3A_139 = vector.shape_cast %add3A : vector<1024x128xf32> to vector<1x1024x128xf32>
      tpu.vector_store %arg4[%swap3A, %swap3A_135, %swap3A_136], %swap3A_139 {strides = array<i32>} : memref<6x1024x128xf32, #tpu.memory_space<vmem>>, vector<1x1024x128xf32>,
    } else {
    }
    %get3A_15 = arith.constant 0 : index
    %get3A_16 = arith.constant 0 : index
    %get3A_17 = vector.load %arg2[%get3A_15, %get3A_16] : memref<1024x512xf32, #tpu.memory_space<vmem>>, vector<1024x512xf32>
    %get3A_18 = arith.constant 1 : index
    %get3A_19 = arith.constant 0 : index
    %get3A_20 = arith.constant 0 : index
    %get3A_21 = vector.load %arg3[%get3A_18, %get3A_19, %get3A_20] : memref<6x512x64xf32, #tpu.memory_space<vmem>>, vector<1x512x64xf32>
    %get3A_22 = vector.shape_cast %get3A_21 : vector<1x512x64xf32> to vector<512x64xf32>
    %dot_general3A_23 = arith.constant dense<0.000000e+00> : vector<1024x64xf32>
    %dot_general3A_24 = tpu.matmul %get3A_17, %get3A_22, %dot_general3A_23 {dimension_numbers = #tpu.dot_dimension_numbers<[1], [0], [0], [1], [0, 0, 1, 1], [], []>, transpose_lhs_hint = false} : vector<1024x512xf32>, vector<512x64xf32>, vector<1024x64xf32> -> vector<1024x64xf32>
    %broadcast_in_dim3A_25 = arith.constant 0.000000e+00 : f32
    %broadcast_in_dim3A_26 = vector.broadcast %broadcast_in_dim3A_25 : f32 to vector<1024x64xf32>
    %concatenate3A_27 = tpu.concatenate %dot_general3A_24, %broadcast_in_dim3A_26 in 1 : vector<1024x64xf32>, vector<1024x64xf32> -> vector<1024x128xf32>
    %eq3A_28 = arith.constant 0 : i32
    %eq3A_29 = arith.cmpi eq, %arg1, %eq3A_28 : i32
    %convert_element_type3A_30 = arith.extui %eq3A_29 : i1 to i32
    %cond3A_31 = arith.constant 0 : i32
    %cond3A_32 = arith.cmpi ne, %convert_element_type3A_30, %cond3A_31 : i32
    scf.if %cond3A_32 {
      %swap3A = arith.constant 1 : index
      %swap3A_130 = arith.constant 0 : index
      %swap3A_131 = arith.constant 0 : index
      %swap3A_132 = vector.load %arg4[%swap3A, %swap3A_130, %swap3A_131] : memref<6x1024x128xf32, #tpu.memory_space<vmem>>, vector<1x1024x128xf32>
      %swap3A_133 = vector.shape_cast %swap3A_132 : vector<1x1024x128xf32> to vector<1024x128xf32>
      %swap3A_134 = vector.shape_cast %concatenate3A_27 : vector<1024x128xf32> to vector<1x1024x128xf32>
      tpu.vector_store %arg4[%swap3A, %swap3A_130, %swap3A_131], %swap3A_134 {strides = array<i32>} : memref<6x1024x128xf32, #tpu.memory_space<vmem>>, vector<1x1024x128xf32>,
    } else {
    }
    %gt3A_33 = arith.constant 0 : i32
    %gt3A_34 = arith.cmpi sgt, %arg1, %gt3A_33 : i32
    %convert_element_type3A_35 = arith.extui %gt3A_34 : i1 to i32
    %cond3A_36 = arith.constant 0 : i32
    %cond3A_37 = arith.cmpi ne, %convert_element_type3A_35, %cond3A_36 : i32
    scf.if %cond3A_37 {
      %get3A_130 = arith.constant 1 : index
      %get3A_131 = arith.constant 0 : index
      %get3A_132 = arith.constant 0 : index
      %get3A_133 = vector.load %arg4[%get3A_130, %get3A_131, %get3A_132] : memref<6x1024x128xf32, #tpu.memory_space<vmem>>, vector<1x1024x128xf32>
      %get3A_134 = vector.shape_cast %get3A_133 : vector<1x1024x128xf32> to vector<1024x128xf32>
      %add3A = arith.addf %get3A_134, %concatenate3A_27 : vector<1024x128xf32>
      %swap3A = arith.constant 1 : index
      %swap3A_135 = arith.constant 0 : index
      %swap3A_136 = arith.constant 0 : index
      %swap3A_137 = vector.load %arg4[%swap3A, %swap3A_135, %swap3A_136] : memref<6x1024x128xf32, #tpu.memory_space<vmem>>, vector<1x1024x128xf32>
      %swap3A_138 = vector.shape_cast %swap3A_137 : vector<1x1024x128xf32> to vector<1024x128xf32>
      %swap3A_139 = vector.shape_cast %add3A : vector<1024x128xf32> to vector<1x1024x128xf32>
      tpu.vector_store %arg4[%swap3A, %swap3A_135, %swap3A_136], %swap3A_139 {strides = array<i32>} : memref<6x1024x128xf32, #tpu.memory_space<vmem>>, vector<1x1024x128xf32>,
    } else {
    }
    %get3A_38 = arith.constant 0 : index
    %get3A_39 = arith.constant 0 : index
    %get3A_40 = vector.load %arg2[%get3A_38, %get3A_39] : memref<1024x512xf32, #tpu.memory_space<vmem>>, vector<1024x512xf32>
    %get3A_41 = arith.constant 2 : index
    %get3A_42 = arith.constant 0 : index
    %get3A_43 = arith.constant 0 : index
    %get3A_44 = vector.load %arg3[%get3A_41, %get3A_42, %get3A_43] : memref<6x512x64xf32, #tpu.memory_space<vmem>>, vector<1x512x64xf32>
    %get3A_45 = vector.shape_cast %get3A_44 : vector<1x512x64xf32> to vector<512x64xf32>
    %dot_general3A_46 = arith.constant dense<0.000000e+00> : vector<1024x64xf32>
    %dot_general3A_47 = tpu.matmul %get3A_40, %get3A_45, %dot_general3A_46 {dimension_numbers = #tpu.dot_dimension_numbers<[1], [0], [0], [1], [0, 0, 1, 1], [], []>, transpose_lhs_hint = false} : vector<1024x512xf32>, vector<512x64xf32>, vector<1024x64xf32> -> vector<1024x64xf32>
    %broadcast_in_dim3A_48 = arith.constant 0.000000e+00 : f32
    %broadcast_in_dim3A_49 = vector.broadcast %broadcast_in_dim3A_48 : f32 to vector<1024x64xf32>
    %concatenate3A_50 = tpu.concatenate %dot_general3A_47, %broadcast_in_dim3A_49 in 1 : vector<1024x64xf32>, vector<1024x64xf32> -> vector<1024x128xf32>
    %eq3A_51 = arith.constant 0 : i32
    %eq3A_52 = arith.cmpi eq, %arg1, %eq3A_51 : i32
    %convert_element_type3A_53 = arith.extui %eq3A_52 : i1 to i32
    %cond3A_54 = arith.constant 0 : i32
    %cond3A_55 = arith.cmpi ne, %convert_element_type3A_53, %cond3A_54 : i32
    scf.if %cond3A_55 {
      %swap3A = arith.constant 2 : index
      %swap3A_130 = arith.constant 0 : index
      %swap3A_131 = arith.constant 0 : index
      %swap3A_132 = vector.load %arg4[%swap3A, %swap3A_130, %swap3A_131] : memref<6x1024x128xf32, #tpu.memory_space<vmem>>, vector<1x1024x128xf32>
      %swap3A_133 = vector.shape_cast %swap3A_132 : vector<1x1024x128xf32> to vector<1024x128xf32>
      %swap3A_134 = vector.shape_cast %concatenate3A_50 : vector<1024x128xf32> to vector<1x1024x128xf32>
      tpu.vector_store %arg4[%swap3A, %swap3A_130, %swap3A_131], %swap3A_134 {strides = array<i32>} : memref<6x1024x128xf32, #tpu.memory_space<vmem>>, vector<1x1024x128xf32>,
    } else {
    }
    %gt3A_56 = arith.constant 0 : i32
    %gt3A_57 = arith.cmpi sgt, %arg1, %gt3A_56 : i32
    %convert_element_type3A_58 = arith.extui %gt3A_57 : i1 to i32
    %cond3A_59 = arith.constant 0 : i32
    %cond3A_60 = arith.cmpi ne, %convert_element_type3A_58, %cond3A_59 : i32
    scf.if %cond3A_60 {
      %get3A_130 = arith.constant 2 : index
      %get3A_131 = arith.constant 0 : index
      %get3A_132 = arith.constant 0 : index
      %get3A_133 = vector.load %arg4[%get3A_130, %get3A_131, %get3A_132] : memref<6x1024x128xf32, #tpu.memory_space<vmem>>, vector<1x1024x128xf32>
      %get3A_134 = vector.shape_cast %get3A_133 : vector<1x1024x128xf32> to vector<1024x128xf32>
      %add3A = arith.addf %get3A_134, %concatenate3A_50 : vector<1024x128xf32>
      %swap3A = arith.constant 2 : index
      %swap3A_135 = arith.constant 0 : index
      %swap3A_136 = arith.constant 0 : index
      %swap3A_137 = vector.load %arg4[%swap3A, %swap3A_135, %swap3A_136] : memref<6x1024x128xf32, #tpu.memory_space<vmem>>, vector<1x1024x128xf32>
      %swap3A_138 = vector.shape_cast %swap3A_137 : vector<1x1024x128xf32> to vector<1024x128xf32>
      %swap3A_139 = vector.shape_cast %add3A : vector<1024x128xf32> to vector<1x1024x128xf32>
      tpu.vector_store %arg4[%swap3A, %swap3A_135, %swap3A_136], %swap3A_139 {strides = array<i32>} : memref<6x1024x128xf32, #tpu.memory_space<vmem>>, vector<1x1024x128xf32>,
    } else {
    }
    %get3A_61 = arith.constant 0 : index
    %get3A_62 = arith.constant 0 : index
    %get3A_63 = vector.load %arg2[%get3A_61, %get3A_62] : memref<1024x512xf32, #tpu.memory_space<vmem>>, vector<1024x512xf32>
    %get3A_64 = arith.constant 3 : index
    %get3A_65 = arith.constant 0 : index
    %get3A_66 = arith.constant 0 : index
    %get3A_67 = vector.load %arg3[%get3A_64, %get3A_65, %get3A_66] : memref<6x512x64xf32, #tpu.memory_space<vmem>>, vector<1x512x64xf32>
    %get3A_68 = vector.shape_cast %get3A_67 : vector<1x512x64xf32> to vector<512x64xf32>
    %dot_general3A_69 = arith.constant dense<0.000000e+00> : vector<1024x64xf32>
    %dot_general3A_70 = tpu.matmul %get3A_63, %get3A_68, %dot_general3A_69 {dimension_numbers = #tpu.dot_dimension_numbers<[1], [0], [0], [1], [0, 0, 1, 1], [], []>, transpose_lhs_hint = false} : vector<1024x512xf32>, vector<512x64xf32>, vector<1024x64xf32> -> vector<1024x64xf32>
    %broadcast_in_dim3A_71 = arith.constant 0.000000e+00 : f32
    %broadcast_in_dim3A_72 = vector.broadcast %broadcast_in_dim3A_71 : f32 to vector<1024x64xf32>
    %concatenate3A_73 = tpu.concatenate %dot_general3A_70, %broadcast_in_dim3A_72 in 1 : vector<1024x64xf32>, vector<1024x64xf32> -> vector<1024x128xf32>
    %eq3A_74 = arith.constant 0 : i32
    %eq3A_75 = arith.cmpi eq, %arg1, %eq3A_74 : i32
    %convert_element_type3A_76 = arith.extui %eq3A_75 : i1 to i32
    %cond3A_77 = arith.constant 0 : i32
    %cond3A_78 = arith.cmpi ne, %convert_element_type3A_76, %cond3A_77 : i32
    scf.if %cond3A_78 {
      %swap3A = arith.constant 3 : index
      %swap3A_130 = arith.constant 0 : index
      %swap3A_131 = arith.constant 0 : index
      %swap3A_132 = vector.load %arg4[%swap3A, %swap3A_130, %swap3A_131] : memref<6x1024x128xf32, #tpu.memory_space<vmem>>, vector<1x1024x128xf32>
      %swap3A_133 = vector.shape_cast %swap3A_132 : vector<1x1024x128xf32> to vector<1024x128xf32>
      %swap3A_134 = vector.shape_cast %concatenate3A_73 : vector<1024x128xf32> to vector<1x1024x128xf32>
      tpu.vector_store %arg4[%swap3A, %swap3A_130, %swap3A_131], %swap3A_134 {strides = array<i32>} : memref<6x1024x128xf32, #tpu.memory_space<vmem>>, vector<1x1024x128xf32>,
    } else {
    }
    %gt3A_79 = arith.constant 0 : i32
    %gt3A_80 = arith.cmpi sgt, %arg1, %gt3A_79 : i32
    %convert_element_type3A_81 = arith.extui %gt3A_80 : i1 to i32
    %cond3A_82 = arith.constant 0 : i32
    %cond3A_83 = arith.cmpi ne, %convert_element_type3A_81, %cond3A_82 : i32
    scf.if %cond3A_83 {
      %get3A_130 = arith.constant 3 : index
      %get3A_131 = arith.constant 0 : index
      %get3A_132 = arith.constant 0 : index
      %get3A_133 = vector.load %arg4[%get3A_130, %get3A_131, %get3A_132] : memref<6x1024x128xf32, #tpu.memory_space<vmem>>, vector<1x1024x128xf32>
      %get3A_134 = vector.shape_cast %get3A_133 : vector<1x1024x128xf32> to vector<1024x128xf32>
      %add3A = arith.addf %get3A_134, %concatenate3A_73 : vector<1024x128xf32>
      %swap3A = arith.constant 3 : index
      %swap3A_135 = arith.constant 0 : index
      %swap3A_136 = arith.constant 0 : index
      %swap3A_137 = vector.load %arg4[%swap3A, %swap3A_135, %swap3A_136] : memref<6x1024x128xf32, #tpu.memory_space<vmem>>, vector<1x1024x128xf32>
      %swap3A_138 = vector.shape_cast %swap3A_137 : vector<1x1024x128xf32> to vector<1024x128xf32>
      %swap3A_139 = vector.shape_cast %add3A : vector<1024x128xf32> to vector<1x1024x128xf32>
      tpu.vector_store %arg4[%swap3A, %swap3A_135, %swap3A_136], %swap3A_139 {strides = array<i32>} : memref<6x1024x128xf32, #tpu.memory_space<vmem>>, vector<1x1024x128xf32>,
    } else {
    }
    %get3A_84 = arith.constant 0 : index
    %get3A_85 = arith.constant 0 : index
    %get3A_86 = vector.load %arg2[%get3A_84, %get3A_85] : memref<1024x512xf32, #tpu.memory_space<vmem>>, vector<1024x512xf32>
    %get3A_87 = arith.constant 4 : index
    %get3A_88 = arith.constant 0 : index
    %get3A_89 = arith.constant 0 : index
    %get3A_90 = vector.load %arg3[%get3A_87, %get3A_88, %get3A_89] : memref<6x512x64xf32, #tpu.memory_space<vmem>>, vector<1x512x64xf32>
    %get3A_91 = vector.shape_cast %get3A_90 : vector<1x512x64xf32> to vector<512x64xf32>
    %dot_general3A_92 = arith.constant dense<0.000000e+00> : vector<1024x64xf32>
    %dot_general3A_93 = tpu.matmul %get3A_86, %get3A_91, %dot_general3A_92 {dimension_numbers = #tpu.dot_dimension_numbers<[1], [0], [0], [1], [0, 0, 1, 1], [], []>, transpose_lhs_hint = false} : vector<1024x512xf32>, vector<512x64xf32>, vector<1024x64xf32> -> vector<1024x64xf32>
    %broadcast_in_dim3A_94 = arith.constant 0.000000e+00 : f32
    %broadcast_in_dim3A_95 = vector.broadcast %broadcast_in_dim3A_94 : f32 to vector<1024x64xf32>
    %concatenate3A_96 = tpu.concatenate %dot_general3A_93, %broadcast_in_dim3A_95 in 1 : vector<1024x64xf32>, vector<1024x64xf32> -> vector<1024x128xf32>
    %eq3A_97 = arith.constant 0 : i32
    %eq3A_98 = arith.cmpi eq, %arg1, %eq3A_97 : i32
    %convert_element_type3A_99 = arith.extui %eq3A_98 : i1 to i32
    %cond3A_100 = arith.constant 0 : i32
    %cond3A_101 = arith.cmpi ne, %convert_element_type3A_99, %cond3A_100 : i32
    scf.if %cond3A_101 {
      %swap3A = arith.constant 4 : index
      %swap3A_130 = arith.constant 0 : index
      %swap3A_131 = arith.constant 0 : index
      %swap3A_132 = vector.load %arg4[%swap3A, %swap3A_130, %swap3A_131] : memref<6x1024x128xf32, #tpu.memory_space<vmem>>, vector<1x1024x128xf32>
      %swap3A_133 = vector.shape_cast %swap3A_132 : vector<1x1024x128xf32> to vector<1024x128xf32>
      %swap3A_134 = vector.shape_cast %concatenate3A_96 : vector<1024x128xf32> to vector<1x1024x128xf32>
      tpu.vector_store %arg4[%swap3A, %swap3A_130, %swap3A_131], %swap3A_134 {strides = array<i32>} : memref<6x1024x128xf32, #tpu.memory_space<vmem>>, vector<1x1024x128xf32>,
    } else {
    }
    %gt3A_102 = arith.constant 0 : i32
    %gt3A_103 = arith.cmpi sgt, %arg1, %gt3A_102 : i32
    %convert_element_type3A_104 = arith.extui %gt3A_103 : i1 to i32
    %cond3A_105 = arith.constant 0 : i32
    %cond3A_106 = arith.cmpi ne, %convert_element_type3A_104, %cond3A_105 : i32
    scf.if %cond3A_106 {
      %get3A_130 = arith.constant 4 : index
      %get3A_131 = arith.constant 0 : index
      %get3A_132 = arith.constant 0 : index
      %get3A_133 = vector.load %arg4[%get3A_130, %get3A_131, %get3A_132] : memref<6x1024x128xf32, #tpu.memory_space<vmem>>, vector<1x1024x128xf32>
      %get3A_134 = vector.shape_cast %get3A_133 : vector<1x1024x128xf32> to vector<1024x128xf32>
      %add3A = arith.addf %get3A_134, %concatenate3A_96 : vector<1024x128xf32>
      %swap3A = arith.constant 4 : index
      %swap3A_135 = arith.constant 0 : index
      %swap3A_136 = arith.constant 0 : index
      %swap3A_137 = vector.load %arg4[%swap3A, %swap3A_135, %swap3A_136] : memref<6x1024x128xf32, #tpu.memory_space<vmem>>, vector<1x1024x128xf32>
      %swap3A_138 = vector.shape_cast %swap3A_137 : vector<1x1024x128xf32> to vector<1024x128xf32>
      %swap3A_139 = vector.shape_cast %add3A : vector<1024x128xf32> to vector<1x1024x128xf32>
      tpu.vector_store %arg4[%swap3A, %swap3A_135, %swap3A_136], %swap3A_139 {strides = array<i32>} : memref<6x1024x128xf32, #tpu.memory_space<vmem>>, vector<1x1024x128xf32>,
    } else {
    }
    %get3A_107 = arith.constant 0 : index
    %get3A_108 = arith.constant 0 : index
    %get3A_109 = vector.load %arg2[%get3A_107, %get3A_108] : memref<1024x512xf32, #tpu.memory_space<vmem>>, vector<1024x512xf32>
    %get3A_110 = arith.constant 5 : index
    %get3A_111 = arith.constant 0 : index
    %get3A_112 = arith.constant 0 : index
    %get3A_113 = vector.load %arg3[%get3A_110, %get3A_111, %get3A_112] : memref<6x512x64xf32, #tpu.memory_space<vmem>>, vector<1x512x64xf32>
    %get3A_114 = vector.shape_cast %get3A_113 : vector<1x512x64xf32> to vector<512x64xf32>
    %dot_general3A_115 = arith.constant dense<0.000000e+00> : vector<1024x64xf32>
    %dot_general3A_116 = tpu.matmul %get3A_109, %get3A_114, %dot_general3A_115 {dimension_numbers = #tpu.dot_dimension_numbers<[1], [0], [0], [1], [0, 0, 1, 1], [], []>, transpose_lhs_hint = false} : vector<1024x512xf32>, vector<512x64xf32>, vector<1024x64xf32> -> vector<1024x64xf32>
    %broadcast_in_dim3A_117 = arith.constant 0.000000e+00 : f32
    %broadcast_in_dim3A_118 = vector.broadcast %broadcast_in_dim3A_117 : f32 to vector<1024x64xf32>
    %concatenate3A_119 = tpu.concatenate %dot_general3A_116, %broadcast_in_dim3A_118 in 1 : vector<1024x64xf32>, vector<1024x64xf32> -> vector<1024x128xf32>
    %eq3A_120 = arith.constant 0 : i32
    %eq3A_121 = arith.cmpi eq, %arg1, %eq3A_120 : i32
    %convert_element_type3A_122 = arith.extui %eq3A_121 : i1 to i32
    %cond3A_123 = arith.constant 0 : i32
    %cond3A_124 = arith.cmpi ne, %convert_element_type3A_122, %cond3A_123 : i32
    scf.if %cond3A_124 {
      %swap3A = arith.constant 5 : index
      %swap3A_130 = arith.constant 0 : index
      %swap3A_131 = arith.constant 0 : index
      %swap3A_132 = vector.load %arg4[%swap3A, %swap3A_130, %swap3A_131] : memref<6x1024x128xf32, #tpu.memory_space<vmem>>, vector<1x1024x128xf32>
      %swap3A_133 = vector.shape_cast %swap3A_132 : vector<1x1024x128xf32> to vector<1024x128xf32>
      %swap3A_134 = vector.shape_cast %concatenate3A_119 : vector<1024x128xf32> to vector<1x1024x128xf32>
      tpu.vector_store %arg4[%swap3A, %swap3A_130, %swap3A_131], %swap3A_134 {strides = array<i32>} : memref<6x1024x128xf32, #tpu.memory_space<vmem>>, vector<1x1024x128xf32>,
    } else {
    }
    %gt3A_125 = arith.constant 0 : i32
    %gt3A_126 = arith.cmpi sgt, %arg1, %gt3A_125 : i32
    %convert_element_type3A_127 = arith.extui %gt3A_126 : i1 to i32
    %cond3A_128 = arith.constant 0 : i32
    %cond3A_129 = arith.cmpi ne, %convert_element_type3A_127, %cond3A_128 : i32
    scf.if %cond3A_129 {
      %get3A_130 = arith.constant 5 : index
      %get3A_131 = arith.constant 0 : index
      %get3A_132 = arith.constant 0 : index
      %get3A_133 = vector.load %arg4[%get3A_130, %get3A_131, %get3A_132] : memref<6x1024x128xf32, #tpu.memory_space<vmem>>, vector<1x1024x128xf32>
      %get3A_134 = vector.shape_cast %get3A_133 : vector<1x1024x128xf32> to vector<1024x128xf32>
      %add3A = arith.addf %get3A_134, %concatenate3A_119 : vector<1024x128xf32>
      %swap3A = arith.constant 5 : index
      %swap3A_135 = arith.constant 0 : index
      %swap3A_136 = arith.constant 0 : index
      %swap3A_137 = vector.load %arg4[%swap3A, %swap3A_135, %swap3A_136] : memref<6x1024x128xf32, #tpu.memory_space<vmem>>, vector<1x1024x128xf32>
      %swap3A_138 = vector.shape_cast %swap3A_137 : vector<1x1024x128xf32> to vector<1024x128xf32>
      %swap3A_139 = vector.shape_cast %add3A : vector<1024x128xf32> to vector<1x1024x128xf32>
      tpu.vector_store %arg4[%swap3A, %swap3A_135, %swap3A_136], %swap3A_139 {strides = array<i32>} : memref<6x1024x128xf32, #tpu.memory_space<vmem>>, vector<1x1024x128xf32>,
    } else {
    }
    return
  }
  func.func @transform_0(%arg0: i32, %arg1: i32) -> (i32, i32) {
    %c0_i32 = arith.constant 0 : i32
    return %arg0, %arg1 : i32, i32
  }
  func.func @transform_1(%arg0: i32, %arg1: i32) -> (i32, i32, i32) {
    %c0_i32 = arith.constant 0 : i32
    %c0_i32_0 = arith.constant 0 : i32
    %c0_i32_1 = arith.constant 0 : i32
    return %c0_i32, %arg1, %c0_i32_0 : i32, i32, i32
  }
  func.func @transform_2(%arg0: i32, %arg1: i32) -> (i32, i32, i32) {
    %c0_i32 = arith.constant 0 : i32
    %c0_i32_0 = arith.constant 0 : i32
    %c0_i32_1 = arith.constant 0 : i32
    return %c0_i32, %arg0, %c0_i32_0 : i32, i32, i32
  }
}

module attributes {stable_mosaic.version = 14 : i64} {
  func.func @_rcnt_body(%arg0: i32, %arg1: memref<2x160x128xf32, #tpu.memory_space<vmem>>, %arg2: memref<160x128xf32, #tpu.memory_space<vmem>>) attributes {dimension_semantics = [#tpu.dimension_semantics<arbitrary>], iteration_bounds = array<i64: 1>, scalar_prefetch = 0 : i64, scratch_operands = 0 : i64, tpu.core_type = #tpu.core_type<tc>, window_params = [{pipeline_mode = #tpu.pipeline_mode<synchronous>, transform_indices = @transform_0, window_bounds = array<i64: 2, 160, 128>}, {pipeline_mode = #tpu.pipeline_mode<synchronous>, transform_indices = @transform_1, window_bounds = array<i64: 160, 128>}]} {
    %get3A = arith.constant 0 : index
    %get3A_0 = arith.constant 0 : index
    %get3A_1 = arith.constant 0 : index
    %get3A_2 = vector.load %arg1[%get3A, %get3A_0, %get3A_1] : memref<2x160x128xf32, #tpu.memory_space<vmem>>, vector<1x160x128xf32>
    %get3A_3 = vector.shape_cast %get3A_2 : vector<1x160x128xf32> to vector<160x128xf32>
    %get3A_4 = arith.constant 1 : index
    %get3A_5 = arith.constant 0 : index
    %get3A_6 = arith.constant 0 : index
    %get3A_7 = vector.load %arg1[%get3A_4, %get3A_5, %get3A_6] : memref<2x160x128xf32, #tpu.memory_space<vmem>>, vector<1x160x128xf32>
    %get3A_8 = vector.shape_cast %get3A_7 : vector<1x160x128xf32> to vector<160x128xf32>
    %add3A = arith.addf %get3A_3, %get3A_8 : vector<160x128xf32>
    %max3A = arith.constant 1.000000e+00 : f32
    %max3A_9 = vector.broadcast %max3A : f32 to vector<160x128xf32>
    %max3A_10 = arith.maximumf %add3A, %max3A_9 : vector<160x128xf32>
    %div3A = arith.constant 1.000000e+00 : f32
    %div3A_11 = vector.broadcast %div3A : f32 to vector<160x128xf32>
    %div3A_12 = arith.divf %div3A_11, %max3A_10 : vector<160x128xf32>
    %swap3A = arith.constant 0 : index
    %swap3A_13 = arith.constant 0 : index
    %swap3A_14 = vector.load %arg2[%swap3A, %swap3A_13] : memref<160x128xf32, #tpu.memory_space<vmem>>, vector<160x128xf32>
    tpu.vector_store %arg2[%swap3A, %swap3A_13], %div3A_12 {strides = array<i32>} : memref<160x128xf32, #tpu.memory_space<vmem>>, vector<160x128xf32>,
    return
  }
  func.func @transform_0(%arg0: i32) -> (i32, i32, i32) {
    %c0_i32 = arith.constant 0 : i32
    %c0_i32_0 = arith.constant 0 : i32
    %c0_i32_1 = arith.constant 0 : i32
    %c0_i32_2 = arith.constant 0 : i32
    return %c0_i32, %c0_i32_0, %c0_i32_1 : i32, i32, i32
  }
  func.func @transform_1(%arg0: i32) -> (i32, i32) {
    %c0_i32 = arith.constant 0 : i32
    %c0_i32_0 = arith.constant 0 : i32
    %c0_i32_1 = arith.constant 0 : i32
    return %c0_i32, %c0_i32_0 : i32, i32
  }
}

module attributes {stable_mosaic.version = 14 : i64} {
  func.func @_relu_body(%arg0: i32, %arg1: memref<1x512x128xf32, #tpu.memory_space<vmem>>, %arg2: memref<2x512x64xf32, #tpu.memory_space<vmem>>, %arg3: memref<1x256xf32, #tpu.memory_space<vmem>>, %arg4: memref<256x64xf32, #tpu.memory_space<vmem>>, %arg5: memref<512x64xf32, #tpu.memory_space<vmem>>, %arg6: memref<64x512xf32, #tpu.memory_space<vmem>>) attributes {dimension_semantics = [#tpu.dimension_semantics<arbitrary>], iteration_bounds = array<i64: 8>, scalar_prefetch = 0 : i64, scratch_operands = 0 : i64, tpu.core_type = #tpu.core_type<tc>, window_params = [{transform_indices = @transform_0, window_bounds = array<i64: 1, 512, 128>}, {transform_indices = @transform_1, window_bounds = array<i64: 2, 512, 64>}, {pipeline_mode = #tpu.pipeline_mode<synchronous>, transform_indices = @transform_2, window_bounds = array<i64: 1, 256>}, {pipeline_mode = #tpu.pipeline_mode<synchronous>, transform_indices = @transform_3, window_bounds = array<i64: 256, 64>}, {transform_indices = @transform_4, window_bounds = array<i64: 512, 64>}, {transform_indices = @transform_5, window_bounds = array<i64: 64, 512>}]} {
    %get3A = arith.constant 0 : index
    %get3A_0 = arith.constant 0 : index
    %get3A_1 = vector.load %arg3[%get3A, %get3A_0] : memref<1x256xf32, #tpu.memory_space<vmem>>, vector<1x256xf32>
    %get3A_2 = arith.constant 0 : index
    %get3A_3 = arith.constant 0 : index
    %get3A_4 = vector.load %arg4[%get3A_2, %get3A_3] : memref<256x64xf32, #tpu.memory_space<vmem>>, vector<256x64xf32>
    %dot_general3A = arith.constant dense<0.000000e+00> : vector<1x64xf32>
    %dot_general3A_5 = tpu.matmul %get3A_1, %get3A_4, %dot_general3A {dimension_numbers = #tpu.dot_dimension_numbers<[1], [0], [0], [1], [0, 0, 1, 1], [], []>, transpose_lhs_hint = false} : vector<1x256xf32>, vector<256x64xf32>, vector<1x64xf32> -> vector<1x64xf32>
    %get3A_6 = arith.constant 0 : index
    %get3A_7 = arith.constant 0 : index
    %get3A_8 = arith.constant 0 : index
    %get3A_9 = vector.load %arg1[%get3A_6, %get3A_7, %get3A_8] : memref<1x512x128xf32, #tpu.memory_space<vmem>>, vector<1x512x64xf32>
    %get3A_10 = vector.shape_cast %get3A_9 : vector<1x512x64xf32> to vector<512x64xf32>
    %get3A_11 = arith.constant 0 : index
    %get3A_12 = arith.constant 0 : index
    %get3A_13 = arith.constant 0 : index
    %get3A_14 = vector.load %arg2[%get3A_11, %get3A_12, %get3A_13] : memref<2x512x64xf32, #tpu.memory_space<vmem>>, vector<1x512x64xf32>
    %get3A_15 = vector.shape_cast %get3A_14 : vector<1x512x64xf32> to vector<512x64xf32>
    %add3A = arith.addf %get3A_10, %get3A_15 : vector<512x64xf32>
    %get3A_16 = arith.constant 1 : index
    %get3A_17 = arith.constant 0 : index
    %get3A_18 = arith.constant 0 : index
    %get3A_19 = vector.load %arg2[%get3A_16, %get3A_17, %get3A_18] : memref<2x512x64xf32, #tpu.memory_space<vmem>>, vector<1x512x64xf32>
    %get3A_20 = vector.shape_cast %get3A_19 : vector<1x512x64xf32> to vector<512x64xf32>
    %add3A_21 = arith.addf %add3A, %get3A_20 : vector<512x64xf32>
    %add3A_22 = vector.broadcast %dot_general3A_5 : vector<1x64xf32> to vector<512x64xf32>
    %add3A_23 = arith.addf %add3A_21, %add3A_22 : vector<512x64xf32>
    %max3A = arith.constant 0.000000e+00 : f32
    %max3A_24 = vector.broadcast %max3A : f32 to vector<512x64xf32>
    %max3A_25 = arith.maximumf %add3A_23, %max3A_24 : vector<512x64xf32>
    %swap3A = arith.constant 0 : index
    %swap3A_26 = arith.constant 0 : index
    %swap3A_27 = vector.load %arg5[%swap3A, %swap3A_26] : memref<512x64xf32, #tpu.memory_space<vmem>>, vector<512x64xf32>
    tpu.vector_store %arg5[%swap3A, %swap3A_26], %max3A_25 {strides = array<i32>} : memref<512x64xf32, #tpu.memory_space<vmem>>, vector<512x64xf32>,
    %transpose3A = tpu.transpose %max3A_25, [1, 0] : vector<512x64xf32> -> vector<64x512xf32>
    %swap3A_28 = arith.constant 0 : index
    %swap3A_29 = arith.constant 0 : index
    %swap3A_30 = vector.load %arg6[%swap3A_28, %swap3A_29] : memref<64x512xf32, #tpu.memory_space<vmem>>, vector<64x512xf32>
    tpu.vector_store %arg6[%swap3A_28, %swap3A_29], %transpose3A {strides = array<i32>} : memref<64x512xf32, #tpu.memory_space<vmem>>, vector<64x512xf32>,
    return
  }
  func.func @transform_0(%arg0: i32) -> (i32, i32, i32) {
    %c5_i32 = arith.constant 5 : i32
    %c0_i32 = arith.constant 0 : i32
    %c0_i32_0 = arith.constant 0 : i32
    return %c5_i32, %arg0, %c0_i32 : i32, i32, i32
  }
  func.func @transform_1(%arg0: i32) -> (i32, i32, i32) {
    %c0_i32 = arith.constant 0 : i32
    %c0_i32_0 = arith.constant 0 : i32
    %c0_i32_1 = arith.constant 0 : i32
    return %c0_i32, %arg0, %c0_i32_0 : i32, i32, i32
  }
  func.func @transform_2(%arg0: i32) -> (i32, i32) {
    %c0_i32 = arith.constant 0 : i32
    %c0_i32_0 = arith.constant 0 : i32
    %c0_i32_1 = arith.constant 0 : i32
    return %c0_i32, %c0_i32_0 : i32, i32
  }
  func.func @transform_3(%arg0: i32) -> (i32, i32) {
    %c0_i32 = arith.constant 0 : i32
    %c0_i32_0 = arith.constant 0 : i32
    %c0_i32_1 = arith.constant 0 : i32
    return %c0_i32, %c0_i32_0 : i32, i32
  }
  func.func @transform_4(%arg0: i32) -> (i32, i32) {
    %c0_i32 = arith.constant 0 : i32
    %c0_i32_0 = arith.constant 0 : i32
    return %arg0, %c0_i32 : i32, i32
  }
  func.func @transform_5(%arg0: i32) -> (i32, i32) {
    %c0_i32 = arith.constant 0 : i32
    %c0_i32_0 = arith.constant 0 : i32
    return %c0_i32, %arg0 : i32, i32
  }
}

module attributes {stable_mosaic.version = 14 : i64} {
  func.func @_cmat_body(%arg0: i32, %arg1: memref<5x2xf32, #tpu.memory_space<smem>>, %arg2: memref<2x64x64xf32, #tpu.memory_space<vmem>>, %arg3: memref<64x512xf32, #tpu.memory_space<vmem>>, %arg4: memref<5x64x512xf32, #tpu.memory_space<vmem>>) attributes {dimension_semantics = [#tpu.dimension_semantics<arbitrary>], iteration_bounds = array<i64: 4>, scalar_prefetch = 0 : i64, scratch_operands = 0 : i64, tpu.core_type = #tpu.core_type<tc>, window_params = [{transform_indices = @transform_0, window_bounds = array<i64: 5, 2>}, {pipeline_mode = #tpu.pipeline_mode<synchronous>, transform_indices = @transform_1, window_bounds = array<i64: 2, 64, 64>}, {transform_indices = @transform_2, window_bounds = array<i64: 64, 512>}, {transform_indices = @transform_3, window_bounds = array<i64: 5, 64, 512>}]} {
    %get3A = arith.constant 0 : index
    %get3A_0 = arith.constant 0 : index
    %get3A_1 = memref.load %arg1[%get3A, %get3A_0] : memref<5x2xf32, #tpu.memory_space<smem>>
    %get3A_2 = arith.constant 0 : index
    %get3A_3 = arith.constant 0 : index
    %get3A_4 = arith.constant 0 : index
    %get3A_5 = vector.load %arg2[%get3A_2, %get3A_3, %get3A_4] : memref<2x64x64xf32, #tpu.memory_space<vmem>>, vector<1x64x64xf32>
    %get3A_6 = vector.shape_cast %get3A_5 : vector<1x64x64xf32> to vector<64x64xf32>
    %mul3A = vector.broadcast %get3A_1 : f32 to vector<64x64xf32>
    %mul3A_7 = arith.mulf %mul3A, %get3A_6 : vector<64x64xf32>
    %get3A_8 = arith.constant 0 : index
    %get3A_9 = arith.constant 1 : index
    %get3A_10 = memref.load %arg1[%get3A_8, %get3A_9] : memref<5x2xf32, #tpu.memory_space<smem>>
    %get3A_11 = arith.constant 1 : index
    %get3A_12 = arith.constant 0 : index
    %get3A_13 = arith.constant 0 : index
    %get3A_14 = vector.load %arg2[%get3A_11, %get3A_12, %get3A_13] : memref<2x64x64xf32, #tpu.memory_space<vmem>>, vector<1x64x64xf32>
    %get3A_15 = vector.shape_cast %get3A_14 : vector<1x64x64xf32> to vector<64x64xf32>
    %mul3A_16 = vector.broadcast %get3A_10 : f32 to vector<64x64xf32>
    %mul3A_17 = arith.mulf %mul3A_16, %get3A_15 : vector<64x64xf32>
    %add3A = arith.addf %mul3A_7, %mul3A_17 : vector<64x64xf32>
    %get3A_18 = arith.constant 0 : index
    %get3A_19 = arith.constant 0 : index
    %get3A_20 = vector.load %arg3[%get3A_18, %get3A_19] : memref<64x512xf32, #tpu.memory_space<vmem>>, vector<64x512xf32>
    %dot_general3A = arith.constant dense<0.000000e+00> : vector<64x512xf32>
    %dot_general3A_21 = tpu.matmul %add3A, %get3A_20, %dot_general3A {dimension_numbers = #tpu.dot_dimension_numbers<[1], [0], [0], [1], [0, 0, 1, 1], [], []>, transpose_lhs_hint = false} : vector<64x64xf32>, vector<64x512xf32>, vector<64x512xf32> -> vector<64x512xf32>
    %get3A_22 = arith.constant 1 : index
    %get3A_23 = arith.constant 0 : index
    %get3A_24 = memref.load %arg1[%get3A_22, %get3A_23] : memref<5x2xf32, #tpu.memory_space<smem>>
    %get3A_25 = arith.constant 0 : index
    %get3A_26 = arith.constant 0 : index
    %get3A_27 = arith.constant 0 : index
    %get3A_28 = vector.load %arg2[%get3A_25, %get3A_26, %get3A_27] : memref<2x64x64xf32, #tpu.memory_space<vmem>>, vector<1x64x64xf32>
    %get3A_29 = vector.shape_cast %get3A_28 : vector<1x64x64xf32> to vector<64x64xf32>
    %mul3A_30 = vector.broadcast %get3A_24 : f32 to vector<64x64xf32>
    %mul3A_31 = arith.mulf %mul3A_30, %get3A_29 : vector<64x64xf32>
    %get3A_32 = arith.constant 1 : index
    %get3A_33 = arith.constant 1 : index
    %get3A_34 = memref.load %arg1[%get3A_32, %get3A_33] : memref<5x2xf32, #tpu.memory_space<smem>>
    %get3A_35 = arith.constant 1 : index
    %get3A_36 = arith.constant 0 : index
    %get3A_37 = arith.constant 0 : index
    %get3A_38 = vector.load %arg2[%get3A_35, %get3A_36, %get3A_37] : memref<2x64x64xf32, #tpu.memory_space<vmem>>, vector<1x64x64xf32>
    %get3A_39 = vector.shape_cast %get3A_38 : vector<1x64x64xf32> to vector<64x64xf32>
    %mul3A_40 = vector.broadcast %get3A_34 : f32 to vector<64x64xf32>
    %mul3A_41 = arith.mulf %mul3A_40, %get3A_39 : vector<64x64xf32>
    %add3A_42 = arith.addf %mul3A_31, %mul3A_41 : vector<64x64xf32>
    %get3A_43 = arith.constant 0 : index
    %get3A_44 = arith.constant 0 : index
    %get3A_45 = vector.load %arg3[%get3A_43, %get3A_44] : memref<64x512xf32, #tpu.memory_space<vmem>>, vector<64x512xf32>
    %dot_general3A_46 = arith.constant dense<0.000000e+00> : vector<64x512xf32>
    %dot_general3A_47 = tpu.matmul %add3A_42, %get3A_45, %dot_general3A_46 {dimension_numbers = #tpu.dot_dimension_numbers<[1], [0], [0], [1], [0, 0, 1, 1], [], []>, transpose_lhs_hint = false} : vector<64x64xf32>, vector<64x512xf32>, vector<64x512xf32> -> vector<64x512xf32>
    %get3A_48 = arith.constant 2 : index
    %get3A_49 = arith.constant 0 : index
    %get3A_50 = memref.load %arg1[%get3A_48, %get3A_49] : memref<5x2xf32, #tpu.memory_space<smem>>
    %get3A_51 = arith.constant 0 : index
    %get3A_52 = arith.constant 0 : index
    %get3A_53 = arith.constant 0 : index
    %get3A_54 = vector.load %arg2[%get3A_51, %get3A_52, %get3A_53] : memref<2x64x64xf32, #tpu.memory_space<vmem>>, vector<1x64x64xf32>
    %get3A_55 = vector.shape_cast %get3A_54 : vector<1x64x64xf32> to vector<64x64xf32>
    %mul3A_56 = vector.broadcast %get3A_50 : f32 to vector<64x64xf32>
    %mul3A_57 = arith.mulf %mul3A_56, %get3A_55 : vector<64x64xf32>
    %get3A_58 = arith.constant 2 : index
    %get3A_59 = arith.constant 1 : index
    %get3A_60 = memref.load %arg1[%get3A_58, %get3A_59] : memref<5x2xf32, #tpu.memory_space<smem>>
    %get3A_61 = arith.constant 1 : index
    %get3A_62 = arith.constant 0 : index
    %get3A_63 = arith.constant 0 : index
    %get3A_64 = vector.load %arg2[%get3A_61, %get3A_62, %get3A_63] : memref<2x64x64xf32, #tpu.memory_space<vmem>>, vector<1x64x64xf32>
    %get3A_65 = vector.shape_cast %get3A_64 : vector<1x64x64xf32> to vector<64x64xf32>
    %mul3A_66 = vector.broadcast %get3A_60 : f32 to vector<64x64xf32>
    %mul3A_67 = arith.mulf %mul3A_66, %get3A_65 : vector<64x64xf32>
    %add3A_68 = arith.addf %mul3A_57, %mul3A_67 : vector<64x64xf32>
    %get3A_69 = arith.constant 0 : index
    %get3A_70 = arith.constant 0 : index
    %get3A_71 = vector.load %arg3[%get3A_69, %get3A_70] : memref<64x512xf32, #tpu.memory_space<vmem>>, vector<64x512xf32>
    %dot_general3A_72 = arith.constant dense<0.000000e+00> : vector<64x512xf32>
    %dot_general3A_73 = tpu.matmul %add3A_68, %get3A_71, %dot_general3A_72 {dimension_numbers = #tpu.dot_dimension_numbers<[1], [0], [0], [1], [0, 0, 1, 1], [], []>, transpose_lhs_hint = false} : vector<64x64xf32>, vector<64x512xf32>, vector<64x512xf32> -> vector<64x512xf32>
    %get3A_74 = arith.constant 3 : index
    %get3A_75 = arith.constant 0 : index
    %get3A_76 = memref.load %arg1[%get3A_74, %get3A_75] : memref<5x2xf32, #tpu.memory_space<smem>>
    %get3A_77 = arith.constant 0 : index
    %get3A_78 = arith.constant 0 : index
    %get3A_79 = arith.constant 0 : index
    %get3A_80 = vector.load %arg2[%get3A_77, %get3A_78, %get3A_79] : memref<2x64x64xf32, #tpu.memory_space<vmem>>, vector<1x64x64xf32>
    %get3A_81 = vector.shape_cast %get3A_80 : vector<1x64x64xf32> to vector<64x64xf32>
    %mul3A_82 = vector.broadcast %get3A_76 : f32 to vector<64x64xf32>
    %mul3A_83 = arith.mulf %mul3A_82, %get3A_81 : vector<64x64xf32>
    %get3A_84 = arith.constant 3 : index
    %get3A_85 = arith.constant 1 : index
    %get3A_86 = memref.load %arg1[%get3A_84, %get3A_85] : memref<5x2xf32, #tpu.memory_space<smem>>
    %get3A_87 = arith.constant 1 : index
    %get3A_88 = arith.constant 0 : index
    %get3A_89 = arith.constant 0 : index
    %get3A_90 = vector.load %arg2[%get3A_87, %get3A_88, %get3A_89] : memref<2x64x64xf32, #tpu.memory_space<vmem>>, vector<1x64x64xf32>
    %get3A_91 = vector.shape_cast %get3A_90 : vector<1x64x64xf32> to vector<64x64xf32>
    %mul3A_92 = vector.broadcast %get3A_86 : f32 to vector<64x64xf32>
    %mul3A_93 = arith.mulf %mul3A_92, %get3A_91 : vector<64x64xf32>
    %add3A_94 = arith.addf %mul3A_83, %mul3A_93 : vector<64x64xf32>
    %get3A_95 = arith.constant 0 : index
    %get3A_96 = arith.constant 0 : index
    %get3A_97 = vector.load %arg3[%get3A_95, %get3A_96] : memref<64x512xf32, #tpu.memory_space<vmem>>, vector<64x512xf32>
    %dot_general3A_98 = arith.constant dense<0.000000e+00> : vector<64x512xf32>
    %dot_general3A_99 = tpu.matmul %add3A_94, %get3A_97, %dot_general3A_98 {dimension_numbers = #tpu.dot_dimension_numbers<[1], [0], [0], [1], [0, 0, 1, 1], [], []>, transpose_lhs_hint = false} : vector<64x64xf32>, vector<64x512xf32>, vector<64x512xf32> -> vector<64x512xf32>
    %get3A_100 = arith.constant 4 : index
    %get3A_101 = arith.constant 0 : index
    %get3A_102 = memref.load %arg1[%get3A_100, %get3A_101] : memref<5x2xf32, #tpu.memory_space<smem>>
    %get3A_103 = arith.constant 0 : index
    %get3A_104 = arith.constant 0 : index
    %get3A_105 = arith.constant 0 : index
    %get3A_106 = vector.load %arg2[%get3A_103, %get3A_104, %get3A_105] : memref<2x64x64xf32, #tpu.memory_space<vmem>>, vector<1x64x64xf32>
    %get3A_107 = vector.shape_cast %get3A_106 : vector<1x64x64xf32> to vector<64x64xf32>
    %mul3A_108 = vector.broadcast %get3A_102 : f32 to vector<64x64xf32>
    %mul3A_109 = arith.mulf %mul3A_108, %get3A_107 : vector<64x64xf32>
    %get3A_110 = arith.constant 4 : index
    %get3A_111 = arith.constant 1 : index
    %get3A_112 = memref.load %arg1[%get3A_110, %get3A_111] : memref<5x2xf32, #tpu.memory_space<smem>>
    %get3A_113 = arith.constant 1 : index
    %get3A_114 = arith.constant 0 : index
    %get3A_115 = arith.constant 0 : index
    %get3A_116 = vector.load %arg2[%get3A_113, %get3A_114, %get3A_115] : memref<2x64x64xf32, #tpu.memory_space<vmem>>, vector<1x64x64xf32>
    %get3A_117 = vector.shape_cast %get3A_116 : vector<1x64x64xf32> to vector<64x64xf32>
    %mul3A_118 = vector.broadcast %get3A_112 : f32 to vector<64x64xf32>
    %mul3A_119 = arith.mulf %mul3A_118, %get3A_117 : vector<64x64xf32>
    %add3A_120 = arith.addf %mul3A_109, %mul3A_119 : vector<64x64xf32>
    %get3A_121 = arith.constant 0 : index
    %get3A_122 = arith.constant 0 : index
    %get3A_123 = vector.load %arg3[%get3A_121, %get3A_122] : memref<64x512xf32, #tpu.memory_space<vmem>>, vector<64x512xf32>
    %dot_general3A_124 = arith.constant dense<0.000000e+00> : vector<64x512xf32>
    %dot_general3A_125 = tpu.matmul %add3A_120, %get3A_123, %dot_general3A_124 {dimension_numbers = #tpu.dot_dimension_numbers<[1], [0], [0], [1], [0, 0, 1, 1], [], []>, transpose_lhs_hint = false} : vector<64x64xf32>, vector<64x512xf32>, vector<64x512xf32> -> vector<64x512xf32>
    %stack3A = vector.shape_cast %dot_general3A_21 : vector<64x512xf32> to vector<1x64x512xf32>
    %stack3A_126 = vector.shape_cast %dot_general3A_47 : vector<64x512xf32> to vector<1x64x512xf32>
    %stack3A_127 = vector.shape_cast %dot_general3A_73 : vector<64x512xf32> to vector<1x64x512xf32>
    %stack3A_128 = vector.shape_cast %dot_general3A_99 : vector<64x512xf32> to vector<1x64x512xf32>
    %stack3A_129 = vector.shape_cast %dot_general3A_125 : vector<64x512xf32> to vector<1x64x512xf32>
    %stack3A_130 = tpu.concatenate %stack3A, %stack3A_126, %stack3A_127, %stack3A_128, %stack3A_129 in 0 : vector<1x64x512xf32>, vector<1x64x512xf32>, vector<1x64x512xf32>, vector<1x64x512xf32>, vector<1x64x512xf32> -> vector<5x64x512xf32>
    %swap3A = arith.constant 0 : index
    %swap3A_131 = arith.constant 0 : index
    %swap3A_132 = arith.constant 0 : index
    %swap3A_133 = vector.load %arg4[%swap3A, %swap3A_131, %swap3A_132] : memref<5x64x512xf32, #tpu.memory_space<vmem>>, vector<5x64x512xf32>
    tpu.vector_store %arg4[%swap3A, %swap3A_131, %swap3A_132], %stack3A_130 {strides = array<i32>} : memref<5x64x512xf32, #tpu.memory_space<vmem>>, vector<5x64x512xf32>,
    return
  }
  func.func @transform_0(%arg0: i32) -> (i32, i32) {
    %c0_i32 = arith.constant 0 : i32
    %c0_i32_0 = arith.constant 0 : i32
    %c0_i32_1 = arith.constant 0 : i32
    return %c0_i32, %c0_i32_0 : i32, i32
  }
  func.func @transform_1(%arg0: i32) -> (i32, i32, i32) {
    %c0_i32 = arith.constant 0 : i32
    %c0_i32_0 = arith.constant 0 : i32
    %c0_i32_1 = arith.constant 0 : i32
    %c0_i32_2 = arith.constant 0 : i32
    return %c0_i32, %c0_i32_0, %c0_i32_1 : i32, i32, i32
  }
  func.func @transform_2(%arg0: i32) -> (i32, i32) {
    %add3A = arith.constant 4 : i32
    %add3A_0 = arith.addi %arg0, %add3A : i32
    %c0_i32 = arith.constant 0 : i32
    %c0_i32_1 = arith.constant 0 : i32
    return %c0_i32, %add3A_0 : i32, i32
  }
  func.func @transform_3(%arg0: i32) -> (i32, i32, i32) {
    %c0_i32 = arith.constant 0 : i32
    %c0_i32_0 = arith.constant 0 : i32
    %c0_i32_1 = arith.constant 0 : i32
    return %c0_i32, %c0_i32_0, %arg0 : i32, i32, i32
  }
}

module attributes {stable_mosaic.version = 14 : i64} {
  func.func @_dec_body(%arg0: i32, %arg1: i32, %arg2: memref<256x64xf32, #tpu.memory_space<vmem>>, %arg3: memref<1x64x2048xf32, #tpu.memory_space<vmem>>, %arg4: memref<1x256x2048xf32, #tpu.memory_space<vmem>>) attributes {dimension_semantics = [#tpu.dimension_semantics<arbitrary>, #tpu.dimension_semantics<arbitrary>], iteration_bounds = array<i64: 5, 8>, scalar_prefetch = 0 : i64, scratch_operands = 0 : i64, tpu.core_type = #tpu.core_type<tc>, window_params = [{transform_indices = @transform_0, window_bounds = array<i64: 256, 64>}, {transform_indices = @transform_1, window_bounds = array<i64: 1, 64, 2048>}, {transform_indices = @transform_2, window_bounds = array<i64: 1, 256, 2048>}]} {
    %get3A = arith.constant 0 : index
    %get3A_0 = arith.constant 0 : index
    %get3A_1 = vector.load %arg2[%get3A, %get3A_0] : memref<256x64xf32, #tpu.memory_space<vmem>>, vector<256x64xf32>
    %get3A_2 = arith.constant 0 : index
    %get3A_3 = arith.constant 0 : index
    %get3A_4 = arith.constant 0 : index
    %get3A_5 = vector.load %arg3[%get3A_2, %get3A_3, %get3A_4] : memref<1x64x2048xf32, #tpu.memory_space<vmem>>, vector<1x64x2048xf32>
    %get3A_6 = vector.shape_cast %get3A_5 : vector<1x64x2048xf32> to vector<64x2048xf32>
    %dot_general3A = arith.constant dense<0.000000e+00> : vector<256x2048xf32>
    %dot_general3A_7 = tpu.matmul %get3A_1, %get3A_6, %dot_general3A {dimension_numbers = #tpu.dot_dimension_numbers<[1], [0], [0], [1], [0, 0, 1, 1], [], []>, transpose_lhs_hint = false} : vector<256x64xf32>, vector<64x2048xf32>, vector<256x2048xf32> -> vector<256x2048xf32>
    %swap3A = arith.constant 0 : index
    %swap3A_8 = arith.constant 0 : index
    %swap3A_9 = arith.constant 0 : index
    %swap3A_10 = vector.load %arg4[%swap3A, %swap3A_8, %swap3A_9] : memref<1x256x2048xf32, #tpu.memory_space<vmem>>, vector<1x256x2048xf32>
    %swap3A_11 = vector.shape_cast %swap3A_10 : vector<1x256x2048xf32> to vector<256x2048xf32>
    %swap3A_12 = vector.shape_cast %dot_general3A_7 : vector<256x2048xf32> to vector<1x256x2048xf32>
    tpu.vector_store %arg4[%swap3A, %swap3A_8, %swap3A_9], %swap3A_12 {strides = array<i32>} : memref<1x256x2048xf32, #tpu.memory_space<vmem>>, vector<1x256x2048xf32>,
    return
  }
  func.func @transform_0(%arg0: i32, %arg1: i32) -> (i32, i32) {
    %c0_i32 = arith.constant 0 : i32
    %c0_i32_0 = arith.constant 0 : i32
    return %arg1, %c0_i32 : i32, i32
  }
  func.func @transform_1(%arg0: i32, %arg1: i32) -> (i32, i32, i32) {
    %c0_i32 = arith.constant 0 : i32
    %c0_i32_0 = arith.constant 0 : i32
    %c0_i32_1 = arith.constant 0 : i32
    return %arg0, %c0_i32, %c0_i32_0 : i32, i32, i32
  }
  func.func @transform_2(%arg0: i32, %arg1: i32) -> (i32, i32, i32) {
    %c0_i32 = arith.constant 0 : i32
    %c0_i32_0 = arith.constant 0 : i32
    return %arg0, %arg1, %c0_i32 : i32, i32, i32
  }
}

</mosaic_0001>

<sc_bundles>
// kernel: kernel.12.cloned.1.call-start
scs
__scs_entry_jumppad:
0x0: {  	(pc) =	sbr.rel $0x88, $3  }
0x1: {  	(tag) =	ssettag $0x0;
	lr =	simm.s32 $0x1  }
0x2: {  	[smem:$0x3F97] =	sst lr;
	_ =	strace $0xD0000000  }
0x3: {  	_ = 	snop  }
0x4: {  	_ = 	snop  }
0x5: {  	_ = 	snop  }
0x6: {  	_ = 	snop  }
0x7: {  	_ = 	snop  }
__scs_overlays_trampoline_lowered:
0x8: {  	[smem:$0x3FA6] =	sst s0  }
0x9: {  	[smem:$0x3FA7] =	sst s1  }
0xa: {  	[smem:$0x3FA8] =	sst s2  }
0xb: {  	[smem:$0x3FA9] =	sst s3  }
0xc: {  	[smem:$0x3FAA] =	sst s4  }
0xd: {  	[smem:$0x3FAB] =	sst s5  }
0xe: {  	[smem:$0x3FAC] =	sst s6  }
0xf: {  	[smem:$0x3FAD] =	sst s7  }
0x10: {  	[smem:$0x3FAE] =	sst s8  }
0x11: {  	[smem:$0x3FAF] =	sst s9;
	s0 =	simm.s32 @!p0 $0x0  }
0x12: {  	s1 =	sld [smem:$0x3F95];
	s0 =	simm.s32 @p0 $0x1  }
0x13: {  	[smem:$0x3FB0] =	sst s0;
	s0 =	simm.s32 @!p1 $0x0  }
0x14: {  	s2 =	sld [smem:$0x3F94];
	s0 =	simm.s32 @p1 $0x1  }
0x15: {  	[smem:$0x3FB1] =	sst s0;
	s0 =	simm.s32 @!p2 $0x0  }
0x16: {  	s3 =	sld [smem:$0x3FDB];
	s0 =	simm.s32 @p2 $0x1  }
0x17: {  	s4 =	simm.s32 $0x1BF5;
	[smem:$0x3FB3] =	sst s0  }
0x18: {  	s0 =	sld [smem:$0x3F96];
	_ =	swait.ge [sflag:s4], $0x0  }
0x19: {  	s7 =	sld [smem:$0x3F97]  }
0x1a: {  	s8 =	sadd.s32 $0xFFFFE003, lr  }
0x1b: {  	s9 =	sadd.s32 $0xFFFFFEF7, lr;
	s5 =	simm.s32 $0xFFFFFFFF;
	p2 =	slt.u32 s8, $0xFFFFF086  }
0x1c: {  	p1 =	slt.u32 s9, $0xF7A;
	s5 =	simm.s32 @!p2 $0x0  }
0x1d: {  	s5 =	simm.s32 @p1 $0x1;
	p0 =	seq.s32 s7, s2  }
0x1e: {  	s7 =	smul.u32 @!p0 $0xF7A, s2;
	p2 =	seq.s32 @!p0 s5, $0x0  }
0x1f: {  	s9 =	smul.u32 $0xF7A, s1;
	s8 =	simm.s32 @!p0 $0x1BF5;
	p2 =	por !p2, p0  }
0x20: {  	[sflag:s8] =	ssyncset.s32 @!p0 $0xFFFFF086;
	s6 =	sadd.s32 @!p0 s3, s7;
	s7 =	simm.s32 @!p0 $0x108  }
0x21: {  	s3 =	sadd.s32 s3, s9;
	s6 =	sadd.s32 @!p0 $0x88, s6;
	s7 =	simm.s32 @p2 $0x1082  }
0x22: {  	[simem:s7], [sflag:s8] =	dma.local @!p0 [hbm:s6], $0xF7A  }
0x23: {  	s9 =	sor.u32 $0xD0000000, s2;
	s6 =	simm.s32 $0x108;
	_ =	swait.ge @!p0 [sflag:s8], $0x0  }
0x24: {  	s3 =	sadd.s32 $0x88, s3;
	s6 =	simm.s32 @!p1 $0x1082;
	[sflag:s4] =	ssyncset.s32 $0xFFFFF086  }
0x25: {  	[simem:s6], [sflag:s4] =	dma.local [hbm:s3], $0xF7A  }
0x26: {  	[smem:$0x3F97] =	sst s1;
	(tag) =	ssettag s2;
	_ =	strace s9  }
0x27: {  	s1 =	sld [smem:$0x3FA7]  }
0x28: {  	s2 =	sld [smem:$0x3FA8]  }
0x29: {  	s4 =	sld [smem:$0x3FAA]  }
0x2a: {  	p0 =	seq.s32 s5, $0x0;
	s5 =	sld [smem:$0x3FAB]  }
0x2b: {  	s6 =	sld [smem:$0x3FAC]  }
0x2c: {  	s7 =	sld [smem:$0x3FAD]  }
0x2d: {  	s3 =	simm.s32 $0x108;
	s8 =	sld [smem:$0x3FAE]  }
0x2e: {  	s3 =	simm.s32 @!p0 $0x1082;
	s9 =	sld [smem:$0x3FAF]  }
0x2f: {  	lr =	sadd.s32 s0, s3;
	s0 =	sld [smem:$0x3FA6]  }
0x30: {  	s3 =	sld [smem:$0x3FA9]  }
0x31: {  	[smem:$0x3FB2] =	sst s10  }
0x32: {  	s10 =	sld [smem:$0x3FB0];
	_ =	sdelay $0x3  }
0x33: {  	p0 =	seq.s32 s10, $0x1;
	s10 =	sld [smem:$0x3FB2];
	_ =	sdelay $0x3  }
0x34: {  	[smem:$0x3FB2] =	sst s10  }
0x35: {  	s10 =	sld [smem:$0x3FB1];
	_ =	sdelay $0x3  }
0x36: {  	p1 =	seq.s32 s10, $0x1;
	s10 =	sld [smem:$0x3FB2];
	_ =	sdelay $0x3  }
0x37: {  	[smem:$0x3FB2] =	sst s10  }
0x38: {  	s10 =	sld [smem:$0x3FB3]  }
0x39: {  	_ = 	snop;
	(pc) =	sbr.ind lr, $3  }
0x3a: {  	_ = 	snop  }
0x3b: {  	_ = 	snop  }
0x3c: {  	p2 =	seq.s32 s10, $0x1;
	s10 =	sld [smem:$0x3FB2]  }
0x3d: {  	_ =	shalt  }
0x3e: {  	_ =	shalt  }
0x3f: {  	_ =	shalt  }
0x40: {  	_ =	shalt  }
0x41: {  	_ =	shalt  }
0x42: {  	_ =	shalt  }
0x43: {  	_ =	shalt  }
0x44: {  	_ =	shalt  }
0x45: {  	_ =	shalt  }
0x46: {  	_ =	shalt  }
0x47: {  	_ =	shalt  }
0x48: {  	_ =	shalt  }
0x49: {  	_ =	shalt  }
0x4a: {  	_ =	shalt  }
0x4b: {  	_ =	shalt  }
0x4c: {  	_ =	shalt  }
0x4d: {  	_ =	shalt  }
0x4e: {  	_ =	shalt  }
0x4f: {  	_ =	shalt  }
0x50: {  	_ =	shalt  }
0x51: {  	_ =	shalt  }
0x52: {  	_ =	shalt  }
0x53: {  	_ =	shalt  }
0x54: {  	_ =	shalt  }
0x55: {  	_ =	shalt  }
0x56: {  	_ =	shalt  }
0x57: {  	_ =	shalt  }
0x58: {  	_ =	shalt  }
0x59: {  	_ =	shalt  }
0x5a: {  	_ =	shalt  }
0x5b: {  	_ =	shalt  }
0x5c: {  	_ =	shalt  }
0x5d: {  	_ =	shalt  }
0x5e: {  	_ =	shalt  }
0x5f: {  	_ =	shalt  }
0x60: {  	_ =	shalt  }
0x61: {  	_ =	shalt  }
0x62: {  	_ =	shalt  }
0x63: {  	_ =	shalt  }
0x64: {  	_ =	shalt  }
0x65: {  	_ =	shalt  }
0x66: {  	_ =	shalt  }
0x67: {  	_ =	shalt  }
0x68: {  	_ =	shalt  }
0x69: {  	_ =	shalt  }
0x6a: {  	_ =	shalt  }
0x6b: {  	_ =	shalt  }
0x6c: {  	_ =	shalt  }
0x6d: {  	_ =	shalt  }
0x6e: {  	_ =	shalt  }
0x6f: {  	_ =	shalt  }
0x70: {  	_ =	shalt  }
0x71: {  	_ =	shalt  }
0x72: {  	_ =	shalt  }
0x73: {  	_ =	shalt  }
0x74: {  	_ =	shalt  }
0x75: {  	_ =	shalt  }
0x76: {  	_ =	shalt  }
0x77: {  	_ =	shalt  }
0x78: {  	_ =	shalt  }
0x79: {  	_ =	shalt  }
0x7a: {  	_ =	shalt  }
0x7b: {  	_ =	shalt  }
0x7c: {  	_ =	shalt  }
0x7d: {  	_ =	shalt  }
0x7e: {  	_ =	shalt  }
0x7f: {  	_ =	shalt  }
0x80: {  	_ =	shalt  }
0x81: {  	_ =	shalt  }
0x82: {  	_ =	shalt  }
0x83: {  	_ =	shalt  }
0x84: {  	_ =	shalt  }
0x85: {  	_ =	shalt  }
0x86: {  	_ =	shalt  }
0x87: {  	_ =	shalt  }
.Lfunc_end0:
.L_simem_size_0:
called_computation.1_lowered:
.L_overlay_start_0:
0x88: {  	s2 =	sld [smem:$0x3FD9]  }
0x89: {  	s3 =	sld [smem:$0x3FFE];
	_ =	sdelay $0x1  }
0x8a: {  	s1 =	srdreg.scid  }
0x8b: {  	s0 =	sand.u32 $0x1, s1  }
0x8c: {  	s17 =	sshll.u32 s0, $0xA;
	s2 =	sadd.s32 s3, s2  }
0x8d: {  	s2 =	sadd.s32 s2, s17  }
0x8e: {  	[smem:$0x3FBE] =	sst s2  }
0x8f: {  	_ = 	snop  }
0x90: {  	s2 =	sld [smem:$0x3FC8]  }
0x91: {  	s18 =	sld [smem:$0x3FC7];
	(tm) =	ssettm $0x1  }
0x92: {  	s4 =	sld [smem:$0x3FFB];
	_ =	sdelay $0x3  }
0x93: {  	_ =	strace s4  }
0x94: {  	s4 =	sld [smem:$0x3FFC];
	_ =	sdelay $0x3  }
0x95: {  	_ =	strace s4  }
0x96: {  	s4 =	sld [smem:$0x3FFD];
	_ =	sdelay $0x3  }
0x97: {  	_ =	strace s4  }
0x98: {  	_ =	strace $0x8FFFFFFF  }
0x99: {  	s19 =	sld [smem:$0x3FDB];
	_ =	sdelay $0x1  }
0x9a: {  	s5 =	simm.s32 $_scs_section_size  }
0x9b: {  	s6 =	simm.s32 $_size__tile_overlayer_lowered;
	s7 =	simm.s32 $_tile_overlayer_lowered  }
0x9c: {  	s22 =	simm.s32 $0x1BFF;
	s21 =	sshll.u32 s7, $0x1;
	s4 =	sadd.s32 s5, s19  }
0x9d: {  	s8 =	simm.s32 $0x0;
	s20 =	sshll.u32 s6, $0x1;
	s6 =	sadd.s32 s21, s4  }
0x9e: {  	[timem:s8], [sflag:s22] =	dma.local [hbm:s6], s20  }
0x9f: {  	_ =	swait.ge [sflag:s22], s20  }
0xa0: {  	s5 =	ssub.s32 $0x0, s20;
	[sflag:s22] =	ssyncset.done $0x0  }
0xa1: {  	[sflag:s22] =	ssyncadd.s32 s5;
	_ =	sdelay $0x1  }
0xa2: {  	s23 =	simm.s32 $0x1B8B  }
0xa3: {  	_ =	swait.ge [sflag:s23], $0x1  }
0xa4: {  	[sflag:s23] =	ssyncset.done $0x0  }
0xa5: {  	s25 =	simm.s32 $0x1B8E;
	s24 =	sld [smem:$0x3FFE];
	[sflag:s23] =	ssyncadd.s32 $0xFFFFFFFF  }
0xa6: {  	s26 =	simm.s32 $execute0_lowered;
	[smem:$0x3FD2] =	sst s25  }
0xa7: {  	s6 =	sshll.u32 s26, $0x1;
	_ =	strace $0x80000046;
	[dreg:$0x1] =	wrdreg $0xFFFFFFFF  }
0xa8: {  	s28 =	simm.s32 $_size_execute0_lowered;
	s4 =	sadd.s32 s4, s6;
	[dreg:$0x0] =	wrdreg $0x0  }
0xa9: {  	s6 =	sshll.u32 s28, $0x1;
	[dreg:$0x2] =	wrdreg s4  }
0xaa: {  	[dreg:$0x3] =	wrdreg s6  }
0xab: {  	[dreg:$0x4] =	wrdreg $0xC0  }
0xac: {  	_ =	task [dreg:s8], $0x5FFFF  }
0xad: {  	[dreg:$0x1] =	wrdreg $0xFFFFFFFF  }
0xae: {  	[dreg:$0x0] =	wrdreg $0x60  }
0xaf: {  	[dreg:$0x2] =	wrdreg s2  }
0xb0: {  	[dreg:$0x3] =	wrdreg s18  }
0xb1: {  	[dreg:$0x4] =	wrdreg s24  }
0xb2: {  	[dreg:$0x5] =	wrdreg $0x0  }
0xb3: {  	[dreg:$0x6] =	wrdreg $0x9  }
0xb4: {  	_ =	task.clear_ibuf [dreg:s8], $0x7FFFF;
	_ =	strace $0x90000046  }
0xb5: {  	s29 =	simm.s32 $0x9;
	_ =	strace $0x80000048  }
0xb6: {  	_ =	swait.ge [sflag:s29], $0x1  }
0xb7: {  	[sflag:s29] =	ssyncadd.s32 $0xFFFFFFFF  }
0xb8: {  	_ =	strace $0x90000048  }
0xb9: {  	_ =	sfence  }
0xba: {  	s30 =	sld [smem:$0x0];
	_ =	sdelay $0x2  }
0xbb: {  	s31 =	sshll.u32 s1, $0xD;
	s1 =	sshrl.u32 s1, $0x2  }
0xbc: {  	s3 =	sand.u32 $0x4000, s31;
	s1 =	sadd.s32 s1, s30  }
0xbd: {  	s0 =	sor.u32 s3, s0;
	s1 =	sshll.u32 s1, $0x11  }
0xbe: {  	s0 =	sor.u32 s1, s0  }
0xbf: {  	s0 =	sadd.s32 $0x8F2B, s0  }
0xc0: {  	[sflag:s0] =	ssyncadd.remote.s32 $0x1  }
0xc1: {  	_ =	sfence.sel $0xFFFF  }
0xc2: {  	[dreg:$0x0] =	wrdreg $0xFFFFFFFF;
	(pc) =	sbr.abs _section_cstart, $3  }
0xc3: {  	[dreg:$0x1] =	wrdreg $0xFFFFFFFF  }
0xc4: {  	_ =	task.clear_ibuf [dreg:s8], $0x2FFFF;
	_ =	strace $0x9FFFFFFF  }
0xc5: {  	(tm) =	ssettm $0x7FFFFFFF  }
tec
execute0_lowered:
.L_overlay_start_1:
0x0: {  	(tag) =	ssettag $0x1  }
0x1: {  	s7 =	rddreg [dreg:$0x0]  }
0x2: {  	s1 =	rddreg [dreg:$0x1]  }
0x3: {  	s5 =	rddreg [dreg:$0x2]  }
0x4: {  	s3 =	rddreg [dreg:$0x3]  }
0x5: {  	s0 =	rddreg [dreg:$0x4];
	s6 =	srdreg.scid  }
0x6: {  	s2 =	stileid.u32;
	s4 =	simm.s32 $0x0;
	s12 =	simm.s32 $0x80  }
0x7: {  	s13 =	simm.s32 $0x100;
	s14 =	simm.s32 $0x500;
	s15 =	simm.s32 $0x900  }
0x8: {  	s16 =	simm.s32 $0x400;
	s17 =	simm.s32 $0xD00;
	s18 =	simm.s32 $0x1100  }
0x9: {  	s21 =	simm.s32 $0x20;
	s22 =	simm.s32 $0x10;
	s8 =	smul.u32 $0xA00, s2  }
0xa: {  	s6 =	sand.u32 $0x1, s6;
	[smem:$0x7FF] =	sst s4;
	s10 =	smul.u32 $0x1400, s2  }
0xb: {  	s31 =	sshll.u32 s2, $0xC;
	s7 =	sadd.s32 $0x10, s7;
	s19 =	sshll.u32 s2, $0x6  }
0xc: {  	s9 =	sshll.u32 s6, $0x7;
	s29 =	ssub.s32 $0x2, s6;
	_ =	strace $0x80000047  }
0xd: {  	s6 =	sshll.u32 s6, $0x10;
	s19 =	sor.u32 $0x1C01, s19;
	s8 =	sor.u32 s9, s8  }
0xe: {  	s11 =	sshrl.u32 s29, $0x1;
	s30 =	sshrl.u32 s10, $0x2;
	s6 =	sor.u32 s31, s6  }
0xf: {  	s10 =	simm.s32 $0x1500;
	s8 =	sshrl.u32 s8, $0x3;
	s9 =	ssub.s32 s29, s11  }
0x10: {  	s11 =	simm.s32 $0x1;
	s8 =	sadd.s32 s8, s5;
	s5 =	sadd.s32 s30, s3  }
0x11: {  	v0 =	vimm.f32 $0.0e+00;
	v1 =	vimm.f32 $1.000000000e+00;
	s9 =	smax.u32 s9, $0x1;
	s8 =	sadd.s32 $0x2800, s8;
	s20 =	sshrl.u32 s5, $0x3  }
.LBB2_1:
0x12: {  	s23 =	simm.s32 $0x0  }
.LBB2_2:
0x13: {  	p0 =	sne.s32 s23, $0x13C0  }
.Ltmp0:
0x14: {  	_ = 	snop;
	(pc) =	sbr.rel @p0 .LBB2_2-.Ltmp0, $3  }
0x15: {  	_ =	sdelay $0x1  }
0x16: {  	s24 =	sshra.s32 s23, $0x2  }
0x17: {  	s23 =	sadd.s32 $0x40, s23;
	[tilespmem:s24+$0x1500] =	vst v0  }
0x18: {  	s23 =	simm.s32 $0x40;
	s24 =	simm.s32 $0x0  }
.LBB2_4:
0x19: {  	p0 =	sne.s32 s23, $0xFC0;
	[tilespmem:s24+$0x1100] =	vst v1;
	s24 =	smov.u32 s23;
	s23 =	sadd.s32 $0x40, s23  }
.Ltmp1:
0x1a: {  	(pc) =	sbr.rel @p0 .LBB2_4-.Ltmp1, $2  }
0x1b: {  	_ =	sdelay $0x2  }
0x1c: {  	s24 =	sshra.s32 s24, $0x2  }
0x1d: {  	[tilespmem:s24+$0x1100] =	vst v1  }
0x1e: {  	[spmem:s5] =	stream.linear.scatter [tilespmem:s10], [sflag:$0x1], $0x500, $0x38;
	[tilespmem:$0x1A00] =	vst v63  }
0x1f: {  	_ =	swait.ge [sflag:s11], $0x500  }
0x20: {  	[sflag:s11] =	ssyncset.done $0x0  }
0x21: {  	[sflag:s11] =	ssyncadd.s32 $0xFFFFFB00  }
0x22: {  	s23 =	simm.s32 $0x0;
	s24 =	simm.s32 $0x0;
	[bflag:$0x0] =	sbarrier.arrive $0xFFFF  }
.LBB2_6:
0x23: {  	s25 =	sshll.u32 s24, $0xA  }
0x24: {  	s25 =	sadd.s32 s6, s25  }
0x25: {  	s26 =	sshrl.u32 s25, $0x2  }
0x26: {  	s26 =	sadd.s32 s26, s7  }
0x27: {  	[tilespmem:s14], [sflag:$0x1] =	stream.strided.gather [hbm4b:s26+s12], $0x400, s13, s12, $0x38;
	[tilespmem:$0x1A00] =	vst v63  }
0x28: {  	_ =	swait.ge [sflag:s11], $0x400  }
0x29: {  	s25 =	sshrl.u32 s25, $0x3;
	[sflag:s11] =	ssyncset.done $0x0  }
0x2a: {  	s25 =	sadd.s32 s1, s25;
	[sflag:s11] =	ssyncadd.s32 $0xFFFFFC00  }
0x2b: {  	[tilespmem:s15], [sflag:$0x1] =	stream.linear.gather [hbm4b:s25+s23], $0x400, $0x38;
	[tilespmem:$0x1A00] =	vst v63  }
0x2c: {  	_ =	swait.ge [sflag:s11], $0x400  }
0x2d: {  	[sflag:s11] =	ssyncset.done $0x0  }
0x2e: {  	s25 =	simm.s32 $0x0;
	[sflag:s11] =	ssyncadd.s32 $0xFFFFFC00  }
0x2f: {  	v2 =	vld [tilespmem:s25+$0x900]  }
0x30: {  	s26 =	simm.s32 $0x40;
	v3 =	vld [tilespmem:s25+$0x500]  }
.LBB2_7:
0x31: {  	p0 =	sne.s32 s26, $0xFC0  }
.Ltmp2:
0x32: {  	_ = 	snop;
	(pc) =	sbr.rel @p0 .LBB2_7-.Ltmp2, $4  }
0x33: {  	_ = 	snop  }
0x34: {  	s28 =	sshra.s32 s26, $0x2;
	s26 =	sadd.s32 $0x40, s26;
	v4 =	vshll.u32 v2, $0xC  }
0x35: {  	v2 =	vld [tilespmem:s28+$0x900];
	v4 =	vadd.s32 v3, v4  }
0x36: {  	v3 =	vld [tilespmem:s28+$0x500];
	[tilespmem:s25+$0xD00] =	vst v4;
	s25 =	smov.u32 s28  }
0x37: {  	_ =	sdelay $0x2  }
0x38: {  	s24 =	sadd.s32 $0x1, s24;
	v2 =	vshll.u32 v2, $0xC  }
0x39: {  	p0 =	sne.s32 s24, $0x4;
	v2 =	vadd.s32 v3, v2  }
.Ltmp3:
0x3a: {  	[tilespmem:s25+$0xD00] =	vst v2;
	(pc) =	sbr.rel @p0 .LBB2_6-.Ltmp3, $4  }
0x3b: {  	[spmem:s3] =	stream.indirect.scatter.add.f32 [tilespmem:s18], [sflag:$0x1], $0x1, s17, s16, $0xb8;
	[tilespmem:$0x1A00] =	vst v63  }
0x3c: {  	_ =	swait.ge [sflag:s11], $0x400  }
0x3d: {  	[sflag:s11] =	ssyncset.done $0x0  }
0x3e: {  	[sflag:s11] =	ssyncadd.s32 $0xFFFFFC00  }
0x3f: {  	s4 =	sadd.s32 $0x1, s4  }
0x40: {  	p0 =	sne.s32 s4, s9  }
.Ltmp4:
0x41: {  	[bflag:$0x0] =	sbarrier.arrive $0xFFFF;
	(pc) =	sbr.rel @p0 .LBB2_1-.Ltmp4, $4  }
0x42: {  	[hbm:s8@s21], [sflag:s19] =	dma.strided [spmem:s20@s22], $0xA0, s11, $0x10   }
0x43: {  	_ =	swait.ge [sflag:s11], $0xA0  }
0x44: {  	[sflag:s11] =	ssyncset.done $0x0  }
0x45: {  	[sflag:s11] =	ssyncadd.s32 $0xFFFFFF60  }
0x46: {  	_ =	sfence.sel $0x180000  }
0x47: {  	[bflag:$0x0] =	sbarrier.arrive $0xFFFF  }
0x48: {  	p0 =	sne.s32 s2, $0x0;
	_ =	strace $0x90000047  }
0x49: {  	s0 =	sadd.s32 @!p0 $0x100000, s0;
	[bflag:$0x2] =	sbarrier.arrive $0xFFFF  }
0x4a: {  	[sflag:s0] =	ssyncadd.tile.s32 @!p0 $0x1;
	_ =	shalt  }
.Lfunc_end2:
_tile_overlayer_lowered:
.L_overlay_start_2:
0x4b: {  	(tag) =	ssettag $0x2  }
0x4c: {  	s0 =	rddreg [dreg:$0x0];
	s2 =	stileid.u32  }
0x4d: {  	s1 =	rddreg [dreg:$0x1];
	p0 =	sne.s32 s2, $0x0  }
0x4e: {  	s3 =	rddreg [dreg:$0x2];
	[bflag:$0x3] =	sbarrier.arrive $0xFFFF;
	s2 =	simm.s32 @!p0 $0x1C01  }
0x4f: {  	[timem:s3], [sflag:s2] =	dma.local @!p0 [hbm:s0], s1  }
0x50: {  	s0 =	simm.s32 @!p0 $0x1  }
0x51: {  	_ =	swait.ge @!p0 [sflag:s0], s1  }
0x52: {  	s1 =	ssub.s32 @!p0 $0x0, s1;
	[sflag:s0] =	ssyncset.done @!p0 $0x0  }
0x53: {  	[sflag:s0] =	ssyncadd.s32 @!p0 s1  }
0x54: {  	[bflag:$0x3] =	sbarrier.arrive $0xFFFF  }
0x55: {  	_ =	shalt  }

// kernel: kernel.15.cloned.1.call-start
scs
__scs_entry_jumppad:
0x0: {  	(pc) =	sbr.rel $0x88, $3  }
0x1: {  	(tag) =	ssettag $0x0;
	lr =	simm.s32 $0x1  }
0x2: {  	[smem:$0x3F97] =	sst lr;
	_ =	strace $0xD0000000  }
0x3: {  	_ = 	snop  }
0x4: {  	_ = 	snop  }
0x5: {  	_ = 	snop  }
0x6: {  	_ = 	snop  }
0x7: {  	_ = 	snop  }
__scs_overlays_trampoline_lowered:
0x8: {  	[smem:$0x3FA6] =	sst s0  }
0x9: {  	[smem:$0x3FA7] =	sst s1  }
0xa: {  	[smem:$0x3FA8] =	sst s2  }
0xb: {  	[smem:$0x3FA9] =	sst s3  }
0xc: {  	[smem:$0x3FAA] =	sst s4  }
0xd: {  	[smem:$0x3FAB] =	sst s5  }
0xe: {  	[smem:$0x3FAC] =	sst s6  }
0xf: {  	[smem:$0x3FAD] =	sst s7  }
0x10: {  	[smem:$0x3FAE] =	sst s8  }
0x11: {  	[smem:$0x3FAF] =	sst s9;
	s0 =	simm.s32 @!p0 $0x0  }
0x12: {  	s1 =	sld [smem:$0x3F95];
	s0 =	simm.s32 @p0 $0x1  }
0x13: {  	[smem:$0x3FB0] =	sst s0;
	s0 =	simm.s32 @!p1 $0x0  }
0x14: {  	s2 =	sld [smem:$0x3F94];
	s0 =	simm.s32 @p1 $0x1  }
0x15: {  	[smem:$0x3FB1] =	sst s0;
	s0 =	simm.s32 @!p2 $0x0  }
0x16: {  	s3 =	sld [smem:$0x3FDB];
	s0 =	simm.s32 @p2 $0x1  }
0x17: {  	s4 =	simm.s32 $0x1BF5;
	[smem:$0x3FB3] =	sst s0  }
0x18: {  	s0 =	sld [smem:$0x3F96];
	_ =	swait.ge [sflag:s4], $0x0  }
0x19: {  	s7 =	sld [smem:$0x3F97]  }
0x1a: {  	s8 =	sadd.s32 $0xFFFFE003, lr  }
0x1b: {  	s9 =	sadd.s32 $0xFFFFFEF7, lr;
	s5 =	simm.s32 $0xFFFFFFFF;
	p2 =	slt.u32 s8, $0xFFFFF086  }
0x1c: {  	p1 =	slt.u32 s9, $0xF7A;
	s5 =	simm.s32 @!p2 $0x0  }
0x1d: {  	s5 =	simm.s32 @p1 $0x1;
	p0 =	seq.s32 s7, s2  }
0x1e: {  	s7 =	smul.u32 @!p0 $0xF7A, s2;
	p2 =	seq.s32 @!p0 s5, $0x0  }
0x1f: {  	s9 =	smul.u32 $0xF7A, s1;
	s8 =	simm.s32 @!p0 $0x1BF5;
	p2 =	por !p2, p0  }
0x20: {  	[sflag:s8] =	ssyncset.s32 @!p0 $0xFFFFF086;
	s6 =	sadd.s32 @!p0 s3, s7;
	s7 =	simm.s32 @!p0 $0x108  }
0x21: {  	s3 =	sadd.s32 s3, s9;
	s6 =	sadd.s32 @!p0 $0x88, s6;
	s7 =	simm.s32 @p2 $0x1082  }
0x22: {  	[simem:s7], [sflag:s8] =	dma.local @!p0 [hbm:s6], $0xF7A  }
0x23: {  	s9 =	sor.u32 $0xD0000000, s2;
	s6 =	simm.s32 $0x108;
	_ =	swait.ge @!p0 [sflag:s8], $0x0  }
0x24: {  	s3 =	sadd.s32 $0x88, s3;
	s6 =	simm.s32 @!p1 $0x1082;
	[sflag:s4] =	ssyncset.s32 $0xFFFFF086  }
0x25: {  	[simem:s6], [sflag:s4] =	dma.local [hbm:s3], $0xF7A  }
0x26: {  	[smem:$0x3F97] =	sst s1;
	(tag) =	ssettag s2;
	_ =	strace s9  }
0x27: {  	s1 =	sld [smem:$0x3FA7]  }
0x28: {  	s2 =	sld [smem:$0x3FA8]  }
0x29: {  	s4 =	sld [smem:$0x3FAA]  }
0x2a: {  	p0 =	seq.s32 s5, $0x0;
	s5 =	sld [smem:$0x3FAB]  }
0x2b: {  	s6 =	sld [smem:$0x3FAC]  }
0x2c: {  	s7 =	sld [smem:$0x3FAD]  }
0x2d: {  	s3 =	simm.s32 $0x108;
	s8 =	sld [smem:$0x3FAE]  }
0x2e: {  	s3 =	simm.s32 @!p0 $0x1082;
	s9 =	sld [smem:$0x3FAF]  }
0x2f: {  	lr =	sadd.s32 s0, s3;
	s0 =	sld [smem:$0x3FA6]  }
0x30: {  	s3 =	sld [smem:$0x3FA9]  }
0x31: {  	[smem:$0x3FB2] =	sst s10  }
0x32: {  	s10 =	sld [smem:$0x3FB0];
	_ =	sdelay $0x3  }
0x33: {  	p0 =	seq.s32 s10, $0x1;
	s10 =	sld [smem:$0x3FB2];
	_ =	sdelay $0x3  }
0x34: {  	[smem:$0x3FB2] =	sst s10  }
0x35: {  	s10 =	sld [smem:$0x3FB1];
	_ =	sdelay $0x3  }
0x36: {  	p1 =	seq.s32 s10, $0x1;
	s10 =	sld [smem:$0x3FB2];
	_ =	sdelay $0x3  }
0x37: {  	[smem:$0x3FB2] =	sst s10  }
0x38: {  	s10 =	sld [smem:$0x3FB3]  }
0x39: {  	_ = 	snop;
	(pc) =	sbr.ind lr, $3  }
0x3a: {  	_ = 	snop  }
0x3b: {  	_ = 	snop  }
0x3c: {  	p2 =	seq.s32 s10, $0x1;
	s10 =	sld [smem:$0x3FB2]  }
0x3d: {  	_ =	shalt  }
0x3e: {  	_ =	shalt  }
0x3f: {  	_ =	shalt  }
0x40: {  	_ =	shalt  }
0x41: {  	_ =	shalt  }
0x42: {  	_ =	shalt  }
0x43: {  	_ =	shalt  }
0x44: {  	_ =	shalt  }
0x45: {  	_ =	shalt  }
0x46: {  	_ =	shalt  }
0x47: {  	_ =	shalt  }
0x48: {  	_ =	shalt  }
0x49: {  	_ =	shalt  }
0x4a: {  	_ =	shalt  }
0x4b: {  	_ =	shalt  }
0x4c: {  	_ =	shalt  }
0x4d: {  	_ =	shalt  }
0x4e: {  	_ =	shalt  }
0x4f: {  	_ =	shalt  }
0x50: {  	_ =	shalt  }
0x51: {  	_ =	shalt  }
0x52: {  	_ =	shalt  }
0x53: {  	_ =	shalt  }
0x54: {  	_ =	shalt  }
0x55: {  	_ =	shalt  }
0x56: {  	_ =	shalt  }
0x57: {  	_ =	shalt  }
0x58: {  	_ =	shalt  }
0x59: {  	_ =	shalt  }
0x5a: {  	_ =	shalt  }
0x5b: {  	_ =	shalt  }
0x5c: {  	_ =	shalt  }
0x5d: {  	_ =	shalt  }
0x5e: {  	_ =	shalt  }
0x5f: {  	_ =	shalt  }
0x60: {  	_ =	shalt  }
0x61: {  	_ =	shalt  }
0x62: {  	_ =	shalt  }
0x63: {  	_ =	shalt  }
0x64: {  	_ =	shalt  }
0x65: {  	_ =	shalt  }
0x66: {  	_ =	shalt  }
0x67: {  	_ =	shalt  }
0x68: {  	_ =	shalt  }
0x69: {  	_ =	shalt  }
0x6a: {  	_ =	shalt  }
0x6b: {  	_ =	shalt  }
0x6c: {  	_ =	shalt  }
0x6d: {  	_ =	shalt  }
0x6e: {  	_ =	shalt  }
0x6f: {  	_ =	shalt  }
0x70: {  	_ =	shalt  }
0x71: {  	_ =	shalt  }
0x72: {  	_ =	shalt  }
0x73: {  	_ =	shalt  }
0x74: {  	_ =	shalt  }
0x75: {  	_ =	shalt  }
0x76: {  	_ =	shalt  }
0x77: {  	_ =	shalt  }
0x78: {  	_ =	shalt  }
0x79: {  	_ =	shalt  }
0x7a: {  	_ =	shalt  }
0x7b: {  	_ =	shalt  }
0x7c: {  	_ =	shalt  }
0x7d: {  	_ =	shalt  }
0x7e: {  	_ =	shalt  }
0x7f: {  	_ =	shalt  }
0x80: {  	_ =	shalt  }
0x81: {  	_ =	shalt  }
0x82: {  	_ =	shalt  }
0x83: {  	_ =	shalt  }
0x84: {  	_ =	shalt  }
0x85: {  	_ =	shalt  }
0x86: {  	_ =	shalt  }
0x87: {  	_ =	shalt  }
.Lfunc_end0:
.L_simem_size_0:
called_computation.2_lowered:
.L_overlay_start_0:
0x88: {  	s2 =	sld [smem:$0x3FD9]  }
0x89: {  	s3 =	sld [smem:$0x3FFE];
	_ =	sdelay $0x1  }
0x8a: {  	s1 =	srdreg.scid  }
0x8b: {  	s0 =	sand.u32 $0x1, s1  }
0x8c: {  	s17 =	sshll.u32 s0, $0xA;
	s2 =	sadd.s32 s3, s2  }
0x8d: {  	s2 =	sadd.s32 s2, s17  }
0x8e: {  	[smem:$0x3FBE] =	sst s2  }
0x8f: {  	_ = 	snop  }
0x90: {  	s2 =	sld [smem:$0x3FC8]  }
0x91: {  	s18 =	sld [smem:$0x3FC7]  }
0x92: {  	s4 =	sld [smem:$0x3FD0];
	(tm) =	ssettm $0x1  }
0x93: {  	s5 =	sld [smem:$0x3FFB];
	_ =	sdelay $0x3  }
0x94: {  	_ =	strace s5  }
0x95: {  	s5 =	sld [smem:$0x3FFC];
	_ =	sdelay $0x3  }
0x96: {  	_ =	strace s5  }
0x97: {  	s5 =	sld [smem:$0x3FFD];
	_ =	sdelay $0x3  }
0x98: {  	_ =	strace s5  }
0x99: {  	_ =	strace $0x8FFFFFFF  }
0x9a: {  	s19 =	sld [smem:$0x3FDB];
	_ =	sdelay $0x1  }
0x9b: {  	s6 =	simm.s32 $_scs_section_size  }
0x9c: {  	s7 =	simm.s32 $_size__tile_overlayer_lowered;
	s8 =	simm.s32 $_tile_overlayer_lowered  }
0x9d: {  	s22 =	simm.s32 $0x1BFF;
	s21 =	sshll.u32 s8, $0x1;
	s5 =	sadd.s32 s6, s19  }
0x9e: {  	s9 =	simm.s32 $0x0;
	s20 =	sshll.u32 s7, $0x1;
	s7 =	sadd.s32 s21, s5  }
0x9f: {  	[timem:s9], [sflag:s22] =	dma.local [hbm:s7], s20  }
0xa0: {  	_ =	swait.ge [sflag:s22], s20  }
0xa1: {  	s6 =	ssub.s32 $0x0, s20;
	[sflag:s22] =	ssyncset.done $0x0  }
0xa2: {  	[sflag:s22] =	ssyncadd.s32 s6;
	_ =	sdelay $0x1  }
0xa3: {  	s23 =	simm.s32 $0x1B8B  }
0xa4: {  	_ =	swait.ge [sflag:s23], $0x1  }
0xa5: {  	[sflag:s23] =	ssyncset.done $0x0  }
0xa6: {  	s25 =	simm.s32 $0x1B8E;
	s24 =	sld [smem:$0x3FFE];
	[sflag:s23] =	ssyncadd.s32 $0xFFFFFFFF  }
0xa7: {  	s26 =	simm.s32 $execute0_lowered;
	[smem:$0x3FD2] =	sst s25  }
0xa8: {  	s7 =	sshll.u32 s26, $0x1;
	_ =	strace $0x80000049;
	[dreg:$0x1] =	wrdreg $0xFFFFFFFF  }
0xa9: {  	s28 =	simm.s32 $_size_execute0_lowered;
	s5 =	sadd.s32 s5, s7;
	[dreg:$0x0] =	wrdreg $0x0  }
0xaa: {  	s7 =	sshll.u32 s28, $0x1;
	[dreg:$0x2] =	wrdreg s5  }
0xab: {  	[dreg:$0x3] =	wrdreg s7  }
0xac: {  	[dreg:$0x4] =	wrdreg $0xC0  }
0xad: {  	_ =	task [dreg:s9], $0x5FFFF  }
0xae: {  	[dreg:$0x1] =	wrdreg $0xFFFFFFFF  }
0xaf: {  	[dreg:$0x0] =	wrdreg $0x60  }
0xb0: {  	[dreg:$0x2] =	wrdreg s4  }
0xb1: {  	[dreg:$0x3] =	wrdreg s2  }
0xb2: {  	[dreg:$0x4] =	wrdreg s18  }
0xb3: {  	[dreg:$0x5] =	wrdreg s24  }
0xb4: {  	[dreg:$0x6] =	wrdreg $0x0  }
0xb5: {  	[dreg:$0x7] =	wrdreg $0x9  }
0xb6: {  	_ =	task.clear_ibuf [dreg:s9], $0x8FFFF;
	_ =	strace $0x90000049  }
0xb7: {  	s29 =	simm.s32 $0x9;
	_ =	strace $0x8000004B  }
0xb8: {  	_ =	swait.ge [sflag:s29], $0x1  }
0xb9: {  	[sflag:s29] =	ssyncadd.s32 $0xFFFFFFFF  }
0xba: {  	_ =	strace $0x9000004B  }
0xbb: {  	_ =	sfence  }
0xbc: {  	s30 =	sld [smem:$0x0];
	_ =	sdelay $0x2  }
0xbd: {  	s31 =	sshll.u32 s1, $0xD;
	s1 =	sshrl.u32 s1, $0x2  }
0xbe: {  	s3 =	sand.u32 $0x4000, s31;
	s1 =	sadd.s32 s1, s30  }
0xbf: {  	s0 =	sor.u32 s3, s0;
	s1 =	sshll.u32 s1, $0x11  }
0xc0: {  	s0 =	sor.u32 s1, s0  }
0xc1: {  	s0 =	sadd.s32 $0x8F2B, s0  }
0xc2: {  	[sflag:s0] =	ssyncadd.remote.s32 $0x1  }
0xc3: {  	_ =	sfence.sel $0xFFFF  }
0xc4: {  	[dreg:$0x0] =	wrdreg $0xFFFFFFFF;
	(pc) =	sbr.abs _section_cstart, $3  }
0xc5: {  	[dreg:$0x1] =	wrdreg $0xFFFFFFFF  }
0xc6: {  	_ =	task.clear_ibuf [dreg:s9], $0x2FFFF;
	_ =	strace $0x9FFFFFFF  }
0xc7: {  	(tm) =	ssettm $0x7FFFFFFF  }
tec
execute0_lowered:
.L_overlay_start_1:
0x0: {  	(tag) =	ssettag $0x1  }
0x1: {  	s1 =	rddreg [dreg:$0x0]  }
0x2: {  	s2 =	rddreg [dreg:$0x1]  }
0x3: {  	s3 =	rddreg [dreg:$0x2]  }
0x4: {  	s0 =	rddreg [dreg:$0x3]  }
0x5: {  	s5 =	rddreg [dreg:$0x4];
	s4 =	srdreg.scid;
	s6 =	simm.s32 $0x0  }
0x6: {  	s12 =	stileid.u32;
	s28 =	simm.s32 $0x1;
	s29 =	simm.s32 $0x2  }
0x7: {  	s30 =	simm.s32 $0x2000;
	s4 =	sand.u32 $0x1, s4;
	[smem:$0x7FF] =	sst s6  }
0x8: {  	s8 =	sshll.u32 s12, $0xE;
	s26 =	sshll.u32 s12, $0xC;
	s17 =	sadd.s32 $0x10, s2  }
0x9: {  	s7 =	sshll.u32 s4, $0x12;
	_ =	strace $0x8000004A;
	s10 =	ssub.s32 $0x2, s4  }
0xa: {  	s13 =	sadd.s32 s8, s5;
	s4 =	sshll.u32 s4, $0x10;
	s9 =	sor.u32 s8, s7  }
0xb: {  	s7 =	sadd.s32 $0x2800, s0;
	s8 =	sadd.s32 $0x800, s13;
	[dreg:$0x6] =	wrdreg s13  }
0xc: {  	s11 =	sshrl.u32 s10, $0x1;
	s20 =	sadd.s32 $0x1000, s13;
	[dreg:$0x7] =	wrdreg s8  }
0xd: {  	s21 =	sadd.s32 $0x1800, s13;
	s22 =	sadd.s32 $0x2000, s13;
	[dreg:$0x8] =	wrdreg s20  }
0xe: {  	s23 =	sadd.s32 $0x2800, s13;
	s24 =	sadd.s32 $0x3000, s13;
	[dreg:$0x9] =	wrdreg s21  }
0xf: {  	s25 =	sadd.s32 $0x3800, s13;
	s16 =	sor.u32 s26, s4;
	[dreg:$0xa] =	wrdreg s22  }
0x10: {  	s26 =	simm.s32 $0x4280;
	s4 =	simm.s32 $0x3;
	[dreg:$0xb] =	wrdreg s23  }
0x11: {  	s9 =	sshrl.u32 s9, $0x3;
	s19 =	ssub.s32 s10, s11;
	[dreg:$0xc] =	wrdreg s24  }
0x12: {  	[dreg:$0xd] =	wrdreg s25;
	s21 =	simm.s32 $0x5;
	s22 =	simm.s32 $0x4000  }
0x13: {  	s23 =	simm.s32 $0x4100;
	s24 =	simm.s32 $0x80;
	s25 =	simm.s32 $0x4180  }
0x14: {  	s10 =	simm.s32 $0xC280;
	s0 =	sadd.s32 s9, s0;
	s31 =	smax.u32 s19, $0x1  }
0x15: {  	v0 =	vimm.f32 $0.0e+00;
	v1 =	vlaneseq.u32;
	s11 =	simm.s32 $0x4;
	s0 =	sadd.s32 $0x3200, s0;
	[dreg:$0xf] =	wrdreg s31  }
0x16: {  	v2 =	vor.u32 $0x10, v1;
	v3 =	vor.u32 $0x20, v1;
	v4 =	vor.u32 $0x30, v1;
	s8 =	simm.s32 $0x0;
	s9 =	simm.s32 $0xE280;
	[dreg:$0xe] =	wrdreg s0  }
.LBB2_1:
0x17: {  	[dreg:$0x10] =	wrdreg s8;
	s8 =	simm.s32 $0x40;
	s12 =	simm.s32 $0x0  }
.LBB2_2:
0x18: {  	p0 =	sne.s32 s8, $0x1FC0;
	[tilespmem:s12+$0x10280] =	vst v0;
	s12 =	smov.u32 s8;
	s8 =	sadd.s32 $0x40, s8  }
.Ltmp0:
0x19: {  	(pc) =	sbr.rel @p0 .LBB2_2-.Ltmp0, $2  }
0x1a: {  	_ =	sdelay $0x2  }
0x1b: {  	s12 =	sshra.s32 s12, $0x2  }
0x1c: {  	[tilespmem:s12+$0x10280] =	vst v0;
	s8 =	simm.s32 $0x10280  }
0x1d: {  	[spmem:s13] =	stream.linear.scatter [tilespmem:s8], [sflag:$0x5], $0x800, $0x38;
	[tilespmem:$0x10A80] =	vst v63  }
0x1e: {  	_ =	swait.ge [sflag:s21], $0x800  }
0x1f: {  	[sflag:s21] =	ssyncset.done $0x0  }
0x20: {  	s0 =	rddreg [dreg:$0x7];
	[sflag:s21] =	ssyncadd.s32 $0xFFFFF800  }
0x21: {  	[spmem:s0] =	stream.linear.scatter [tilespmem:s8], [sflag:$0x5], $0x800, $0x38;
	[tilespmem:$0x10A80] =	vst v63  }
0x22: {  	_ =	swait.ge [sflag:s21], $0x800  }
0x23: {  	[sflag:s21] =	ssyncset.done $0x0  }
0x24: {  	s14 =	rddreg [dreg:$0x8];
	[sflag:s21] =	ssyncadd.s32 $0xFFFFF800  }
0x25: {  	[spmem:s14] =	stream.linear.scatter [tilespmem:s8], [sflag:$0x5], $0x800, $0x38;
	[tilespmem:$0x10A80] =	vst v63  }
0x26: {  	_ =	swait.ge [sflag:s21], $0x800  }
0x27: {  	[sflag:s21] =	ssyncset.done $0x0  }
0x28: {  	s15 =	rddreg [dreg:$0x9];
	[sflag:s21] =	ssyncadd.s32 $0xFFFFF800  }
0x29: {  	[spmem:s15] =	stream.linear.scatter [tilespmem:s8], [sflag:$0x5], $0x800, $0x38;
	[tilespmem:$0x10A80] =	vst v63  }
0x2a: {  	_ =	swait.ge [sflag:s21], $0x800  }
0x2b: {  	[sflag:s21] =	ssyncset.done $0x0  }
0x2c: {  	s18 =	rddreg [dreg:$0xa];
	[sflag:s21] =	ssyncadd.s32 $0xFFFFF800  }
0x2d: {  	[spmem:s18] =	stream.linear.scatter [tilespmem:s8], [sflag:$0x5], $0x800, $0x38;
	[tilespmem:$0x10A80] =	vst v63  }
0x2e: {  	_ =	swait.ge [sflag:s21], $0x800  }
0x2f: {  	[sflag:s21] =	ssyncset.done $0x0  }
0x30: {  	s19 =	rddreg [dreg:$0xb];
	[sflag:s21] =	ssyncadd.s32 $0xFFFFF800  }
0x31: {  	[spmem:s19] =	stream.linear.scatter [tilespmem:s8], [sflag:$0x5], $0x800, $0x38;
	[tilespmem:$0x10A80] =	vst v63  }
0x32: {  	_ =	swait.ge [sflag:s21], $0x800  }
0x33: {  	[sflag:s21] =	ssyncset.done $0x0  }
0x34: {  	s20 =	rddreg [dreg:$0xc];
	[sflag:s21] =	ssyncadd.s32 $0xFFFFF800  }
0x35: {  	[spmem:s20] =	stream.linear.scatter [tilespmem:s8], [sflag:$0x5], $0x800, $0x38;
	[tilespmem:$0x10A80] =	vst v63  }
0x36: {  	_ =	swait.ge [sflag:s21], $0x800  }
0x37: {  	[sflag:s21] =	ssyncset.done $0x0  }
0x38: {  	s31 =	rddreg [dreg:$0xd];
	[sflag:s21] =	ssyncadd.s32 $0xFFFFF800  }
0x39: {  	[spmem:s31] =	stream.linear.scatter [tilespmem:s8], [sflag:$0x5], $0x800, $0x38;
	[tilespmem:$0x10A80] =	vst v63  }
0x3a: {  	_ =	swait.ge [sflag:s21], $0x800  }
0x3b: {  	[sflag:s21] =	ssyncset.done $0x0  }
0x3c: {  	[sflag:s21] =	ssyncadd.s32 $0xFFFFF800  }
0x3d: {  	s13 =	simm.s32 $0x0;
	[bflag:$0x0] =	sbarrier.arrive $0xFFFF  }
.LBB2_4:
0x3e: {  	s8 =	sshll.u32 s13, $0x8  }
0x3f: {  	s14 =	sor.u32 s16, s8  }
0x40: {  	s8 =	sshrl.u32 s14, $0x2  }
0x41: {  	s12 =	sadd.s32 s2, s8  }
0x42: {  	[tilespmem:s22], [sflag:$0x5] =	stream.linear.gather [hbm4b:s12+s6], $0x80, $0x38;
	[tilespmem:$0x10A80] =	vst v63  }
0x43: {  	_ =	swait.ge [sflag:s21], $0x80  }
0x44: {  	[sflag:s21] =	ssyncset.done $0x0  }
0x45: {  	s15 =	simm.s32 $0x4080;
	s8 =	sadd.s32 s8, s17;
	[sflag:s21] =	ssyncadd.s32 $0xFFFFFF80  }
0x46: {  	[tilespmem:s15], [sflag:$0x5] =	stream.linear.gather [hbm4b:s8+s6], $0x80, $0x38;
	[tilespmem:$0x10A80] =	vst v63  }
0x47: {  	_ =	swait.ge [sflag:s21], $0x80  }
0x48: {  	s31 =	sshrl.u32 s14, $0x3;
	[sflag:s21] =	ssyncset.done $0x0  }
0x49: {  	s8 =	sadd.s32 s3, s31;
	[sflag:s21] =	ssyncadd.s32 $0xFFFFFF80  }
0x4a: {  	[tilespmem:s23], [sflag:$0x5] =	stream.linear.gather [hbm4b:s8+s6], $0x80, $0x38;
	[tilespmem:$0x10A80] =	vst v63  }
0x4b: {  	_ =	swait.ge [sflag:s21], $0x80  }
0x4c: {  	[sflag:s21] =	ssyncset.done $0x0  }
0x4d: {  	[sflag:s21] =	ssyncadd.s32 $0xFFFFFF80  }
0x4e: {  	v5 =	vld [tilespmem:$0x4100]  }
0x4f: {  	v6 =	vld [tilespmem:$0x4000]  }
0x50: {  	v7 =	vld [tilespmem:$0x4080]  }
0x51: {  	v8 =	vld [tilespmem:$0x4110]  }
0x52: {  	v9 =	vld [tilespmem:$0x4010]  }
0x53: {  	v10 =	vld [tilespmem:$0x4090];
	v5 =	vshll.u32 v5, $0xC  }
0x54: {  	v11 =	vld [tilespmem:$0x4120];
	v6 =	vadd.s32 v6, v5  }
0x55: {  	v12 =	vld [tilespmem:$0x4020];
	[tilespmem:$0x4180] =	vst v6;
	v6 =	vshll.u32 v7, $0x6  }
0x56: {  	v5 =	vadd.s32 v7, v5;
	v7 =	vld [tilespmem:$0x40A0];
	[tilespmem:$0x4080] =	vst v6;
	v6 =	vshll.u32 v8, $0xC  }
0x57: {  	v51 =	vld [tilespmem:$0x4130];
	[tilespmem:$0x4100] =	vst v5;
	v5 =	vadd.s32 v9, v6  }
0x58: {  	v52 =	vld [tilespmem:$0x4030];
	[tilespmem:$0x4190] =	vst v5;
	v5 =	vshll.u32 v10, $0x6  }
0x59: {  	v53 =	vld [tilespmem:$0x40B0];
	v6 =	vadd.s32 v10, v6;
	[tilespmem:$0x4090] =	vst v5;
	v5 =	vshll.u32 v11, $0xC  }
0x5a: {  	v54 =	vld [tilespmem:$0x4140];
	[tilespmem:$0x4110] =	vst v6;
	v6 =	vadd.s32 v12, v5  }
0x5b: {  	v55 =	vld [tilespmem:$0x4040];
	[tilespmem:$0x41A0] =	vst v6;
	v6 =	vshll.u32 v7, $0x6  }
0x5c: {  	v5 =	vadd.s32 v7, v5;
	v7 =	vld [tilespmem:$0x40C0];
	[tilespmem:$0x40A0] =	vst v6;
	v6 =	vshll.u32 v51, $0xC  }
0x5d: {  	v56 =	vld [tilespmem:$0x4150];
	[tilespmem:$0x4120] =	vst v5;
	v5 =	vadd.s32 v52, v6  }
0x5e: {  	v57 =	vld [tilespmem:$0x4050];
	[tilespmem:$0x41B0] =	vst v5;
	v5 =	vshll.u32 v53, $0x6  }
0x5f: {  	v58 =	vld [tilespmem:$0x40D0];
	v6 =	vadd.s32 v53, v6;
	[tilespmem:$0x40B0] =	vst v5;
	v5 =	vshll.u32 v54, $0xC  }
0x60: {  	v59 =	vld [tilespmem:$0x4160];
	[tilespmem:$0x4130] =	vst v6;
	v6 =	vadd.s32 v55, v5  }
0x61: {  	v60 =	vld [tilespmem:$0x4060];
	[tilespmem:$0x41C0] =	vst v6;
	v6 =	vshll.u32 v7, $0x6  }
0x62: {  	v5 =	vadd.s32 v7, v5;
	v7 =	vld [tilespmem:$0x40E0];
	[tilespmem:$0x40C0] =	vst v6;
	v6 =	vshll.u32 v56, $0xC  }
0x63: {  	v61 =	vld [tilespmem:$0x4170];
	[tilespmem:$0x4140] =	vst v5;
	v5 =	vadd.s32 v57, v6  }
0x64: {  	v62 =	vld [tilespmem:$0x4070];
	[tilespmem:$0x41D0] =	vst v5;
	v5 =	vshll.u32 v58, $0x6  }
0x65: {  	v63 =	vld [tilespmem:$0x40F0];
	v6 =	vadd.s32 v58, v6;
	[tilespmem:$0x40D0] =	vst v5;
	v5 =	vshll.u32 v59, $0xC  }
0x66: {  	[tilespmem:$0x4150] =	vst v6;
	v6 =	vadd.s32 v60, v5  }
0x67: {  	[tilespmem:$0x41E0] =	vst v6;
	v6 =	vshll.u32 v7, $0x6  }
0x68: {  	v5 =	vadd.s32 v7, v5;
	[tilespmem:$0x40E0] =	vst v6;
	v6 =	vshll.u32 v61, $0xC  }
0x69: {  	[tilespmem:$0x4160] =	vst v5;
	v5 =	vadd.s32 v62, v6  }
0x6a: {  	v6 =	vadd.s32 v63, v6;
	[tilespmem:$0x41F0] =	vst v5  }
0x6b: {  	v5 =	vshll.u32 v63, $0x6;
	[tilespmem:$0x4170] =	vst v6  }
0x6c: {  	[tilespmem:$0x40F0] =	vst v5  }
0x6d: {  	[tilespmem:s26], [sflag:$0x1] =	stream.indirect.gather [hbm4b:s1+s24], $0x80, s25, s24, $0xb8;
	[tilespmem:$0x10A80] =	vst v63  }
0x6e: {  	s18 =	simm.s32 $0x4200  }
0x6f: {  	[tilespmem:s18], [sflag:$0x2] =	stream.indirect.gather [hbm4b:s7+s24], $0x1, s23, s24, $0xb8;
	[tilespmem:$0x10A80] =	vst v63  }
0x70: {  	_ =	swait.ge [sflag:s28], $0x4000  }
0x71: {  	[sflag:s28] =	ssyncset.done $0x0  }
0x72: {  	[sflag:s28] =	ssyncadd.s32 $0xFFFFC000  }
0x73: {  	_ =	swait.ge [sflag:s29], $0x80  }
0x74: {  	s19 =	simm.s32 $0x3C0;
	s20 =	simm.s32 $0xA480;
	[sflag:s29] =	ssyncset.done $0x0  }
0x75: {  	s12 =	simm.s32 $0x4680;
	s8 =	simm.s32 $0x8480;
	[sflag:s29] =	ssyncadd.s32 $0xFFFFFF80  }
.LBB2_5:
0x76: {  	v6 =	vld [tilespmem:s18+$0x0]  }
0x77: {  	v5 =	vld [tilespmem:s15+$0x0]  }
0x78: {  	v7 =	vld [tilespmem:s12+$0xFFFFFC00];
	_ =	sdelay $0x2  }
0x79: {  	v8 =	vbroadcast v6, $0x0;
	_ =	sdelay $0x1  }
0x7a: {  	v9 =	vbroadcast v5, $0x0;
	v7 =	vmul.f32 v7, v8;
	_ =	sdelay $0x1  }
0x7b: {  	[tilespmem:s8+$0xFFFFFE00] =	vst v7;
	v7 =	vadd.s32 v1, v9  }
0x7c: {  	[tilespmem:s20+$0xFFFFFE00] =	vst v7  }
0x7d: {  	v7 =	vld [tilespmem:s12+$0xFFFFFC10];
	_ =	sdelay $0x4  }
0x7e: {  	v7 =	vmul.f32 v7, v8;
	_ =	sdelay $0x1  }
0x7f: {  	[tilespmem:s8+$0xFFFFFE10] =	vst v7;
	v7 =	vadd.s32 v2, v9  }
0x80: {  	[tilespmem:s20+$0xFFFFFE10] =	vst v7  }
0x81: {  	v7 =	vld [tilespmem:s12+$0xFFFFFC20];
	_ =	sdelay $0x4  }
0x82: {  	v7 =	vmul.f32 v7, v8;
	_ =	sdelay $0x1  }
0x83: {  	[tilespmem:s8+$0xFFFFFE20] =	vst v7;
	v7 =	vadd.s32 v3, v9  }
0x84: {  	[tilespmem:s20+$0xFFFFFE20] =	vst v7  }
0x85: {  	v7 =	vld [tilespmem:s12+$0xFFFFFC30];
	_ =	sdelay $0x4  }
0x86: {  	v7 =	vmul.f32 v7, v8;
	_ =	sdelay $0x1  }
0x87: {  	[tilespmem:s8+$0xFFFFFE30] =	vst v7;
	v7 =	vadd.s32 v4, v9  }
0x88: {  	[tilespmem:s20+$0xFFFFFE30] =	vst v7  }
0x89: {  	v7 =	vld [tilespmem:s12+$0xFFFFFC80];
	_ =	sdelay $0x2  }
0x8a: {  	v36 =	vbroadcast v6, $0x1;
	_ =	sdelay $0x1  }
0x8b: {  	v37 =	vbroadcast v5, $0x1;
	v7 =	vmul.f32 v7, v36;
	_ =	sdelay $0x1  }
0x8c: {  	[tilespmem:s8+$0xFFFFFE40] =	vst v7;
	v7 =	vadd.s32 v1, v37  }
0x8d: {  	[tilespmem:s20+$0xFFFFFE40] =	vst v7  }
0x8e: {  	v7 =	vld [tilespmem:s12+$0xFFFFFC90];
	_ =	sdelay $0x4  }
0x8f: {  	s31 =	sadd.s32 $0xFFFFFC80, s19;
	v7 =	vmul.f32 v7, v36  }
0x90: {  	s0 =	sor.u32 $0x50, s31  }
0x91: {  	[tilespmem:s0+$0x8280] =	vst v7;
	v7 =	vadd.s32 v2, v37  }
0x92: {  	[tilespmem:s0+$0xA280] =	vst v7  }
0x93: {  	v7 =	vld [tilespmem:s12+$0xFFFFFCA0];
	_ =	sdelay $0x4  }
0x94: {  	v7 =	vmul.f32 v7, v36  }
0x95: {  	s0 =	sor.u32 $0x60, s31  }
0x96: {  	[tilespmem:s0+$0x8280] =	vst v7;
	v7 =	vadd.s32 v3, v37  }
0x97: {  	[tilespmem:s0+$0xA280] =	vst v7  }
0x98: {  	v7 =	vld [tilespmem:s12+$0xFFFFFCB0];
	_ =	sdelay $0x4  }
0x99: {  	v7 =	vmul.f32 v7, v36  }
0x9a: {  	s31 =	sor.u32 $0x70, s31  }
0x9b: {  	[tilespmem:s31+$0x8280] =	vst v7;
	v7 =	vadd.s32 v4, v37  }
0x9c: {  	[tilespmem:s31+$0xA280] =	vst v7  }
0x9d: {  	v7 =	vld [tilespmem:s12+$0xFFFFFD00];
	_ =	sdelay $0x2  }
0x9e: {  	v38 =	vbroadcast v6, $0x2;
	_ =	sdelay $0x1  }
0x9f: {  	v39 =	vbroadcast v5, $0x2;
	v7 =	vmul.f32 v7, v38;
	_ =	sdelay $0x1  }
0xa0: {  	[tilespmem:s8+$0xFFFFFE80] =	vst v7;
	v7 =	vadd.s32 v1, v39  }
0xa1: {  	[tilespmem:s20+$0xFFFFFE80] =	vst v7  }
0xa2: {  	v7 =	vld [tilespmem:s12+$0xFFFFFD10];
	_ =	sdelay $0x4  }
0xa3: {  	v7 =	vmul.f32 v7, v38;
	_ =	sdelay $0x1  }
0xa4: {  	[tilespmem:s8+$0xFFFFFE90] =	vst v7;
	v7 =	vadd.s32 v2, v39  }
0xa5: {  	[tilespmem:s20+$0xFFFFFE90] =	vst v7  }
0xa6: {  	v7 =	vld [tilespmem:s12+$0xFFFFFD20];
	_ =	sdelay $0x4  }
0xa7: {  	v7 =	vmul.f32 v7, v38;
	_ =	sdelay $0x1  }
0xa8: {  	[tilespmem:s8+$0xFFFFFEA0] =	vst v7;
	v7 =	vadd.s32 v3, v39  }
0xa9: {  	[tilespmem:s20+$0xFFFFFEA0] =	vst v7  }
0xaa: {  	v7 =	vld [tilespmem:s12+$0xFFFFFD30];
	_ =	sdelay $0x4  }
0xab: {  	v7 =	vmul.f32 v7, v38;
	_ =	sdelay $0x1  }
0xac: {  	[tilespmem:s8+$0xFFFFFEB0] =	vst v7;
	v7 =	vadd.s32 v4, v39  }
0xad: {  	[tilespmem:s20+$0xFFFFFEB0] =	vst v7  }
0xae: {  	v7 =	vld [tilespmem:s12+$0xFFFFFD80];
	_ =	sdelay $0x2  }
0xaf: {  	v40 =	vbroadcast v6, $0x3;
	_ =	sdelay $0x1  }
0xb0: {  	v41 =	vbroadcast v5, $0x3;
	v7 =	vmul.f32 v7, v40;
	_ =	sdelay $0x1  }
0xb1: {  	[tilespmem:s8+$0xFFFFFEC0] =	vst v7;
	v7 =	vadd.s32 v1, v41  }
0xb2: {  	[tilespmem:s20+$0xFFFFFEC0] =	vst v7  }
0xb3: {  	v7 =	vld [tilespmem:s12+$0xFFFFFD90];
	_ =	sdelay $0x4  }
0xb4: {  	s0 =	sadd.s32 $0xFFFFFD00, s19;
	v7 =	vmul.f32 v7, v40  }
0xb5: {  	s31 =	sor.u32 $0x50, s0  }
0xb6: {  	[tilespmem:s31+$0x8280] =	vst v7;
	v7 =	vadd.s32 v2, v41  }
0xb7: {  	[tilespmem:s31+$0xA280] =	vst v7  }
0xb8: {  	v7 =	vld [tilespmem:s12+$0xFFFFFDA0];
	_ =	sdelay $0x4  }
0xb9: {  	v7 =	vmul.f32 v7, v40  }
0xba: {  	s31 =	sor.u32 $0x60, s0  }
0xbb: {  	[tilespmem:s31+$0x8280] =	vst v7;
	v7 =	vadd.s32 v3, v41  }
0xbc: {  	[tilespmem:s31+$0xA280] =	vst v7  }
0xbd: {  	v7 =	vld [tilespmem:s12+$0xFFFFFDB0];
	_ =	sdelay $0x4  }
0xbe: {  	v7 =	vmul.f32 v7, v40  }
0xbf: {  	s0 =	sor.u32 $0x70, s0  }
0xc0: {  	[tilespmem:s0+$0x8280] =	vst v7;
	v7 =	vadd.s32 v4, v41  }
0xc1: {  	[tilespmem:s0+$0xA280] =	vst v7  }
0xc2: {  	v7 =	vld [tilespmem:s12+$0xFFFFFE00];
	_ =	sdelay $0x2  }
0xc3: {  	v42 =	vbroadcast v6, $0x4;
	_ =	sdelay $0x1  }
0xc4: {  	v43 =	vbroadcast v5, $0x4;
	v7 =	vmul.f32 v7, v42;
	_ =	sdelay $0x1  }
0xc5: {  	[tilespmem:s8+$0xFFFFFF00] =	vst v7;
	v7 =	vadd.s32 v1, v43  }
0xc6: {  	[tilespmem:s20+$0xFFFFFF00] =	vst v7  }
0xc7: {  	v7 =	vld [tilespmem:s12+$0xFFFFFE10];
	_ =	sdelay $0x4  }
0xc8: {  	v7 =	vmul.f32 v7, v42;
	_ =	sdelay $0x1  }
0xc9: {  	[tilespmem:s8+$0xFFFFFF10] =	vst v7;
	v7 =	vadd.s32 v2, v43  }
0xca: {  	[tilespmem:s20+$0xFFFFFF10] =	vst v7  }
0xcb: {  	v7 =	vld [tilespmem:s12+$0xFFFFFE20];
	_ =	sdelay $0x4  }
0xcc: {  	v7 =	vmul.f32 v7, v42;
	_ =	sdelay $0x1  }
0xcd: {  	[tilespmem:s8+$0xFFFFFF20] =	vst v7;
	v7 =	vadd.s32 v3, v43  }
0xce: {  	[tilespmem:s20+$0xFFFFFF20] =	vst v7  }
0xcf: {  	v7 =	vld [tilespmem:s12+$0xFFFFFE30];
	_ =	sdelay $0x4  }
0xd0: {  	v7 =	vmul.f32 v7, v42;
	_ =	sdelay $0x1  }
0xd1: {  	[tilespmem:s8+$0xFFFFFF30] =	vst v7;
	v7 =	vadd.s32 v4, v43  }
0xd2: {  	[tilespmem:s20+$0xFFFFFF30] =	vst v7  }
0xd3: {  	v7 =	vld [tilespmem:s12+$0xFFFFFE80];
	_ =	sdelay $0x2  }
0xd4: {  	v44 =	vbroadcast v6, $0x5;
	_ =	sdelay $0x1  }
0xd5: {  	v45 =	vbroadcast v5, $0x5;
	v7 =	vmul.f32 v7, v44;
	_ =	sdelay $0x1  }
0xd6: {  	[tilespmem:s8+$0xFFFFFF40] =	vst v7;
	v7 =	vadd.s32 v1, v45  }
0xd7: {  	[tilespmem:s20+$0xFFFFFF40] =	vst v7  }
0xd8: {  	v7 =	vld [tilespmem:s12+$0xFFFFFE90];
	_ =	sdelay $0x4  }
0xd9: {  	s0 =	sadd.s32 $0xFFFFFD80, s19;
	v7 =	vmul.f32 v7, v44  }
0xda: {  	s31 =	sor.u32 $0x50, s0  }
0xdb: {  	[tilespmem:s31+$0x8280] =	vst v7;
	v7 =	vadd.s32 v2, v45  }
0xdc: {  	[tilespmem:s31+$0xA280] =	vst v7  }
0xdd: {  	v7 =	vld [tilespmem:s12+$0xFFFFFEA0];
	_ =	sdelay $0x4  }
0xde: {  	v7 =	vmul.f32 v7, v44  }
0xdf: {  	s31 =	sor.u32 $0x60, s0  }
0xe0: {  	[tilespmem:s31+$0x8280] =	vst v7;
	v7 =	vadd.s32 v3, v45  }
0xe1: {  	[tilespmem:s31+$0xA280] =	vst v7  }
0xe2: {  	v7 =	vld [tilespmem:s12+$0xFFFFFEB0];
	_ =	sdelay $0x4  }
0xe3: {  	v7 =	vmul.f32 v7, v44  }
0xe4: {  	s0 =	sor.u32 $0x70, s0  }
0xe5: {  	[tilespmem:s0+$0x8280] =	vst v7;
	v7 =	vadd.s32 v4, v45  }
0xe6: {  	[tilespmem:s0+$0xA280] =	vst v7  }
0xe7: {  	v7 =	vld [tilespmem:s12+$0xFFFFFF00];
	_ =	sdelay $0x2  }
0xe8: {  	v46 =	vbroadcast v6, $0x6;
	_ =	sdelay $0x1  }
0xe9: {  	v47 =	vbroadcast v5, $0x6;
	v7 =	vmul.f32 v7, v46;
	_ =	sdelay $0x1  }
0xea: {  	[tilespmem:s8+$0xFFFFFF80] =	vst v7;
	v7 =	vadd.s32 v1, v47  }
0xeb: {  	[tilespmem:s20+$0xFFFFFF80] =	vst v7  }
0xec: {  	v7 =	vld [tilespmem:s12+$0xFFFFFF10];
	_ =	sdelay $0x4  }
0xed: {  	v7 =	vmul.f32 v7, v46;
	_ =	sdelay $0x1  }
0xee: {  	[tilespmem:s8+$0xFFFFFF90] =	vst v7;
	v7 =	vadd.s32 v2, v47  }
0xef: {  	[tilespmem:s20+$0xFFFFFF90] =	vst v7  }
0xf0: {  	v7 =	vld [tilespmem:s12+$0xFFFFFF20];
	_ =	sdelay $0x4  }
0xf1: {  	v7 =	vmul.f32 v7, v46;
	_ =	sdelay $0x1  }
0xf2: {  	[tilespmem:s8+$0xFFFFFFA0] =	vst v7;
	v7 =	vadd.s32 v3, v47  }
0xf3: {  	[tilespmem:s20+$0xFFFFFFA0] =	vst v7  }
0xf4: {  	v7 =	vld [tilespmem:s12+$0xFFFFFF30];
	_ =	sdelay $0x4  }
0xf5: {  	v7 =	vmul.f32 v7, v46;
	_ =	sdelay $0x1  }
0xf6: {  	[tilespmem:s8+$0xFFFFFFB0] =	vst v7;
	v7 =	vadd.s32 v4, v47  }
0xf7: {  	[tilespmem:s20+$0xFFFFFFB0] =	vst v7  }
0xf8: {  	v7 =	vld [tilespmem:s12+$0xFFFFFF80];
	_ =	sdelay $0x2  }
0xf9: {  	v48 =	vbroadcast v6, $0x7;
	_ =	sdelay $0x1  }
0xfa: {  	v49 =	vbroadcast v5, $0x7;
	v7 =	vmul.f32 v7, v48;
	_ =	sdelay $0x1  }
0xfb: {  	[tilespmem:s8+$0xFFFFFFC0] =	vst v7;
	v7 =	vadd.s32 v1, v49  }
0xfc: {  	[tilespmem:s20+$0xFFFFFFC0] =	vst v7  }
0xfd: {  	v7 =	vld [tilespmem:s12+$0xFFFFFF90];
	_ =	sdelay $0x4  }
0xfe: {  	s0 =	sadd.s32 $0xFFFFFE00, s19;
	v7 =	vmul.f32 v7, v48  }
0xff: {  	s31 =	sor.u32 $0x50, s0  }
0x100: {  	[tilespmem:s31+$0x8280] =	vst v7;
	v7 =	vadd.s32 v2, v49  }
0x101: {  	[tilespmem:s31+$0xA280] =	vst v7  }
0x102: {  	v7 =	vld [tilespmem:s12+$0xFFFFFFA0];
	_ =	sdelay $0x4  }
0x103: {  	v7 =	vmul.f32 v7, v48  }
0x104: {  	s31 =	sor.u32 $0x60, s0  }
0x105: {  	[tilespmem:s31+$0x8280] =	vst v7;
	v7 =	vadd.s32 v3, v49  }
0x106: {  	[tilespmem:s31+$0xA280] =	vst v7  }
0x107: {  	v7 =	vld [tilespmem:s12+$0xFFFFFFB0];
	_ =	sdelay $0x4  }
0x108: {  	v7 =	vmul.f32 v7, v48  }
0x109: {  	s0 =	sor.u32 $0x70, s0  }
0x10a: {  	[tilespmem:s0+$0x8280] =	vst v7;
	v7 =	vadd.s32 v4, v49  }
0x10b: {  	[tilespmem:s0+$0xA280] =	vst v7  }
0x10c: {  	v7 =	vld [tilespmem:s12+$0x0];
	_ =	sdelay $0x2  }
0x10d: {  	v50 =	vbroadcast v6, $0x8;
	_ =	sdelay $0x1  }
0x10e: {  	v51 =	vbroadcast v5, $0x8;
	v7 =	vmul.f32 v7, v50;
	_ =	sdelay $0x1  }
0x10f: {  	[tilespmem:s8+$0x0] =	vst v7;
	v7 =	vadd.s32 v1, v51  }
0x110: {  	[tilespmem:s20+$0x0] =	vst v7  }
0x111: {  	v7 =	vld [tilespmem:s12+$0x10];
	_ =	sdelay $0x4  }
0x112: {  	v7 =	vmul.f32 v7, v50;
	_ =	sdelay $0x1  }
0x113: {  	[tilespmem:s8+$0x10] =	vst v7;
	v7 =	vadd.s32 v2, v51  }
0x114: {  	[tilespmem:s20+$0x10] =	vst v7  }
0x115: {  	v7 =	vld [tilespmem:s12+$0x20];
	_ =	sdelay $0x4  }
0x116: {  	v7 =	vmul.f32 v7, v50;
	_ =	sdelay $0x1  }
0x117: {  	[tilespmem:s8+$0x20] =	vst v7;
	v7 =	vadd.s32 v3, v51  }
0x118: {  	[tilespmem:s20+$0x20] =	vst v7  }
0x119: {  	v7 =	vld [tilespmem:s12+$0x30];
	_ =	sdelay $0x4  }
0x11a: {  	v7 =	vmul.f32 v7, v50;
	_ =	sdelay $0x1  }
0x11b: {  	[tilespmem:s8+$0x30] =	vst v7;
	v7 =	vadd.s32 v4, v51  }
0x11c: {  	[tilespmem:s20+$0x30] =	vst v7  }
0x11d: {  	v7 =	vld [tilespmem:s12+$0x80];
	_ =	sdelay $0x2  }
0x11e: {  	v52 =	vbroadcast v6, $0x9;
	_ =	sdelay $0x1  }
0x11f: {  	v53 =	vbroadcast v5, $0x9;
	v7 =	vmul.f32 v7, v52;
	_ =	sdelay $0x1  }
0x120: {  	[tilespmem:s8+$0x40] =	vst v7;
	v7 =	vadd.s32 v1, v53  }
0x121: {  	[tilespmem:s20+$0x40] =	vst v7  }
0x122: {  	v7 =	vld [tilespmem:s12+$0x90];
	_ =	sdelay $0x4  }
0x123: {  	s0 =	sadd.s32 $0xFFFFFE80, s19;
	v7 =	vmul.f32 v7, v52  }
0x124: {  	s31 =	sor.u32 $0x50, s0  }
0x125: {  	[tilespmem:s31+$0x8280] =	vst v7;
	v7 =	vadd.s32 v2, v53  }
0x126: {  	[tilespmem:s31+$0xA280] =	vst v7  }
0x127: {  	v7 =	vld [tilespmem:s12+$0xA0];
	_ =	sdelay $0x4  }
0x128: {  	v7 =	vmul.f32 v7, v52  }
0x129: {  	s31 =	sor.u32 $0x60, s0  }
0x12a: {  	[tilespmem:s31+$0x8280] =	vst v7;
	v7 =	vadd.s32 v3, v53  }
0x12b: {  	[tilespmem:s31+$0xA280] =	vst v7  }
0x12c: {  	v7 =	vld [tilespmem:s12+$0xB0];
	_ =	sdelay $0x4  }
0x12d: {  	v7 =	vmul.f32 v7, v52  }
0x12e: {  	s0 =	sor.u32 $0x70, s0  }
0x12f: {  	[tilespmem:s0+$0x8280] =	vst v7;
	v7 =	vadd.s32 v4, v53  }
0x130: {  	[tilespmem:s0+$0xA280] =	vst v7  }
0x131: {  	v7 =	vld [tilespmem:s12+$0x100];
	_ =	sdelay $0x2  }
0x132: {  	v54 =	vbroadcast v6, $0xA;
	_ =	sdelay $0x1  }
0x133: {  	v55 =	vbroadcast v5, $0xA;
	v7 =	vmul.f32 v7, v54;
	_ =	sdelay $0x1  }
0x134: {  	[tilespmem:s8+$0x80] =	vst v7;
	v7 =	vadd.s32 v1, v55  }
0x135: {  	[tilespmem:s20+$0x80] =	vst v7  }
0x136: {  	v7 =	vld [tilespmem:s12+$0x110];
	_ =	sdelay $0x4  }
0x137: {  	v7 =	vmul.f32 v7, v54;
	_ =	sdelay $0x1  }
0x138: {  	[tilespmem:s8+$0x90] =	vst v7;
	v7 =	vadd.s32 v2, v55  }
0x139: {  	[tilespmem:s20+$0x90] =	vst v7  }
0x13a: {  	v7 =	vld [tilespmem:s12+$0x120];
	_ =	sdelay $0x4  }
0x13b: {  	v7 =	vmul.f32 v7, v54;
	_ =	sdelay $0x1  }
0x13c: {  	[tilespmem:s8+$0xA0] =	vst v7;
	v7 =	vadd.s32 v3, v55  }
0x13d: {  	[tilespmem:s20+$0xA0] =	vst v7  }
0x13e: {  	v7 =	vld [tilespmem:s12+$0x130];
	_ =	sdelay $0x4  }
0x13f: {  	v7 =	vmul.f32 v7, v54;
	_ =	sdelay $0x1  }
0x140: {  	[tilespmem:s8+$0xB0] =	vst v7;
	v7 =	vadd.s32 v4, v55  }
0x141: {  	[tilespmem:s20+$0xB0] =	vst v7  }
0x142: {  	v7 =	vld [tilespmem:s12+$0x180];
	_ =	sdelay $0x2  }
0x143: {  	v56 =	vbroadcast v6, $0xB;
	_ =	sdelay $0x1  }
0x144: {  	v57 =	vbroadcast v5, $0xB;
	v7 =	vmul.f32 v7, v56;
	_ =	sdelay $0x1  }
0x145: {  	[tilespmem:s8+$0xC0] =	vst v7;
	v7 =	vadd.s32 v1, v57  }
0x146: {  	[tilespmem:s20+$0xC0] =	vst v7  }
0x147: {  	v7 =	vld [tilespmem:s12+$0x190];
	_ =	sdelay $0x4  }
0x148: {  	s0 =	sadd.s32 $0xFFFFFF00, s19;
	v7 =	vmul.f32 v7, v56  }
0x149: {  	s31 =	sor.u32 $0x50, s0  }
0x14a: {  	[tilespmem:s31+$0x8280] =	vst v7;
	v7 =	vadd.s32 v2, v57  }
0x14b: {  	[tilespmem:s31+$0xA280] =	vst v7  }
0x14c: {  	v7 =	vld [tilespmem:s12+$0x1A0];
	_ =	sdelay $0x4  }
0x14d: {  	v7 =	vmul.f32 v7, v56  }
0x14e: {  	s31 =	sor.u32 $0x60, s0  }
0x14f: {  	[tilespmem:s31+$0x8280] =	vst v7;
	v7 =	vadd.s32 v3, v57  }
0x150: {  	[tilespmem:s31+$0xA280] =	vst v7  }
0x151: {  	v7 =	vld [tilespmem:s12+$0x1B0];
	_ =	sdelay $0x4  }
0x152: {  	v7 =	vmul.f32 v7, v56  }
0x153: {  	s0 =	sor.u32 $0x70, s0  }
0x154: {  	[tilespmem:s0+$0x8280] =	vst v7;
	v7 =	vadd.s32 v4, v57  }
0x155: {  	[tilespmem:s0+$0xA280] =	vst v7  }
0x156: {  	v7 =	vld [tilespmem:s12+$0x200];
	_ =	sdelay $0x2  }
0x157: {  	v58 =	vbroadcast v6, $0xC;
	_ =	sdelay $0x1  }
0x158: {  	v59 =	vbroadcast v5, $0xC;
	v7 =	vmul.f32 v7, v58;
	_ =	sdelay $0x1  }
0x159: {  	[tilespmem:s8+$0x100] =	vst v7;
	v7 =	vadd.s32 v1, v59  }
0x15a: {  	[tilespmem:s20+$0x100] =	vst v7  }
0x15b: {  	v7 =	vld [tilespmem:s12+$0x210];
	_ =	sdelay $0x4  }
0x15c: {  	v7 =	vmul.f32 v7, v58;
	_ =	sdelay $0x1  }
0x15d: {  	[tilespmem:s8+$0x110] =	vst v7;
	v7 =	vadd.s32 v2, v59  }
0x15e: {  	[tilespmem:s20+$0x110] =	vst v7  }
0x15f: {  	v7 =	vld [tilespmem:s12+$0x220];
	_ =	sdelay $0x4  }
0x160: {  	v7 =	vmul.f32 v7, v58;
	_ =	sdelay $0x1  }
0x161: {  	[tilespmem:s8+$0x120] =	vst v7;
	v7 =	vadd.s32 v3, v59  }
0x162: {  	[tilespmem:s20+$0x120] =	vst v7  }
0x163: {  	v7 =	vld [tilespmem:s12+$0x230];
	_ =	sdelay $0x4  }
0x164: {  	v7 =	vmul.f32 v7, v58;
	_ =	sdelay $0x1  }
0x165: {  	[tilespmem:s8+$0x130] =	vst v7;
	v7 =	vadd.s32 v4, v59  }
0x166: {  	[tilespmem:s20+$0x130] =	vst v7  }
0x167: {  	v7 =	vld [tilespmem:s12+$0x280];
	_ =	sdelay $0x2  }
0x168: {  	v60 =	vbroadcast v6, $0xD;
	_ =	sdelay $0x1  }
0x169: {  	v61 =	vbroadcast v5, $0xD;
	v7 =	vmul.f32 v7, v60;
	_ =	sdelay $0x1  }
0x16a: {  	[tilespmem:s8+$0x140] =	vst v7;
	v7 =	vadd.s32 v1, v61  }
0x16b: {  	[tilespmem:s20+$0x140] =	vst v7  }
0x16c: {  	v7 =	vld [tilespmem:s12+$0x290];
	_ =	sdelay $0x4  }
0x16d: {  	s0 =	sadd.s32 $0xFFFFFF80, s19;
	v7 =	vmul.f32 v7, v60  }
0x16e: {  	s31 =	sor.u32 $0x50, s0  }
0x16f: {  	[tilespmem:s31+$0x8280] =	vst v7;
	v7 =	vadd.s32 v2, v61  }
0x170: {  	[tilespmem:s31+$0xA280] =	vst v7  }
0x171: {  	v7 =	vld [tilespmem:s12+$0x2A0];
	_ =	sdelay $0x4  }
0x172: {  	v7 =	vmul.f32 v7, v60  }
0x173: {  	s31 =	sor.u32 $0x60, s0  }
0x174: {  	[tilespmem:s31+$0x8280] =	vst v7;
	v7 =	vadd.s32 v3, v61  }
0x175: {  	[tilespmem:s31+$0xA280] =	vst v7  }
0x176: {  	v7 =	vld [tilespmem:s12+$0x2B0];
	_ =	sdelay $0x4  }
0x177: {  	v7 =	vmul.f32 v7, v60  }
0x178: {  	s0 =	sor.u32 $0x70, s0  }
0x179: {  	[tilespmem:s0+$0x8280] =	vst v7;
	v7 =	vadd.s32 v4, v61  }
0x17a: {  	[tilespmem:s0+$0xA280] =	vst v7  }
0x17b: {  	v7 =	vld [tilespmem:s12+$0x300];
	_ =	sdelay $0x2  }
0x17c: {  	v62 =	vbroadcast v6, $0xE;
	_ =	sdelay $0x1  }
0x17d: {  	v63 =	vbroadcast v5, $0xE;
	v7 =	vmul.f32 v7, v62;
	_ =	sdelay $0x1  }
0x17e: {  	[tilespmem:s8+$0x180] =	vst v7;
	v7 =	vadd.s32 v1, v63  }
0x17f: {  	[tilespmem:s20+$0x180] =	vst v7  }
0x180: {  	v7 =	vld [tilespmem:s12+$0x310];
	_ =	sdelay $0x4  }
0x181: {  	v7 =	vmul.f32 v7, v62;
	_ =	sdelay $0x1  }
0x182: {  	[tilespmem:s8+$0x190] =	vst v7;
	v7 =	vadd.s32 v2, v63  }
0x183: {  	[tilespmem:s20+$0x190] =	vst v7  }
0x184: {  	v7 =	vld [tilespmem:s12+$0x320];
	_ =	sdelay $0x4  }
0x185: {  	v7 =	vmul.f32 v7, v62;
	_ =	sdelay $0x1  }
0x186: {  	[tilespmem:s8+$0x1A0] =	vst v7;
	v7 =	vadd.s32 v3, v63  }
0x187: {  	[tilespmem:s20+$0x1A0] =	vst v7  }
0x188: {  	v7 =	vld [tilespmem:s12+$0x330];
	_ =	sdelay $0x4  }
0x189: {  	v7 =	vmul.f32 v7, v62;
	_ =	sdelay $0x1  }
0x18a: {  	[tilespmem:s8+$0x1B0] =	vst v7;
	v7 =	vadd.s32 v4, v63  }
0x18b: {  	[tilespmem:s20+$0x1B0] =	vst v7  }
0x18c: {  	v7 =	vld [tilespmem:s12+$0x380];
	_ =	sdelay $0x2  }
0x18d: {  	v6 =	vbroadcast v6, $0xF;
	_ =	sdelay $0x1  }
0x18e: {  	v5 =	vbroadcast v5, $0xF;
	v7 =	vmul.f32 v7, v6;
	_ =	sdelay $0x1  }
0x18f: {  	[tilespmem:s8+$0x1C0] =	vst v7;
	v7 =	vadd.s32 v1, v5  }
0x190: {  	[tilespmem:s20+$0x1C0] =	vst v7  }
0x191: {  	v7 =	vld [tilespmem:s12+$0x390];
	_ =	sdelay $0x4  }
0x192: {  	v7 =	vmul.f32 v7, v6  }
0x193: {  	s31 =	sor.u32 $0x50, s19  }
0x194: {  	[tilespmem:s31+$0x8280] =	vst v7;
	v7 =	vadd.s32 v2, v5  }
0x195: {  	[tilespmem:s31+$0xA280] =	vst v7  }
0x196: {  	v7 =	vld [tilespmem:s12+$0x3A0];
	_ =	sdelay $0x4  }
0x197: {  	v7 =	vmul.f32 v7, v6  }
0x198: {  	s31 =	sor.u32 $0x60, s19  }
0x199: {  	[tilespmem:s31+$0x8280] =	vst v7;
	v7 =	vadd.s32 v3, v5  }
0x19a: {  	[tilespmem:s31+$0xA280] =	vst v7  }
0x19b: {  	v7 =	vld [tilespmem:s12+$0x3B0];
	_ =	sdelay $0x1  }
0x19c: {  	p0 =	sne.s32 s19, $0x1FC0  }
.Ltmp1:
0x19d: {  	_ = 	snop;
	(pc) =	sbr.rel @p0 .LBB2_5-.Ltmp1, $4  }
0x19e: {  	_ = 	snop  }
0x19f: {  	v5 =	vadd.s32 v4, v5;
	s31 =	sor.u32 $0x70, s19;
	v6 =	vmul.f32 v7, v6  }
0x1a0: {  	s15 =	sadd.s32 $0x10, s15;
	s18 =	sadd.s32 $0x10, s18;
	s8 =	sadd.s32 $0x400, s8;
	[tilespmem:s31+$0xA280] =	vst v5  }
0x1a1: {  	s20 =	sadd.s32 $0x400, s20;
	s19 =	sadd.s32 $0x400, s19;
	s12 =	sadd.s32 $0x800, s12;
	[tilespmem:s31+$0x8280] =	vst v6  }
0x1a2: {  	s0 =	simm.s32 $0xA280;
	s8 =	simm.s32 $0x8280;
	s20 =	sor.u32 $0x80, s14  }
0x1a3: {  	[spmem:s5] =	stream.indirect.scatter.add.f32 [tilespmem:s8], [sflag:$0x3], $0x1, s0, s30, $0xb8;
	[tilespmem:$0x10A80] =	vst v63  }
0x1a4: {  	s31 =	sshrl.u32 s20, $0x2  }
0x1a5: {  	s12 =	sadd.s32 s2, s31  }
0x1a6: {  	[tilespmem:s22], [sflag:$0x5] =	stream.linear.gather [hbm4b:s12+s6], $0x80, $0x38;
	[tilespmem:$0x10A80] =	vst v63  }
0x1a7: {  	_ =	swait.ge [sflag:s21], $0x80  }
0x1a8: {  	[sflag:s21] =	ssyncset.done $0x0  }
0x1a9: {  	s14 =	simm.s32 $0x4080;
	s8 =	sadd.s32 s31, s17;
	[sflag:s21] =	ssyncadd.s32 $0xFFFFFF80  }
0x1aa: {  	[tilespmem:s14], [sflag:$0x5] =	stream.linear.gather [hbm4b:s8+s6], $0x80, $0x38;
	[tilespmem:$0x10A80] =	vst v63  }
0x1ab: {  	_ =	swait.ge [sflag:s21], $0x80  }
0x1ac: {  	s0 =	sshrl.u32 s20, $0x3;
	[sflag:s21] =	ssyncset.done $0x0  }
0x1ad: {  	s0 =	sadd.s32 s3, s0;
	[sflag:s21] =	ssyncadd.s32 $0xFFFFFF80  }
0x1ae: {  	[tilespmem:s23], [sflag:$0x5] =	stream.linear.gather [hbm4b:s0+s6], $0x80, $0x38;
	[tilespmem:$0x10A80] =	vst v63  }
0x1af: {  	_ =	swait.ge [sflag:s21], $0x80  }
0x1b0: {  	[sflag:s21] =	ssyncset.done $0x0  }
0x1b1: {  	[sflag:s21] =	ssyncadd.s32 $0xFFFFFF80  }
0x1b2: {  	v5 =	vld [tilespmem:$0x4100]  }
0x1b3: {  	v6 =	vld [tilespmem:$0x4000]  }
0x1b4: {  	v7 =	vld [tilespmem:$0x4080]  }
0x1b5: {  	v8 =	vld [tilespmem:$0x4110]  }
0x1b6: {  	v9 =	vld [tilespmem:$0x4010]  }
0x1b7: {  	v10 =	vld [tilespmem:$0x4090];
	v5 =	vshll.u32 v5, $0xC  }
0x1b8: {  	v11 =	vld [tilespmem:$0x4120];
	v6 =	vadd.s32 v6, v5  }
0x1b9: {  	v12 =	vld [tilespmem:$0x4020];
	[tilespmem:$0x4180] =	vst v6;
	v6 =	vshll.u32 v7, $0x6  }
0x1ba: {  	v5 =	vadd.s32 v7, v5;
	v7 =	vld [tilespmem:$0x40A0];
	[tilespmem:$0x4080] =	vst v6;
	v6 =	vshll.u32 v8, $0xC  }
0x1bb: {  	v51 =	vld [tilespmem:$0x4130];
	[tilespmem:$0x4100] =	vst v5;
	v5 =	vadd.s32 v9, v6  }
0x1bc: {  	v52 =	vld [tilespmem:$0x4030];
	[tilespmem:$0x4190] =	vst v5;
	v5 =	vshll.u32 v10, $0x6  }
0x1bd: {  	v53 =	vld [tilespmem:$0x40B0];
	v6 =	vadd.s32 v10, v6;
	[tilespmem:$0x4090] =	vst v5;
	v5 =	vshll.u32 v11, $0xC  }
0x1be: {  	v54 =	vld [tilespmem:$0x4140];
	[tilespmem:$0x4110] =	vst v6;
	v6 =	vadd.s32 v12, v5  }
0x1bf: {  	v55 =	vld [tilespmem:$0x4040];
	[tilespmem:$0x41A0] =	vst v6;
	v6 =	vshll.u32 v7, $0x6  }
0x1c0: {  	v5 =	vadd.s32 v7, v5;
	v7 =	vld [tilespmem:$0x40C0];
	[tilespmem:$0x40A0] =	vst v6;
	v6 =	vshll.u32 v51, $0xC  }
0x1c1: {  	v56 =	vld [tilespmem:$0x4150];
	[tilespmem:$0x4120] =	vst v5;
	v5 =	vadd.s32 v52, v6  }
0x1c2: {  	v57 =	vld [tilespmem:$0x4050];
	[tilespmem:$0x41B0] =	vst v5;
	v5 =	vshll.u32 v53, $0x6  }
0x1c3: {  	v58 =	vld [tilespmem:$0x40D0];
	v6 =	vadd.s32 v53, v6;
	[tilespmem:$0x40B0] =	vst v5;
	v5 =	vshll.u32 v54, $0xC  }
0x1c4: {  	v59 =	vld [tilespmem:$0x4160];
	[tilespmem:$0x4130] =	vst v6;
	v6 =	vadd.s32 v55, v5  }
0x1c5: {  	v60 =	vld [tilespmem:$0x4060];
	[tilespmem:$0x41C0] =	vst v6;
	v6 =	vshll.u32 v7, $0x6  }
0x1c6: {  	v5 =	vadd.s32 v7, v5;
	v7 =	vld [tilespmem:$0x40E0];
	[tilespmem:$0x40C0] =	vst v6;
	v6 =	vshll.u32 v56, $0xC  }
0x1c7: {  	v61 =	vld [tilespmem:$0x4170];
	[tilespmem:$0x4140] =	vst v5;
	v5 =	vadd.s32 v57, v6  }
0x1c8: {  	v62 =	vld [tilespmem:$0x4070];
	[tilespmem:$0x41D0] =	vst v5;
	v5 =	vshll.u32 v58, $0x6  }
0x1c9: {  	v63 =	vld [tilespmem:$0x40F0];
	v6 =	vadd.s32 v58, v6;
	[tilespmem:$0x40D0] =	vst v5;
	v5 =	vshll.u32 v59, $0xC  }
0x1ca: {  	[tilespmem:$0x4150] =	vst v6;
	v6 =	vadd.s32 v60, v5  }
0x1cb: {  	[tilespmem:$0x41E0] =	vst v6;
	v6 =	vshll.u32 v7, $0x6  }
0x1cc: {  	v5 =	vadd.s32 v7, v5;
	[tilespmem:$0x40E0] =	vst v6;
	v6 =	vshll.u32 v61, $0xC  }
0x1cd: {  	[tilespmem:$0x4160] =	vst v5;
	v5 =	vadd.s32 v62, v6  }
0x1ce: {  	v6 =	vadd.s32 v63, v6;
	[tilespmem:$0x41F0] =	vst v5  }
0x1cf: {  	v5 =	vshll.u32 v63, $0x6;
	[tilespmem:$0x4170] =	vst v6  }
0x1d0: {  	[tilespmem:$0x40F0] =	vst v5  }
0x1d1: {  	[tilespmem:s26], [sflag:$0x1] =	stream.indirect.gather [hbm4b:s1+s24], $0x80, s25, s24, $0xb8;
	[tilespmem:$0x10A80] =	vst v63  }
0x1d2: {  	s15 =	simm.s32 $0x4200  }
0x1d3: {  	[tilespmem:s15], [sflag:$0x2] =	stream.indirect.gather [hbm4b:s7+s24], $0x1, s23, s24, $0xb8;
	[tilespmem:$0x10A80] =	vst v63  }
0x1d4: {  	_ =	swait.ge [sflag:s28], $0x4000  }
0x1d5: {  	[sflag:s28] =	ssyncset.done $0x0  }
0x1d6: {  	[sflag:s28] =	ssyncadd.s32 $0xFFFFC000  }
0x1d7: {  	_ =	swait.ge [sflag:s29], $0x80  }
0x1d8: {  	s18 =	simm.s32 $0x3C0;
	s19 =	simm.s32 $0xE480;
	[sflag:s29] =	ssyncset.done $0x0  }
0x1d9: {  	s12 =	simm.s32 $0x4680;
	s8 =	simm.s32 $0xC480;
	[sflag:s29] =	ssyncadd.s32 $0xFFFFFF80  }
.LBB2_7:
0x1da: {  	v6 =	vld [tilespmem:s15+$0x0]  }
0x1db: {  	v5 =	vld [tilespmem:s14+$0x0]  }
0x1dc: {  	v7 =	vld [tilespmem:s12+$0xFFFFFC00];
	_ =	sdelay $0x2  }
0x1dd: {  	v8 =	vbroadcast v6, $0x0;
	_ =	sdelay $0x1  }
0x1de: {  	v9 =	vbroadcast v5, $0x0;
	v7 =	vmul.f32 v7, v8;
	_ =	sdelay $0x1  }
0x1df: {  	[tilespmem:s8+$0xFFFFFE00] =	vst v7;
	v7 =	vadd.s32 v1, v9  }
0x1e0: {  	[tilespmem:s19+$0xFFFFFE00] =	vst v7  }
0x1e1: {  	v7 =	vld [tilespmem:s12+$0xFFFFFC10];
	_ =	sdelay $0x4  }
0x1e2: {  	v7 =	vmul.f32 v7, v8;
	_ =	sdelay $0x1  }
0x1e3: {  	[tilespmem:s8+$0xFFFFFE10] =	vst v7;
	v7 =	vadd.s32 v2, v9  }
0x1e4: {  	[tilespmem:s19+$0xFFFFFE10] =	vst v7  }
0x1e5: {  	v7 =	vld [tilespmem:s12+$0xFFFFFC20];
	_ =	sdelay $0x4  }
0x1e6: {  	v7 =	vmul.f32 v7, v8;
	_ =	sdelay $0x1  }
0x1e7: {  	[tilespmem:s8+$0xFFFFFE20] =	vst v7;
	v7 =	vadd.s32 v3, v9  }
0x1e8: {  	[tilespmem:s19+$0xFFFFFE20] =	vst v7  }
0x1e9: {  	v7 =	vld [tilespmem:s12+$0xFFFFFC30];
	_ =	sdelay $0x4  }
0x1ea: {  	v7 =	vmul.f32 v7, v8;
	_ =	sdelay $0x1  }
0x1eb: {  	[tilespmem:s8+$0xFFFFFE30] =	vst v7;
	v7 =	vadd.s32 v4, v9  }
0x1ec: {  	[tilespmem:s19+$0xFFFFFE30] =	vst v7  }
0x1ed: {  	v7 =	vld [tilespmem:s12+$0xFFFFFC80];
	_ =	sdelay $0x2  }
0x1ee: {  	v36 =	vbroadcast v6, $0x1;
	_ =	sdelay $0x1  }
0x1ef: {  	v37 =	vbroadcast v5, $0x1;
	v7 =	vmul.f32 v7, v36;
	_ =	sdelay $0x1  }
0x1f0: {  	[tilespmem:s8+$0xFFFFFE40] =	vst v7;
	v7 =	vadd.s32 v1, v37  }
0x1f1: {  	[tilespmem:s19+$0xFFFFFE40] =	vst v7  }
0x1f2: {  	v7 =	vld [tilespmem:s12+$0xFFFFFC90];
	_ =	sdelay $0x4  }
0x1f3: {  	s0 =	sadd.s32 $0xFFFFFC80, s18;
	v7 =	vmul.f32 v7, v36  }
0x1f4: {  	s20 =	sor.u32 $0x50, s0  }
0x1f5: {  	[tilespmem:s20+$0xC280] =	vst v7;
	v7 =	vadd.s32 v2, v37  }
0x1f6: {  	[tilespmem:s20+$0xE280] =	vst v7  }
0x1f7: {  	v7 =	vld [tilespmem:s12+$0xFFFFFCA0];
	_ =	sdelay $0x4  }
0x1f8: {  	v7 =	vmul.f32 v7, v36  }
0x1f9: {  	s31 =	sor.u32 $0x60, s0  }
0x1fa: {  	[tilespmem:s31+$0xC280] =	vst v7;
	v7 =	vadd.s32 v3, v37  }
0x1fb: {  	[tilespmem:s31+$0xE280] =	vst v7  }
0x1fc: {  	v7 =	vld [tilespmem:s12+$0xFFFFFCB0];
	_ =	sdelay $0x4  }
0x1fd: {  	v7 =	vmul.f32 v7, v36  }
0x1fe: {  	s0 =	sor.u32 $0x70, s0  }
0x1ff: {  	[tilespmem:s0+$0xC280] =	vst v7;
	v7 =	vadd.s32 v4, v37  }
0x200: {  	[tilespmem:s0+$0xE280] =	vst v7  }
0x201: {  	v7 =	vld [tilespmem:s12+$0xFFFFFD00];
	_ =	sdelay $0x2  }
0x202: {  	v38 =	vbroadcast v6, $0x2;
	_ =	sdelay $0x1  }
0x203: {  	v39 =	vbroadcast v5, $0x2;
	v7 =	vmul.f32 v7, v38;
	_ =	sdelay $0x1  }
0x204: {  	[tilespmem:s8+$0xFFFFFE80] =	vst v7;
	v7 =	vadd.s32 v1, v39  }
0x205: {  	[tilespmem:s19+$0xFFFFFE80] =	vst v7  }
0x206: {  	v7 =	vld [tilespmem:s12+$0xFFFFFD10];
	_ =	sdelay $0x4  }
0x207: {  	v7 =	vmul.f32 v7, v38;
	_ =	sdelay $0x1  }
0x208: {  	[tilespmem:s8+$0xFFFFFE90] =	vst v7;
	v7 =	vadd.s32 v2, v39  }
0x209: {  	[tilespmem:s19+$0xFFFFFE90] =	vst v7  }
0x20a: {  	v7 =	vld [tilespmem:s12+$0xFFFFFD20];
	_ =	sdelay $0x4  }
0x20b: {  	v7 =	vmul.f32 v7, v38;
	_ =	sdelay $0x1  }
0x20c: {  	[tilespmem:s8+$0xFFFFFEA0] =	vst v7;
	v7 =	vadd.s32 v3, v39  }
0x20d: {  	[tilespmem:s19+$0xFFFFFEA0] =	vst v7  }
0x20e: {  	v7 =	vld [tilespmem:s12+$0xFFFFFD30];
	_ =	sdelay $0x4  }
0x20f: {  	v7 =	vmul.f32 v7, v38;
	_ =	sdelay $0x1  }
0x210: {  	[tilespmem:s8+$0xFFFFFEB0] =	vst v7;
	v7 =	vadd.s32 v4, v39  }
0x211: {  	[tilespmem:s19+$0xFFFFFEB0] =	vst v7  }
0x212: {  	v7 =	vld [tilespmem:s12+$0xFFFFFD80];
	_ =	sdelay $0x2  }
0x213: {  	v40 =	vbroadcast v6, $0x3;
	_ =	sdelay $0x1  }
0x214: {  	v41 =	vbroadcast v5, $0x3;
	v7 =	vmul.f32 v7, v40;
	_ =	sdelay $0x1  }
0x215: {  	[tilespmem:s8+$0xFFFFFEC0] =	vst v7;
	v7 =	vadd.s32 v1, v41  }
0x216: {  	[tilespmem:s19+$0xFFFFFEC0] =	vst v7  }
0x217: {  	v7 =	vld [tilespmem:s12+$0xFFFFFD90];
	_ =	sdelay $0x4  }
0x218: {  	s0 =	sadd.s32 $0xFFFFFD00, s18;
	v7 =	vmul.f32 v7, v40  }
0x219: {  	s31 =	sor.u32 $0x50, s0  }
0x21a: {  	[tilespmem:s31+$0xC280] =	vst v7;
	v7 =	vadd.s32 v2, v41  }
0x21b: {  	[tilespmem:s31+$0xE280] =	vst v7  }
0x21c: {  	v7 =	vld [tilespmem:s12+$0xFFFFFDA0];
	_ =	sdelay $0x4  }
0x21d: {  	v7 =	vmul.f32 v7, v40  }
0x21e: {  	s31 =	sor.u32 $0x60, s0  }
0x21f: {  	[tilespmem:s31+$0xC280] =	vst v7;
	v7 =	vadd.s32 v3, v41  }
0x220: {  	[tilespmem:s31+$0xE280] =	vst v7  }
0x221: {  	v7 =	vld [tilespmem:s12+$0xFFFFFDB0];
	_ =	sdelay $0x4  }
0x222: {  	v7 =	vmul.f32 v7, v40  }
0x223: {  	s0 =	sor.u32 $0x70, s0  }
0x224: {  	[tilespmem:s0+$0xC280] =	vst v7;
	v7 =	vadd.s32 v4, v41  }
0x225: {  	[tilespmem:s0+$0xE280] =	vst v7  }
0x226: {  	v7 =	vld [tilespmem:s12+$0xFFFFFE00];
	_ =	sdelay $0x2  }
0x227: {  	v42 =	vbroadcast v6, $0x4;
	_ =	sdelay $0x1  }
0x228: {  	v43 =	vbroadcast v5, $0x4;
	v7 =	vmul.f32 v7, v42;
	_ =	sdelay $0x1  }
0x229: {  	[tilespmem:s8+$0xFFFFFF00] =	vst v7;
	v7 =	vadd.s32 v1, v43  }
0x22a: {  	[tilespmem:s19+$0xFFFFFF00] =	vst v7  }
0x22b: {  	v7 =	vld [tilespmem:s12+$0xFFFFFE10];
	_ =	sdelay $0x4  }
0x22c: {  	v7 =	vmul.f32 v7, v42;
	_ =	sdelay $0x1  }
0x22d: {  	[tilespmem:s8+$0xFFFFFF10] =	vst v7;
	v7 =	vadd.s32 v2, v43  }
0x22e: {  	[tilespmem:s19+$0xFFFFFF10] =	vst v7  }
0x22f: {  	v7 =	vld [tilespmem:s12+$0xFFFFFE20];
	_ =	sdelay $0x4  }
0x230: {  	v7 =	vmul.f32 v7, v42;
	_ =	sdelay $0x1  }
0x231: {  	[tilespmem:s8+$0xFFFFFF20] =	vst v7;
	v7 =	vadd.s32 v3, v43  }
0x232: {  	[tilespmem:s19+$0xFFFFFF20] =	vst v7  }
0x233: {  	v7 =	vld [tilespmem:s12+$0xFFFFFE30];
	_ =	sdelay $0x4  }
0x234: {  	v7 =	vmul.f32 v7, v42;
	_ =	sdelay $0x1  }
0x235: {  	[tilespmem:s8+$0xFFFFFF30] =	vst v7;
	v7 =	vadd.s32 v4, v43  }
0x236: {  	[tilespmem:s19+$0xFFFFFF30] =	vst v7  }
0x237: {  	v7 =	vld [tilespmem:s12+$0xFFFFFE80];
	_ =	sdelay $0x2  }
0x238: {  	v44 =	vbroadcast v6, $0x5;
	_ =	sdelay $0x1  }
0x239: {  	v45 =	vbroadcast v5, $0x5;
	v7 =	vmul.f32 v7, v44;
	_ =	sdelay $0x1  }
0x23a: {  	[tilespmem:s8+$0xFFFFFF40] =	vst v7;
	v7 =	vadd.s32 v1, v45  }
0x23b: {  	[tilespmem:s19+$0xFFFFFF40] =	vst v7  }
0x23c: {  	v7 =	vld [tilespmem:s12+$0xFFFFFE90];
	_ =	sdelay $0x4  }
0x23d: {  	s0 =	sadd.s32 $0xFFFFFD80, s18;
	v7 =	vmul.f32 v7, v44  }
0x23e: {  	s31 =	sor.u32 $0x50, s0  }
0x23f: {  	[tilespmem:s31+$0xC280] =	vst v7;
	v7 =	vadd.s32 v2, v45  }
0x240: {  	[tilespmem:s31+$0xE280] =	vst v7  }
0x241: {  	v7 =	vld [tilespmem:s12+$0xFFFFFEA0];
	_ =	sdelay $0x4  }
0x242: {  	v7 =	vmul.f32 v7, v44  }
0x243: {  	s31 =	sor.u32 $0x60, s0  }
0x244: {  	[tilespmem:s31+$0xC280] =	vst v7;
	v7 =	vadd.s32 v3, v45  }
0x245: {  	[tilespmem:s31+$0xE280] =	vst v7  }
0x246: {  	v7 =	vld [tilespmem:s12+$0xFFFFFEB0];
	_ =	sdelay $0x4  }
0x247: {  	v7 =	vmul.f32 v7, v44  }
0x248: {  	s0 =	sor.u32 $0x70, s0  }
0x249: {  	[tilespmem:s0+$0xC280] =	vst v7;
	v7 =	vadd.s32 v4, v45  }
0x24a: {  	[tilespmem:s0+$0xE280] =	vst v7  }
0x24b: {  	v7 =	vld [tilespmem:s12+$0xFFFFFF00];
	_ =	sdelay $0x2  }
0x24c: {  	v46 =	vbroadcast v6, $0x6;
	_ =	sdelay $0x1  }
0x24d: {  	v47 =	vbroadcast v5, $0x6;
	v7 =	vmul.f32 v7, v46;
	_ =	sdelay $0x1  }
0x24e: {  	[tilespmem:s8+$0xFFFFFF80] =	vst v7;
	v7 =	vadd.s32 v1, v47  }
0x24f: {  	[tilespmem:s19+$0xFFFFFF80] =	vst v7  }
0x250: {  	v7 =	vld [tilespmem:s12+$0xFFFFFF10];
	_ =	sdelay $0x4  }
0x251: {  	v7 =	vmul.f32 v7, v46;
	_ =	sdelay $0x1  }
0x252: {  	[tilespmem:s8+$0xFFFFFF90] =	vst v7;
	v7 =	vadd.s32 v2, v47  }
0x253: {  	[tilespmem:s19+$0xFFFFFF90] =	vst v7  }
0x254: {  	v7 =	vld [tilespmem:s12+$0xFFFFFF20];
	_ =	sdelay $0x4  }
0x255: {  	v7 =	vmul.f32 v7, v46;
	_ =	sdelay $0x1  }
0x256: {  	[tilespmem:s8+$0xFFFFFFA0] =	vst v7;
	v7 =	vadd.s32 v3, v47  }
0x257: {  	[tilespmem:s19+$0xFFFFFFA0] =	vst v7  }
0x258: {  	v7 =	vld [tilespmem:s12+$0xFFFFFF30];
	_ =	sdelay $0x4  }
0x259: {  	v7 =	vmul.f32 v7, v46;
	_ =	sdelay $0x1  }
0x25a: {  	[tilespmem:s8+$0xFFFFFFB0] =	vst v7;
	v7 =	vadd.s32 v4, v47  }
0x25b: {  	[tilespmem:s19+$0xFFFFFFB0] =	vst v7  }
0x25c: {  	v7 =	vld [tilespmem:s12+$0xFFFFFF80];
	_ =	sdelay $0x2  }
0x25d: {  	v48 =	vbroadcast v6, $0x7;
	_ =	sdelay $0x1  }
0x25e: {  	v49 =	vbroadcast v5, $0x7;
	v7 =	vmul.f32 v7, v48;
	_ =	sdelay $0x1  }
0x25f: {  	[tilespmem:s8+$0xFFFFFFC0] =	vst v7;
	v7 =	vadd.s32 v1, v49  }
0x260: {  	[tilespmem:s19+$0xFFFFFFC0] =	vst v7  }
0x261: {  	v7 =	vld [tilespmem:s12+$0xFFFFFF90];
	_ =	sdelay $0x4  }
0x262: {  	s0 =	sadd.s32 $0xFFFFFE00, s18;
	v7 =	vmul.f32 v7, v48  }
0x263: {  	s31 =	sor.u32 $0x50, s0  }
0x264: {  	[tilespmem:s31+$0xC280] =	vst v7;
	v7 =	vadd.s32 v2, v49  }
0x265: {  	[tilespmem:s31+$0xE280] =	vst v7  }
0x266: {  	v7 =	vld [tilespmem:s12+$0xFFFFFFA0];
	_ =	sdelay $0x4  }
0x267: {  	v7 =	vmul.f32 v7, v48  }
0x268: {  	s31 =	sor.u32 $0x60, s0  }
0x269: {  	[tilespmem:s31+$0xC280] =	vst v7;
	v7 =	vadd.s32 v3, v49  }
0x26a: {  	[tilespmem:s31+$0xE280] =	vst v7  }
0x26b: {  	v7 =	vld [tilespmem:s12+$0xFFFFFFB0];
	_ =	sdelay $0x4  }
0x26c: {  	v7 =	vmul.f32 v7, v48  }
0x26d: {  	s0 =	sor.u32 $0x70, s0  }
0x26e: {  	[tilespmem:s0+$0xC280] =	vst v7;
	v7 =	vadd.s32 v4, v49  }
0x26f: {  	[tilespmem:s0+$0xE280] =	vst v7  }
0x270: {  	v7 =	vld [tilespmem:s12+$0x0];
	_ =	sdelay $0x2  }
0x271: {  	v50 =	vbroadcast v6, $0x8;
	_ =	sdelay $0x1  }
0x272: {  	v51 =	vbroadcast v5, $0x8;
	v7 =	vmul.f32 v7, v50;
	_ =	sdelay $0x1  }
0x273: {  	[tilespmem:s8+$0x0] =	vst v7;
	v7 =	vadd.s32 v1, v51  }
0x274: {  	[tilespmem:s19+$0x0] =	vst v7  }
0x275: {  	v7 =	vld [tilespmem:s12+$0x10];
	_ =	sdelay $0x4  }
0x276: {  	v7 =	vmul.f32 v7, v50;
	_ =	sdelay $0x1  }
0x277: {  	[tilespmem:s8+$0x10] =	vst v7;
	v7 =	vadd.s32 v2, v51  }
0x278: {  	[tilespmem:s19+$0x10] =	vst v7  }
0x279: {  	v7 =	vld [tilespmem:s12+$0x20];
	_ =	sdelay $0x4  }
0x27a: {  	v7 =	vmul.f32 v7, v50;
	_ =	sdelay $0x1  }
0x27b: {  	[tilespmem:s8+$0x20] =	vst v7;
	v7 =	vadd.s32 v3, v51  }
0x27c: {  	[tilespmem:s19+$0x20] =	vst v7  }
0x27d: {  	v7 =	vld [tilespmem:s12+$0x30];
	_ =	sdelay $0x4  }
0x27e: {  	v7 =	vmul.f32 v7, v50;
	_ =	sdelay $0x1  }
0x27f: {  	[tilespmem:s8+$0x30] =	vst v7;
	v7 =	vadd.s32 v4, v51  }
0x280: {  	[tilespmem:s19+$0x30] =	vst v7  }
0x281: {  	v7 =	vld [tilespmem:s12+$0x80];
	_ =	sdelay $0x2  }
0x282: {  	v52 =	vbroadcast v6, $0x9;
	_ =	sdelay $0x1  }
0x283: {  	v53 =	vbroadcast v5, $0x9;
	v7 =	vmul.f32 v7, v52;
	_ =	sdelay $0x1  }
0x284: {  	[tilespmem:s8+$0x40] =	vst v7;
	v7 =	vadd.s32 v1, v53  }
0x285: {  	[tilespmem:s19+$0x40] =	vst v7  }
0x286: {  	v7 =	vld [tilespmem:s12+$0x90];
	_ =	sdelay $0x4  }
0x287: {  	s0 =	sadd.s32 $0xFFFFFE80, s18;
	v7 =	vmul.f32 v7, v52  }
0x288: {  	s31 =	sor.u32 $0x50, s0  }
0x289: {  	[tilespmem:s31+$0xC280] =	vst v7;
	v7 =	vadd.s32 v2, v53  }
0x28a: {  	[tilespmem:s31+$0xE280] =	vst v7  }
0x28b: {  	v7 =	vld [tilespmem:s12+$0xA0];
	_ =	sdelay $0x4  }
0x28c: {  	v7 =	vmul.f32 v7, v52  }
0x28d: {  	s31 =	sor.u32 $0x60, s0  }
0x28e: {  	[tilespmem:s31+$0xC280] =	vst v7;
	v7 =	vadd.s32 v3, v53  }
0x28f: {  	[tilespmem:s31+$0xE280] =	vst v7  }
0x290: {  	v7 =	vld [tilespmem:s12+$0xB0];
	_ =	sdelay $0x4  }
0x291: {  	v7 =	vmul.f32 v7, v52  }
0x292: {  	s0 =	sor.u32 $0x70, s0  }
0x293: {  	[tilespmem:s0+$0xC280] =	vst v7;
	v7 =	vadd.s32 v4, v53  }
0x294: {  	[tilespmem:s0+$0xE280] =	vst v7  }
0x295: {  	v7 =	vld [tilespmem:s12+$0x100];
	_ =	sdelay $0x2  }
0x296: {  	v54 =	vbroadcast v6, $0xA;
	_ =	sdelay $0x1  }
0x297: {  	v55 =	vbroadcast v5, $0xA;
	v7 =	vmul.f32 v7, v54;
	_ =	sdelay $0x1  }
0x298: {  	[tilespmem:s8+$0x80] =	vst v7;
	v7 =	vadd.s32 v1, v55  }
0x299: {  	[tilespmem:s19+$0x80] =	vst v7  }
0x29a: {  	v7 =	vld [tilespmem:s12+$0x110];
	_ =	sdelay $0x4  }
0x29b: {  	v7 =	vmul.f32 v7, v54;
	_ =	sdelay $0x1  }
0x29c: {  	[tilespmem:s8+$0x90] =	vst v7;
	v7 =	vadd.s32 v2, v55  }
0x29d: {  	[tilespmem:s19+$0x90] =	vst v7  }
0x29e: {  	v7 =	vld [tilespmem:s12+$0x120];
	_ =	sdelay $0x4  }
0x29f: {  	v7 =	vmul.f32 v7, v54;
	_ =	sdelay $0x1  }
0x2a0: {  	[tilespmem:s8+$0xA0] =	vst v7;
	v7 =	vadd.s32 v3, v55  }
0x2a1: {  	[tilespmem:s19+$0xA0] =	vst v7  }
0x2a2: {  	v7 =	vld [tilespmem:s12+$0x130];
	_ =	sdelay $0x4  }
0x2a3: {  	v7 =	vmul.f32 v7, v54;
	_ =	sdelay $0x1  }
0x2a4: {  	[tilespmem:s8+$0xB0] =	vst v7;
	v7 =	vadd.s32 v4, v55  }
0x2a5: {  	[tilespmem:s19+$0xB0] =	vst v7  }
0x2a6: {  	v7 =	vld [tilespmem:s12+$0x180];
	_ =	sdelay $0x2  }
0x2a7: {  	v56 =	vbroadcast v6, $0xB;
	_ =	sdelay $0x1  }
0x2a8: {  	v57 =	vbroadcast v5, $0xB;
	v7 =	vmul.f32 v7, v56;
	_ =	sdelay $0x1  }
0x2a9: {  	[tilespmem:s8+$0xC0] =	vst v7;
	v7 =	vadd.s32 v1, v57  }
0x2aa: {  	[tilespmem:s19+$0xC0] =	vst v7  }
0x2ab: {  	v7 =	vld [tilespmem:s12+$0x190];
	_ =	sdelay $0x4  }
0x2ac: {  	s0 =	sadd.s32 $0xFFFFFF00, s18;
	v7 =	vmul.f32 v7, v56  }
0x2ad: {  	s31 =	sor.u32 $0x50, s0  }
0x2ae: {  	[tilespmem:s31+$0xC280] =	vst v7;
	v7 =	vadd.s32 v2, v57  }
0x2af: {  	[tilespmem:s31+$0xE280] =	vst v7  }
0x2b0: {  	v7 =	vld [tilespmem:s12+$0x1A0];
	_ =	sdelay $0x4  }
0x2b1: {  	v7 =	vmul.f32 v7, v56  }
0x2b2: {  	s31 =	sor.u32 $0x60, s0  }
0x2b3: {  	[tilespmem:s31+$0xC280] =	vst v7;
	v7 =	vadd.s32 v3, v57  }
0x2b4: {  	[tilespmem:s31+$0xE280] =	vst v7  }
0x2b5: {  	v7 =	vld [tilespmem:s12+$0x1B0];
	_ =	sdelay $0x4  }
0x2b6: {  	v7 =	vmul.f32 v7, v56  }
0x2b7: {  	s0 =	sor.u32 $0x70, s0  }
0x2b8: {  	[tilespmem:s0+$0xC280] =	vst v7;
	v7 =	vadd.s32 v4, v57  }
0x2b9: {  	[tilespmem:s0+$0xE280] =	vst v7  }
0x2ba: {  	v7 =	vld [tilespmem:s12+$0x200];
	_ =	sdelay $0x2  }
0x2bb: {  	v58 =	vbroadcast v6, $0xC;
	_ =	sdelay $0x1  }
0x2bc: {  	v59 =	vbroadcast v5, $0xC;
	v7 =	vmul.f32 v7, v58;
	_ =	sdelay $0x1  }
0x2bd: {  	[tilespmem:s8+$0x100] =	vst v7;
	v7 =	vadd.s32 v1, v59  }
0x2be: {  	[tilespmem:s19+$0x100] =	vst v7  }
0x2bf: {  	v7 =	vld [tilespmem:s12+$0x210];
	_ =	sdelay $0x4  }
0x2c0: {  	v7 =	vmul.f32 v7, v58;
	_ =	sdelay $0x1  }
0x2c1: {  	[tilespmem:s8+$0x110] =	vst v7;
	v7 =	vadd.s32 v2, v59  }
0x2c2: {  	[tilespmem:s19+$0x110] =	vst v7  }
0x2c3: {  	v7 =	vld [tilespmem:s12+$0x220];
	_ =	sdelay $0x4  }
0x2c4: {  	v7 =	vmul.f32 v7, v58;
	_ =	sdelay $0x1  }
0x2c5: {  	[tilespmem:s8+$0x120] =	vst v7;
	v7 =	vadd.s32 v3, v59  }
0x2c6: {  	[tilespmem:s19+$0x120] =	vst v7  }
0x2c7: {  	v7 =	vld [tilespmem:s12+$0x230];
	_ =	sdelay $0x4  }
0x2c8: {  	v7 =	vmul.f32 v7, v58;
	_ =	sdelay $0x1  }
0x2c9: {  	[tilespmem:s8+$0x130] =	vst v7;
	v7 =	vadd.s32 v4, v59  }
0x2ca: {  	[tilespmem:s19+$0x130] =	vst v7  }
0x2cb: {  	v7 =	vld [tilespmem:s12+$0x280];
	_ =	sdelay $0x2  }
0x2cc: {  	v60 =	vbroadcast v6, $0xD;
	_ =	sdelay $0x1  }
0x2cd: {  	v61 =	vbroadcast v5, $0xD;
	v7 =	vmul.f32 v7, v60;
	_ =	sdelay $0x1  }
0x2ce: {  	[tilespmem:s8+$0x140] =	vst v7;
	v7 =	vadd.s32 v1, v61  }
0x2cf: {  	[tilespmem:s19+$0x140] =	vst v7  }
0x2d0: {  	v7 =	vld [tilespmem:s12+$0x290];
	_ =	sdelay $0x4  }
0x2d1: {  	s0 =	sadd.s32 $0xFFFFFF80, s18;
	v7 =	vmul.f32 v7, v60  }
0x2d2: {  	s31 =	sor.u32 $0x50, s0  }
0x2d3: {  	[tilespmem:s31+$0xC280] =	vst v7;
	v7 =	vadd.s32 v2, v61  }
0x2d4: {  	[tilespmem:s31+$0xE280] =	vst v7  }
0x2d5: {  	v7 =	vld [tilespmem:s12+$0x2A0];
	_ =	sdelay $0x4  }
0x2d6: {  	v7 =	vmul.f32 v7, v60  }
0x2d7: {  	s31 =	sor.u32 $0x60, s0  }
0x2d8: {  	[tilespmem:s31+$0xC280] =	vst v7;
	v7 =	vadd.s32 v3, v61  }
0x2d9: {  	[tilespmem:s31+$0xE280] =	vst v7  }
0x2da: {  	v7 =	vld [tilespmem:s12+$0x2B0];
	_ =	sdelay $0x4  }
0x2db: {  	v7 =	vmul.f32 v7, v60  }
0x2dc: {  	s0 =	sor.u32 $0x70, s0  }
0x2dd: {  	[tilespmem:s0+$0xC280] =	vst v7;
	v7 =	vadd.s32 v4, v61  }
0x2de: {  	[tilespmem:s0+$0xE280] =	vst v7  }
0x2df: {  	v7 =	vld [tilespmem:s12+$0x300];
	_ =	sdelay $0x2  }
0x2e0: {  	v62 =	vbroadcast v6, $0xE;
	_ =	sdelay $0x1  }
0x2e1: {  	v63 =	vbroadcast v5, $0xE;
	v7 =	vmul.f32 v7, v62;
	_ =	sdelay $0x1  }
0x2e2: {  	[tilespmem:s8+$0x180] =	vst v7;
	v7 =	vadd.s32 v1, v63  }
0x2e3: {  	[tilespmem:s19+$0x180] =	vst v7  }
0x2e4: {  	v7 =	vld [tilespmem:s12+$0x310];
	_ =	sdelay $0x4  }
0x2e5: {  	v7 =	vmul.f32 v7, v62;
	_ =	sdelay $0x1  }
0x2e6: {  	[tilespmem:s8+$0x190] =	vst v7;
	v7 =	vadd.s32 v2, v63  }
0x2e7: {  	[tilespmem:s19+$0x190] =	vst v7  }
0x2e8: {  	v7 =	vld [tilespmem:s12+$0x320];
	_ =	sdelay $0x4  }
0x2e9: {  	v7 =	vmul.f32 v7, v62;
	_ =	sdelay $0x1  }
0x2ea: {  	[tilespmem:s8+$0x1A0] =	vst v7;
	v7 =	vadd.s32 v3, v63  }
0x2eb: {  	[tilespmem:s19+$0x1A0] =	vst v7  }
0x2ec: {  	v7 =	vld [tilespmem:s12+$0x330];
	_ =	sdelay $0x4  }
0x2ed: {  	v7 =	vmul.f32 v7, v62;
	_ =	sdelay $0x1  }
0x2ee: {  	[tilespmem:s8+$0x1B0] =	vst v7;
	v7 =	vadd.s32 v4, v63  }
0x2ef: {  	[tilespmem:s19+$0x1B0] =	vst v7  }
0x2f0: {  	v7 =	vld [tilespmem:s12+$0x380];
	_ =	sdelay $0x2  }
0x2f1: {  	v6 =	vbroadcast v6, $0xF;
	_ =	sdelay $0x1  }
0x2f2: {  	v5 =	vbroadcast v5, $0xF;
	v7 =	vmul.f32 v7, v6;
	_ =	sdelay $0x1  }
0x2f3: {  	[tilespmem:s8+$0x1C0] =	vst v7;
	v7 =	vadd.s32 v1, v5  }
0x2f4: {  	[tilespmem:s19+$0x1C0] =	vst v7  }
0x2f5: {  	v7 =	vld [tilespmem:s12+$0x390];
	_ =	sdelay $0x4  }
0x2f6: {  	v7 =	vmul.f32 v7, v6  }
0x2f7: {  	s31 =	sor.u32 $0x50, s18  }
0x2f8: {  	[tilespmem:s31+$0xC280] =	vst v7;
	v7 =	vadd.s32 v2, v5  }
0x2f9: {  	[tilespmem:s31+$0xE280] =	vst v7  }
0x2fa: {  	v7 =	vld [tilespmem:s12+$0x3A0];
	_ =	sdelay $0x4  }
0x2fb: {  	v7 =	vmul.f32 v7, v6  }
0x2fc: {  	s20 =	sor.u32 $0x60, s18  }
0x2fd: {  	[tilespmem:s20+$0xC280] =	vst v7;
	v7 =	vadd.s32 v3, v5  }
0x2fe: {  	[tilespmem:s20+$0xE280] =	vst v7  }
0x2ff: {  	v7 =	vld [tilespmem:s12+$0x3B0];
	_ =	sdelay $0x1  }
0x300: {  	p0 =	sne.s32 s18, $0x1FC0  }
.Ltmp2:
0x301: {  	_ = 	snop;
	(pc) =	sbr.rel @p0 .LBB2_7-.Ltmp2, $4  }
0x302: {  	_ = 	snop  }
0x303: {  	s31 =	sor.u32 $0x70, s18;
	v5 =	vadd.s32 v4, v5;
	v6 =	vmul.f32 v7, v6  }
0x304: {  	s14 =	sadd.s32 $0x10, s14;
	s15 =	sadd.s32 $0x10, s15;
	s8 =	sadd.s32 $0x400, s8;
	[tilespmem:s31+$0xE280] =	vst v5  }
0x305: {  	s19 =	sadd.s32 $0x400, s19;
	s18 =	sadd.s32 $0x400, s18;
	s12 =	sadd.s32 $0x800, s12;
	[tilespmem:s31+$0xC280] =	vst v6  }
0x306: {  	_ =	swait.ge [sflag:s4], $0x2000;
	s13 =	sadd.s32 $0x1, s13  }
0x307: {  	[sflag:s4] =	ssyncset.done $0x0;
	p0 =	sne.s32 s13, $0x10  }
.Ltmp3:
0x308: {  	[sflag:s4] =	ssyncadd.s32 $0xFFFFE000;
	(pc) =	sbr.rel @p0 .LBB2_4-.Ltmp3, $4  }
0x309: {  	[spmem:s5] =	stream.indirect.scatter.add.f32 [tilespmem:s10], [sflag:$0x4], $0x1, s9, s30, $0xb8;
	[tilespmem:$0x10A80] =	vst v63  }
0x30a: {  	_ =	swait.ge [sflag:s11], $0x2000  }
0x30b: {  	[sflag:s11] =	ssyncset.done $0x0  }
0x30c: {  	[sflag:s11] =	ssyncadd.s32 $0xFFFFE000  }
0x30d: {  	s0 =	stileid.u32;
	[bflag:$0x0] =	sbarrier.arrive $0xFFFF  }
0x30e: {  	s0 =	sshll.u32 s0, $0x6;
	s13 =	rddreg [dreg:$0x6]  }
0x30f: {  	s12 =	rddreg [dreg:$0xe];
	s0 =	sor.u32 $0x1C05, s0;
	s8 =	sshrl.u32 s13, $0x3  }
0x310: {  	[hbm:s12], [sflag:s0] =	dma.local [spmem:s8], $0x800  }
0x311: {  	_ =	swait.ge [sflag:s21], $0x800  }
0x312: {  	s20 =	rddreg [dreg:$0x10]  }
0x313: {  	s31 =	rddreg [dreg:$0xf];
	s8 =	sadd.s32 $0x1, s20  }
0x314: {  	p0 =	sne.s32 s8, s31  }
.Ltmp4:
0x315: {  	_ = 	snop;
	(pc) =	sbr.rel @p0 .LBB2_1-.Ltmp4, $3  }
0x316: {  	_ =	sdelay $0x1  }
0x317: {  	[sflag:s21] =	ssyncset.done $0x0  }
0x318: {  	[sflag:s21] =	ssyncadd.s32 $0xFFFFF800  }
0x319: {  	_ =	sfence.sel $0x180000  }
0x31a: {  	[bflag:$0x0] =	sbarrier.arrive $0xFFFF  }
0x31b: {  	_ =	strace $0x9000004A  }
0x31c: {  	s0 =	stileid.u32;
	[bflag:$0x2] =	sbarrier.arrive $0xFFFF  }
0x31d: {  	p0 =	sne.s32 s0, $0x0;
	s0 =	rddreg [dreg:$0x5]  }
0x31e: {  	s0 =	sadd.s32 @!p0 $0x100000, s0  }
0x31f: {  	[sflag:s0] =	ssyncadd.tile.s32 @!p0 $0x1;
	_ =	shalt  }
.Lfunc_end2:
_tile_overlayer_lowered:
.L_overlay_start_2:
0x320: {  	(tag) =	ssettag $0x2  }
0x321: {  	s0 =	rddreg [dreg:$0x0];
	s2 =	stileid.u32  }
0x322: {  	s1 =	rddreg [dreg:$0x1];
	p0 =	sne.s32 s2, $0x0  }
0x323: {  	s3 =	rddreg [dreg:$0x2];
	[bflag:$0x3] =	sbarrier.arrive $0xFFFF;
	s2 =	simm.s32 @!p0 $0x1C05  }
0x324: {  	[timem:s3], [sflag:s2] =	dma.local @!p0 [hbm:s0], s1  }
0x325: {  	s0 =	simm.s32 @!p0 $0x5  }
0x326: {  	_ =	swait.ge @!p0 [sflag:s0], s1  }
0x327: {  	s1 =	ssub.s32 @!p0 $0x0, s1;
	[sflag:s0] =	ssyncset.done @!p0 $0x0  }
0x328: {  	[sflag:s0] =	ssyncadd.s32 @!p0 s1  }
0x329: {  	[bflag:$0x3] =	sbarrier.arrive $0xFFFF  }
0x32a: {  	_ =	shalt  }

// kernel: sparse-core-data-format-call.cloned.1.call-start
scs
called_computation_lowered:
.L_overlay_start_0:
0x0: {  	s2 =	sld [smem:$0x3FD9]  }
0x1: {  	s3 =	sld [smem:$0x3FFE];
	_ =	sdelay $0x1  }
0x2: {  	s1 =	srdreg.scid  }
0x3: {  	s0 =	sand.u32 $0x1, s1  }
0x4: {  	s18 =	sshll.u32 s0, $0xA;
	s2 =	sadd.s32 s3, s2  }
0x5: {  	s2 =	sadd.s32 s2, s18  }
0x6: {  	[smem:$0x3FBE] =	sst s2  }
0x7: {  	_ = 	snop  }
0x8: {  	s2 =	sld [smem:$0x3FD0];
	(tm) =	ssettm $0x1  }
0x9: {  	s19 =	sld [smem:$0x3FFB];
	_ =	sdelay $0x3  }
0xa: {  	_ =	strace s19  }
0xb: {  	s3 =	sld [smem:$0x3FFC];
	_ =	sdelay $0x3  }
0xc: {  	_ =	strace s3  }
0xd: {  	s3 =	sld [smem:$0x3FFD];
	_ =	sdelay $0x3  }
0xe: {  	_ =	strace s3  }
0xf: {  	_ =	strace $0x8FFFFFFF  }
0x10: {  	s20 =	sld [smem:$0x3FDB];
	_ =	sdelay $0x1  }
0x11: {  	s4 =	simm.s32 $_scs_section_size  }
0x12: {  	s5 =	simm.s32 $_size__tile_overlayer_lowered;
	s6 =	simm.s32 $_tile_overlayer_lowered  }
0x13: {  	s23 =	simm.s32 $0x1BFF;
	s22 =	sshll.u32 s6, $0x1;
	s3 =	sadd.s32 s4, s20  }
0x14: {  	s7 =	simm.s32 $0x0;
	s21 =	sshll.u32 s5, $0x1;
	s5 =	sadd.s32 s22, s3  }
0x15: {  	[timem:s7], [sflag:s23] =	dma.local [hbm:s5], s21  }
0x16: {  	_ =	swait.ge [sflag:s23], s21  }
0x17: {  	s4 =	ssub.s32 $0x0, s21;
	[sflag:s23] =	ssyncset.done $0x0  }
0x18: {  	[sflag:s23] =	ssyncadd.s32 s4;
	_ =	sdelay $0x1  }
0x19: {  	s24 =	simm.s32 $0x1B8B  }
0x1a: {  	_ =	swait.ge [sflag:s24], $0x1  }
0x1b: {  	[sflag:s24] =	ssyncset.done $0x0  }
0x1c: {  	s26 =	simm.s32 $0x1B8E;
	s25 =	sld [smem:$0x3FFE];
	[sflag:s24] =	ssyncadd.s32 $0xFFFFFFFF  }
0x1d: {  	s27 =	simm.s32 $execute0_lowered;
	[smem:$0x3FD2] =	sst s26  }
0x1e: {  	s5 =	sshll.u32 s27, $0x1;
	_ =	strace $0x8000004C;
	[dreg:$0x1] =	wrdreg $0xFFFFFFFF  }
0x1f: {  	s28 =	simm.s32 $_size_execute0_lowered;
	s3 =	sadd.s32 s3, s5;
	[dreg:$0x0] =	wrdreg $0x0  }
0x20: {  	s5 =	sshll.u32 s28, $0x1;
	[dreg:$0x2] =	wrdreg s3  }
0x21: {  	[dreg:$0x3] =	wrdreg s5  }
0x22: {  	[dreg:$0x4] =	wrdreg $0xC0  }
0x23: {  	_ =	task [dreg:s7], $0x5FFFF  }
0x24: {  	[dreg:$0x1] =	wrdreg $0xFFFFFFFF  }
0x25: {  	[dreg:$0x0] =	wrdreg $0x60  }
0x26: {  	[dreg:$0x2] =	wrdreg s25  }
0x27: {  	[dreg:$0x3] =	wrdreg s2  }
0x28: {  	[dreg:$0x4] =	wrdreg $0x9  }
0x29: {  	_ =	task.clear_ibuf [dreg:s7], $0x5FFFF;
	_ =	strace $0x9000004C  }
0x2a: {  	s29 =	simm.s32 $0x9;
	_ =	strace $0x8000004E  }
0x2b: {  	_ =	swait.ge [sflag:s29], $0x1  }
0x2c: {  	[sflag:s29] =	ssyncadd.s32 $0xFFFFFFFF  }
0x2d: {  	_ =	strace $0x9000004E  }
0x2e: {  	_ =	sfence  }
0x2f: {  	s30 =	sld [smem:$0x0];
	_ =	sdelay $0x2  }
0x30: {  	s31 =	sshll.u32 s1, $0xD;
	s1 =	sshrl.u32 s1, $0x2  }
0x31: {  	s3 =	sand.u32 $0x4000, s31;
	s1 =	sadd.s32 s1, s30  }
0x32: {  	s0 =	sor.u32 s3, s0;
	s1 =	sshll.u32 s1, $0x11  }
0x33: {  	s0 =	sor.u32 s1, s0  }
0x34: {  	s0 =	sadd.s32 $0x8F2B, s0  }
0x35: {  	[sflag:s0] =	ssyncadd.remote.s32 $0x1  }
0x36: {  	_ =	sfence.sel $0xFFFF  }
0x37: {  	[dreg:$0x0] =	wrdreg $0xFFFFFFFF;
	(pc) =	sbr.abs _section_cstart, $3  }
0x38: {  	[dreg:$0x1] =	wrdreg $0xFFFFFFFF  }
0x39: {  	_ =	task.clear_ibuf [dreg:s7], $0x2FFFF;
	_ =	strace $0x9FFFFFFF  }
0x3a: {  	(tm) =	ssettm $0x7FFFFFFF  }
0x3b: {  	_ =	shalt  }
tec
execute0_lowered:
.L_overlay_start_1:
0x0: {  	(tag) =	ssettag $0x1  }
0x1: {  	s0 =	stileid.u32  }
0x2: {  	s2 =	srdreg.scid;
	s7 =	rddreg [dreg:$0x0]  }
0x3: {  	s8 =	simm.s32 $0x2;
	s1 =	sshll.u32 s0, $0x7;
	s2 =	sshll.u32 s2, $0x7  }
0x4: {  	s15 =	simm.s32 $0x0;
	s2 =	sand.u32 $0x80, s2;
	s3 =	ssub.s32 $0x800, s1  }
0x5: {  	s4 =	sshrl.u32 s3, $0xB;
	s3 =	sand.u32 $0x780, s3;
	s5 =	ssub.s32 $0x800, s2  }
0x6: {  	p0 =	sne.s32 s3, $0x0;
	s3 =	simm.s32 $0x1;
	s6 =	sshrl.u32 s5, $0x7  }
0x7: {  	s5 =	sshrl.u32 s5, $0x8;
	s3 =	simm.s32 @!p0 $0x0;
	s6 =	sand.u32 $0x1, s6  }
0x8: {  	s9 =	simm.s32 $0x4000;
	s3 =	sadd.s32 s3, s4;
	s5 =	sadd.s32 s5, s6  }
0x9: {  	s10 =	simm.s32 $0x0;
	s16 =	simm.s32 $0x0;
	s6 =	smul.u32 s5, s3  }
.Ltmp0:
0xa: {  	s17 =	simm.s32 $0x0;
	s4 =	rddreg [dreg:$0x1];
	(pc) =	sbr.rel .LBB1_1-.Ltmp0, $4  }
0xb: {  	s13 =	simm.s32 $0x0;
	s14 =	simm.s32 $0x0;
	s3 =	rddreg [dreg:$0x2]  }
0xc: {  	_ =	strace $0x8000004D;
	s5 =	simm.s32 $0x1;
	s6 =	smul.u32 $0x5, s6  }
0xd: {  	s7 =	sadd.s32 $0x2800, s7;
	s12 =	smov.u32 s1;
	[sflag:s5] =	ssyncpa.u1 $0x0  }
0xe: {  	s11 =	smov.u32 s2;
	[sflag:s8] =	ssyncpa.u1 $0x0;
	s8 =	sadd.s32 $0x1, s6  }
.LBB1_4:
0xf: {  	_ =	sdelay $0x3  }
0x10: {  	[tilespmem:v0+s20+$0xFFFFFFA0 ss:$0x1] =	vst.idx.msk $0xffff, v6  }
0x11: {  	v56 =	vld.idx.msk [tilespmem:v1+s19+$0x30 ss:$0x1], $0xffff;
	[tilespmem:v0+s20+$0xFFFFFFB0 ss:$0x1] =	vst.idx.msk $0xffff, v4  }
0x12: {  	v57 =	vld.idx.msk [tilespmem:v1+s19+$0xFFFFFFC0 ss:$0x1], $0xffff;
	[tilespmem:v0+s20+$0xFFFFFFC0 ss:$0x1] =	vst.idx.msk $0xffff, v2  }
0x13: {  	v58 =	vld.idx.msk [tilespmem:v1+s19+$0xFFFFFFD0 ss:$0x1], $0xffff;
	[tilespmem:v0+s20+$0xFFFFFFD0 ss:$0x1] =	vst.idx.msk $0xffff, v3  }
0x14: {  	v59 =	vld.idx.msk [tilespmem:v1+s19+$0xFFFFFFE0 ss:$0x1], $0xffff;
	[tilespmem:v0+s20+$0xFFFFFFE0 ss:$0x1] =	vst.idx.msk $0xffff, v5  }
0x15: {  	v60 =	vld.idx.msk [tilespmem:v1+s19+$0xFFFFFFF0 ss:$0x1], $0xffff;
	[tilespmem:v0+s20+$0xFFFFFFF0 ss:$0x1] =	vst.idx.msk $0xffff, v7  }
0x16: {  	v61 =	vld.idx.msk [tilespmem:v1+s19+$0x0 ss:$0x1], $0xffff;
	[tilespmem:v0+s19+$0x0 ss:$0x1] =	vst.idx.msk $0xffff, v56  }
0x17: {  	v62 =	vld.idx.msk [tilespmem:v1+s19+$0x10 ss:$0x1], $0xffff;
	[tilespmem:v0+s19+$0xFFFFFF90 ss:$0x1] =	vst.idx.msk $0xffff, v57  }
0x18: {  	s17 =	sshll.u32 s17, $0x7;
	v63 =	vld.idx.msk [tilespmem:v1+s19+$0x20 ss:$0x1], $0xffff;
	s28 =	sand.u32 $0x78, s15;
	[tilespmem:v0+s19+$0xFFFFFFA0 ss:$0x1] =	vst.idx.msk $0xffff, v58  }
0x19: {  	s21 =	sshll.u32 s15, $0x3;
	s16 =	sshll.u32 s16, $0xB;
	s17 =	sand.u32 $0x380, s17;
	[tilespmem:v0+s19+$0xFFFFFFB0 ss:$0x1] =	vst.idx.msk $0xffff, v59  }
0x1a: {  	s30 =	sand.u32 $0x700, s15;
	s29 =	sand.u32 $0x400, s21;
	s17 =	sor.u32 s17, s28;
	[tilespmem:v0+s19+$0xFFFFFFC0 ss:$0x1] =	vst.idx.msk $0xffff, v60  }
0x1b: {  	s31 =	sand.u32 $0x7, s15;
	s16 =	sadd.s32 s4, s16;
	s17 =	sor.u32 s29, s17;
	[tilespmem:v0+s19+$0xFFFFFFD0 ss:$0x1] =	vst.idx.msk $0xffff, v61  }
0x1c: {  	s15 =	sshll.u32 s31, $0x12;
	s16 =	sadd.s32 s30, s16;
	s17 =	sshrl.u32 s17, $0x3;
	[tilespmem:v0+s19+$0xFFFFFFE0 ss:$0x1] =	vst.idx.msk $0xffff, v62  }
0x1d: {  	s15 =	sor.u32 $0x80, s15;
	[tilespmem:v0+s19+$0xFFFFFFF0 ss:$0x1] =	vst.idx.msk $0xffff, v63;
	s16 =	sadd.s32 s17, s16  }
0x1e: {  	[hbm4b:s16+s15] =	stream.strided.scatter [tilespmem:s18], [sflag:$0x2], $0x4000, s9, s15, $0x38;
	[tilespmem:$0x10000] =	vst v63  }
.LBB1_5:
0x1f: {  	s18 =	sadd.s32 $0x100, s11  }
0x20: {  	s15 =	sadd.s32 $0x800, s12;
	s19 =	smov.u32 s12;
	p1 =	sgt.s32 s18, $0x7FF  }
0x21: {  	s19 =	smov.u32 @p1 s15  }
0x22: {  	s15 =	simm.s32 $0x1;
	p2 =	sgt.s32 s19, $0x7FF  }
0x23: {  	s15 =	simm.s32 @!p2 $0x0  }
0x24: {  	s21 =	sadd.s32 s15, s13  }
0x25: {  	s18 =	smov.u32 @p1 s2;
	p1 =	sgt.s32 s21, $0x4  }
0x26: {  	p0 =	slt.u32 s14, $0x2;
	s21 =	simm.s32 @p1 $0x0;
	p1 =	sne.s32 s14, s8  }
.Ltmp1:
0x27: {  	s20 =	simm.s32 @!p0 $0x2;
	(pc) =	sbr.rel @!p1 .LBB1_6-.Ltmp1, $4  }
0x28: {  	s16 =	smov.u32 s12;
	s17 =	smov.u32 s13;
	_ =	swait.ge @!p0 [sflag:s20], $0x4000  }
0x29: {  	s10 =	sadd.s32 $0x4000, s10;
	[sflag:s20] =	ssyncset.done @!p0 $0x0;
	s19 =	smov.u32 @p2 s1  }
0x2a: {  	[sflag:s20] =	ssyncadd.s32 @!p0 $0xFFFFC000;
	s15 =	smov.u32 s11;
	s11 =	smov.u32 s18  }
0x2b: {  	s12 =	smov.u32 s19;
	s14 =	sadd.s32 $0x1, s14;
	s13 =	smov.u32 s21  }
.LBB1_1:
0x2c: {  	p0 =	sge.u32 s14, s6;
	s31 =	sadd.s32 $0xFFFFFFFF, s14  }
0x2d: {  	s18 =	sxor.u32 @!p0 $0xFFFFFFFF, s14;
	s19 =	sand.u32 @!p0 $0x78, s11;
	s20 =	sshll.u32 @!p0 s12, $0xB  }
0x2e: {  	s21 =	sshll.u32 @!p0 s12, $0x7;
	s22 =	sshll.u32 @!p0 s11, $0x3;
	s18 =	sshll.u32 @!p0 s18, $0xE  }
0x2f: {  	s20 =	sand.u32 @!p0 $0x3FC000, s20;
	s21 =	sand.u32 @!p0 $0x380, s21;
	s18 =	sand.u32 @!p0 $0x4000, s18  }
0x30: {  	s20 =	sadd.s32 @!p0 s20, s22;
	s22 =	sand.u32 @!p0 $0x400, s22;
	s19 =	sor.u32 @!p0 s21, s19  }
0x31: {  	s21 =	sshll.u32 @!p0 s13, $0x13;
	s19 =	sor.u32 @!p0 s22, s19;
	s20 =	sshrl.u32 @!p0 s20, $0x3  }
0x32: {  	s21 =	sadd.s32 @!p0 s7, s21;
	s22 =	sand.u32 @!p0 $0x7, s11;
	s20 =	sand.u32 @!p0 $0x7FF00, s20  }
0x33: {  	s19 =	sshrl.u32 @!p0 s19, $0x3;
	s20 =	sadd.s32 @!p0 s20, s21;
	s21 =	sshll.u32 @!p0 s22, $0x12  }
0x34: {  	s19 =	sadd.s32 @!p0 s19, s20;
	s20 =	sor.u32 @!p0 $0x400, s21;
	s21 =	simm.s32 @!p0 $0x4000  }
0x35: {  	[tilespmem:s18], [sflag:$0x1] =	stream.strided.gather @!p0 [hbm4b:s19+s20], $0x4000, s21, s20, $0x38;
	[tilespmem:$0x10000] =	vst v63  }
0x36: {  	p0 =	sge.u32 s31, s6  }
.Ltmp2:
0x37: {  	_ = 	snop;
	(pc) =	sbr.rel @p0 .LBB1_5-.Ltmp2, $1  }
0x38: {  	_ =	sdelay $0x3  }
0x39: {  	s18 =	sand.u32 $0x4000, s10  }
0x3a: {  	s19 =	sor.u32 $0x40, s18  }
0x3b: {  	v1 =	vmov s19;
	_ =	sdelay $0x1  }
0x3c: {  	_ =	swait.ge [sflag:s5], $0x4000  }
0x3d: {  	[sflag:s5] =	ssyncset.done $0x0  }
0x3e: {  	s20 =	simm.s32 $0x0;
	[sflag:s5] =	ssyncadd.s32 $0xFFFFC000  }
0x3f: {  	s18 =	sor.u32 $0x8070, s18;
	v7 =	vld.idx.msk [tilespmem:v1+s20+$0x30 ss:$0x1], $0xffff  }
0x40: {  	v0 =	vmov s18;
	v8 =	vld.idx.msk [tilespmem:v1+s20+$0xFFFFFFC0 ss:$0x1], $0xffff  }
0x41: {  	v6 =	vld.idx.msk [tilespmem:v1+s20+$0xFFFFFFD0 ss:$0x1], $0xffff  }
0x42: {  	v4 =	vld.idx.msk [tilespmem:v1+s20+$0xFFFFFFE0 ss:$0x1], $0xffff  }
0x43: {  	v2 =	vld.idx.msk [tilespmem:v1+s20+$0xFFFFFFF0 ss:$0x1], $0xffff  }
0x44: {  	s31 =	sshll.u32 s14, $0xE;
	v3 =	vld.idx.msk [tilespmem:v1+s20+$0x0 ss:$0x1], $0xffff  }
0x45: {  	s18 =	sand.u32 $0x4000, s31;
	v5 =	vld.idx.msk [tilespmem:v1+s20+$0x10 ss:$0x1], $0xffff;
	[tilespmem:v0+s20+$0x0 ss:$0x1] =	vst.idx.msk $0xffff, v7  }
0x46: {  	s21 =	simm.s32 $0x400;
	s19 =	simm.s32 $0x80;
	s18 =	sor.u32 $0x8000, s18;
	[tilespmem:v0+s20+$0xFFFFFF90 ss:$0x1] =	vst.idx.msk $0xffff, v8;
	v7 =	vld.idx.msk [tilespmem:v1+s20+$0x20 ss:$0x1], $0xffff  }
.LBB1_3:
0x47: {  	p0 =	sne.s32 s21, $0xFE00;
	v8 =	vld.idx.msk [tilespmem:v1+s19+$0x30 ss:$0x1], $0xffff;
	[tilespmem:v0+s20+$0xFFFFFFA0 ss:$0x1] =	vst.idx.msk $0xffff, v6  }
0x48: {  	v9 =	vld.idx.msk [tilespmem:v1+s19+$0xFFFFFFC0 ss:$0x1], $0xffff;
	[tilespmem:v0+s20+$0xFFFFFFB0 ss:$0x1] =	vst.idx.msk $0xffff, v4  }
0x49: {  	v6 =	vld.idx.msk [tilespmem:v1+s19+$0xFFFFFFD0 ss:$0x1], $0xffff;
	[tilespmem:v0+s20+$0xFFFFFFC0 ss:$0x1] =	vst.idx.msk $0xffff, v2  }
.Ltmp3:
0x4a: {  	v4 =	vld.idx.msk [tilespmem:v1+s19+$0xFFFFFFE0 ss:$0x1], $0xffff;
	[tilespmem:v0+s20+$0xFFFFFFD0 ss:$0x1] =	vst.idx.msk $0xffff, v3;
	(pc) =	sbr.rel @p0 .LBB1_3-.Ltmp3, $4  }
0x4b: {  	v2 =	vld.idx.msk [tilespmem:v1+s19+$0xFFFFFFF0 ss:$0x1], $0xffff;
	[tilespmem:v0+s20+$0xFFFFFFE0 ss:$0x1] =	vst.idx.msk $0xffff, v5  }
0x4c: {  	v3 =	vld.idx.msk [tilespmem:v1+s19+$0x0 ss:$0x1], $0xffff;
	[tilespmem:v0+s20+$0xFFFFFFF0 ss:$0x1] =	vst.idx.msk $0xffff, v7;
	s20 =	smov.u32 s19  }
0x4d: {  	v5 =	vld.idx.msk [tilespmem:v1+s20+$0x10 ss:$0x1], $0xffff;
	[tilespmem:v0+s20+$0x0 ss:$0x1] =	vst.idx.msk $0xffff, v8  }
0x4e: {  	s19 =	sshra.s32 s21, $0x2;
	s21 =	sadd.s32 $0x200, s21;
	[tilespmem:v0+s20+$0xFFFFFF90 ss:$0x1] =	vst.idx.msk $0xffff, v9;
	v7 =	vld.idx.msk [tilespmem:v1+s20+$0x20 ss:$0x1], $0xffff  }
.Ltmp4:
0x4f: {  	_ = 	snop;
	(pc) =	sbr.rel .LBB1_4-.Ltmp4, $1  }
0x50: {  	_ =	sdelay $0x3  }
.LBB1_6:
0x51: {  	_ =	sfence.sel $0x180000  }
0x52: {  	s1 =	simm.s32 $0x1;
	[bflag:$0x0] =	sbarrier.arrive $0xFFFF  }
0x53: {  	s31 =	simm.s32 $0x2;
	[sflag:s1] =	ssyncpa.u1 $0x1  }
0x54: {  	[sflag:s31] =	ssyncpa.u1 $0x1  }
0x55: {  	p0 =	sne.s32 s0, $0x0;
	_ =	strace $0x9000004D  }
0x56: {  	s0 =	sadd.s32 @!p0 $0x100000, s3;
	[bflag:$0x2] =	sbarrier.arrive $0xFFFF  }
0x57: {  	[sflag:s0] =	ssyncadd.tile.s32 @!p0 $0x1;
	_ =	shalt  }
.Lfunc_end1:
_tile_overlayer_lowered:
.L_overlay_start_2:
0x58: {  	(tag) =	ssettag $0x2  }
0x59: {  	s0 =	rddreg [dreg:$0x0];
	s2 =	stileid.u32  }
0x5a: {  	s1 =	rddreg [dreg:$0x1];
	p0 =	sne.s32 s2, $0x0  }
0x5b: {  	s3 =	rddreg [dreg:$0x2];
	[bflag:$0x3] =	sbarrier.arrive $0xFFFF;
	s2 =	simm.s32 @!p0 $0x1C01  }
0x5c: {  	[timem:s3], [sflag:s2] =	dma.local @!p0 [hbm:s0], s1  }
0x5d: {  	s0 =	simm.s32 @!p0 $0x1  }
0x5e: {  	_ =	swait.ge @!p0 [sflag:s0], s1  }
0x5f: {  	s1 =	ssub.s32 @!p0 $0x0, s1;
	[sflag:s0] =	ssyncset.done @!p0 $0x0  }
0x60: {  	[sflag:s0] =	ssyncadd.s32 @!p0 s1  }
0x61: {  	[bflag:$0x3] =	sbarrier.arrive $0xFFFF  }
0x62: {  	_ =	shalt  }

</sc_bundles>
